<compile_context>
chip_gen: v7x
topology: tpu7x:2x2x1
jax: 0.10.2.dev20260603
libtpu: 0.0.44.dev20260713+nightly
codegen_flags: <defaults>
</compile_context>

<pallas_src>
import functools

import jax
import jax.numpy as jnp
from jax import lax
from jax.experimental import pallas as pl
from jax.experimental.pallas import tpu as pltpu
from jax.experimental.pallas import tpu_sc as plsc

POP = 16384
GL = 64
KEEP = 4096
CONT = 40
CHILDREN = POP - KEEP

_I32_MIN = -2147483648
_I32_MAX = 2147483647


def _iota16():
  return lax.iota(jnp.int32, 16)


def _splat(x):
  return jnp.zeros((16,), jnp.int32) + x


def _to_us(x_f32):
  b = plsc.bitcast(x_f32, jnp.int32)
  m = lax.shift_right_arithmetic(b, 31)
  return b ^ (m | _I32_MIN)


def _scan_bias():
  zc, _ = plsc.scan_count(jnp.zeros((16,), jnp.int32))
  return jnp.max(zc) - 15




def _sort_body(gene_hbm, tgt_hbm, kept_out, ssd_out, fit_out,
               ssd_sh, ord_sh, grows_v, tgt_v, ssd_tile_v,
               keys_a, vals_a, keys_b, vals_b,
               hist_v, cnt_v, fit_v, idx_v, sem):
  wid = lax.axis_index("s")
  bias = _scan_bias()

  pltpu.sync_copy(tgt_hbm, tgt_v)
  base_row = wid * 1024
  for chunk in range(4):
    pltpu.sync_copy(gene_hbm.at[pl.ds(base_row + chunk * 256, 256)], grows_v)

    def grp_body(g16, _, chunk=chunk):
      row_ids = _iota16() + g16 * 16

      def gene_body(g, acc):
        col = plsc.load_gather(grows_v, [row_ids, _splat(g)])
        t = plsc.load_gather(tgt_v, [_splat(g)])
        d = col - t
        return acc + d * d

      acc = lax.fori_loop(0, GL, gene_body, jnp.zeros((16,), jnp.float32))
      ssd_tile_v[pl.ds(chunk * 256 + g16 * 16, 16)] = acc.astype(jnp.int32)
      return 0

    lax.fori_loop(0, 16, grp_body, 0)
  pltpu.sync_copy(ssd_tile_v, ssd_sh.at[pl.ds(base_row, 1024)])
  plsc.subcore_barrier()

  @pl.when(wid == 0)
  def _():
    pltpu.sync_copy(ssd_sh, keys_a)

    @plsc.parallel_loop(0, 1024, 1, unroll=4)
    def _init_vals(i):
      vals_a[pl.ds(i * 16, 16)] = _iota16() + i * 16

    bufs = [(keys_a, vals_a, keys_b, vals_b),
            (keys_b, vals_b, keys_a, vals_a)]
    for p, (sk, sv, dk, dv) in enumerate(bufs):
      shift = p * 11

      def clr(i, _):
        hist_v[pl.ds(i * 16, 16)] = jnp.zeros((16,), jnp.int32)
        return 0

      lax.fori_loop(0, 128, clr, 0)

      @plsc.parallel_loop(0, 1024, 1, unroll=4)
      def _histb(i, sk=sk, shift=shift):
        k = sk[pl.ds(i * 16, 16)]
        d = lax.shift_right_logical(k, shift) & 2047
        cnt, last = plsc.scan_count(d)
        plsc.addupdate_scatter(hist_v, [d], cnt - bias + 1, mask=last)

      def cumb(i, tot):
        v = hist_v[pl.ds(i * 16, 16)]
        cin = plsc.cumsum(v)
        cnt_v[pl.ds(i * 16, 16)] = cin - v + tot
        return tot + jnp.sum(v)

      lax.fori_loop(0, 128, cumb, 0)

      def permb(i, _, sk=sk, sv=sv, dk=dk, dv=dv, shift=shift):
        k = sk[pl.ds(i * 16, 16)]
        v = sv[pl.ds(i * 16, 16)]
        d = lax.shift_right_logical(k, shift) & 2047
        cnt, last = plsc.scan_count(d)
        occ = cnt - bias
        basev = plsc.load_gather(cnt_v, [d])
        pos = basev + occ
        plsc.store_scatter(dk, [pos], k)
        plsc.store_scatter(dv, [pos], v)
        plsc.addupdate_scatter(cnt_v, [d], occ + 1, mask=last)
        return 0

      lax.fori_loop(0, 1024, permb, 0)

    pltpu.sync_copy(keys_a.at[pl.ds(0, KEEP)], ssd_out)

    def fitb(i, _):
      kk = keys_a[pl.ds(i * 16, 16)]
      fit_v[pl.ds(i * 16, 16)] = 1.0 / kk.astype(jnp.float32)
      return 0

    lax.fori_loop(0, KEEP // 16, fitb, 0)
    pltpu.sync_copy(fit_v, fit_out)
    pltpu.sync_copy(vals_a.at[pl.ds(0, KEEP)], ord_sh)

  plsc.subcore_barrier()

  pltpu.sync_copy(ord_sh.at[pl.ds(wid * 256, 256)], idx_v)
  pltpu.async_copy(gene_hbm.at[idx_v], grows_v, sem).wait()
  pltpu.sync_copy(grows_v, kept_out.at[pl.ds(wid * 256, 256)])


def _run_sort(gene_f, target_f):
  mesh = plsc.VectorSubcoreMesh(
      core_axis_name="c", subcore_axis_name="s", num_cores=1)
  return pl.kernel(
      _sort_body,
      out_type=(
          jax.ShapeDtypeStruct((KEEP, GL), jnp.float32),
          jax.ShapeDtypeStruct((KEEP,), jnp.int32),
          jax.ShapeDtypeStruct((KEEP,), jnp.float32),
      ),
      mesh=mesh,
      compiler_params=pltpu.CompilerParams(needs_layout_passes=False, use_tc_tiling_on_sc=False),
      scratch_types=[
          pltpu.VMEM_SHARED((POP,), jnp.int32),
          pltpu.VMEM_SHARED((KEEP,), jnp.int32),
          pltpu.VMEM((256, GL), jnp.float32),
          pltpu.VMEM((GL,), jnp.float32),
          pltpu.VMEM((1024,), jnp.int32),
          pltpu.VMEM((POP,), jnp.int32),
          pltpu.VMEM((POP,), jnp.int32),
          pltpu.VMEM((POP,), jnp.int32),
          pltpu.VMEM((POP,), jnp.int32),
          pltpu.VMEM((2048,), jnp.int32),
          pltpu.VMEM((2048,), jnp.int32),
          pltpu.VMEM((KEEP,), jnp.float32),
          pltpu.VMEM((256,), jnp.int32),
          pltpu.SemaphoreType.DMA,
      ],
  )(gene_f, target_f)



_ROWS_PER_W = CHILDREN // 32
_BLK = 64


def _tourn_body(noise_hbm, ssd_hbm, kept_hbm, cmask_hbm, child_out,
                pool_sh, stage_v, ssd_v, row_v2, us_v, surv_a, surv_b, set_v,
                hist_v, cum_v, ctb_v, cm_v, out_v, pid_v, pgat_v, sem, sem2):
  c = lax.axis_index("c")
  s = lax.axis_index("s")
  w = c * 16 + s
  bias = _scan_bias()

  pltpu.sync_copy(kept_hbm.at[pl.ds(s * 256, 256)], stage_v)
  pltpu.sync_copy(stage_v, pool_sh.at[pl.ds(s * 256, 256)])
  pltpu.sync_copy(ssd_hbm, ssd_v)
  plsc.subcore_barrier()

  row_base = w * _ROWS_PER_W
  pltpu.async_copy(
      noise_hbm.at[pl.ds(row_base, 1)], row_v2.at[0], sem2.at[0])

  def clear_hist():
    def clr(i, _):
      hist_v[pl.ds(i * 16, 16)] = jnp.zeros((16,), jnp.int32)
      return 0
    lax.fori_loop(0, 16, clr, 0)

  def _emit(ref, jv, em, off_v):
    cnt = plsc.cumsum(em.astype(jnp.int32))
    idx = jnp.where(em, off_v + cnt - 1, 0)
    plsc.store_scatter(ref, [idx], jv, mask=em)
    return off_v + plsc.all_reduce_population_count(em)

  def cumsum_find_l0(kneed):
    totv = jnp.zeros((16,), jnp.int32)
    base = _iota16() * 16
    for l in range(16):
      totv = totv + plsc.load_gather(hist_v, [base + l])
    ctot = plsc.cumsum(totv)
    ctb_v[pl.ds(0, 16)] = ctot - totv

    @plsc.parallel_loop(0, 16, 1, unroll=4)
    def _c2(ci):
      v = hist_v[pl.ds(ci * 16, 16)]
      cv = plsc.cumsum(v)
      basec = plsc.load_gather(ctb_v, [_splat(ci)])
      cum_v[pl.ds(ci * 16, 16)] = cv + basec

    cand = None
    for ci in range(16):
      v = cum_v[pl.ds(ci * 16, 16)]
      dd = _iota16() + ci * 16
      cc = jnp.where(v >= kneed, dd, 256)
      cand = cc if cand is None else jnp.minimum(cand, cc)
    b = jnp.min(cand)
    hb = jnp.min(plsc.load_gather(hist_v, [_splat(b)]))
    cb = jnp.min(plsc.load_gather(cum_v, [_splat(b)]))
    return b, cb - hb

  def block_body(blk, _):
    row0 = w * _ROWS_PER_W + blk * _BLK
    pltpu.sync_copy(cmask_hbm.at[pl.ds(row0, _BLK)], cm_v)

    def row_body(r, _):
      row = row0 + r
      par = r & 1
      pltpu.make_async_copy(
          noise_hbm.at[pl.ds(row, 1)], row_v2.at[par], sem2.at[par]).wait()
      rcnt = blk * _BLK + r

      @pl.when(rcnt < _ROWS_PER_W - 1)
      def _():
        pltpu.async_copy(
            noise_hbm.at[pl.ds(row + 1, 1)], row_v2.at[1 - par],
            sem2.at[1 - par])

      clear_hist()

      @plsc.parallel_loop(0, 256, 1, unroll=4)
      def _h0(i):
        x = row_v2[par, 0, pl.ds(i * 16, 16)]
        us = _to_us(x)
        us_v[pl.ds(i * 16, 16)] = us
        d = lax.shift_right_logical(us, 24)
        cnt, last = plsc.scan_count(d)
        plsc.addupdate_scatter(hist_v, [d], cnt - bias + 1, mask=last)

      b0, below0 = cumsum_find_l0(CONT)
      kk = CONT - below0

      zero16 = jnp.zeros((16,), jnp.int32)

      @plsc.parallel_loop(0, 256, 1, unroll=4, carry=(zero16, zero16))
      def c0_carry(i, carry):
        off_set, off_srv = carry
        us = us_v[pl.ds(i * 16, 16)]
        d = lax.shift_right_logical(us, 24)
        j = _iota16() + i * 16
        em = d < b0
        sm = d == b0
        off_set = _emit(set_v, j, em, off_set)
        off_srv = _emit(surv_a, j, sm, off_srv)
        return (off_set, off_srv)

      off_set, n_src_v = c0_carry
      n_src = jnp.min(n_src_v)

      state = (off_set, n_src, kk)
      lvl_bufs = [(surv_a, surv_b), (surv_b, surv_a), (surv_a, surv_b),
                  (surv_b, surv_a)]
      for (src, dst), shift in zip(lvl_bufs, (18, 12, 6, 0)):
        off_set, n_src, kk = state
        for ci in range(4):
          hist_v[pl.ds(ci * 16, 16)] = jnp.zeros((16,), jnp.int32)
        nv = (n_src + 15) // 16

        def hb(i, _, src=src, shift=shift, n_src=n_src):
          jv = src[pl.ds(i * 16, 16)]
          valid = (_iota16() + i * 16) < n_src
          jsafe = jnp.where(valid, jv, 0)
          us = plsc.load_gather(us_v, [jsafe])
          d = lax.shift_right_logical(us, shift) & 63
          cnt, last = plsc.scan_count(d, mask=valid)
          plsc.addupdate_scatter(hist_v, [d], cnt - bias + 1,
                                 mask=last & valid)
          return 0

        lax.fori_loop(0, nv, hb, 0)
        tot = 0
        for ci in range(4):
          v = hist_v[pl.ds(ci * 16, 16)]
          cum_v[pl.ds(ci * 16, 16)] = plsc.cumsum(v) + tot
          tot = tot + jnp.sum(v)
        b = 64
        for ci in range(4):
          v = cum_v[pl.ds(ci * 16, 16)]
          dd = _iota16() + ci * 16
          b = jnp.minimum(b, jnp.min(jnp.where(v >= kk, dd, 64)))
        hb_ = jnp.min(plsc.load_gather(hist_v, [_splat(b)]))
        cb_ = jnp.min(plsc.load_gather(cum_v, [_splat(b)]))
        below = cb_ - hb_

        def cl(i, carry, src=src, dst=dst, shift=shift, n_src=n_src, b=b):
          off_set, off_srv = carry
          jv = src[pl.ds(i * 16, 16)]
          valid = (_iota16() + i * 16) < n_src
          jsafe = jnp.where(valid, jv, 0)
          us = plsc.load_gather(us_v, [jsafe])
          d = lax.shift_right_logical(us, shift) & 63
          em = valid & (d < b)
          sm = valid & (d == b)
          off_set = _emit(set_v, jv, em, off_set)
          off_srv = _emit(dst, jv, sm, off_srv)
          return (off_set, off_srv)

        off_set, n_dst_v = lax.fori_loop(
            0, nv, cl, (off_set, jnp.zeros((16,), jnp.int32)))
        state = (off_set, jnp.min(n_dst_v), kk - below)

      off_set, n_src, kk = state
      nv = (kk + 15) // 16

      def fin(i, off_set, kk=kk):
        jv = surv_a[pl.ds(i * 16, 16)]
        valid = (_iota16() + i * 16) < kk
        return _emit(set_v, jv, valid, off_set)

      lax.fori_loop(0, nv, fin, off_set)

      jvs, sds, sks, valids = [], [], [], []
      for t in range(3):
        jv = set_v[pl.ds(t * 16, 16)]
        m = (_iota16() + t * 16) < CONT
        jsafe = jnp.where(m, jv, 0)
        sd = plsc.load_gather(ssd_v, [jsafe])
        sk = plsc.load_gather(us_v, [jsafe]) ^ _I32_MIN
        jvs.append(jsafe)
        sds.append(jnp.where(m, sd, _I32_MAX))
        sks.append(jnp.where(m, sk, _I32_MAX))
        valids.append(m)

      def pick(valids):
        e = None
        for t in range(3):
          v = jnp.where(valids[t], sds[t], _I32_MAX)
          e = v if e is None else jnp.minimum(e, v)
        sd_min = jnp.min(e)
        m2 = [valids[t] & (sds[t] == sd_min) for t in range(3)]
        e = None
        for t in range(3):
          v = jnp.where(m2[t], sks[t], _I32_MAX)
          e = v if e is None else jnp.minimum(e, v)
        sk_min = jnp.min(e)
        m3 = [m2[t] & (sks[t] == sk_min) for t in range(3)]
        e = None
        for t in range(3):
          v = jnp.where(m3[t], jvs[t], 4096)
          e = v if e is None else jnp.minimum(e, v)
        return jnp.min(e)

      j1 = pick(valids)
      valids2 = [valids[t] & (jvs[t] != j1) for t in range(3)]
      j2 = pick(valids2)

      it = _iota16()
      gvec = jnp.where(it == 0, j1, j2)
      plsc.store_scatter(pid_v, [_splat(2 * r) + it], gvec, mask=it < 2)
      return 0

    lax.fori_loop(0, _BLK, row_body, 0)

    pltpu.async_copy(pool_sh.at[pid_v], pgat_v, sem).wait()

    def xover(r, _):
      for q in range(4):
        p1 = pgat_v[2 * r, pl.ds(q * 16, 16)]
        p2 = pgat_v[2 * r + 1, pl.ds(q * 16, 16)]
        cmq = cm_v[r, pl.ds(q * 16, 16)]
        out_v[r, pl.ds(q * 16, 16)] = jnp.where(cmq != 0, p1, p2)
      return 0

    lax.fori_loop(0, _BLK, xover, 0)
    pltpu.sync_copy(out_v, child_out.at[pl.ds(row0, _BLK)])
    return 0

  lax.fori_loop(0, _ROWS_PER_W // _BLK, block_body, 0)


def _run_tournament(noise, ssd_sorted, kept_pool, cmask_i):
  mesh = plsc.VectorSubcoreMesh(
      core_axis_name="c", subcore_axis_name="s", num_cores=2)
  return pl.kernel(
      _tourn_body,
      out_type=jax.ShapeDtypeStruct((CHILDREN, GL), jnp.float32),
      mesh=mesh,
      compiler_params=pltpu.CompilerParams(needs_layout_passes=False),
      scratch_types=[
          pltpu.VMEM_SHARED((KEEP, 128), jnp.float32),
          pltpu.VMEM((256, 128), jnp.float32),
          pltpu.VMEM((KEEP,), jnp.int32),
          pltpu.VMEM((2, 1, KEEP), jnp.float32),
          pltpu.VMEM((KEEP,), jnp.int32),
          pltpu.VMEM((KEEP + 32,), jnp.int32),
          pltpu.VMEM((KEEP + 32,), jnp.int32),
          pltpu.VMEM((64,), jnp.int32),
          pltpu.VMEM((256,), jnp.int32),
          pltpu.VMEM((256,), jnp.int32),
          pltpu.VMEM((16,), jnp.int32),
          pltpu.VMEM((_BLK, GL), jnp.int32),
          pltpu.VMEM((_BLK, GL), jnp.float32),
          pltpu.VMEM((2 * _BLK,), jnp.int32),
          pltpu.VMEM((2 * _BLK, 128), jnp.float32),
          pltpu.SemaphoreType.DMA,
          pltpu.SemaphoreType.DMA((2,)),
      ],
  )(noise, ssd_sorted, kept_pool, cmask_i)



_MROWS = 256


def _mut_body(pool_ref, mn_ref, mr_ref, out_ref):
  pool = pool_ref[...]
  mn = mn_ref[...]
  mr = mr_ref[...]
  b = lax.bitcast_convert_type(mn, jnp.int32)
  key = b ^ (lax.shift_right_arithmetic(b, 31) & 0x7FFFFFFF)
  lane = lax.broadcasted_iota(jnp.int32, (_MROWS, GL), 1)
  mask = jnp.zeros((_MROWS, GL), jnp.bool_)
  for k in range(4):
    nk = key[:, k:k + 1]
    lt = (key < nk) | ((key == nk) & (lane < k))
    rank = jnp.sum(lt.astype(jnp.int32), axis=1, keepdims=True)
    mask = mask | (lane == rank)
  noise = jnp.where(mr < 0.5, jnp.float32(1.0), jnp.float32(-1.0))
  out = jnp.where(mask, pool + noise, pool)
  out_ref[...] = jnp.clip(out, 0.0, 255.0)


def _run_mutate(pool_unmut, mutate_noise, mut_rand):
  spec = pl.BlockSpec((_MROWS, GL), lambda i: (i, 0))
  return pl.pallas_call(
      _mut_body,
      grid=(POP // _MROWS,),
      in_specs=[spec, spec, spec],
      out_specs=spec,
      out_shape=jax.ShapeDtypeStruct((POP, GL), jnp.float32),
  )(pool_unmut, mutate_noise, mut_rand)




def kernel(gene_pool, target_gene, crossover_mask, contender_noise,
           mutate_noise, mut_rand):
  gene_f = gene_pool.astype(jnp.float32)
  target_f = target_gene.astype(jnp.float32)
  cmask_i = crossover_mask.astype(jnp.int32)

  kept_pool, ssd_sorted, fitnesses = _run_sort(gene_f, target_f)
  kept128 = jnp.pad(kept_pool, ((0, 0), (0, 128 - GL)))
  children = _run_tournament(contender_noise, ssd_sorted, kept128, cmask_i)
  pool_unmut = jnp.concatenate([kept_pool, children], axis=0)
  pool = _run_mutate(pool_unmut, mutate_noise, mut_rand)
  return pool, fitnesses

# --- scband reference (transcript-rebuilt; emitter-appended) ---
"""Pipeline reference for scband-toy-genetic-algorithm-env-76201309766506 (READ-ONLY COPY).

The authoritative reference and input builder live on the scoring server;
editing this copy changes nothing except your own understanding.
"""

import jax, jax.numpy as jnp
import numpy as np

GOAL = "Attention is all you need for scalable sequence modeling tasks!!"
POP = 16384
GENE_LEN = 64
KEEP = 4096
CONTENDERS = 40
CHILDREN = POP - KEEP
NUM_MUTATE = 0.05 * GENE_LEN
MUT_STRENGTH = 0.5


def setup_inputs(seed: int = 0):
    key = jax.random.key(seed)
    k1, k2, k3, k4, k5 = jax.random.split(key, 5)
    gene_pool = jax.random.randint(k1, (POP, GENE_LEN), 0, 255, dtype=jnp.int32)
    target_gene = jnp.array([ord(c) for c in GOAL], dtype=jnp.int32)
    crossover_mask = jax.random.randint(k2, (CHILDREN, GENE_LEN), 0, 2).astype(bool)
    contender_noise = jax.random.normal(k3, (CHILDREN, KEEP), dtype=jnp.float32)
    mutate_noise = jax.random.normal(k4, (POP, GENE_LEN), dtype=jnp.float32)
    mut_rand = jax.random.uniform(k5, (POP, GENE_LEN), dtype=jnp.float32)
    return {
        "gene_pool": gene_pool,
        "target_gene": target_gene,
        "crossover_mask": crossover_mask,
        "contender_noise": contender_noise,
        "mutate_noise": mutate_noise,
        "mut_rand": mut_rand,
    }


def reference(gene_pool, target_gene, crossover_mask, contender_noise, mutate_noise, mut_rand):
    pool = gene_pool.astype(jnp.float32)
    target = target_gene.astype(jnp.float32)
    # fitness = 1 / sum((pool - target)^2)
    fitnesses = 1.0 / jnp.square(pool - target).sum(axis=-1)
    # sort descending, keep fittest
    order = jnp.argsort(-fitnesses)
    pool = jnp.take(pool, order, axis=0)[:KEEP]
    fitnesses = jnp.take(fitnesses, order)[:KEEP]
    # tournament selection: random permutation per child, take first CONTENDERS
    contender_ids = jnp.argsort(contender_noise, axis=-1)[..., :CONTENDERS]
    participants = jnp.take(pool, contender_ids, axis=0)
    tournaments = jnp.take(fitnesses, contender_ids)
    # top-2 winners per tournament
    top2 = jax.lax.top_k(tournaments, 2)[1]
    idx = jnp.broadcast_to(top2[:, :, None], (CHILDREN, 2, GENE_LEN))
    parents = jnp.take_along_axis(participants, idx, axis=1)
    parent1, parent2 = parents[:, 0], parents[:, 1]
    # crossover
    children = jnp.where(crossover_mask, parent1, parent2)
    pool = jnp.concatenate([pool, children], axis=0)
    # mutation
    mutate_mask = jnp.argsort(mutate_noise, axis=-1) < NUM_MUTATE
    noise = (mut_rand < MUT_STRENGTH).astype(jnp.float32) * 2.0 - 1.0
    pool = jnp.where(mutate_mask, pool + noise, pool)
    pool = jnp.clip(pool, 0.0, 255.0)
    return pool, fitnesses

if __name__ == "__main__":
    import jax
    _d = setup_inputs()
    print(jax.jit(kernel)(*tuple(_d.values())))

</pallas_src>

<mosaic_0001>
#map = affine_map<(d0, d1) -> (0, 0)>
#map1 = affine_map<(d0, d1) -> (0)>
module attributes {stable_mosaic.version = 14 : i64} {
  func.func @_tourn_body(%arg0: i32, %arg1: i32, %arg2: memref<12288x4096xf32, #tpu.memory_space<hbm>>, %arg3: memref<4096xi32, #tpu.memory_space<hbm>>, %arg4: memref<4096x128xf32, #tpu.memory_space<hbm>>, %arg5: memref<12288x64xi32, #tpu.memory_space<hbm>>, %arg6: memref<12288x64xf32, #tpu.memory_space<hbm>>, %arg7: memref<4096x128xf32, #tpu.memory_space<vmem_shared>>, %arg8: memref<256x128xf32, #tpu.memory_space<vmem>>, %arg9: memref<4096xi32, #tpu.memory_space<vmem>>, %arg10: memref<2x1x4096xf32, #tpu.memory_space<vmem>>, %arg11: memref<4096xi32, #tpu.memory_space<vmem>>, %arg12: memref<4128xi32, #tpu.memory_space<vmem>>, %arg13: memref<4128xi32, #tpu.memory_space<vmem>>, %arg14: memref<64xi32, #tpu.memory_space<vmem>>, %arg15: memref<256xi32, #tpu.memory_space<vmem>>, %arg16: memref<256xi32, #tpu.memory_space<vmem>>, %arg17: memref<16xi32, #tpu.memory_space<vmem>>, %arg18: memref<64x64xi32, #tpu.memory_space<vmem>>, %arg19: memref<64x64xf32, #tpu.memory_space<vmem>>, %arg20: memref<128xi32, #tpu.memory_space<vmem>>, %arg21: memref<128x128xf32, #tpu.memory_space<vmem>>, %arg22: memref<!tpu.dma_semaphore, #tpu.memory_space<semaphore_mem>>, %arg23: memref<2x!tpu.dma_semaphore, #tpu.memory_space<semaphore_mem>>) attributes {dimension_semantics = [#tpu.dimension_semantics<core_parallel>, #tpu.dimension_semantics<subcore_parallel>], iteration_bounds = array<i64: 2, 16>, scalar_prefetch = 0 : i64, scratch_operands = 17 : i64, tpu.core_type = #tpu.core_type<sc_vector_subcore>, window_params = [{transform_indices = #map}, {transform_indices = #map1}, {transform_indices = #map}, {transform_indices = #map}, {transform_indices = #map}]} {
    %mul3A = arith.constant 16 : i32
    %mul3A_0 = arith.muli %arg0, %mul3A : i32
    %add3A = arith.addi %mul3A_0, %arg1 : i32
    %broadcast_in_dim3A = arith.constant 0 : i32
    %broadcast_in_dim3A_1 = vector.broadcast %broadcast_in_dim3A : i32 to vector<16xi32>
    %broadcast_in_dim3A_2 = arith.constant true
    %broadcast_in_dim3A_3 = vector.broadcast %broadcast_in_dim3A_2 : i1 to vector<16xi1>
    %unique3A, %unique3A_4 = tpu.scan_count mask(%broadcast_in_dim3A_3 : vector<16xi1>) value(%broadcast_in_dim3A_1 : vector<16xi32>) : vector<16xi1>, vector<16xi32>
    %reduce_max3A = arith.constant true
    %reduce_max3A_5 = vector.broadcast %reduce_max3A : i1 to vector<16xi1>
    %reduce_max3A_6 = arith.constant -2147483648 : i32
    %reduce_max3A_7 = vector.broadcast %reduce_max3A_6 : i32 to vector<16xi32>
    %reduce_max3A_8 = arith.xori %unique3A_4, %reduce_max3A_7 : vector<16xi32>
    %reduce_max3A_9 = tpu.scan <max>, %reduce_max3A_8 masked %reduce_max3A_5 : vector<16xi32>, vector<16xi1> -> vector<16xi32>
    %reduce_max3A_10 = arith.xori %reduce_max3A_9, %reduce_max3A_7 : vector<16xi32>
    %reduce_max3A_11 = vector.extract %reduce_max3A_10[15] : i32 from vector<16xi32>
    %sub3A = arith.constant 15 : i32
    %sub3A_12 = arith.subi %reduce_max3A_11, %sub3A : i32
    %mul3A_13 = arith.constant 256 : i32
    %mul3A_14 = arith.muli %arg1, %mul3A_13 : i32
    "tpu.region"() ({
      %run_scoped3A = tpu.sem_alloc : memref<!tpu.dma_semaphore, #tpu.memory_space<semaphore_mem>>
      %dma_start3A_40 = arith.constant 0 : i32
      %dma_start3A_41 = tpu.memref_slice %arg4[%mul3A_14, %dma_start3A_40] : memref<4096x128xf32, #tpu.memory_space<hbm>> -> memref<256x128xf32, #tpu.memory_space<hbm>>
      %dma_start3A_42 = arith.constant 0 : i32
      %dma_start3A_43 = tpu.memref_slice %arg4[%mul3A_14, %dma_start3A_42] : memref<4096x128xf32, #tpu.memory_space<hbm>> -> memref<256x128xf32, #tpu.memory_space<hbm>>
      tpu.enqueue_dma source(%dma_start3A_43 : memref<256x128xf32, #tpu.memory_space<hbm>>) target(%arg8 : memref<256x128xf32, #tpu.memory_space<vmem>>) target_semaphore(%run_scoped3A : memref<!tpu.dma_semaphore, #tpu.memory_space<semaphore_mem>>)
      %dma_wait3A = arith.constant 0 : i32
      %dma_wait3A_44 = tpu.memref_slice %arg4[%mul3A_14, %dma_wait3A] : memref<4096x128xf32, #tpu.memory_space<hbm>> -> memref<256x128xf32, #tpu.memory_space<hbm>>
      %dma_wait3A_45 = arith.constant 0 : i32
      %dma_wait3A_46 = tpu.memref_slice %arg4[%mul3A_14, %dma_wait3A_45] : memref<4096x128xf32, #tpu.memory_space<hbm>> -> memref<256x128xf32, #tpu.memory_space<hbm>>
      tpu.wait_dma2 semaphore(%run_scoped3A : memref<!tpu.dma_semaphore, #tpu.memory_space<semaphore_mem>>) src(%dma_wait3A_46 : memref<256x128xf32, #tpu.memory_space<hbm>>) dst(%arg8 : memref<256x128xf32, #tpu.memory_space<vmem>>)
      tpu.yield
    }) : () -> ()
    %mul3A_15 = arith.constant 256 : i32
    %mul3A_16 = arith.muli %arg1, %mul3A_15 : i32
    "tpu.region"() ({
      %run_scoped3A = tpu.sem_alloc : memref<!tpu.dma_semaphore, #tpu.memory_space<semaphore_mem>>
      %dma_start3A_40 = arith.constant 0 : i32
      %dma_start3A_41 = tpu.memref_slice %arg7[%mul3A_16, %dma_start3A_40] : memref<4096x128xf32, #tpu.memory_space<vmem_shared>> -> memref<256x128xf32, #tpu.memory_space<vmem_shared>>
      %dma_start3A_42 = arith.constant 0 : i32
      %dma_start3A_43 = tpu.memref_slice %arg7[%mul3A_16, %dma_start3A_42] : memref<4096x128xf32, #tpu.memory_space<vmem_shared>> -> memref<256x128xf32, #tpu.memory_space<vmem_shared>>
      tpu.enqueue_dma source(%arg8 : memref<256x128xf32, #tpu.memory_space<vmem>>) target(%dma_start3A_43 : memref<256x128xf32, #tpu.memory_space<vmem_shared>>) target_semaphore(%run_scoped3A : memref<!tpu.dma_semaphore, #tpu.memory_space<semaphore_mem>>)
      %dma_wait3A = arith.constant 0 : i32
      %dma_wait3A_44 = tpu.memref_slice %arg7[%mul3A_16, %dma_wait3A] : memref<4096x128xf32, #tpu.memory_space<vmem_shared>> -> memref<256x128xf32, #tpu.memory_space<vmem_shared>>
      %dma_wait3A_45 = arith.constant 0 : i32
      %dma_wait3A_46 = tpu.memref_slice %arg7[%mul3A_16, %dma_wait3A_45] : memref<4096x128xf32, #tpu.memory_space<vmem_shared>> -> memref<256x128xf32, #tpu.memory_space<vmem_shared>>
      tpu.wait_dma2 semaphore(%run_scoped3A : memref<!tpu.dma_semaphore, #tpu.memory_space<semaphore_mem>>) src(%arg8 : memref<256x128xf32, #tpu.memory_space<vmem>>) dst(%dma_wait3A_46 : memref<256x128xf32, #tpu.memory_space<vmem_shared>>)
      tpu.yield
    }) : () -> ()
    "tpu.region"() ({
      %run_scoped3A = tpu.sem_alloc : memref<!tpu.dma_semaphore, #tpu.memory_space<semaphore_mem>>
      tpu.enqueue_dma source(%arg3 : memref<4096xi32, #tpu.memory_space<hbm>>) target(%arg9 : memref<4096xi32, #tpu.memory_space<vmem>>) target_semaphore(%run_scoped3A : memref<!tpu.dma_semaphore, #tpu.memory_space<semaphore_mem>>)
      tpu.wait_dma2 semaphore(%run_scoped3A : memref<!tpu.dma_semaphore, #tpu.memory_space<semaphore_mem>>) src(%arg3 : memref<4096xi32, #tpu.memory_space<hbm>>) dst(%arg9 : memref<4096xi32, #tpu.memory_space<vmem>>)
      tpu.yield
    }) : () -> ()
    %barrier3A = arith.constant 0 : index
    tpu.barrier barrier_id(%barrier3A)
    %mul3A_17 = arith.constant 384 : i32
    %mul3A_18 = arith.muli %add3A, %mul3A_17 : i32
    %dma_start3A = arith.constant 0 : i32
    %dma_start3A_19 = arith.constant 0 : i32
    %dma_start3A_20 = arith.constant 0 : i32
    %dma_start3A_21 = arith.constant 0 : i32
    %dma_start3A_22 = tpu.memref_slice %arg10[%dma_start3A, %dma_start3A_20, %dma_start3A_21] : memref<2x1x4096xf32, #tpu.memory_space<vmem>> -> memref<1x1x4096xf32, #tpu.memory_space<vmem>>
    %dma_start3A_23 = tpu.memref_squeeze %dma_start3A_22 : memref<1x1x4096xf32, #tpu.memory_space<vmem>> -> memref<1x4096xf32, #tpu.memory_space<vmem>>
    %dma_start3A_24 = arith.constant 0 : i32
    %dma_start3A_25 = tpu.memref_slice %arg2[%mul3A_18, %dma_start3A_24] : memref<12288x4096xf32, #tpu.memory_space<hbm>> -> memref<1x4096xf32, #tpu.memory_space<hbm>>
    %dma_start3A_26 = tpu.memref_slice %arg23[%dma_start3A_19] : memref<2x!tpu.dma_semaphore, #tpu.memory_space<semaphore_mem>> -> memref<1x!tpu.dma_semaphore, #tpu.memory_space<semaphore_mem>>
    %dma_start3A_27 = tpu.memref_squeeze %dma_start3A_26 : memref<1x!tpu.dma_semaphore, #tpu.memory_space<semaphore_mem>> -> memref<!tpu.dma_semaphore, #tpu.memory_space<semaphore_mem>>
    %dma_start3A_28 = arith.constant 0 : i32
    %dma_start3A_29 = arith.constant 0 : i32
    %dma_start3A_30 = tpu.memref_slice %arg10[%dma_start3A, %dma_start3A_28, %dma_start3A_29] : memref<2x1x4096xf32, #tpu.memory_space<vmem>> -> memref<1x1x4096xf32, #tpu.memory_space<vmem>>
    %dma_start3A_31 = tpu.memref_squeeze %dma_start3A_30 : memref<1x1x4096xf32, #tpu.memory_space<vmem>> -> memref<1x4096xf32, #tpu.memory_space<vmem>>
    %dma_start3A_32 = arith.constant 0 : i32
    %dma_start3A_33 = tpu.memref_slice %arg2[%mul3A_18, %dma_start3A_32] : memref<12288x4096xf32, #tpu.memory_space<hbm>> -> memref<1x4096xf32, #tpu.memory_space<hbm>>
    tpu.enqueue_dma source(%dma_start3A_33 : memref<1x4096xf32, #tpu.memory_space<hbm>>) target(%dma_start3A_31 : memref<1x4096xf32, #tpu.memory_space<vmem>>) target_semaphore(%dma_start3A_27 : memref<!tpu.dma_semaphore, #tpu.memory_space<semaphore_mem>>)
    %scan3A = arith.constant 0 : i32
    %scan3A_34 = arith.constant 0 : i32
    %scan3A_35 = arith.constant 6 : i32
    %scan3A_36 = arith.addi %scan3A_34, %scan3A_35 : i32
    %scan3A_37 = arith.constant 1 : i32
    %scan3A_38 = scf.for %scan3A_40 = %scan3A_34 to %scan3A_36 step %scan3A_37 iter_args(%scan3A_41 = %scan3A) -> (i32)  : i32 {
      %mul3A_42 = arith.constant 384 : i32
      %mul3A_43 = arith.muli %add3A, %mul3A_42 : i32
      %mul3A_44 = arith.constant 64 : i32
      %mul3A_45 = arith.muli %scan3A_40, %mul3A_44 : i32
      %add3A_46 = arith.addi %mul3A_43, %mul3A_45 : i32
      "tpu.region"() ({
        %run_scoped3A = tpu.sem_alloc : memref<!tpu.dma_semaphore, #tpu.memory_space<semaphore_mem>>
        %dma_start3A_67 = arith.constant 0 : i32
        %dma_start3A_68 = tpu.memref_slice %arg5[%add3A_46, %dma_start3A_67] : memref<12288x64xi32, #tpu.memory_space<hbm>> -> memref<64x64xi32, #tpu.memory_space<hbm>>
        %dma_start3A_69 = arith.constant 0 : i32
        %dma_start3A_70 = tpu.memref_slice %arg5[%add3A_46, %dma_start3A_69] : memref<12288x64xi32, #tpu.memory_space<hbm>> -> memref<64x64xi32, #tpu.memory_space<hbm>>
        tpu.enqueue_dma source(%dma_start3A_70 : memref<64x64xi32, #tpu.memory_space<hbm>>) target(%arg18 : memref<64x64xi32, #tpu.memory_space<vmem>>) target_semaphore(%run_scoped3A : memref<!tpu.dma_semaphore, #tpu.memory_space<semaphore_mem>>)
        %dma_wait3A_71 = arith.constant 0 : i32
        %dma_wait3A_72 = tpu.memref_slice %arg5[%add3A_46, %dma_wait3A_71] : memref<12288x64xi32, #tpu.memory_space<hbm>> -> memref<64x64xi32, #tpu.memory_space<hbm>>
        %dma_wait3A_73 = arith.constant 0 : i32
        %dma_wait3A_74 = tpu.memref_slice %arg5[%add3A_46, %dma_wait3A_73] : memref<12288x64xi32, #tpu.memory_space<hbm>> -> memref<64x64xi32, #tpu.memory_space<hbm>>
        tpu.wait_dma2 semaphore(%run_scoped3A : memref<!tpu.dma_semaphore, #tpu.memory_space<semaphore_mem>>) src(%dma_wait3A_74 : memref<64x64xi32, #tpu.memory_space<hbm>>) dst(%arg18 : memref<64x64xi32, #tpu.memory_space<vmem>>)
        tpu.yield
      }) : () -> ()
      %scan3A_47 = arith.constant 0 : i32
      %scan3A_48 = arith.constant 0 : i32
      %scan3A_49 = arith.constant 64 : i32
      %scan3A_50 = arith.addi %scan3A_48, %scan3A_49 : i32
      %scan3A_51 = arith.constant 1 : i32
      %scan3A_52 = scf.for %scan3A_67 = %scan3A_48 to %scan3A_50 step %scan3A_51 iter_args(%scan3A_68 = %scan3A_47) -> (i32)  : i32 {
        %add3A_69 = arith.addi %add3A_46, %scan3A_67 : i32
        %and3A = arith.constant 1 : i32
        %and3A_70 = arith.andi %scan3A_67, %and3A : i32
        %dma_wait3A_71 = arith.constant 0 : i32
        %dma_wait3A_72 = arith.constant 0 : i32
        %dma_wait3A_73 = tpu.memref_slice %arg10[%and3A_70, %dma_wait3A_71, %dma_wait3A_72] : memref<2x1x4096xf32, #tpu.memory_space<vmem>> -> memref<1x1x4096xf32, #tpu.memory_space<vmem>>
        %dma_wait3A_74 = tpu.memref_squeeze %dma_wait3A_73 : memref<1x1x4096xf32, #tpu.memory_space<vmem>> -> memref<1x4096xf32, #tpu.memory_space<vmem>>
        %dma_wait3A_75 = arith.constant 0 : i32
        %dma_wait3A_76 = tpu.memref_slice %arg2[%add3A_69, %dma_wait3A_75] : memref<12288x4096xf32, #tpu.memory_space<hbm>> -> memref<1x4096xf32, #tpu.memory_space<hbm>>
        %dma_wait3A_77 = tpu.memref_slice %arg23[%and3A_70] : memref<2x!tpu.dma_semaphore, #tpu.memory_space<semaphore_mem>> -> memref<1x!tpu.dma_semaphore, #tpu.memory_space<semaphore_mem>>
        %dma_wait3A_78 = tpu.memref_squeeze %dma_wait3A_77 : memref<1x!tpu.dma_semaphore, #tpu.memory_space<semaphore_mem>> -> memref<!tpu.dma_semaphore, #tpu.memory_space<semaphore_mem>>
        %dma_wait3A_79 = arith.constant 0 : i32
        %dma_wait3A_80 = arith.constant 0 : i32
        %dma_wait3A_81 = tpu.memref_slice %arg10[%and3A_70, %dma_wait3A_79, %dma_wait3A_80] : memref<2x1x4096xf32, #tpu.memory_space<vmem>> -> memref<1x1x4096xf32, #tpu.memory_space<vmem>>
        %dma_wait3A_82 = tpu.memref_squeeze %dma_wait3A_81 : memref<1x1x4096xf32, #tpu.memory_space<vmem>> -> memref<1x4096xf32, #tpu.memory_space<vmem>>
        %dma_wait3A_83 = arith.constant 0 : i32
        %dma_wait3A_84 = tpu.memref_slice %arg2[%add3A_69, %dma_wait3A_83] : memref<12288x4096xf32, #tpu.memory_space<hbm>> -> memref<1x4096xf32, #tpu.memory_space<hbm>>
        tpu.wait_dma2 semaphore(%dma_wait3A_78 : memref<!tpu.dma_semaphore, #tpu.memory_space<semaphore_mem>>) src(%dma_wait3A_84 : memref<1x4096xf32, #tpu.memory_space<hbm>>) dst(%dma_wait3A_82 : memref<1x4096xf32, #tpu.memory_space<vmem>>)
        %mul3A_85 = arith.constant 64 : i32
        %mul3A_86 = arith.muli %scan3A_40, %mul3A_85 : i32
        %add3A_87 = arith.addi %mul3A_86, %scan3A_67 : i32
        %lt3A = arith.constant 383 : i32
        %lt3A_88 = arith.cmpi slt, %add3A_87, %lt3A : i32
        %convert_element_type3A = arith.extui %lt3A_88 : i1 to i32
        %cond3A = arith.constant 0 : i32
        %cond3A_89 = arith.cmpi ne, %convert_element_type3A, %cond3A : i32
        scf.if %cond3A_89 {
          %add3A_1685 = arith.constant 1 : i32
          %add3A_1686 = arith.addi %add3A_69, %add3A_1685 : i32
          %sub3A_1687 = arith.constant 1 : i32
          %sub3A_1688 = arith.subi %sub3A_1687, %and3A_70 : i32
          %sub3A_1689 = arith.constant 1 : i32
          %sub3A_1690 = arith.subi %sub3A_1689, %and3A_70 : i32
          %dma_start3A_1691 = arith.constant 0 : i32
          %dma_start3A_1692 = arith.constant 0 : i32
          %dma_start3A_1693 = tpu.memref_slice %arg10[%sub3A_1688, %dma_start3A_1691, %dma_start3A_1692] : memref<2x1x4096xf32, #tpu.memory_space<vmem>> -> memref<1x1x4096xf32, #tpu.memory_space<vmem>>
          %dma_start3A_1694 = tpu.memref_squeeze %dma_start3A_1693 : memref<1x1x4096xf32, #tpu.memory_space<vmem>> -> memref<1x4096xf32, #tpu.memory_space<vmem>>
          %dma_start3A_1695 = arith.constant 0 : i32
          %dma_start3A_1696 = tpu.memref_slice %arg2[%add3A_1686, %dma_start3A_1695] : memref<12288x4096xf32, #tpu.memory_space<hbm>> -> memref<1x4096xf32, #tpu.memory_space<hbm>>
          %dma_start3A_1697 = tpu.memref_slice %arg23[%sub3A_1690] : memref<2x!tpu.dma_semaphore, #tpu.memory_space<semaphore_mem>> -> memref<1x!tpu.dma_semaphore, #tpu.memory_space<semaphore_mem>>
          %dma_start3A_1698 = tpu.memref_squeeze %dma_start3A_1697 : memref<1x!tpu.dma_semaphore, #tpu.memory_space<semaphore_mem>> -> memref<!tpu.dma_semaphore, #tpu.memory_space<semaphore_mem>>
          %dma_start3A_1699 = arith.constant 0 : i32
          %dma_start3A_1700 = arith.constant 0 : i32
          %dma_start3A_1701 = tpu.memref_slice %arg10[%sub3A_1688, %dma_start3A_1699, %dma_start3A_1700] : memref<2x1x4096xf32, #tpu.memory_space<vmem>> -> memref<1x1x4096xf32, #tpu.memory_space<vmem>>
          %dma_start3A_1702 = tpu.memref_squeeze %dma_start3A_1701 : memref<1x1x4096xf32, #tpu.memory_space<vmem>> -> memref<1x4096xf32, #tpu.memory_space<vmem>>
          %dma_start3A_1703 = arith.constant 0 : i32
          %dma_start3A_1704 = tpu.memref_slice %arg2[%add3A_1686, %dma_start3A_1703] : memref<12288x4096xf32, #tpu.memory_space<hbm>> -> memref<1x4096xf32, #tpu.memory_space<hbm>>
          tpu.enqueue_dma source(%dma_start3A_1704 : memref<1x4096xf32, #tpu.memory_space<hbm>>) target(%dma_start3A_1702 : memref<1x4096xf32, #tpu.memory_space<vmem>>) target_semaphore(%dma_start3A_1698 : memref<!tpu.dma_semaphore, #tpu.memory_space<semaphore_mem>>)
        } else {
        }
        %scan3A_90 = arith.constant 0 : i32
        %scan3A_91 = arith.constant 0 : i32
        %scan3A_92 = arith.constant 16 : i32
        %scan3A_93 = arith.addi %scan3A_91, %scan3A_92 : i32
        %scan3A_94 = arith.constant 1 : i32
        %scan3A_95 = scf.for %scan3A_1685 = %scan3A_91 to %scan3A_93 step %scan3A_94 iter_args(%scan3A_1686 = %scan3A_90) -> (i32)  : i32 {
          %broadcast_in_dim3A_1687 = arith.constant 0 : i32
          %broadcast_in_dim3A_1688 = vector.broadcast %broadcast_in_dim3A_1687 : i32 to vector<16xi32>
          %mul3A_1689 = arith.constant 16 : i32
          %mul3A_1690 = arith.muli %scan3A_1685, %mul3A_1689 : i32
          %swap3A_1691 = arith.index_cast %mul3A_1690 : i32 to index
          %swap3A_1692 = tpu.vector_load %arg15[%swap3A_1691] {strides = array<i32>} : memref<256xi32, #tpu.memory_space<vmem>>, vector<16xi32>,
          tpu.vector_store %arg15[%swap3A_1691], %broadcast_in_dim3A_1688 {strides = array<i32>} : memref<256xi32, #tpu.memory_space<vmem>>, vector<16xi32>,
          %scan3A_1693 = arith.constant 0 : i32
          scf.yield %scan3A_1693 : i32
        }
        %scan3A_96 = arith.constant 16 : i32
        %parallel_loop3A = arith.constant 0 : i32
        %parallel_loop3A_97 = arith.constant 256 : i32
        %parallel_loop3A_98 = arith.constant 1 : i32
        scf.for %parallel_loop3A_1685 = %parallel_loop3A to %parallel_loop3A_97 step %parallel_loop3A_98  : i32 {
          %parallel_loop3A_1686 = arith.constant 16 : i32
          %parallel_loop3A_1687 = arith.muli %parallel_loop3A_1685, %parallel_loop3A_1686 : i32
          %parallel_loop3A_1688 = arith.constant 0 : i32
          %parallel_loop3A_1689 = arith.index_cast %and3A_70 : i32 to index
          %parallel_loop3A_1690 = arith.index_cast %parallel_loop3A_1688 : i32 to index
          %parallel_loop3A_1691 = arith.index_cast %parallel_loop3A_1687 : i32 to index
          %parallel_loop3A_1692 = tpu.vector_load %arg10[%parallel_loop3A_1689, %parallel_loop3A_1690, %parallel_loop3A_1691] {strides = array<i32>} : memref<2x1x4096xf32, #tpu.memory_space<vmem>>, vector<16xf32>,
          %parallel_loop3A_1693 = vector.bitcast %parallel_loop3A_1692 : vector<16xf32> to vector<16xi32>
          %parallel_loop3A_1694 = arith.constant 31 : i32
          %parallel_loop3A_1695 = vector.broadcast %parallel_loop3A_1694 : i32 to vector<16xi32>
          %parallel_loop3A_1696 = arith.shrsi %parallel_loop3A_1693, %parallel_loop3A_1695 : vector<16xi32>
          %parallel_loop3A_1697 = arith.constant -2147483648 : i32
          %parallel_loop3A_1698 = vector.broadcast %parallel_loop3A_1697 : i32 to vector<16xi32>
          %parallel_loop3A_1699 = arith.ori %parallel_loop3A_1696, %parallel_loop3A_1698 : vector<16xi32>
          %parallel_loop3A_1700 = arith.xori %parallel_loop3A_1693, %parallel_loop3A_1699 : vector<16xi32>
          %parallel_loop3A_1701 = arith.constant 16 : i32
          %parallel_loop3A_1702 = arith.muli %parallel_loop3A_1685, %parallel_loop3A_1701 : i32
          %parallel_loop3A_1703 = arith.index_cast %parallel_loop3A_1702 : i32 to index
          %parallel_loop3A_1704 = tpu.vector_load %arg11[%parallel_loop3A_1703] {strides = array<i32>} : memref<4096xi32, #tpu.memory_space<vmem>>, vector<16xi32>,
          tpu.vector_store %arg11[%parallel_loop3A_1703], %parallel_loop3A_1700 {strides = array<i32>} : memref<4096xi32, #tpu.memory_space<vmem>>, vector<16xi32>,
          %parallel_loop3A_1705 = arith.constant 24 : i32
          %parallel_loop3A_1706 = vector.broadcast %parallel_loop3A_1705 : i32 to vector<16xi32>
          %parallel_loop3A_1707 = arith.shrui %parallel_loop3A_1700, %parallel_loop3A_1706 : vector<16xi32>
          %parallel_loop3A_1708 = arith.constant true
          %parallel_loop3A_1709 = vector.broadcast %parallel_loop3A_1708 : i1 to vector<16xi1>
          %parallel_loop3A_1710, %parallel_loop3A_1711 = tpu.scan_count mask(%parallel_loop3A_1709 : vector<16xi1>) value(%parallel_loop3A_1707 : vector<16xi32>) : vector<16xi1>, vector<16xi32>
          %parallel_loop3A_1712 = vector.broadcast %sub3A_12 : i32 to vector<16xi32>
          %parallel_loop3A_1713 = arith.subi %parallel_loop3A_1711, %parallel_loop3A_1712 : vector<16xi32>
          %parallel_loop3A_1714 = arith.constant 1 : i32
          %parallel_loop3A_1715 = vector.broadcast %parallel_loop3A_1714 : i32 to vector<16xi32>
          %parallel_loop3A_1716 = arith.addi %parallel_loop3A_1713, %parallel_loop3A_1715 : vector<16xi32>
          tpu.vector_store_idx %arg15[%parallel_loop3A_1707], %parallel_loop3A_1716 masked %parallel_loop3A_1710 {add = true} : memref<256xi32, #tpu.memory_space<vmem>>[vector<16xi32>], vector<16xi32>, vector<16xi1>
        } {sc.loop_unroll_factor = 4 : i64, sc.parallel_access}
        %broadcast_in_dim3A_99 = arith.constant 0 : i32
        %broadcast_in_dim3A_100 = vector.broadcast %broadcast_in_dim3A_99 : i32 to vector<16xi32>
        %iota3A = tpu.iota {dimensions = array<i32: 0>} : vector<16xi32>
        %mul3A_101 = arith.constant 16 : i32
        %mul3A_102 = vector.broadcast %mul3A_101 : i32 to vector<16xi32>
        %mul3A_103 = arith.muli %iota3A, %mul3A_102 : vector<16xi32>
        %add3A_104 = arith.constant 0 : i32
        %add3A_105 = vector.broadcast %add3A_104 : i32 to vector<16xi32>
        %add3A_106 = arith.addi %mul3A_103, %add3A_105 : vector<16xi32>
        %gather3A = tpu.vector_load_idx %arg15[%add3A_106] : memref<256xi32, #tpu.memory_space<vmem>>[vector<16xi32>], vector<16xi32>,
        %add3A_107 = arith.addi %broadcast_in_dim3A_100, %gather3A : vector<16xi32>
        %add3A_108 = arith.constant 1 : i32
        %add3A_109 = vector.broadcast %add3A_108 : i32 to vector<16xi32>
        %add3A_110 = arith.addi %mul3A_103, %add3A_109 : vector<16xi32>
        %gather3A_111 = tpu.vector_load_idx %arg15[%add3A_110] : memref<256xi32, #tpu.memory_space<vmem>>[vector<16xi32>], vector<16xi32>,
        %add3A_112 = arith.addi %add3A_107, %gather3A_111 : vector<16xi32>
        %add3A_113 = arith.constant 2 : i32
        %add3A_114 = vector.broadcast %add3A_113 : i32 to vector<16xi32>
        %add3A_115 = arith.addi %mul3A_103, %add3A_114 : vector<16xi32>
        %gather3A_116 = tpu.vector_load_idx %arg15[%add3A_115] : memref<256xi32, #tpu.memory_space<vmem>>[vector<16xi32>], vector<16xi32>,
        %add3A_117 = arith.addi %add3A_112, %gather3A_116 : vector<16xi32>
        %add3A_118 = arith.constant 3 : i32
        %add3A_119 = vector.broadcast %add3A_118 : i32 to vector<16xi32>
        %add3A_120 = arith.addi %mul3A_103, %add3A_119 : vector<16xi32>
        %gather3A_121 = tpu.vector_load_idx %arg15[%add3A_120] : memref<256xi32, #tpu.memory_space<vmem>>[vector<16xi32>], vector<16xi32>,
        %add3A_122 = arith.addi %add3A_117, %gather3A_121 : vector<16xi32>
        %add3A_123 = arith.constant 4 : i32
        %add3A_124 = vector.broadcast %add3A_123 : i32 to vector<16xi32>
        %add3A_125 = arith.addi %mul3A_103, %add3A_124 : vector<16xi32>
        %gather3A_126 = tpu.vector_load_idx %arg15[%add3A_125] : memref<256xi32, #tpu.memory_space<vmem>>[vector<16xi32>], vector<16xi32>,
        %add3A_127 = arith.addi %add3A_122, %gather3A_126 : vector<16xi32>
        %add3A_128 = arith.constant 5 : i32
        %add3A_129 = vector.broadcast %add3A_128 : i32 to vector<16xi32>
        %add3A_130 = arith.addi %mul3A_103, %add3A_129 : vector<16xi32>
        %gather3A_131 = tpu.vector_load_idx %arg15[%add3A_130] : memref<256xi32, #tpu.memory_space<vmem>>[vector<16xi32>], vector<16xi32>,
        %add3A_132 = arith.addi %add3A_127, %gather3A_131 : vector<16xi32>
        %add3A_133 = arith.constant 6 : i32
        %add3A_134 = vector.broadcast %add3A_133 : i32 to vector<16xi32>
        %add3A_135 = arith.addi %mul3A_103, %add3A_134 : vector<16xi32>
        %gather3A_136 = tpu.vector_load_idx %arg15[%add3A_135] : memref<256xi32, #tpu.memory_space<vmem>>[vector<16xi32>], vector<16xi32>,
        %add3A_137 = arith.addi %add3A_132, %gather3A_136 : vector<16xi32>
        %add3A_138 = arith.constant 7 : i32
        %add3A_139 = vector.broadcast %add3A_138 : i32 to vector<16xi32>
        %add3A_140 = arith.addi %mul3A_103, %add3A_139 : vector<16xi32>
        %gather3A_141 = tpu.vector_load_idx %arg15[%add3A_140] : memref<256xi32, #tpu.memory_space<vmem>>[vector<16xi32>], vector<16xi32>,
        %add3A_142 = arith.addi %add3A_137, %gather3A_141 : vector<16xi32>
        %add3A_143 = arith.constant 8 : i32
        %add3A_144 = vector.broadcast %add3A_143 : i32 to vector<16xi32>
        %add3A_145 = arith.addi %mul3A_103, %add3A_144 : vector<16xi32>
        %gather3A_146 = tpu.vector_load_idx %arg15[%add3A_145] : memref<256xi32, #tpu.memory_space<vmem>>[vector<16xi32>], vector<16xi32>,
        %add3A_147 = arith.addi %add3A_142, %gather3A_146 : vector<16xi32>
        %add3A_148 = arith.constant 9 : i32
        %add3A_149 = vector.broadcast %add3A_148 : i32 to vector<16xi32>
        %add3A_150 = arith.addi %mul3A_103, %add3A_149 : vector<16xi32>
        %gather3A_151 = tpu.vector_load_idx %arg15[%add3A_150] : memref<256xi32, #tpu.memory_space<vmem>>[vector<16xi32>], vector<16xi32>,
        %add3A_152 = arith.addi %add3A_147, %gather3A_151 : vector<16xi32>
        %add3A_153 = arith.constant 10 : i32
        %add3A_154 = vector.broadcast %add3A_153 : i32 to vector<16xi32>
        %add3A_155 = arith.addi %mul3A_103, %add3A_154 : vector<16xi32>
        %gather3A_156 = tpu.vector_load_idx %arg15[%add3A_155] : memref<256xi32, #tpu.memory_space<vmem>>[vector<16xi32>], vector<16xi32>,
        %add3A_157 = arith.addi %add3A_152, %gather3A_156 : vector<16xi32>
        %add3A_158 = arith.constant 11 : i32
        %add3A_159 = vector.broadcast %add3A_158 : i32 to vector<16xi32>
        %add3A_160 = arith.addi %mul3A_103, %add3A_159 : vector<16xi32>
        %gather3A_161 = tpu.vector_load_idx %arg15[%add3A_160] : memref<256xi32, #tpu.memory_space<vmem>>[vector<16xi32>], vector<16xi32>,
        %add3A_162 = arith.addi %add3A_157, %gather3A_161 : vector<16xi32>
        %add3A_163 = arith.constant 12 : i32
        %add3A_164 = vector.broadcast %add3A_163 : i32 to vector<16xi32>
        %add3A_165 = arith.addi %mul3A_103, %add3A_164 : vector<16xi32>
        %gather3A_166 = tpu.vector_load_idx %arg15[%add3A_165] : memref<256xi32, #tpu.memory_space<vmem>>[vector<16xi32>], vector<16xi32>,
        %add3A_167 = arith.addi %add3A_162, %gather3A_166 : vector<16xi32>
        %add3A_168 = arith.constant 13 : i32
        %add3A_169 = vector.broadcast %add3A_168 : i32 to vector<16xi32>
        %add3A_170 = arith.addi %mul3A_103, %add3A_169 : vector<16xi32>
        %gather3A_171 = tpu.vector_load_idx %arg15[%add3A_170] : memref<256xi32, #tpu.memory_space<vmem>>[vector<16xi32>], vector<16xi32>,
        %add3A_172 = arith.addi %add3A_167, %gather3A_171 : vector<16xi32>
        %add3A_173 = arith.constant 14 : i32
        %add3A_174 = vector.broadcast %add3A_173 : i32 to vector<16xi32>
        %add3A_175 = arith.addi %mul3A_103, %add3A_174 : vector<16xi32>
        %gather3A_176 = tpu.vector_load_idx %arg15[%add3A_175] : memref<256xi32, #tpu.memory_space<vmem>>[vector<16xi32>], vector<16xi32>,
        %add3A_177 = arith.addi %add3A_172, %gather3A_176 : vector<16xi32>
        %add3A_178 = arith.constant 15 : i32
        %add3A_179 = vector.broadcast %add3A_178 : i32 to vector<16xi32>
        %add3A_180 = arith.addi %mul3A_103, %add3A_179 : vector<16xi32>
        %gather3A_181 = tpu.vector_load_idx %arg15[%add3A_180] : memref<256xi32, #tpu.memory_space<vmem>>[vector<16xi32>], vector<16xi32>,
        %add3A_182 = arith.addi %add3A_177, %gather3A_181 : vector<16xi32>
        %broadcast_in_dim3A_183 = arith.constant true
        %broadcast_in_dim3A_184 = vector.broadcast %broadcast_in_dim3A_183 : i1 to vector<16xi1>
        %masked_cumsum3A = tpu.scan <sum>, %add3A_182 masked %broadcast_in_dim3A_184 : vector<16xi32>, vector<16xi1> -> vector<16xi32>
        %sub3A_185 = arith.subi %masked_cumsum3A, %add3A_182 : vector<16xi32>
        %swap3A = arith.constant 0 : index
        %swap3A_186 = tpu.vector_load %arg17[%swap3A] {strides = array<i32>} : memref<16xi32, #tpu.memory_space<vmem>>, vector<16xi32>,
        tpu.vector_store %arg17[%swap3A], %sub3A_185 {strides = array<i32>} : memref<16xi32, #tpu.memory_space<vmem>>, vector<16xi32>,
        %parallel_loop3A_187 = arith.constant 0 : i32
        %parallel_loop3A_188 = arith.constant 16 : i32
        %parallel_loop3A_189 = arith.constant 1 : i32
        scf.for %parallel_loop3A_1685 = %parallel_loop3A_187 to %parallel_loop3A_188 step %parallel_loop3A_189  : i32 {
          %parallel_loop3A_1686 = arith.constant 16 : i32
          %parallel_loop3A_1687 = arith.muli %parallel_loop3A_1685, %parallel_loop3A_1686 : i32
          %parallel_loop3A_1688 = arith.index_cast %parallel_loop3A_1687 : i32 to index
          %parallel_loop3A_1689 = tpu.vector_load %arg15[%parallel_loop3A_1688] {strides = array<i32>} : memref<256xi32, #tpu.memory_space<vmem>>, vector<16xi32>,
          %parallel_loop3A_1690 = arith.constant true
          %parallel_loop3A_1691 = vector.broadcast %parallel_loop3A_1690 : i1 to vector<16xi1>
          %parallel_loop3A_1692 = tpu.scan <sum>, %parallel_loop3A_1689 masked %parallel_loop3A_1691 : vector<16xi32>, vector<16xi1> -> vector<16xi32>
          %parallel_loop3A_1693 = arith.constant 0 : i32
          %parallel_loop3A_1694 = vector.broadcast %parallel_loop3A_1693 : i32 to vector<16xi32>
          %parallel_loop3A_1695 = vector.broadcast %parallel_loop3A_1685 : i32 to vector<16xi32>
          %parallel_loop3A_1696 = arith.addi %parallel_loop3A_1694, %parallel_loop3A_1695 : vector<16xi32>
          %parallel_loop3A_1697 = tpu.vector_load_idx %arg17[%parallel_loop3A_1696] : memref<16xi32, #tpu.memory_space<vmem>>[vector<16xi32>], vector<16xi32>,
          %parallel_loop3A_1698 = arith.addi %parallel_loop3A_1692, %parallel_loop3A_1697 : vector<16xi32>
          %parallel_loop3A_1699 = arith.constant 16 : i32
          %parallel_loop3A_1700 = arith.muli %parallel_loop3A_1685, %parallel_loop3A_1699 : i32
          %parallel_loop3A_1701 = arith.index_cast %parallel_loop3A_1700 : i32 to index
          %parallel_loop3A_1702 = tpu.vector_load %arg16[%parallel_loop3A_1701] {strides = array<i32>} : memref<256xi32, #tpu.memory_space<vmem>>, vector<16xi32>,
          tpu.vector_store %arg16[%parallel_loop3A_1701], %parallel_loop3A_1698 {strides = array<i32>} : memref<256xi32, #tpu.memory_space<vmem>>, vector<16xi32>,
        } {sc.loop_unroll_factor = 4 : i64, sc.parallel_access}
        %get3A = arith.constant 0 : index
        %get3A_190 = tpu.vector_load %arg16[%get3A] {strides = array<i32>} : memref<256xi32, #tpu.memory_space<vmem>>, vector<16xi32>,
        %iota3A_191 = tpu.iota {dimensions = array<i32: 0>} : vector<16xi32>
        %add3A_192 = arith.constant 0 : i32
        %add3A_193 = vector.broadcast %add3A_192 : i32 to vector<16xi32>
        %add3A_194 = arith.addi %iota3A_191, %add3A_193 : vector<16xi32>
        %ge3A = arith.constant 40 : i32
        %ge3A_195 = vector.broadcast %ge3A : i32 to vector<16xi32>
        %ge3A_196 = arith.cmpi sge, %get3A_190, %ge3A_195 : vector<16xi32>
        %jit3A = arith.constant 256 : i32
        %broadcast_in_dim3A_197 = vector.broadcast %jit3A : i32 to vector<16xi32>
        %select_n3A = arith.select %ge3A_196, %add3A_194, %broadcast_in_dim3A_197 : vector<16xi1>, vector<16xi32>
        %get3A_198 = arith.constant 16 : index
        %get3A_199 = tpu.vector_load %arg16[%get3A_198] {strides = array<i32>} : memref<256xi32, #tpu.memory_space<vmem>>, vector<16xi32>,
        %iota3A_200 = tpu.iota {dimensions = array<i32: 0>} : vector<16xi32>
        %add3A_201 = arith.constant 16 : i32
        %add3A_202 = vector.broadcast %add3A_201 : i32 to vector<16xi32>
        %add3A_203 = arith.addi %iota3A_200, %add3A_202 : vector<16xi32>
        %ge3A_204 = arith.constant 40 : i32
        %ge3A_205 = vector.broadcast %ge3A_204 : i32 to vector<16xi32>
        %ge3A_206 = arith.cmpi sge, %get3A_199, %ge3A_205 : vector<16xi32>
        %jit3A_207 = arith.constant 256 : i32
        %broadcast_in_dim3A_208 = vector.broadcast %jit3A_207 : i32 to vector<16xi32>
        %select_n3A_209 = arith.select %ge3A_206, %add3A_203, %broadcast_in_dim3A_208 : vector<16xi1>, vector<16xi32>
        %min3A = arith.minsi %select_n3A, %select_n3A_209 : vector<16xi32>
        %get3A_210 = arith.constant 32 : index
        %get3A_211 = tpu.vector_load %arg16[%get3A_210] {strides = array<i32>} : memref<256xi32, #tpu.memory_space<vmem>>, vector<16xi32>,
        %iota3A_212 = tpu.iota {dimensions = array<i32: 0>} : vector<16xi32>
        %add3A_213 = arith.constant 32 : i32
        %add3A_214 = vector.broadcast %add3A_213 : i32 to vector<16xi32>
        %add3A_215 = arith.addi %iota3A_212, %add3A_214 : vector<16xi32>
        %ge3A_216 = arith.constant 40 : i32
        %ge3A_217 = vector.broadcast %ge3A_216 : i32 to vector<16xi32>
        %ge3A_218 = arith.cmpi sge, %get3A_211, %ge3A_217 : vector<16xi32>
        %jit3A_219 = arith.constant 256 : i32
        %broadcast_in_dim3A_220 = vector.broadcast %jit3A_219 : i32 to vector<16xi32>
        %select_n3A_221 = arith.select %ge3A_218, %add3A_215, %broadcast_in_dim3A_220 : vector<16xi1>, vector<16xi32>
        %min3A_222 = arith.minsi %min3A, %select_n3A_221 : vector<16xi32>
        %get3A_223 = arith.constant 48 : index
        %get3A_224 = tpu.vector_load %arg16[%get3A_223] {strides = array<i32>} : memref<256xi32, #tpu.memory_space<vmem>>, vector<16xi32>,
        %iota3A_225 = tpu.iota {dimensions = array<i32: 0>} : vector<16xi32>
        %add3A_226 = arith.constant 48 : i32
        %add3A_227 = vector.broadcast %add3A_226 : i32 to vector<16xi32>
        %add3A_228 = arith.addi %iota3A_225, %add3A_227 : vector<16xi32>
        %ge3A_229 = arith.constant 40 : i32
        %ge3A_230 = vector.broadcast %ge3A_229 : i32 to vector<16xi32>
        %ge3A_231 = arith.cmpi sge, %get3A_224, %ge3A_230 : vector<16xi32>
        %jit3A_232 = arith.constant 256 : i32
        %broadcast_in_dim3A_233 = vector.broadcast %jit3A_232 : i32 to vector<16xi32>
        %select_n3A_234 = arith.select %ge3A_231, %add3A_228, %broadcast_in_dim3A_233 : vector<16xi1>, vector<16xi32>
        %min3A_235 = arith.minsi %min3A_222, %select_n3A_234 : vector<16xi32>
        %get3A_236 = arith.constant 64 : index
        %get3A_237 = tpu.vector_load %arg16[%get3A_236] {strides = array<i32>} : memref<256xi32, #tpu.memory_space<vmem>>, vector<16xi32>,
        %iota3A_238 = tpu.iota {dimensions = array<i32: 0>} : vector<16xi32>
        %add3A_239 = arith.constant 64 : i32
        %add3A_240 = vector.broadcast %add3A_239 : i32 to vector<16xi32>
        %add3A_241 = arith.addi %iota3A_238, %add3A_240 : vector<16xi32>
        %ge3A_242 = arith.constant 40 : i32
        %ge3A_243 = vector.broadcast %ge3A_242 : i32 to vector<16xi32>
        %ge3A_244 = arith.cmpi sge, %get3A_237, %ge3A_243 : vector<16xi32>
        %jit3A_245 = arith.constant 256 : i32
        %broadcast_in_dim3A_246 = vector.broadcast %jit3A_245 : i32 to vector<16xi32>
        %select_n3A_247 = arith.select %ge3A_244, %add3A_241, %broadcast_in_dim3A_246 : vector<16xi1>, vector<16xi32>
        %min3A_248 = arith.minsi %min3A_235, %select_n3A_247 : vector<16xi32>
        %get3A_249 = arith.constant 80 : index
        %get3A_250 = tpu.vector_load %arg16[%get3A_249] {strides = array<i32>} : memref<256xi32, #tpu.memory_space<vmem>>, vector<16xi32>,
        %iota3A_251 = tpu.iota {dimensions = array<i32: 0>} : vector<16xi32>
        %add3A_252 = arith.constant 80 : i32
        %add3A_253 = vector.broadcast %add3A_252 : i32 to vector<16xi32>
        %add3A_254 = arith.addi %iota3A_251, %add3A_253 : vector<16xi32>
        %ge3A_255 = arith.constant 40 : i32
        %ge3A_256 = vector.broadcast %ge3A_255 : i32 to vector<16xi32>
        %ge3A_257 = arith.cmpi sge, %get3A_250, %ge3A_256 : vector<16xi32>
        %jit3A_258 = arith.constant 256 : i32
        %broadcast_in_dim3A_259 = vector.broadcast %jit3A_258 : i32 to vector<16xi32>
        %select_n3A_260 = arith.select %ge3A_257, %add3A_254, %broadcast_in_dim3A_259 : vector<16xi1>, vector<16xi32>
        %min3A_261 = arith.minsi %min3A_248, %select_n3A_260 : vector<16xi32>
        %get3A_262 = arith.constant 96 : index
        %get3A_263 = tpu.vector_load %arg16[%get3A_262] {strides = array<i32>} : memref<256xi32, #tpu.memory_space<vmem>>, vector<16xi32>,
        %iota3A_264 = tpu.iota {dimensions = array<i32: 0>} : vector<16xi32>
        %add3A_265 = arith.constant 96 : i32
        %add3A_266 = vector.broadcast %add3A_265 : i32 to vector<16xi32>
        %add3A_267 = arith.addi %iota3A_264, %add3A_266 : vector<16xi32>
        %ge3A_268 = arith.constant 40 : i32
        %ge3A_269 = vector.broadcast %ge3A_268 : i32 to vector<16xi32>
        %ge3A_270 = arith.cmpi sge, %get3A_263, %ge3A_269 : vector<16xi32>
        %jit3A_271 = arith.constant 256 : i32
        %broadcast_in_dim3A_272 = vector.broadcast %jit3A_271 : i32 to vector<16xi32>
        %select_n3A_273 = arith.select %ge3A_270, %add3A_267, %broadcast_in_dim3A_272 : vector<16xi1>, vector<16xi32>
        %min3A_274 = arith.minsi %min3A_261, %select_n3A_273 : vector<16xi32>
        %get3A_275 = arith.constant 112 : index
        %get3A_276 = tpu.vector_load %arg16[%get3A_275] {strides = array<i32>} : memref<256xi32, #tpu.memory_space<vmem>>, vector<16xi32>,
        %iota3A_277 = tpu.iota {dimensions = array<i32: 0>} : vector<16xi32>
        %add3A_278 = arith.constant 112 : i32
        %add3A_279 = vector.broadcast %add3A_278 : i32 to vector<16xi32>
        %add3A_280 = arith.addi %iota3A_277, %add3A_279 : vector<16xi32>
        %ge3A_281 = arith.constant 40 : i32
        %ge3A_282 = vector.broadcast %ge3A_281 : i32 to vector<16xi32>
        %ge3A_283 = arith.cmpi sge, %get3A_276, %ge3A_282 : vector<16xi32>
        %jit3A_284 = arith.constant 256 : i32
        %broadcast_in_dim3A_285 = vector.broadcast %jit3A_284 : i32 to vector<16xi32>
        %select_n3A_286 = arith.select %ge3A_283, %add3A_280, %broadcast_in_dim3A_285 : vector<16xi1>, vector<16xi32>
        %min3A_287 = arith.minsi %min3A_274, %select_n3A_286 : vector<16xi32>
        %get3A_288 = arith.constant 128 : index
        %get3A_289 = tpu.vector_load %arg16[%get3A_288] {strides = array<i32>} : memref<256xi32, #tpu.memory_space<vmem>>, vector<16xi32>,
        %iota3A_290 = tpu.iota {dimensions = array<i32: 0>} : vector<16xi32>
        %add3A_291 = arith.constant 128 : i32
        %add3A_292 = vector.broadcast %add3A_291 : i32 to vector<16xi32>
        %add3A_293 = arith.addi %iota3A_290, %add3A_292 : vector<16xi32>
        %ge3A_294 = arith.constant 40 : i32
        %ge3A_295 = vector.broadcast %ge3A_294 : i32 to vector<16xi32>
        %ge3A_296 = arith.cmpi sge, %get3A_289, %ge3A_295 : vector<16xi32>
        %jit3A_297 = arith.constant 256 : i32
        %broadcast_in_dim3A_298 = vector.broadcast %jit3A_297 : i32 to vector<16xi32>
        %select_n3A_299 = arith.select %ge3A_296, %add3A_293, %broadcast_in_dim3A_298 : vector<16xi1>, vector<16xi32>
        %min3A_300 = arith.minsi %min3A_287, %select_n3A_299 : vector<16xi32>
        %get3A_301 = arith.constant 144 : index
        %get3A_302 = tpu.vector_load %arg16[%get3A_301] {strides = array<i32>} : memref<256xi32, #tpu.memory_space<vmem>>, vector<16xi32>,
        %iota3A_303 = tpu.iota {dimensions = array<i32: 0>} : vector<16xi32>
        %add3A_304 = arith.constant 144 : i32
        %add3A_305 = vector.broadcast %add3A_304 : i32 to vector<16xi32>
        %add3A_306 = arith.addi %iota3A_303, %add3A_305 : vector<16xi32>
        %ge3A_307 = arith.constant 40 : i32
        %ge3A_308 = vector.broadcast %ge3A_307 : i32 to vector<16xi32>
        %ge3A_309 = arith.cmpi sge, %get3A_302, %ge3A_308 : vector<16xi32>
        %jit3A_310 = arith.constant 256 : i32
        %broadcast_in_dim3A_311 = vector.broadcast %jit3A_310 : i32 to vector<16xi32>
        %select_n3A_312 = arith.select %ge3A_309, %add3A_306, %broadcast_in_dim3A_311 : vector<16xi1>, vector<16xi32>
        %min3A_313 = arith.minsi %min3A_300, %select_n3A_312 : vector<16xi32>
        %get3A_314 = arith.constant 160 : index
        %get3A_315 = tpu.vector_load %arg16[%get3A_314] {strides = array<i32>} : memref<256xi32, #tpu.memory_space<vmem>>, vector<16xi32>,
        %iota3A_316 = tpu.iota {dimensions = array<i32: 0>} : vector<16xi32>
        %add3A_317 = arith.constant 160 : i32
        %add3A_318 = vector.broadcast %add3A_317 : i32 to vector<16xi32>
        %add3A_319 = arith.addi %iota3A_316, %add3A_318 : vector<16xi32>
        %ge3A_320 = arith.constant 40 : i32
        %ge3A_321 = vector.broadcast %ge3A_320 : i32 to vector<16xi32>
        %ge3A_322 = arith.cmpi sge, %get3A_315, %ge3A_321 : vector<16xi32>
        %jit3A_323 = arith.constant 256 : i32
        %broadcast_in_dim3A_324 = vector.broadcast %jit3A_323 : i32 to vector<16xi32>
        %select_n3A_325 = arith.select %ge3A_322, %add3A_319, %broadcast_in_dim3A_324 : vector<16xi1>, vector<16xi32>
        %min3A_326 = arith.minsi %min3A_313, %select_n3A_325 : vector<16xi32>
        %get3A_327 = arith.constant 176 : index
        %get3A_328 = tpu.vector_load %arg16[%get3A_327] {strides = array<i32>} : memref<256xi32, #tpu.memory_space<vmem>>, vector<16xi32>,
        %iota3A_329 = tpu.iota {dimensions = array<i32: 0>} : vector<16xi32>
        %add3A_330 = arith.constant 176 : i32
        %add3A_331 = vector.broadcast %add3A_330 : i32 to vector<16xi32>
        %add3A_332 = arith.addi %iota3A_329, %add3A_331 : vector<16xi32>
        %ge3A_333 = arith.constant 40 : i32
        %ge3A_334 = vector.broadcast %ge3A_333 : i32 to vector<16xi32>
        %ge3A_335 = arith.cmpi sge, %get3A_328, %ge3A_334 : vector<16xi32>
        %jit3A_336 = arith.constant 256 : i32
        %broadcast_in_dim3A_337 = vector.broadcast %jit3A_336 : i32 to vector<16xi32>
        %select_n3A_338 = arith.select %ge3A_335, %add3A_332, %broadcast_in_dim3A_337 : vector<16xi1>, vector<16xi32>
        %min3A_339 = arith.minsi %min3A_326, %select_n3A_338 : vector<16xi32>
        %get3A_340 = arith.constant 192 : index
        %get3A_341 = tpu.vector_load %arg16[%get3A_340] {strides = array<i32>} : memref<256xi32, #tpu.memory_space<vmem>>, vector<16xi32>,
        %iota3A_342 = tpu.iota {dimensions = array<i32: 0>} : vector<16xi32>
        %add3A_343 = arith.constant 192 : i32
        %add3A_344 = vector.broadcast %add3A_343 : i32 to vector<16xi32>
        %add3A_345 = arith.addi %iota3A_342, %add3A_344 : vector<16xi32>
        %ge3A_346 = arith.constant 40 : i32
        %ge3A_347 = vector.broadcast %ge3A_346 : i32 to vector<16xi32>
        %ge3A_348 = arith.cmpi sge, %get3A_341, %ge3A_347 : vector<16xi32>
        %jit3A_349 = arith.constant 256 : i32
        %broadcast_in_dim3A_350 = vector.broadcast %jit3A_349 : i32 to vector<16xi32>
        %select_n3A_351 = arith.select %ge3A_348, %add3A_345, %broadcast_in_dim3A_350 : vector<16xi1>, vector<16xi32>
        %min3A_352 = arith.minsi %min3A_339, %select_n3A_351 : vector<16xi32>
        %get3A_353 = arith.constant 208 : index
        %get3A_354 = tpu.vector_load %arg16[%get3A_353] {strides = array<i32>} : memref<256xi32, #tpu.memory_space<vmem>>, vector<16xi32>,
        %iota3A_355 = tpu.iota {dimensions = array<i32: 0>} : vector<16xi32>
        %add3A_356 = arith.constant 208 : i32
        %add3A_357 = vector.broadcast %add3A_356 : i32 to vector<16xi32>
        %add3A_358 = arith.addi %iota3A_355, %add3A_357 : vector<16xi32>
        %ge3A_359 = arith.constant 40 : i32
        %ge3A_360 = vector.broadcast %ge3A_359 : i32 to vector<16xi32>
        %ge3A_361 = arith.cmpi sge, %get3A_354, %ge3A_360 : vector<16xi32>
        %jit3A_362 = arith.constant 256 : i32
        %broadcast_in_dim3A_363 = vector.broadcast %jit3A_362 : i32 to vector<16xi32>
        %select_n3A_364 = arith.select %ge3A_361, %add3A_358, %broadcast_in_dim3A_363 : vector<16xi1>, vector<16xi32>
        %min3A_365 = arith.minsi %min3A_352, %select_n3A_364 : vector<16xi32>
        %get3A_366 = arith.constant 224 : index
        %get3A_367 = tpu.vector_load %arg16[%get3A_366] {strides = array<i32>} : memref<256xi32, #tpu.memory_space<vmem>>, vector<16xi32>,
        %iota3A_368 = tpu.iota {dimensions = array<i32: 0>} : vector<16xi32>
        %add3A_369 = arith.constant 224 : i32
        %add3A_370 = vector.broadcast %add3A_369 : i32 to vector<16xi32>
        %add3A_371 = arith.addi %iota3A_368, %add3A_370 : vector<16xi32>
        %ge3A_372 = arith.constant 40 : i32
        %ge3A_373 = vector.broadcast %ge3A_372 : i32 to vector<16xi32>
        %ge3A_374 = arith.cmpi sge, %get3A_367, %ge3A_373 : vector<16xi32>
        %jit3A_375 = arith.constant 256 : i32
        %broadcast_in_dim3A_376 = vector.broadcast %jit3A_375 : i32 to vector<16xi32>
        %select_n3A_377 = arith.select %ge3A_374, %add3A_371, %broadcast_in_dim3A_376 : vector<16xi1>, vector<16xi32>
        %min3A_378 = arith.minsi %min3A_365, %select_n3A_377 : vector<16xi32>
        %get3A_379 = arith.constant 240 : index
        %get3A_380 = tpu.vector_load %arg16[%get3A_379] {strides = array<i32>} : memref<256xi32, #tpu.memory_space<vmem>>, vector<16xi32>,
        %iota3A_381 = tpu.iota {dimensions = array<i32: 0>} : vector<16xi32>
        %add3A_382 = arith.constant 240 : i32
        %add3A_383 = vector.broadcast %add3A_382 : i32 to vector<16xi32>
        %add3A_384 = arith.addi %iota3A_381, %add3A_383 : vector<16xi32>
        %ge3A_385 = arith.constant 40 : i32
        %ge3A_386 = vector.broadcast %ge3A_385 : i32 to vector<16xi32>
        %ge3A_387 = arith.cmpi sge, %get3A_380, %ge3A_386 : vector<16xi32>
        %jit3A_388 = arith.constant 256 : i32
        %broadcast_in_dim3A_389 = vector.broadcast %jit3A_388 : i32 to vector<16xi32>
        %select_n3A_390 = arith.select %ge3A_387, %add3A_384, %broadcast_in_dim3A_389 : vector<16xi1>, vector<16xi32>
        %min3A_391 = arith.minsi %min3A_378, %select_n3A_390 : vector<16xi32>
        %reduce_min3A = arith.constant true
        %reduce_min3A_392 = vector.broadcast %reduce_min3A : i1 to vector<16xi1>
        %reduce_min3A_393 = arith.constant -2147483648 : i32
        %reduce_min3A_394 = vector.broadcast %reduce_min3A_393 : i32 to vector<16xi32>
        %reduce_min3A_395 = arith.xori %min3A_391, %reduce_min3A_394 : vector<16xi32>
        %reduce_min3A_396 = tpu.scan <min>, %reduce_min3A_395 masked %reduce_min3A_392 : vector<16xi32>, vector<16xi1> -> vector<16xi32>
        %reduce_min3A_397 = arith.xori %reduce_min3A_396, %reduce_min3A_394 : vector<16xi32>
        %reduce_min3A_398 = vector.extract %reduce_min3A_397[15] : i32 from vector<16xi32>
        %broadcast_in_dim3A_399 = arith.constant 0 : i32
        %broadcast_in_dim3A_400 = vector.broadcast %broadcast_in_dim3A_399 : i32 to vector<16xi32>
        %add3A_401 = vector.broadcast %reduce_min3A_398 : i32 to vector<16xi32>
        %add3A_402 = arith.addi %broadcast_in_dim3A_400, %add3A_401 : vector<16xi32>
        %gather3A_403 = tpu.vector_load_idx %arg15[%add3A_402] : memref<256xi32, #tpu.memory_space<vmem>>[vector<16xi32>], vector<16xi32>,
        %reduce_min3A_404 = arith.constant true
        %reduce_min3A_405 = vector.broadcast %reduce_min3A_404 : i1 to vector<16xi1>
        %reduce_min3A_406 = arith.constant -2147483648 : i32
        %reduce_min3A_407 = vector.broadcast %reduce_min3A_406 : i32 to vector<16xi32>
        %reduce_min3A_408 = arith.xori %gather3A_403, %reduce_min3A_407 : vector<16xi32>
        %reduce_min3A_409 = tpu.scan <min>, %reduce_min3A_408 masked %reduce_min3A_405 : vector<16xi32>, vector<16xi1> -> vector<16xi32>
        %reduce_min3A_410 = arith.xori %reduce_min3A_409, %reduce_min3A_407 : vector<16xi32>
        %reduce_min3A_411 = vector.extract %reduce_min3A_410[15] : i32 from vector<16xi32>
        %broadcast_in_dim3A_412 = arith.constant 0 : i32
        %broadcast_in_dim3A_413 = vector.broadcast %broadcast_in_dim3A_412 : i32 to vector<16xi32>
        %add3A_414 = vector.broadcast %reduce_min3A_398 : i32 to vector<16xi32>
        %add3A_415 = arith.addi %broadcast_in_dim3A_413, %add3A_414 : vector<16xi32>
        %gather3A_416 = tpu.vector_load_idx %arg16[%add3A_415] : memref<256xi32, #tpu.memory_space<vmem>>[vector<16xi32>], vector<16xi32>,
        %reduce_min3A_417 = arith.constant true
        %reduce_min3A_418 = vector.broadcast %reduce_min3A_417 : i1 to vector<16xi1>
        %reduce_min3A_419 = arith.constant -2147483648 : i32
        %reduce_min3A_420 = vector.broadcast %reduce_min3A_419 : i32 to vector<16xi32>
        %reduce_min3A_421 = arith.xori %gather3A_416, %reduce_min3A_420 : vector<16xi32>
        %reduce_min3A_422 = tpu.scan <min>, %reduce_min3A_421 masked %reduce_min3A_418 : vector<16xi32>, vector<16xi1> -> vector<16xi32>
        %reduce_min3A_423 = arith.xori %reduce_min3A_422, %reduce_min3A_420 : vector<16xi32>
        %reduce_min3A_424 = vector.extract %reduce_min3A_423[15] : i32 from vector<16xi32>
        %sub3A_425 = arith.subi %reduce_min3A_424, %reduce_min3A_411 : i32
        %sub3A_426 = arith.constant 40 : i32
        %sub3A_427 = arith.subi %sub3A_426, %sub3A_425 : i32
        %broadcast_in_dim3A_428 = arith.constant 0 : i32
        %broadcast_in_dim3A_429 = vector.broadcast %broadcast_in_dim3A_428 : i32 to vector<16xi32>
        %parallel_loop3A_430 = arith.constant 0 : i32
        %parallel_loop3A_431 = arith.constant 256 : i32
        %parallel_loop3A_432 = arith.constant 1 : i32
        %parallel_loop3A_433:2 = scf.for %parallel_loop3A_1685 = %parallel_loop3A_430 to %parallel_loop3A_431 step %parallel_loop3A_432 iter_args(%parallel_loop3A_1686 = %broadcast_in_dim3A_429, %parallel_loop3A_1687 = %broadcast_in_dim3A_429) -> (vector<16xi32>, vector<16xi32>)  : i32 {
          %parallel_loop3A_1688 = arith.constant 16 : i32
          %parallel_loop3A_1689 = arith.muli %parallel_loop3A_1685, %parallel_loop3A_1688 : i32
          %parallel_loop3A_1690 = arith.index_cast %parallel_loop3A_1689 : i32 to index
          %parallel_loop3A_1691 = tpu.vector_load %arg11[%parallel_loop3A_1690] {strides = array<i32>} : memref<4096xi32, #tpu.memory_space<vmem>>, vector<16xi32>,
          %parallel_loop3A_1692 = arith.constant 24 : i32
          %parallel_loop3A_1693 = vector.broadcast %parallel_loop3A_1692 : i32 to vector<16xi32>
          %parallel_loop3A_1694 = arith.shrui %parallel_loop3A_1691, %parallel_loop3A_1693 : vector<16xi32>
          %parallel_loop3A_1695 = tpu.iota {dimensions = array<i32: 0>} : vector<16xi32>
          %parallel_loop3A_1696 = arith.constant 16 : i32
          %parallel_loop3A_1697 = arith.muli %parallel_loop3A_1685, %parallel_loop3A_1696 : i32
          %parallel_loop3A_1698 = vector.broadcast %parallel_loop3A_1697 : i32 to vector<16xi32>
          %parallel_loop3A_1699 = arith.addi %parallel_loop3A_1695, %parallel_loop3A_1698 : vector<16xi32>
          %parallel_loop3A_1700 = vector.broadcast %reduce_min3A_398 : i32 to vector<16xi32>
          %parallel_loop3A_1701 = arith.cmpi slt, %parallel_loop3A_1694, %parallel_loop3A_1700 : vector<16xi32>
          %parallel_loop3A_1702 = vector.broadcast %reduce_min3A_398 : i32 to vector<16xi32>
          %parallel_loop3A_1703 = arith.cmpi eq, %parallel_loop3A_1694, %parallel_loop3A_1702 : vector<16xi32>
          %parallel_loop3A_1704 = arith.extui %parallel_loop3A_1701 : vector<16xi1> to vector<16xi32>
          %parallel_loop3A_1705 = arith.constant true
          %parallel_loop3A_1706 = vector.broadcast %parallel_loop3A_1705 : i1 to vector<16xi1>
          %parallel_loop3A_1707 = tpu.scan <sum>, %parallel_loop3A_1704 masked %parallel_loop3A_1706 : vector<16xi32>, vector<16xi1> -> vector<16xi32>
          %parallel_loop3A_1708 = arith.addi %parallel_loop3A_1686, %parallel_loop3A_1707 : vector<16xi32>
          %parallel_loop3A_1709 = arith.constant 1 : i32
          %parallel_loop3A_1710 = vector.broadcast %parallel_loop3A_1709 : i32 to vector<16xi32>
          %parallel_loop3A_1711 = arith.subi %parallel_loop3A_1708, %parallel_loop3A_1710 : vector<16xi32>
          %parallel_loop3A_1712 = arith.constant 0 : i32
          %parallel_loop3A_1713 = vector.broadcast %parallel_loop3A_1712 : i32 to vector<16xi32>
          %parallel_loop3A_1714 = arith.select %parallel_loop3A_1701, %parallel_loop3A_1711, %parallel_loop3A_1713 : vector<16xi1>, vector<16xi32>
          tpu.vector_store_idx %arg14[%parallel_loop3A_1714], %parallel_loop3A_1699 masked %parallel_loop3A_1701 : memref<64xi32, #tpu.memory_space<vmem>>[vector<16xi32>], vector<16xi32>, vector<16xi1>
          %parallel_loop3A_1715 = tpu.all_reduce %parallel_loop3A_1701 {dim = 0 : i64, kind = #tpu.reduction_kind<sum>} : vector<16xi1> -> vector<16xi32>
          %parallel_loop3A_1716 = arith.addi %parallel_loop3A_1686, %parallel_loop3A_1715 : vector<16xi32>
          %parallel_loop3A_1717 = arith.extui %parallel_loop3A_1703 : vector<16xi1> to vector<16xi32>
          %parallel_loop3A_1718 = arith.constant true
          %parallel_loop3A_1719 = vector.broadcast %parallel_loop3A_1718 : i1 to vector<16xi1>
          %parallel_loop3A_1720 = tpu.scan <sum>, %parallel_loop3A_1717 masked %parallel_loop3A_1719 : vector<16xi32>, vector<16xi1> -> vector<16xi32>
          %parallel_loop3A_1721 = arith.addi %parallel_loop3A_1687, %parallel_loop3A_1720 : vector<16xi32>
          %parallel_loop3A_1722 = arith.constant 1 : i32
          %parallel_loop3A_1723 = vector.broadcast %parallel_loop3A_1722 : i32 to vector<16xi32>
          %parallel_loop3A_1724 = arith.subi %parallel_loop3A_1721, %parallel_loop3A_1723 : vector<16xi32>
          %parallel_loop3A_1725 = arith.constant 0 : i32
          %parallel_loop3A_1726 = vector.broadcast %parallel_loop3A_1725 : i32 to vector<16xi32>
          %parallel_loop3A_1727 = arith.select %parallel_loop3A_1703, %parallel_loop3A_1724, %parallel_loop3A_1726 : vector<16xi1>, vector<16xi32>
          tpu.vector_store_idx %arg12[%parallel_loop3A_1727], %parallel_loop3A_1699 masked %parallel_loop3A_1703 : memref<4128xi32, #tpu.memory_space<vmem>>[vector<16xi32>], vector<16xi32>, vector<16xi1>
          %parallel_loop3A_1728 = tpu.all_reduce %parallel_loop3A_1703 {dim = 0 : i64, kind = #tpu.reduction_kind<sum>} : vector<16xi1> -> vector<16xi32>
          %parallel_loop3A_1729 = arith.addi %parallel_loop3A_1687, %parallel_loop3A_1728 : vector<16xi32>
          scf.yield %parallel_loop3A_1716, %parallel_loop3A_1729 : vector<16xi32>, vector<16xi32>
        } {sc.loop_unroll_factor = 4 : i64, sc.parallel_access}
        %reduce_min3A_434 = arith.constant true
        %reduce_min3A_435 = vector.broadcast %reduce_min3A_434 : i1 to vector<16xi1>
        %reduce_min3A_436 = arith.constant -2147483648 : i32
        %reduce_min3A_437 = vector.broadcast %reduce_min3A_436 : i32 to vector<16xi32>
        %reduce_min3A_438 = arith.xori %parallel_loop3A_433#1, %reduce_min3A_437 : vector<16xi32>
        %reduce_min3A_439 = tpu.scan <min>, %reduce_min3A_438 masked %reduce_min3A_435 : vector<16xi32>, vector<16xi1> -> vector<16xi32>
        %reduce_min3A_440 = arith.xori %reduce_min3A_439, %reduce_min3A_437 : vector<16xi32>
        %reduce_min3A_441 = vector.extract %reduce_min3A_440[15] : i32 from vector<16xi32>
        %broadcast_in_dim3A_442 = arith.constant 0 : i32
        %broadcast_in_dim3A_443 = vector.broadcast %broadcast_in_dim3A_442 : i32 to vector<16xi32>
        %swap3A_444 = arith.constant 0 : index
        %swap3A_445 = tpu.vector_load %arg15[%swap3A_444] {strides = array<i32>} : memref<256xi32, #tpu.memory_space<vmem>>, vector<16xi32>,
        tpu.vector_store %arg15[%swap3A_444], %broadcast_in_dim3A_443 {strides = array<i32>} : memref<256xi32, #tpu.memory_space<vmem>>, vector<16xi32>,
        %broadcast_in_dim3A_446 = arith.constant 0 : i32
        %broadcast_in_dim3A_447 = vector.broadcast %broadcast_in_dim3A_446 : i32 to vector<16xi32>
        %swap3A_448 = arith.constant 16 : index
        %swap3A_449 = tpu.vector_load %arg15[%swap3A_448] {strides = array<i32>} : memref<256xi32, #tpu.memory_space<vmem>>, vector<16xi32>,
        tpu.vector_store %arg15[%swap3A_448], %broadcast_in_dim3A_447 {strides = array<i32>} : memref<256xi32, #tpu.memory_space<vmem>>, vector<16xi32>,
        %broadcast_in_dim3A_450 = arith.constant 0 : i32
        %broadcast_in_dim3A_451 = vector.broadcast %broadcast_in_dim3A_450 : i32 to vector<16xi32>
        %swap3A_452 = arith.constant 32 : index
        %swap3A_453 = tpu.vector_load %arg15[%swap3A_452] {strides = array<i32>} : memref<256xi32, #tpu.memory_space<vmem>>, vector<16xi32>,
        tpu.vector_store %arg15[%swap3A_452], %broadcast_in_dim3A_451 {strides = array<i32>} : memref<256xi32, #tpu.memory_space<vmem>>, vector<16xi32>,
        %broadcast_in_dim3A_454 = arith.constant 0 : i32
        %broadcast_in_dim3A_455 = vector.broadcast %broadcast_in_dim3A_454 : i32 to vector<16xi32>
        %swap3A_456 = arith.constant 48 : index
        %swap3A_457 = tpu.vector_load %arg15[%swap3A_456] {strides = array<i32>} : memref<256xi32, #tpu.memory_space<vmem>>, vector<16xi32>,
        tpu.vector_store %arg15[%swap3A_456], %broadcast_in_dim3A_455 {strides = array<i32>} : memref<256xi32, #tpu.memory_space<vmem>>, vector<16xi32>,
        %add3A_458 = arith.constant 15 : i32
        %add3A_459 = arith.addi %reduce_min3A_441, %add3A_458 : i32
        %jit3A_460 = arith.constant 16 : i32
        %div3A = arith.divsi %add3A_459, %jit3A_460 : i32
        %sign3A = arith.constant 0 : i32
        %sign3A_461 = arith.cmpi sgt, %add3A_459, %sign3A : i32
        %sign3A_462 = arith.extui %sign3A_461 : i1 to i32
        %sign3A_463 = arith.constant 0 : i32
        %sign3A_464 = arith.cmpi slt, %add3A_459, %sign3A_463 : i32
        %sign3A_465 = arith.extui %sign3A_464 : i1 to i32
        %sign3A_466 = arith.subi %sign3A_462, %sign3A_465 : i32
        %sign3A_467 = arith.constant 0 : i32
        %sign3A_468 = arith.cmpi sgt, %jit3A_460, %sign3A_467 : i32
        %sign3A_469 = arith.extui %sign3A_468 : i1 to i32
        %sign3A_470 = arith.constant 0 : i32
        %sign3A_471 = arith.cmpi slt, %jit3A_460, %sign3A_470 : i32
        %sign3A_472 = arith.extui %sign3A_471 : i1 to i32
        %sign3A_473 = arith.subi %sign3A_469, %sign3A_472 : i32
        %ne3A = arith.cmpi ne, %sign3A_466, %sign3A_473 : i32
        %rem3A = arith.remsi %add3A_459, %jit3A_460 : i32
        %ne3A_474 = arith.constant 0 : i32
        %ne3A_475 = arith.cmpi ne, %rem3A, %ne3A_474 : i32
        %and3A_476 = arith.andi %ne3A, %ne3A_475 : i1
        %sub3A_477 = arith.constant 1 : i32
        %sub3A_478 = arith.subi %div3A, %sub3A_477 : i32
        %select_n3A_479 = arith.select %and3A_476, %sub3A_478, %div3A : i32
        %while3A = arith.constant 0 : i32
        %while3A_480 = arith.constant 0 : i32
        %while3A_481 = arith.subi %select_n3A_479, %while3A : i32
        %while3A_482 = arith.addi %while3A, %while3A_481 : i32
        %while3A_483 = arith.constant 1 : i32
        %while3A_484 = arith.divsi %while3A_481, %while3A_483 : i32
        %while3A_485 = arith.muli %while3A_484, %while3A_483 : i32
        %while3A_486 = arith.addi %while3A, %while3A_485 : i32
        %while3A_487 = arith.constant 1 : i32
        %while3A_488 = scf.for %while3A_1685 = %while3A to %while3A_486 step %while3A_487 iter_args(%while3A_1686 = %while3A_480) -> (i32)  : i32 {
          %mul3A_1687 = arith.constant 16 : i32
          %mul3A_1688 = arith.muli %while3A_1685, %mul3A_1687 : i32
          %get3A_1689 = arith.index_cast %mul3A_1688 : i32 to index
          %get3A_1690 = tpu.vector_load %arg12[%get3A_1689] {strides = array<i32>} : memref<4128xi32, #tpu.memory_space<vmem>>, vector<16xi32>,
          %iota3A_1691 = tpu.iota {dimensions = array<i32: 0>} : vector<16xi32>
          %mul3A_1692 = arith.constant 16 : i32
          %mul3A_1693 = arith.muli %while3A_1685, %mul3A_1692 : i32
          %add3A_1694 = vector.broadcast %mul3A_1693 : i32 to vector<16xi32>
          %add3A_1695 = arith.addi %iota3A_1691, %add3A_1694 : vector<16xi32>
          %lt3A_1696 = vector.broadcast %reduce_min3A_441 : i32 to vector<16xi32>
          %lt3A_1697 = arith.cmpi slt, %add3A_1695, %lt3A_1696 : vector<16xi32>
          %jit3A_1698 = arith.constant 0 : i32
          %broadcast_in_dim3A_1699 = vector.broadcast %jit3A_1698 : i32 to vector<16xi32>
          %select_n3A_1700 = arith.select %lt3A_1697, %get3A_1690, %broadcast_in_dim3A_1699 : vector<16xi1>, vector<16xi32>
          %gather3A_1701 = tpu.vector_load_idx %arg11[%select_n3A_1700] : memref<4096xi32, #tpu.memory_space<vmem>>[vector<16xi32>], vector<16xi32>,
          %shift_right_logical3A = arith.constant 18 : i32
          %shift_right_logical3A_1702 = vector.broadcast %shift_right_logical3A : i32 to vector<16xi32>
          %shift_right_logical3A_1703 = arith.shrui %gather3A_1701, %shift_right_logical3A_1702 : vector<16xi32>
          %and3A_1704 = arith.constant 63 : i32
          %and3A_1705 = vector.broadcast %and3A_1704 : i32 to vector<16xi32>
          %and3A_1706 = arith.andi %shift_right_logical3A_1703, %and3A_1705 : vector<16xi32>
          %unique3A_1707, %unique3A_1708 = tpu.scan_count mask(%lt3A_1697 : vector<16xi1>) value(%and3A_1706 : vector<16xi32>) : vector<16xi1>, vector<16xi32>
          %sub3A_1709 = vector.broadcast %sub3A_12 : i32 to vector<16xi32>
          %sub3A_1710 = arith.subi %unique3A_1708, %sub3A_1709 : vector<16xi32>
          %add3A_1711 = arith.constant 1 : i32
          %add3A_1712 = vector.broadcast %add3A_1711 : i32 to vector<16xi32>
          %add3A_1713 = arith.addi %sub3A_1710, %add3A_1712 : vector<16xi32>
          %and3A_1714 = arith.andi %unique3A_1707, %lt3A_1697 : vector<16xi1>
          tpu.vector_store_idx %arg15[%and3A_1706], %add3A_1713 masked %and3A_1714 {add = true} : memref<256xi32, #tpu.memory_space<vmem>>[vector<16xi32>], vector<16xi32>, vector<16xi1>
          %while3A_1715 = arith.constant 0 : i32
          scf.yield %while3A_1715 : i32
        }
        %while3A_489 = arith.constant 1 : i32
        %while3A_490 = scf.for %while3A_1685 = %while3A_486 to %while3A_482 step %while3A_489 iter_args(%while3A_1686 = %while3A_488) -> (i32)  : i32 {
          %mul3A_1687 = arith.constant 16 : i32
          %mul3A_1688 = arith.muli %while3A_1685, %mul3A_1687 : i32
          %get3A_1689 = arith.index_cast %mul3A_1688 : i32 to index
          %get3A_1690 = tpu.vector_load %arg12[%get3A_1689] {strides = array<i32>} : memref<4128xi32, #tpu.memory_space<vmem>>, vector<16xi32>,
          %iota3A_1691 = tpu.iota {dimensions = array<i32: 0>} : vector<16xi32>
          %mul3A_1692 = arith.constant 16 : i32
          %mul3A_1693 = arith.muli %while3A_1685, %mul3A_1692 : i32
          %add3A_1694 = vector.broadcast %mul3A_1693 : i32 to vector<16xi32>
          %add3A_1695 = arith.addi %iota3A_1691, %add3A_1694 : vector<16xi32>
          %lt3A_1696 = vector.broadcast %reduce_min3A_441 : i32 to vector<16xi32>
          %lt3A_1697 = arith.cmpi slt, %add3A_1695, %lt3A_1696 : vector<16xi32>
          %jit3A_1698 = arith.constant 0 : i32
          %broadcast_in_dim3A_1699 = vector.broadcast %jit3A_1698 : i32 to vector<16xi32>
          %select_n3A_1700 = arith.select %lt3A_1697, %get3A_1690, %broadcast_in_dim3A_1699 : vector<16xi1>, vector<16xi32>
          %gather3A_1701 = tpu.vector_load_idx %arg11[%select_n3A_1700] : memref<4096xi32, #tpu.memory_space<vmem>>[vector<16xi32>], vector<16xi32>,
          %shift_right_logical3A = arith.constant 18 : i32
          %shift_right_logical3A_1702 = vector.broadcast %shift_right_logical3A : i32 to vector<16xi32>
          %shift_right_logical3A_1703 = arith.shrui %gather3A_1701, %shift_right_logical3A_1702 : vector<16xi32>
          %and3A_1704 = arith.constant 63 : i32
          %and3A_1705 = vector.broadcast %and3A_1704 : i32 to vector<16xi32>
          %and3A_1706 = arith.andi %shift_right_logical3A_1703, %and3A_1705 : vector<16xi32>
          %unique3A_1707, %unique3A_1708 = tpu.scan_count mask(%lt3A_1697 : vector<16xi1>) value(%and3A_1706 : vector<16xi32>) : vector<16xi1>, vector<16xi32>
          %sub3A_1709 = vector.broadcast %sub3A_12 : i32 to vector<16xi32>
          %sub3A_1710 = arith.subi %unique3A_1708, %sub3A_1709 : vector<16xi32>
          %add3A_1711 = arith.constant 1 : i32
          %add3A_1712 = vector.broadcast %add3A_1711 : i32 to vector<16xi32>
          %add3A_1713 = arith.addi %sub3A_1710, %add3A_1712 : vector<16xi32>
          %and3A_1714 = arith.andi %unique3A_1707, %lt3A_1697 : vector<16xi1>
          tpu.vector_store_idx %arg15[%and3A_1706], %add3A_1713 masked %and3A_1714 {add = true} : memref<256xi32, #tpu.memory_space<vmem>>[vector<16xi32>], vector<16xi32>, vector<16xi1>
          %while3A_1715 = arith.constant 0 : i32
          scf.yield %while3A_1715 : i32
        }
        %get3A_491 = arith.constant 0 : index
        %get3A_492 = tpu.vector_load %arg15[%get3A_491] {strides = array<i32>} : memref<256xi32, #tpu.memory_space<vmem>>, vector<16xi32>,
        %broadcast_in_dim3A_493 = arith.constant true
        %broadcast_in_dim3A_494 = vector.broadcast %broadcast_in_dim3A_493 : i1 to vector<16xi1>
        %masked_cumsum3A_495 = tpu.scan <sum>, %get3A_492 masked %broadcast_in_dim3A_494 : vector<16xi32>, vector<16xi1> -> vector<16xi32>
        %add3A_496 = arith.constant 0 : i32
        %add3A_497 = vector.broadcast %add3A_496 : i32 to vector<16xi32>
        %add3A_498 = arith.addi %masked_cumsum3A_495, %add3A_497 : vector<16xi32>
        %swap3A_499 = arith.constant 0 : index
        %swap3A_500 = tpu.vector_load %arg16[%swap3A_499] {strides = array<i32>} : memref<256xi32, #tpu.memory_space<vmem>>, vector<16xi32>,
        tpu.vector_store %arg16[%swap3A_499], %add3A_498 {strides = array<i32>} : memref<256xi32, #tpu.memory_space<vmem>>, vector<16xi32>,
        %reduce_sum3A = arith.constant true
        %reduce_sum3A_501 = vector.broadcast %reduce_sum3A : i1 to vector<16xi1>
        %reduce_sum3A_502 = tpu.scan <sum>, %get3A_492 masked %reduce_sum3A_501 : vector<16xi32>, vector<16xi1> -> vector<16xi32>
        %reduce_sum3A_503 = vector.extract %reduce_sum3A_502[15] : i32 from vector<16xi32>
        %add3A_504 = arith.constant 0 : i32
        %add3A_505 = arith.addi %add3A_504, %reduce_sum3A_503 : i32
        %get3A_506 = arith.constant 16 : index
        %get3A_507 = tpu.vector_load %arg15[%get3A_506] {strides = array<i32>} : memref<256xi32, #tpu.memory_space<vmem>>, vector<16xi32>,
        %broadcast_in_dim3A_508 = arith.constant true
        %broadcast_in_dim3A_509 = vector.broadcast %broadcast_in_dim3A_508 : i1 to vector<16xi1>
        %masked_cumsum3A_510 = tpu.scan <sum>, %get3A_507 masked %broadcast_in_dim3A_509 : vector<16xi32>, vector<16xi1> -> vector<16xi32>
        %add3A_511 = vector.broadcast %add3A_505 : i32 to vector<16xi32>
        %add3A_512 = arith.addi %masked_cumsum3A_510, %add3A_511 : vector<16xi32>
        %swap3A_513 = arith.constant 16 : index
        %swap3A_514 = tpu.vector_load %arg16[%swap3A_513] {strides = array<i32>} : memref<256xi32, #tpu.memory_space<vmem>>, vector<16xi32>,
        tpu.vector_store %arg16[%swap3A_513], %add3A_512 {strides = array<i32>} : memref<256xi32, #tpu.memory_space<vmem>>, vector<16xi32>,
        %reduce_sum3A_515 = arith.constant true
        %reduce_sum3A_516 = vector.broadcast %reduce_sum3A_515 : i1 to vector<16xi1>
        %reduce_sum3A_517 = tpu.scan <sum>, %get3A_507 masked %reduce_sum3A_516 : vector<16xi32>, vector<16xi1> -> vector<16xi32>
        %reduce_sum3A_518 = vector.extract %reduce_sum3A_517[15] : i32 from vector<16xi32>
        %add3A_519 = arith.addi %add3A_505, %reduce_sum3A_518 : i32
        %get3A_520 = arith.constant 32 : index
        %get3A_521 = tpu.vector_load %arg15[%get3A_520] {strides = array<i32>} : memref<256xi32, #tpu.memory_space<vmem>>, vector<16xi32>,
        %broadcast_in_dim3A_522 = arith.constant true
        %broadcast_in_dim3A_523 = vector.broadcast %broadcast_in_dim3A_522 : i1 to vector<16xi1>
        %masked_cumsum3A_524 = tpu.scan <sum>, %get3A_521 masked %broadcast_in_dim3A_523 : vector<16xi32>, vector<16xi1> -> vector<16xi32>
        %add3A_525 = vector.broadcast %add3A_519 : i32 to vector<16xi32>
        %add3A_526 = arith.addi %masked_cumsum3A_524, %add3A_525 : vector<16xi32>
        %swap3A_527 = arith.constant 32 : index
        %swap3A_528 = tpu.vector_load %arg16[%swap3A_527] {strides = array<i32>} : memref<256xi32, #tpu.memory_space<vmem>>, vector<16xi32>,
        tpu.vector_store %arg16[%swap3A_527], %add3A_526 {strides = array<i32>} : memref<256xi32, #tpu.memory_space<vmem>>, vector<16xi32>,
        %reduce_sum3A_529 = arith.constant true
        %reduce_sum3A_530 = vector.broadcast %reduce_sum3A_529 : i1 to vector<16xi1>
        %reduce_sum3A_531 = tpu.scan <sum>, %get3A_521 masked %reduce_sum3A_530 : vector<16xi32>, vector<16xi1> -> vector<16xi32>
        %reduce_sum3A_532 = vector.extract %reduce_sum3A_531[15] : i32 from vector<16xi32>
        %add3A_533 = arith.addi %add3A_519, %reduce_sum3A_532 : i32
        %get3A_534 = arith.constant 48 : index
        %get3A_535 = tpu.vector_load %arg15[%get3A_534] {strides = array<i32>} : memref<256xi32, #tpu.memory_space<vmem>>, vector<16xi32>,
        %broadcast_in_dim3A_536 = arith.constant true
        %broadcast_in_dim3A_537 = vector.broadcast %broadcast_in_dim3A_536 : i1 to vector<16xi1>
        %masked_cumsum3A_538 = tpu.scan <sum>, %get3A_535 masked %broadcast_in_dim3A_537 : vector<16xi32>, vector<16xi1> -> vector<16xi32>
        %add3A_539 = vector.broadcast %add3A_533 : i32 to vector<16xi32>
        %add3A_540 = arith.addi %masked_cumsum3A_538, %add3A_539 : vector<16xi32>
        %swap3A_541 = arith.constant 48 : index
        %swap3A_542 = tpu.vector_load %arg16[%swap3A_541] {strides = array<i32>} : memref<256xi32, #tpu.memory_space<vmem>>, vector<16xi32>,
        tpu.vector_store %arg16[%swap3A_541], %add3A_540 {strides = array<i32>} : memref<256xi32, #tpu.memory_space<vmem>>, vector<16xi32>,
        %reduce_sum3A_543 = arith.constant true
        %reduce_sum3A_544 = vector.broadcast %reduce_sum3A_543 : i1 to vector<16xi1>
        %reduce_sum3A_545 = tpu.scan <sum>, %get3A_535 masked %reduce_sum3A_544 : vector<16xi32>, vector<16xi1> -> vector<16xi32>
        %reduce_sum3A_546 = vector.extract %reduce_sum3A_545[15] : i32 from vector<16xi32>
        %add3A_547 = arith.addi %add3A_533, %reduce_sum3A_546 : i32
        %get3A_548 = arith.constant 0 : index
        %get3A_549 = tpu.vector_load %arg16[%get3A_548] {strides = array<i32>} : memref<256xi32, #tpu.memory_space<vmem>>, vector<16xi32>,
        %iota3A_550 = tpu.iota {dimensions = array<i32: 0>} : vector<16xi32>
        %add3A_551 = arith.constant 0 : i32
        %add3A_552 = vector.broadcast %add3A_551 : i32 to vector<16xi32>
        %add3A_553 = arith.addi %iota3A_550, %add3A_552 : vector<16xi32>
        %ge3A_554 = vector.broadcast %sub3A_427 : i32 to vector<16xi32>
        %ge3A_555 = arith.cmpi sge, %get3A_549, %ge3A_554 : vector<16xi32>
        %jit3A_556 = arith.constant 64 : i32
        %broadcast_in_dim3A_557 = vector.broadcast %jit3A_556 : i32 to vector<16xi32>
        %select_n3A_558 = arith.select %ge3A_555, %add3A_553, %broadcast_in_dim3A_557 : vector<16xi1>, vector<16xi32>
        %reduce_min3A_559 = arith.constant true
        %reduce_min3A_560 = vector.broadcast %reduce_min3A_559 : i1 to vector<16xi1>
        %reduce_min3A_561 = arith.constant -2147483648 : i32
        %reduce_min3A_562 = vector.broadcast %reduce_min3A_561 : i32 to vector<16xi32>
        %reduce_min3A_563 = arith.xori %select_n3A_558, %reduce_min3A_562 : vector<16xi32>
        %reduce_min3A_564 = tpu.scan <min>, %reduce_min3A_563 masked %reduce_min3A_560 : vector<16xi32>, vector<16xi1> -> vector<16xi32>
        %reduce_min3A_565 = arith.xori %reduce_min3A_564, %reduce_min3A_562 : vector<16xi32>
        %reduce_min3A_566 = vector.extract %reduce_min3A_565[15] : i32 from vector<16xi32>
        %min3A_567 = arith.constant 64 : i32
        %min3A_568 = arith.minsi %min3A_567, %reduce_min3A_566 : i32
        %get3A_569 = arith.constant 16 : index
        %get3A_570 = tpu.vector_load %arg16[%get3A_569] {strides = array<i32>} : memref<256xi32, #tpu.memory_space<vmem>>, vector<16xi32>,
        %iota3A_571 = tpu.iota {dimensions = array<i32: 0>} : vector<16xi32>
        %add3A_572 = arith.constant 16 : i32
        %add3A_573 = vector.broadcast %add3A_572 : i32 to vector<16xi32>
        %add3A_574 = arith.addi %iota3A_571, %add3A_573 : vector<16xi32>
        %ge3A_575 = vector.broadcast %sub3A_427 : i32 to vector<16xi32>
        %ge3A_576 = arith.cmpi sge, %get3A_570, %ge3A_575 : vector<16xi32>
        %jit3A_577 = arith.constant 64 : i32
        %broadcast_in_dim3A_578 = vector.broadcast %jit3A_577 : i32 to vector<16xi32>
        %select_n3A_579 = arith.select %ge3A_576, %add3A_574, %broadcast_in_dim3A_578 : vector<16xi1>, vector<16xi32>
        %reduce_min3A_580 = arith.constant true
        %reduce_min3A_581 = vector.broadcast %reduce_min3A_580 : i1 to vector<16xi1>
        %reduce_min3A_582 = arith.constant -2147483648 : i32
        %reduce_min3A_583 = vector.broadcast %reduce_min3A_582 : i32 to vector<16xi32>
        %reduce_min3A_584 = arith.xori %select_n3A_579, %reduce_min3A_583 : vector<16xi32>
        %reduce_min3A_585 = tpu.scan <min>, %reduce_min3A_584 masked %reduce_min3A_581 : vector<16xi32>, vector<16xi1> -> vector<16xi32>
        %reduce_min3A_586 = arith.xori %reduce_min3A_585, %reduce_min3A_583 : vector<16xi32>
        %reduce_min3A_587 = vector.extract %reduce_min3A_586[15] : i32 from vector<16xi32>
        %min3A_588 = arith.minsi %min3A_568, %reduce_min3A_587 : i32
        %get3A_589 = arith.constant 32 : index
        %get3A_590 = tpu.vector_load %arg16[%get3A_589] {strides = array<i32>} : memref<256xi32, #tpu.memory_space<vmem>>, vector<16xi32>,
        %iota3A_591 = tpu.iota {dimensions = array<i32: 0>} : vector<16xi32>
        %add3A_592 = arith.constant 32 : i32
        %add3A_593 = vector.broadcast %add3A_592 : i32 to vector<16xi32>
        %add3A_594 = arith.addi %iota3A_591, %add3A_593 : vector<16xi32>
        %ge3A_595 = vector.broadcast %sub3A_427 : i32 to vector<16xi32>
        %ge3A_596 = arith.cmpi sge, %get3A_590, %ge3A_595 : vector<16xi32>
        %jit3A_597 = arith.constant 64 : i32
        %broadcast_in_dim3A_598 = vector.broadcast %jit3A_597 : i32 to vector<16xi32>
        %select_n3A_599 = arith.select %ge3A_596, %add3A_594, %broadcast_in_dim3A_598 : vector<16xi1>, vector<16xi32>
        %reduce_min3A_600 = arith.constant true
        %reduce_min3A_601 = vector.broadcast %reduce_min3A_600 : i1 to vector<16xi1>
        %reduce_min3A_602 = arith.constant -2147483648 : i32
        %reduce_min3A_603 = vector.broadcast %reduce_min3A_602 : i32 to vector<16xi32>
        %reduce_min3A_604 = arith.xori %select_n3A_599, %reduce_min3A_603 : vector<16xi32>
        %reduce_min3A_605 = tpu.scan <min>, %reduce_min3A_604 masked %reduce_min3A_601 : vector<16xi32>, vector<16xi1> -> vector<16xi32>
        %reduce_min3A_606 = arith.xori %reduce_min3A_605, %reduce_min3A_603 : vector<16xi32>
        %reduce_min3A_607 = vector.extract %reduce_min3A_606[15] : i32 from vector<16xi32>
        %min3A_608 = arith.minsi %min3A_588, %reduce_min3A_607 : i32
        %get3A_609 = arith.constant 48 : index
        %get3A_610 = tpu.vector_load %arg16[%get3A_609] {strides = array<i32>} : memref<256xi32, #tpu.memory_space<vmem>>, vector<16xi32>,
        %iota3A_611 = tpu.iota {dimensions = array<i32: 0>} : vector<16xi32>
        %add3A_612 = arith.constant 48 : i32
        %add3A_613 = vector.broadcast %add3A_612 : i32 to vector<16xi32>
        %add3A_614 = arith.addi %iota3A_611, %add3A_613 : vector<16xi32>
        %ge3A_615 = vector.broadcast %sub3A_427 : i32 to vector<16xi32>
        %ge3A_616 = arith.cmpi sge, %get3A_610, %ge3A_615 : vector<16xi32>
        %jit3A_617 = arith.constant 64 : i32
        %broadcast_in_dim3A_618 = vector.broadcast %jit3A_617 : i32 to vector<16xi32>
        %select_n3A_619 = arith.select %ge3A_616, %add3A_614, %broadcast_in_dim3A_618 : vector<16xi1>, vector<16xi32>
        %reduce_min3A_620 = arith.constant true
        %reduce_min3A_621 = vector.broadcast %reduce_min3A_620 : i1 to vector<16xi1>
        %reduce_min3A_622 = arith.constant -2147483648 : i32
        %reduce_min3A_623 = vector.broadcast %reduce_min3A_622 : i32 to vector<16xi32>
        %reduce_min3A_624 = arith.xori %select_n3A_619, %reduce_min3A_623 : vector<16xi32>
        %reduce_min3A_625 = tpu.scan <min>, %reduce_min3A_624 masked %reduce_min3A_621 : vector<16xi32>, vector<16xi1> -> vector<16xi32>
        %reduce_min3A_626 = arith.xori %reduce_min3A_625, %reduce_min3A_623 : vector<16xi32>
        %reduce_min3A_627 = vector.extract %reduce_min3A_626[15] : i32 from vector<16xi32>
        %min3A_628 = arith.minsi %min3A_608, %reduce_min3A_627 : i32
        %broadcast_in_dim3A_629 = arith.constant 0 : i32
        %broadcast_in_dim3A_630 = vector.broadcast %broadcast_in_dim3A_629 : i32 to vector<16xi32>
        %add3A_631 = vector.broadcast %min3A_628 : i32 to vector<16xi32>
        %add3A_632 = arith.addi %broadcast_in_dim3A_630, %add3A_631 : vector<16xi32>
        %gather3A_633 = tpu.vector_load_idx %arg15[%add3A_632] : memref<256xi32, #tpu.memory_space<vmem>>[vector<16xi32>], vector<16xi32>,
        %reduce_min3A_634 = arith.constant true
        %reduce_min3A_635 = vector.broadcast %reduce_min3A_634 : i1 to vector<16xi1>
        %reduce_min3A_636 = arith.constant -2147483648 : i32
        %reduce_min3A_637 = vector.broadcast %reduce_min3A_636 : i32 to vector<16xi32>
        %reduce_min3A_638 = arith.xori %gather3A_633, %reduce_min3A_637 : vector<16xi32>
        %reduce_min3A_639 = tpu.scan <min>, %reduce_min3A_638 masked %reduce_min3A_635 : vector<16xi32>, vector<16xi1> -> vector<16xi32>
        %reduce_min3A_640 = arith.xori %reduce_min3A_639, %reduce_min3A_637 : vector<16xi32>
        %reduce_min3A_641 = vector.extract %reduce_min3A_640[15] : i32 from vector<16xi32>
        %broadcast_in_dim3A_642 = arith.constant 0 : i32
        %broadcast_in_dim3A_643 = vector.broadcast %broadcast_in_dim3A_642 : i32 to vector<16xi32>
        %add3A_644 = vector.broadcast %min3A_628 : i32 to vector<16xi32>
        %add3A_645 = arith.addi %broadcast_in_dim3A_643, %add3A_644 : vector<16xi32>
        %gather3A_646 = tpu.vector_load_idx %arg16[%add3A_645] : memref<256xi32, #tpu.memory_space<vmem>>[vector<16xi32>], vector<16xi32>,
        %reduce_min3A_647 = arith.constant true
        %reduce_min3A_648 = vector.broadcast %reduce_min3A_647 : i1 to vector<16xi1>
        %reduce_min3A_649 = arith.constant -2147483648 : i32
        %reduce_min3A_650 = vector.broadcast %reduce_min3A_649 : i32 to vector<16xi32>
        %reduce_min3A_651 = arith.xori %gather3A_646, %reduce_min3A_650 : vector<16xi32>
        %reduce_min3A_652 = tpu.scan <min>, %reduce_min3A_651 masked %reduce_min3A_648 : vector<16xi32>, vector<16xi1> -> vector<16xi32>
        %reduce_min3A_653 = arith.xori %reduce_min3A_652, %reduce_min3A_650 : vector<16xi32>
        %reduce_min3A_654 = vector.extract %reduce_min3A_653[15] : i32 from vector<16xi32>
        %sub3A_655 = arith.subi %reduce_min3A_654, %reduce_min3A_641 : i32
        %broadcast_in_dim3A_656 = arith.constant 0 : i32
        %broadcast_in_dim3A_657 = vector.broadcast %broadcast_in_dim3A_656 : i32 to vector<16xi32>
        %while3A_658 = arith.constant 0 : i32
        %while3A_659 = arith.subi %select_n3A_479, %while3A_658 : i32
        %while3A_660 = arith.addi %while3A_658, %while3A_659 : i32
        %while3A_661 = arith.constant 1 : i32
        %while3A_662 = arith.divsi %while3A_659, %while3A_661 : i32
        %while3A_663 = arith.muli %while3A_662, %while3A_661 : i32
        %while3A_664 = arith.addi %while3A_658, %while3A_663 : i32
        %while3A_665 = arith.constant 1 : i32
        %while3A_666:2 = scf.for %while3A_1685 = %while3A_658 to %while3A_664 step %while3A_665 iter_args(%while3A_1686 = %parallel_loop3A_433#0, %while3A_1687 = %broadcast_in_dim3A_657) -> (vector<16xi32>, vector<16xi32>)  : i32 {
          %mul3A_1688 = arith.constant 16 : i32
          %mul3A_1689 = arith.muli %while3A_1685, %mul3A_1688 : i32
          %get3A_1690 = arith.index_cast %mul3A_1689 : i32 to index
          %get3A_1691 = tpu.vector_load %arg12[%get3A_1690] {strides = array<i32>} : memref<4128xi32, #tpu.memory_space<vmem>>, vector<16xi32>,
          %iota3A_1692 = tpu.iota {dimensions = array<i32: 0>} : vector<16xi32>
          %mul3A_1693 = arith.constant 16 : i32
          %mul3A_1694 = arith.muli %while3A_1685, %mul3A_1693 : i32
          %add3A_1695 = vector.broadcast %mul3A_1694 : i32 to vector<16xi32>
          %add3A_1696 = arith.addi %iota3A_1692, %add3A_1695 : vector<16xi32>
          %lt3A_1697 = vector.broadcast %reduce_min3A_441 : i32 to vector<16xi32>
          %lt3A_1698 = arith.cmpi slt, %add3A_1696, %lt3A_1697 : vector<16xi32>
          %jit3A_1699 = arith.constant 0 : i32
          %broadcast_in_dim3A_1700 = vector.broadcast %jit3A_1699 : i32 to vector<16xi32>
          %select_n3A_1701 = arith.select %lt3A_1698, %get3A_1691, %broadcast_in_dim3A_1700 : vector<16xi1>, vector<16xi32>
          %gather3A_1702 = tpu.vector_load_idx %arg11[%select_n3A_1701] : memref<4096xi32, #tpu.memory_space<vmem>>[vector<16xi32>], vector<16xi32>,
          %shift_right_logical3A = arith.constant 18 : i32
          %shift_right_logical3A_1703 = vector.broadcast %shift_right_logical3A : i32 to vector<16xi32>
          %shift_right_logical3A_1704 = arith.shrui %gather3A_1702, %shift_right_logical3A_1703 : vector<16xi32>
          %and3A_1705 = arith.constant 63 : i32
          %and3A_1706 = vector.broadcast %and3A_1705 : i32 to vector<16xi32>
          %and3A_1707 = arith.andi %shift_right_logical3A_1704, %and3A_1706 : vector<16xi32>
          %lt3A_1708 = vector.broadcast %min3A_628 : i32 to vector<16xi32>
          %lt3A_1709 = arith.cmpi slt, %and3A_1707, %lt3A_1708 : vector<16xi32>
          %and3A_1710 = arith.andi %lt3A_1698, %lt3A_1709 : vector<16xi1>
          %eq3A_1711 = vector.broadcast %min3A_628 : i32 to vector<16xi32>
          %eq3A_1712 = arith.cmpi eq, %and3A_1707, %eq3A_1711 : vector<16xi32>
          %and3A_1713 = arith.andi %lt3A_1698, %eq3A_1712 : vector<16xi1>
          %convert_element_type3A_1714 = arith.extui %and3A_1710 : vector<16xi1> to vector<16xi32>
          %broadcast_in_dim3A_1715 = arith.constant true
          %broadcast_in_dim3A_1716 = vector.broadcast %broadcast_in_dim3A_1715 : i1 to vector<16xi1>
          %masked_cumsum3A_1717 = tpu.scan <sum>, %convert_element_type3A_1714 masked %broadcast_in_dim3A_1716 : vector<16xi32>, vector<16xi1> -> vector<16xi32>
          %add3A_1718 = arith.addi %while3A_1686, %masked_cumsum3A_1717 : vector<16xi32>
          %sub3A_1719 = arith.constant 1 : i32
          %sub3A_1720 = vector.broadcast %sub3A_1719 : i32 to vector<16xi32>
          %sub3A_1721 = arith.subi %add3A_1718, %sub3A_1720 : vector<16xi32>
          %jit3A_1722 = arith.constant 0 : i32
          %broadcast_in_dim3A_1723 = vector.broadcast %jit3A_1722 : i32 to vector<16xi32>
          %select_n3A_1724 = arith.select %and3A_1710, %sub3A_1721, %broadcast_in_dim3A_1723 : vector<16xi1>, vector<16xi32>
          tpu.vector_store_idx %arg14[%select_n3A_1724], %get3A_1691 masked %and3A_1710 : memref<64xi32, #tpu.memory_space<vmem>>[vector<16xi32>], vector<16xi32>, vector<16xi1>
          %all_reduce_population_count3A = tpu.all_reduce %and3A_1710 {dim = 0 : i64, kind = #tpu.reduction_kind<sum>} : vector<16xi1> -> vector<16xi32>
          %add3A_1725 = arith.addi %while3A_1686, %all_reduce_population_count3A : vector<16xi32>
          %convert_element_type3A_1726 = arith.extui %and3A_1713 : vector<16xi1> to vector<16xi32>
          %broadcast_in_dim3A_1727 = arith.constant true
          %broadcast_in_dim3A_1728 = vector.broadcast %broadcast_in_dim3A_1727 : i1 to vector<16xi1>
          %masked_cumsum3A_1729 = tpu.scan <sum>, %convert_element_type3A_1726 masked %broadcast_in_dim3A_1728 : vector<16xi32>, vector<16xi1> -> vector<16xi32>
          %add3A_1730 = arith.addi %while3A_1687, %masked_cumsum3A_1729 : vector<16xi32>
          %sub3A_1731 = arith.constant 1 : i32
          %sub3A_1732 = vector.broadcast %sub3A_1731 : i32 to vector<16xi32>
          %sub3A_1733 = arith.subi %add3A_1730, %sub3A_1732 : vector<16xi32>
          %jit3A_1734 = arith.constant 0 : i32
          %broadcast_in_dim3A_1735 = vector.broadcast %jit3A_1734 : i32 to vector<16xi32>
          %select_n3A_1736 = arith.select %and3A_1713, %sub3A_1733, %broadcast_in_dim3A_1735 : vector<16xi1>, vector<16xi32>
          tpu.vector_store_idx %arg13[%select_n3A_1736], %get3A_1691 masked %and3A_1713 : memref<4128xi32, #tpu.memory_space<vmem>>[vector<16xi32>], vector<16xi32>, vector<16xi1>
          %all_reduce_population_count3A_1737 = tpu.all_reduce %and3A_1713 {dim = 0 : i64, kind = #tpu.reduction_kind<sum>} : vector<16xi1> -> vector<16xi32>
          %add3A_1738 = arith.addi %while3A_1687, %all_reduce_population_count3A_1737 : vector<16xi32>
          scf.yield %add3A_1725, %add3A_1738 : vector<16xi32>, vector<16xi32>
        }
        %while3A_667 = arith.constant 1 : i32
        %while3A_668:2 = scf.for %while3A_1685 = %while3A_664 to %while3A_660 step %while3A_667 iter_args(%while3A_1686 = %while3A_666#0, %while3A_1687 = %while3A_666#1) -> (vector<16xi32>, vector<16xi32>)  : i32 {
          %mul3A_1688 = arith.constant 16 : i32
          %mul3A_1689 = arith.muli %while3A_1685, %mul3A_1688 : i32
          %get3A_1690 = arith.index_cast %mul3A_1689 : i32 to index
          %get3A_1691 = tpu.vector_load %arg12[%get3A_1690] {strides = array<i32>} : memref<4128xi32, #tpu.memory_space<vmem>>, vector<16xi32>,
          %iota3A_1692 = tpu.iota {dimensions = array<i32: 0>} : vector<16xi32>
          %mul3A_1693 = arith.constant 16 : i32
          %mul3A_1694 = arith.muli %while3A_1685, %mul3A_1693 : i32
          %add3A_1695 = vector.broadcast %mul3A_1694 : i32 to vector<16xi32>
          %add3A_1696 = arith.addi %iota3A_1692, %add3A_1695 : vector<16xi32>
          %lt3A_1697 = vector.broadcast %reduce_min3A_441 : i32 to vector<16xi32>
          %lt3A_1698 = arith.cmpi slt, %add3A_1696, %lt3A_1697 : vector<16xi32>
          %jit3A_1699 = arith.constant 0 : i32
          %broadcast_in_dim3A_1700 = vector.broadcast %jit3A_1699 : i32 to vector<16xi32>
          %select_n3A_1701 = arith.select %lt3A_1698, %get3A_1691, %broadcast_in_dim3A_1700 : vector<16xi1>, vector<16xi32>
          %gather3A_1702 = tpu.vector_load_idx %arg11[%select_n3A_1701] : memref<4096xi32, #tpu.memory_space<vmem>>[vector<16xi32>], vector<16xi32>,
          %shift_right_logical3A = arith.constant 18 : i32
          %shift_right_logical3A_1703 = vector.broadcast %shift_right_logical3A : i32 to vector<16xi32>
          %shift_right_logical3A_1704 = arith.shrui %gather3A_1702, %shift_right_logical3A_1703 : vector<16xi32>
          %and3A_1705 = arith.constant 63 : i32
          %and3A_1706 = vector.broadcast %and3A_1705 : i32 to vector<16xi32>
          %and3A_1707 = arith.andi %shift_right_logical3A_1704, %and3A_1706 : vector<16xi32>
          %lt3A_1708 = vector.broadcast %min3A_628 : i32 to vector<16xi32>
          %lt3A_1709 = arith.cmpi slt, %and3A_1707, %lt3A_1708 : vector<16xi32>
          %and3A_1710 = arith.andi %lt3A_1698, %lt3A_1709 : vector<16xi1>
          %eq3A_1711 = vector.broadcast %min3A_628 : i32 to vector<16xi32>
          %eq3A_1712 = arith.cmpi eq, %and3A_1707, %eq3A_1711 : vector<16xi32>
          %and3A_1713 = arith.andi %lt3A_1698, %eq3A_1712 : vector<16xi1>
          %convert_element_type3A_1714 = arith.extui %and3A_1710 : vector<16xi1> to vector<16xi32>
          %broadcast_in_dim3A_1715 = arith.constant true
          %broadcast_in_dim3A_1716 = vector.broadcast %broadcast_in_dim3A_1715 : i1 to vector<16xi1>
          %masked_cumsum3A_1717 = tpu.scan <sum>, %convert_element_type3A_1714 masked %broadcast_in_dim3A_1716 : vector<16xi32>, vector<16xi1> -> vector<16xi32>
          %add3A_1718 = arith.addi %while3A_1686, %masked_cumsum3A_1717 : vector<16xi32>
          %sub3A_1719 = arith.constant 1 : i32
          %sub3A_1720 = vector.broadcast %sub3A_1719 : i32 to vector<16xi32>
          %sub3A_1721 = arith.subi %add3A_1718, %sub3A_1720 : vector<16xi32>
          %jit3A_1722 = arith.constant 0 : i32
          %broadcast_in_dim3A_1723 = vector.broadcast %jit3A_1722 : i32 to vector<16xi32>
          %select_n3A_1724 = arith.select %and3A_1710, %sub3A_1721, %broadcast_in_dim3A_1723 : vector<16xi1>, vector<16xi32>
          tpu.vector_store_idx %arg14[%select_n3A_1724], %get3A_1691 masked %and3A_1710 : memref<64xi32, #tpu.memory_space<vmem>>[vector<16xi32>], vector<16xi32>, vector<16xi1>
          %all_reduce_population_count3A = tpu.all_reduce %and3A_1710 {dim = 0 : i64, kind = #tpu.reduction_kind<sum>} : vector<16xi1> -> vector<16xi32>
          %add3A_1725 = arith.addi %while3A_1686, %all_reduce_population_count3A : vector<16xi32>
          %convert_element_type3A_1726 = arith.extui %and3A_1713 : vector<16xi1> to vector<16xi32>
          %broadcast_in_dim3A_1727 = arith.constant true
          %broadcast_in_dim3A_1728 = vector.broadcast %broadcast_in_dim3A_1727 : i1 to vector<16xi1>
          %masked_cumsum3A_1729 = tpu.scan <sum>, %convert_element_type3A_1726 masked %broadcast_in_dim3A_1728 : vector<16xi32>, vector<16xi1> -> vector<16xi32>
          %add3A_1730 = arith.addi %while3A_1687, %masked_cumsum3A_1729 : vector<16xi32>
          %sub3A_1731 = arith.constant 1 : i32
          %sub3A_1732 = vector.broadcast %sub3A_1731 : i32 to vector<16xi32>
          %sub3A_1733 = arith.subi %add3A_1730, %sub3A_1732 : vector<16xi32>
          %jit3A_1734 = arith.constant 0 : i32
          %broadcast_in_dim3A_1735 = vector.broadcast %jit3A_1734 : i32 to vector<16xi32>
          %select_n3A_1736 = arith.select %and3A_1713, %sub3A_1733, %broadcast_in_dim3A_1735 : vector<16xi1>, vector<16xi32>
          tpu.vector_store_idx %arg13[%select_n3A_1736], %get3A_1691 masked %and3A_1713 : memref<4128xi32, #tpu.memory_space<vmem>>[vector<16xi32>], vector<16xi32>, vector<16xi1>
          %all_reduce_population_count3A_1737 = tpu.all_reduce %and3A_1713 {dim = 0 : i64, kind = #tpu.reduction_kind<sum>} : vector<16xi1> -> vector<16xi32>
          %add3A_1738 = arith.addi %while3A_1687, %all_reduce_population_count3A_1737 : vector<16xi32>
          scf.yield %add3A_1725, %add3A_1738 : vector<16xi32>, vector<16xi32>
        }
        %reduce_min3A_669 = arith.constant true
        %reduce_min3A_670 = vector.broadcast %reduce_min3A_669 : i1 to vector<16xi1>
        %reduce_min3A_671 = arith.constant -2147483648 : i32
        %reduce_min3A_672 = vector.broadcast %reduce_min3A_671 : i32 to vector<16xi32>
        %reduce_min3A_673 = arith.xori %while3A_668#1, %reduce_min3A_672 : vector<16xi32>
        %reduce_min3A_674 = tpu.scan <min>, %reduce_min3A_673 masked %reduce_min3A_670 : vector<16xi32>, vector<16xi1> -> vector<16xi32>
        %reduce_min3A_675 = arith.xori %reduce_min3A_674, %reduce_min3A_672 : vector<16xi32>
        %reduce_min3A_676 = vector.extract %reduce_min3A_675[15] : i32 from vector<16xi32>
        %sub3A_677 = arith.subi %sub3A_427, %sub3A_655 : i32
        %broadcast_in_dim3A_678 = arith.constant 0 : i32
        %broadcast_in_dim3A_679 = vector.broadcast %broadcast_in_dim3A_678 : i32 to vector<16xi32>
        %swap3A_680 = arith.constant 0 : index
        %swap3A_681 = tpu.vector_load %arg15[%swap3A_680] {strides = array<i32>} : memref<256xi32, #tpu.memory_space<vmem>>, vector<16xi32>,
        tpu.vector_store %arg15[%swap3A_680], %broadcast_in_dim3A_679 {strides = array<i32>} : memref<256xi32, #tpu.memory_space<vmem>>, vector<16xi32>,
        %broadcast_in_dim3A_682 = arith.constant 0 : i32
        %broadcast_in_dim3A_683 = vector.broadcast %broadcast_in_dim3A_682 : i32 to vector<16xi32>
        %swap3A_684 = arith.constant 16 : index
        %swap3A_685 = tpu.vector_load %arg15[%swap3A_684] {strides = array<i32>} : memref<256xi32, #tpu.memory_space<vmem>>, vector<16xi32>,
        tpu.vector_store %arg15[%swap3A_684], %broadcast_in_dim3A_683 {strides = array<i32>} : memref<256xi32, #tpu.memory_space<vmem>>, vector<16xi32>,
        %broadcast_in_dim3A_686 = arith.constant 0 : i32
        %broadcast_in_dim3A_687 = vector.broadcast %broadcast_in_dim3A_686 : i32 to vector<16xi32>
        %swap3A_688 = arith.constant 32 : index
        %swap3A_689 = tpu.vector_load %arg15[%swap3A_688] {strides = array<i32>} : memref<256xi32, #tpu.memory_space<vmem>>, vector<16xi32>,
        tpu.vector_store %arg15[%swap3A_688], %broadcast_in_dim3A_687 {strides = array<i32>} : memref<256xi32, #tpu.memory_space<vmem>>, vector<16xi32>,
        %broadcast_in_dim3A_690 = arith.constant 0 : i32
        %broadcast_in_dim3A_691 = vector.broadcast %broadcast_in_dim3A_690 : i32 to vector<16xi32>
        %swap3A_692 = arith.constant 48 : index
        %swap3A_693 = tpu.vector_load %arg15[%swap3A_692] {strides = array<i32>} : memref<256xi32, #tpu.memory_space<vmem>>, vector<16xi32>,
        tpu.vector_store %arg15[%swap3A_692], %broadcast_in_dim3A_691 {strides = array<i32>} : memref<256xi32, #tpu.memory_space<vmem>>, vector<16xi32>,
        %add3A_694 = arith.constant 15 : i32
        %add3A_695 = arith.addi %reduce_min3A_676, %add3A_694 : i32
        %jit3A_696 = arith.constant 16 : i32
        %div3A_697 = arith.divsi %add3A_695, %jit3A_696 : i32
        %sign3A_698 = arith.constant 0 : i32
        %sign3A_699 = arith.cmpi sgt, %add3A_695, %sign3A_698 : i32
        %sign3A_700 = arith.extui %sign3A_699 : i1 to i32
        %sign3A_701 = arith.constant 0 : i32
        %sign3A_702 = arith.cmpi slt, %add3A_695, %sign3A_701 : i32
        %sign3A_703 = arith.extui %sign3A_702 : i1 to i32
        %sign3A_704 = arith.subi %sign3A_700, %sign3A_703 : i32
        %sign3A_705 = arith.constant 0 : i32
        %sign3A_706 = arith.cmpi sgt, %jit3A_696, %sign3A_705 : i32
        %sign3A_707 = arith.extui %sign3A_706 : i1 to i32
        %sign3A_708 = arith.constant 0 : i32
        %sign3A_709 = arith.cmpi slt, %jit3A_696, %sign3A_708 : i32
        %sign3A_710 = arith.extui %sign3A_709 : i1 to i32
        %sign3A_711 = arith.subi %sign3A_707, %sign3A_710 : i32
        %ne3A_712 = arith.cmpi ne, %sign3A_704, %sign3A_711 : i32
        %rem3A_713 = arith.remsi %add3A_695, %jit3A_696 : i32
        %ne3A_714 = arith.constant 0 : i32
        %ne3A_715 = arith.cmpi ne, %rem3A_713, %ne3A_714 : i32
        %and3A_716 = arith.andi %ne3A_712, %ne3A_715 : i1
        %sub3A_717 = arith.constant 1 : i32
        %sub3A_718 = arith.subi %div3A_697, %sub3A_717 : i32
        %select_n3A_719 = arith.select %and3A_716, %sub3A_718, %div3A_697 : i32
        %while3A_720 = arith.constant 0 : i32
        %while3A_721 = arith.constant 0 : i32
        %while3A_722 = arith.subi %select_n3A_719, %while3A_720 : i32
        %while3A_723 = arith.addi %while3A_720, %while3A_722 : i32
        %while3A_724 = arith.constant 1 : i32
        %while3A_725 = arith.divsi %while3A_722, %while3A_724 : i32
        %while3A_726 = arith.muli %while3A_725, %while3A_724 : i32
        %while3A_727 = arith.addi %while3A_720, %while3A_726 : i32
        %while3A_728 = arith.constant 1 : i32
        %while3A_729 = scf.for %while3A_1685 = %while3A_720 to %while3A_727 step %while3A_728 iter_args(%while3A_1686 = %while3A_721) -> (i32)  : i32 {
          %mul3A_1687 = arith.constant 16 : i32
          %mul3A_1688 = arith.muli %while3A_1685, %mul3A_1687 : i32
          %get3A_1689 = arith.index_cast %mul3A_1688 : i32 to index
          %get3A_1690 = tpu.vector_load %arg13[%get3A_1689] {strides = array<i32>} : memref<4128xi32, #tpu.memory_space<vmem>>, vector<16xi32>,
          %iota3A_1691 = tpu.iota {dimensions = array<i32: 0>} : vector<16xi32>
          %mul3A_1692 = arith.constant 16 : i32
          %mul3A_1693 = arith.muli %while3A_1685, %mul3A_1692 : i32
          %add3A_1694 = vector.broadcast %mul3A_1693 : i32 to vector<16xi32>
          %add3A_1695 = arith.addi %iota3A_1691, %add3A_1694 : vector<16xi32>
          %lt3A_1696 = vector.broadcast %reduce_min3A_676 : i32 to vector<16xi32>
          %lt3A_1697 = arith.cmpi slt, %add3A_1695, %lt3A_1696 : vector<16xi32>
          %jit3A_1698 = arith.constant 0 : i32
          %broadcast_in_dim3A_1699 = vector.broadcast %jit3A_1698 : i32 to vector<16xi32>
          %select_n3A_1700 = arith.select %lt3A_1697, %get3A_1690, %broadcast_in_dim3A_1699 : vector<16xi1>, vector<16xi32>
          %gather3A_1701 = tpu.vector_load_idx %arg11[%select_n3A_1700] : memref<4096xi32, #tpu.memory_space<vmem>>[vector<16xi32>], vector<16xi32>,
          %shift_right_logical3A = arith.constant 12 : i32
          %shift_right_logical3A_1702 = vector.broadcast %shift_right_logical3A : i32 to vector<16xi32>
          %shift_right_logical3A_1703 = arith.shrui %gather3A_1701, %shift_right_logical3A_1702 : vector<16xi32>
          %and3A_1704 = arith.constant 63 : i32
          %and3A_1705 = vector.broadcast %and3A_1704 : i32 to vector<16xi32>
          %and3A_1706 = arith.andi %shift_right_logical3A_1703, %and3A_1705 : vector<16xi32>
          %unique3A_1707, %unique3A_1708 = tpu.scan_count mask(%lt3A_1697 : vector<16xi1>) value(%and3A_1706 : vector<16xi32>) : vector<16xi1>, vector<16xi32>
          %sub3A_1709 = vector.broadcast %sub3A_12 : i32 to vector<16xi32>
          %sub3A_1710 = arith.subi %unique3A_1708, %sub3A_1709 : vector<16xi32>
          %add3A_1711 = arith.constant 1 : i32
          %add3A_1712 = vector.broadcast %add3A_1711 : i32 to vector<16xi32>
          %add3A_1713 = arith.addi %sub3A_1710, %add3A_1712 : vector<16xi32>
          %and3A_1714 = arith.andi %unique3A_1707, %lt3A_1697 : vector<16xi1>
          tpu.vector_store_idx %arg15[%and3A_1706], %add3A_1713 masked %and3A_1714 {add = true} : memref<256xi32, #tpu.memory_space<vmem>>[vector<16xi32>], vector<16xi32>, vector<16xi1>
          %while3A_1715 = arith.constant 0 : i32
          scf.yield %while3A_1715 : i32
        }
        %while3A_730 = arith.constant 1 : i32
        %while3A_731 = scf.for %while3A_1685 = %while3A_727 to %while3A_723 step %while3A_730 iter_args(%while3A_1686 = %while3A_729) -> (i32)  : i32 {
          %mul3A_1687 = arith.constant 16 : i32
          %mul3A_1688 = arith.muli %while3A_1685, %mul3A_1687 : i32
          %get3A_1689 = arith.index_cast %mul3A_1688 : i32 to index
          %get3A_1690 = tpu.vector_load %arg13[%get3A_1689] {strides = array<i32>} : memref<4128xi32, #tpu.memory_space<vmem>>, vector<16xi32>,
          %iota3A_1691 = tpu.iota {dimensions = array<i32: 0>} : vector<16xi32>
          %mul3A_1692 = arith.constant 16 : i32
          %mul3A_1693 = arith.muli %while3A_1685, %mul3A_1692 : i32
          %add3A_1694 = vector.broadcast %mul3A_1693 : i32 to vector<16xi32>
          %add3A_1695 = arith.addi %iota3A_1691, %add3A_1694 : vector<16xi32>
          %lt3A_1696 = vector.broadcast %reduce_min3A_676 : i32 to vector<16xi32>
          %lt3A_1697 = arith.cmpi slt, %add3A_1695, %lt3A_1696 : vector<16xi32>
          %jit3A_1698 = arith.constant 0 : i32
          %broadcast_in_dim3A_1699 = vector.broadcast %jit3A_1698 : i32 to vector<16xi32>
          %select_n3A_1700 = arith.select %lt3A_1697, %get3A_1690, %broadcast_in_dim3A_1699 : vector<16xi1>, vector<16xi32>
          %gather3A_1701 = tpu.vector_load_idx %arg11[%select_n3A_1700] : memref<4096xi32, #tpu.memory_space<vmem>>[vector<16xi32>], vector<16xi32>,
          %shift_right_logical3A = arith.constant 12 : i32
          %shift_right_logical3A_1702 = vector.broadcast %shift_right_logical3A : i32 to vector<16xi32>
          %shift_right_logical3A_1703 = arith.shrui %gather3A_1701, %shift_right_logical3A_1702 : vector<16xi32>
          %and3A_1704 = arith.constant 63 : i32
          %and3A_1705 = vector.broadcast %and3A_1704 : i32 to vector<16xi32>
          %and3A_1706 = arith.andi %shift_right_logical3A_1703, %and3A_1705 : vector<16xi32>
          %unique3A_1707, %unique3A_1708 = tpu.scan_count mask(%lt3A_1697 : vector<16xi1>) value(%and3A_1706 : vector<16xi32>) : vector<16xi1>, vector<16xi32>
          %sub3A_1709 = vector.broadcast %sub3A_12 : i32 to vector<16xi32>
          %sub3A_1710 = arith.subi %unique3A_1708, %sub3A_1709 : vector<16xi32>
          %add3A_1711 = arith.constant 1 : i32
          %add3A_1712 = vector.broadcast %add3A_1711 : i32 to vector<16xi32>
          %add3A_1713 = arith.addi %sub3A_1710, %add3A_1712 : vector<16xi32>
          %and3A_1714 = arith.andi %unique3A_1707, %lt3A_1697 : vector<16xi1>
          tpu.vector_store_idx %arg15[%and3A_1706], %add3A_1713 masked %and3A_1714 {add = true} : memref<256xi32, #tpu.memory_space<vmem>>[vector<16xi32>], vector<16xi32>, vector<16xi1>
          %while3A_1715 = arith.constant 0 : i32
          scf.yield %while3A_1715 : i32
        }
        %get3A_732 = arith.constant 0 : index
        %get3A_733 = tpu.vector_load %arg15[%get3A_732] {strides = array<i32>} : memref<256xi32, #tpu.memory_space<vmem>>, vector<16xi32>,
        %broadcast_in_dim3A_734 = arith.constant true
        %broadcast_in_dim3A_735 = vector.broadcast %broadcast_in_dim3A_734 : i1 to vector<16xi1>
        %masked_cumsum3A_736 = tpu.scan <sum>, %get3A_733 masked %broadcast_in_dim3A_735 : vector<16xi32>, vector<16xi1> -> vector<16xi32>
        %add3A_737 = arith.constant 0 : i32
        %add3A_738 = vector.broadcast %add3A_737 : i32 to vector<16xi32>
        %add3A_739 = arith.addi %masked_cumsum3A_736, %add3A_738 : vector<16xi32>
        %swap3A_740 = arith.constant 0 : index
        %swap3A_741 = tpu.vector_load %arg16[%swap3A_740] {strides = array<i32>} : memref<256xi32, #tpu.memory_space<vmem>>, vector<16xi32>,
        tpu.vector_store %arg16[%swap3A_740], %add3A_739 {strides = array<i32>} : memref<256xi32, #tpu.memory_space<vmem>>, vector<16xi32>,
        %reduce_sum3A_742 = arith.constant true
        %reduce_sum3A_743 = vector.broadcast %reduce_sum3A_742 : i1 to vector<16xi1>
        %reduce_sum3A_744 = tpu.scan <sum>, %get3A_733 masked %reduce_sum3A_743 : vector<16xi32>, vector<16xi1> -> vector<16xi32>
        %reduce_sum3A_745 = vector.extract %reduce_sum3A_744[15] : i32 from vector<16xi32>
        %add3A_746 = arith.constant 0 : i32
        %add3A_747 = arith.addi %add3A_746, %reduce_sum3A_745 : i32
        %get3A_748 = arith.constant 16 : index
        %get3A_749 = tpu.vector_load %arg15[%get3A_748] {strides = array<i32>} : memref<256xi32, #tpu.memory_space<vmem>>, vector<16xi32>,
        %broadcast_in_dim3A_750 = arith.constant true
        %broadcast_in_dim3A_751 = vector.broadcast %broadcast_in_dim3A_750 : i1 to vector<16xi1>
        %masked_cumsum3A_752 = tpu.scan <sum>, %get3A_749 masked %broadcast_in_dim3A_751 : vector<16xi32>, vector<16xi1> -> vector<16xi32>
        %add3A_753 = vector.broadcast %add3A_747 : i32 to vector<16xi32>
        %add3A_754 = arith.addi %masked_cumsum3A_752, %add3A_753 : vector<16xi32>
        %swap3A_755 = arith.constant 16 : index
        %swap3A_756 = tpu.vector_load %arg16[%swap3A_755] {strides = array<i32>} : memref<256xi32, #tpu.memory_space<vmem>>, vector<16xi32>,
        tpu.vector_store %arg16[%swap3A_755], %add3A_754 {strides = array<i32>} : memref<256xi32, #tpu.memory_space<vmem>>, vector<16xi32>,
        %reduce_sum3A_757 = arith.constant true
        %reduce_sum3A_758 = vector.broadcast %reduce_sum3A_757 : i1 to vector<16xi1>
        %reduce_sum3A_759 = tpu.scan <sum>, %get3A_749 masked %reduce_sum3A_758 : vector<16xi32>, vector<16xi1> -> vector<16xi32>
        %reduce_sum3A_760 = vector.extract %reduce_sum3A_759[15] : i32 from vector<16xi32>
        %add3A_761 = arith.addi %add3A_747, %reduce_sum3A_760 : i32
        %get3A_762 = arith.constant 32 : index
        %get3A_763 = tpu.vector_load %arg15[%get3A_762] {strides = array<i32>} : memref<256xi32, #tpu.memory_space<vmem>>, vector<16xi32>,
        %broadcast_in_dim3A_764 = arith.constant true
        %broadcast_in_dim3A_765 = vector.broadcast %broadcast_in_dim3A_764 : i1 to vector<16xi1>
        %masked_cumsum3A_766 = tpu.scan <sum>, %get3A_763 masked %broadcast_in_dim3A_765 : vector<16xi32>, vector<16xi1> -> vector<16xi32>
        %add3A_767 = vector.broadcast %add3A_761 : i32 to vector<16xi32>
        %add3A_768 = arith.addi %masked_cumsum3A_766, %add3A_767 : vector<16xi32>
        %swap3A_769 = arith.constant 32 : index
        %swap3A_770 = tpu.vector_load %arg16[%swap3A_769] {strides = array<i32>} : memref<256xi32, #tpu.memory_space<vmem>>, vector<16xi32>,
        tpu.vector_store %arg16[%swap3A_769], %add3A_768 {strides = array<i32>} : memref<256xi32, #tpu.memory_space<vmem>>, vector<16xi32>,
        %reduce_sum3A_771 = arith.constant true
        %reduce_sum3A_772 = vector.broadcast %reduce_sum3A_771 : i1 to vector<16xi1>
        %reduce_sum3A_773 = tpu.scan <sum>, %get3A_763 masked %reduce_sum3A_772 : vector<16xi32>, vector<16xi1> -> vector<16xi32>
        %reduce_sum3A_774 = vector.extract %reduce_sum3A_773[15] : i32 from vector<16xi32>
        %add3A_775 = arith.addi %add3A_761, %reduce_sum3A_774 : i32
        %get3A_776 = arith.constant 48 : index
        %get3A_777 = tpu.vector_load %arg15[%get3A_776] {strides = array<i32>} : memref<256xi32, #tpu.memory_space<vmem>>, vector<16xi32>,
        %broadcast_in_dim3A_778 = arith.constant true
        %broadcast_in_dim3A_779 = vector.broadcast %broadcast_in_dim3A_778 : i1 to vector<16xi1>
        %masked_cumsum3A_780 = tpu.scan <sum>, %get3A_777 masked %broadcast_in_dim3A_779 : vector<16xi32>, vector<16xi1> -> vector<16xi32>
        %add3A_781 = vector.broadcast %add3A_775 : i32 to vector<16xi32>
        %add3A_782 = arith.addi %masked_cumsum3A_780, %add3A_781 : vector<16xi32>
        %swap3A_783 = arith.constant 48 : index
        %swap3A_784 = tpu.vector_load %arg16[%swap3A_783] {strides = array<i32>} : memref<256xi32, #tpu.memory_space<vmem>>, vector<16xi32>,
        tpu.vector_store %arg16[%swap3A_783], %add3A_782 {strides = array<i32>} : memref<256xi32, #tpu.memory_space<vmem>>, vector<16xi32>,
        %reduce_sum3A_785 = arith.constant true
        %reduce_sum3A_786 = vector.broadcast %reduce_sum3A_785 : i1 to vector<16xi1>
        %reduce_sum3A_787 = tpu.scan <sum>, %get3A_777 masked %reduce_sum3A_786 : vector<16xi32>, vector<16xi1> -> vector<16xi32>
        %reduce_sum3A_788 = vector.extract %reduce_sum3A_787[15] : i32 from vector<16xi32>
        %add3A_789 = arith.addi %add3A_775, %reduce_sum3A_788 : i32
        %get3A_790 = arith.constant 0 : index
        %get3A_791 = tpu.vector_load %arg16[%get3A_790] {strides = array<i32>} : memref<256xi32, #tpu.memory_space<vmem>>, vector<16xi32>,
        %iota3A_792 = tpu.iota {dimensions = array<i32: 0>} : vector<16xi32>
        %add3A_793 = arith.constant 0 : i32
        %add3A_794 = vector.broadcast %add3A_793 : i32 to vector<16xi32>
        %add3A_795 = arith.addi %iota3A_792, %add3A_794 : vector<16xi32>
        %ge3A_796 = vector.broadcast %sub3A_677 : i32 to vector<16xi32>
        %ge3A_797 = arith.cmpi sge, %get3A_791, %ge3A_796 : vector<16xi32>
        %jit3A_798 = arith.constant 64 : i32
        %broadcast_in_dim3A_799 = vector.broadcast %jit3A_798 : i32 to vector<16xi32>
        %select_n3A_800 = arith.select %ge3A_797, %add3A_795, %broadcast_in_dim3A_799 : vector<16xi1>, vector<16xi32>
        %reduce_min3A_801 = arith.constant true
        %reduce_min3A_802 = vector.broadcast %reduce_min3A_801 : i1 to vector<16xi1>
        %reduce_min3A_803 = arith.constant -2147483648 : i32
        %reduce_min3A_804 = vector.broadcast %reduce_min3A_803 : i32 to vector<16xi32>
        %reduce_min3A_805 = arith.xori %select_n3A_800, %reduce_min3A_804 : vector<16xi32>
        %reduce_min3A_806 = tpu.scan <min>, %reduce_min3A_805 masked %reduce_min3A_802 : vector<16xi32>, vector<16xi1> -> vector<16xi32>
        %reduce_min3A_807 = arith.xori %reduce_min3A_806, %reduce_min3A_804 : vector<16xi32>
        %reduce_min3A_808 = vector.extract %reduce_min3A_807[15] : i32 from vector<16xi32>
        %min3A_809 = arith.constant 64 : i32
        %min3A_810 = arith.minsi %min3A_809, %reduce_min3A_808 : i32
        %get3A_811 = arith.constant 16 : index
        %get3A_812 = tpu.vector_load %arg16[%get3A_811] {strides = array<i32>} : memref<256xi32, #tpu.memory_space<vmem>>, vector<16xi32>,
        %iota3A_813 = tpu.iota {dimensions = array<i32: 0>} : vector<16xi32>
        %add3A_814 = arith.constant 16 : i32
        %add3A_815 = vector.broadcast %add3A_814 : i32 to vector<16xi32>
        %add3A_816 = arith.addi %iota3A_813, %add3A_815 : vector<16xi32>
        %ge3A_817 = vector.broadcast %sub3A_677 : i32 to vector<16xi32>
        %ge3A_818 = arith.cmpi sge, %get3A_812, %ge3A_817 : vector<16xi32>
        %jit3A_819 = arith.constant 64 : i32
        %broadcast_in_dim3A_820 = vector.broadcast %jit3A_819 : i32 to vector<16xi32>
        %select_n3A_821 = arith.select %ge3A_818, %add3A_816, %broadcast_in_dim3A_820 : vector<16xi1>, vector<16xi32>
        %reduce_min3A_822 = arith.constant true
        %reduce_min3A_823 = vector.broadcast %reduce_min3A_822 : i1 to vector<16xi1>
        %reduce_min3A_824 = arith.constant -2147483648 : i32
        %reduce_min3A_825 = vector.broadcast %reduce_min3A_824 : i32 to vector<16xi32>
        %reduce_min3A_826 = arith.xori %select_n3A_821, %reduce_min3A_825 : vector<16xi32>
        %reduce_min3A_827 = tpu.scan <min>, %reduce_min3A_826 masked %reduce_min3A_823 : vector<16xi32>, vector<16xi1> -> vector<16xi32>
        %reduce_min3A_828 = arith.xori %reduce_min3A_827, %reduce_min3A_825 : vector<16xi32>
        %reduce_min3A_829 = vector.extract %reduce_min3A_828[15] : i32 from vector<16xi32>
        %min3A_830 = arith.minsi %min3A_810, %reduce_min3A_829 : i32
        %get3A_831 = arith.constant 32 : index
        %get3A_832 = tpu.vector_load %arg16[%get3A_831] {strides = array<i32>} : memref<256xi32, #tpu.memory_space<vmem>>, vector<16xi32>,
        %iota3A_833 = tpu.iota {dimensions = array<i32: 0>} : vector<16xi32>
        %add3A_834 = arith.constant 32 : i32
        %add3A_835 = vector.broadcast %add3A_834 : i32 to vector<16xi32>
        %add3A_836 = arith.addi %iota3A_833, %add3A_835 : vector<16xi32>
        %ge3A_837 = vector.broadcast %sub3A_677 : i32 to vector<16xi32>
        %ge3A_838 = arith.cmpi sge, %get3A_832, %ge3A_837 : vector<16xi32>
        %jit3A_839 = arith.constant 64 : i32
        %broadcast_in_dim3A_840 = vector.broadcast %jit3A_839 : i32 to vector<16xi32>
        %select_n3A_841 = arith.select %ge3A_838, %add3A_836, %broadcast_in_dim3A_840 : vector<16xi1>, vector<16xi32>
        %reduce_min3A_842 = arith.constant true
        %reduce_min3A_843 = vector.broadcast %reduce_min3A_842 : i1 to vector<16xi1>
        %reduce_min3A_844 = arith.constant -2147483648 : i32
        %reduce_min3A_845 = vector.broadcast %reduce_min3A_844 : i32 to vector<16xi32>
        %reduce_min3A_846 = arith.xori %select_n3A_841, %reduce_min3A_845 : vector<16xi32>
        %reduce_min3A_847 = tpu.scan <min>, %reduce_min3A_846 masked %reduce_min3A_843 : vector<16xi32>, vector<16xi1> -> vector<16xi32>
        %reduce_min3A_848 = arith.xori %reduce_min3A_847, %reduce_min3A_845 : vector<16xi32>
        %reduce_min3A_849 = vector.extract %reduce_min3A_848[15] : i32 from vector<16xi32>
        %min3A_850 = arith.minsi %min3A_830, %reduce_min3A_849 : i32
        %get3A_851 = arith.constant 48 : index
        %get3A_852 = tpu.vector_load %arg16[%get3A_851] {strides = array<i32>} : memref<256xi32, #tpu.memory_space<vmem>>, vector<16xi32>,
        %iota3A_853 = tpu.iota {dimensions = array<i32: 0>} : vector<16xi32>
        %add3A_854 = arith.constant 48 : i32
        %add3A_855 = vector.broadcast %add3A_854 : i32 to vector<16xi32>
        %add3A_856 = arith.addi %iota3A_853, %add3A_855 : vector<16xi32>
        %ge3A_857 = vector.broadcast %sub3A_677 : i32 to vector<16xi32>
        %ge3A_858 = arith.cmpi sge, %get3A_852, %ge3A_857 : vector<16xi32>
        %jit3A_859 = arith.constant 64 : i32
        %broadcast_in_dim3A_860 = vector.broadcast %jit3A_859 : i32 to vector<16xi32>
        %select_n3A_861 = arith.select %ge3A_858, %add3A_856, %broadcast_in_dim3A_860 : vector<16xi1>, vector<16xi32>
        %reduce_min3A_862 = arith.constant true
        %reduce_min3A_863 = vector.broadcast %reduce_min3A_862 : i1 to vector<16xi1>
        %reduce_min3A_864 = arith.constant -2147483648 : i32
        %reduce_min3A_865 = vector.broadcast %reduce_min3A_864 : i32 to vector<16xi32>
        %reduce_min3A_866 = arith.xori %select_n3A_861, %reduce_min3A_865 : vector<16xi32>
        %reduce_min3A_867 = tpu.scan <min>, %reduce_min3A_866 masked %reduce_min3A_863 : vector<16xi32>, vector<16xi1> -> vector<16xi32>
        %reduce_min3A_868 = arith.xori %reduce_min3A_867, %reduce_min3A_865 : vector<16xi32>
        %reduce_min3A_869 = vector.extract %reduce_min3A_868[15] : i32 from vector<16xi32>
        %min3A_870 = arith.minsi %min3A_850, %reduce_min3A_869 : i32
        %broadcast_in_dim3A_871 = arith.constant 0 : i32
        %broadcast_in_dim3A_872 = vector.broadcast %broadcast_in_dim3A_871 : i32 to vector<16xi32>
        %add3A_873 = vector.broadcast %min3A_870 : i32 to vector<16xi32>
        %add3A_874 = arith.addi %broadcast_in_dim3A_872, %add3A_873 : vector<16xi32>
        %gather3A_875 = tpu.vector_load_idx %arg15[%add3A_874] : memref<256xi32, #tpu.memory_space<vmem>>[vector<16xi32>], vector<16xi32>,
        %reduce_min3A_876 = arith.constant true
        %reduce_min3A_877 = vector.broadcast %reduce_min3A_876 : i1 to vector<16xi1>
        %reduce_min3A_878 = arith.constant -2147483648 : i32
        %reduce_min3A_879 = vector.broadcast %reduce_min3A_878 : i32 to vector<16xi32>
        %reduce_min3A_880 = arith.xori %gather3A_875, %reduce_min3A_879 : vector<16xi32>
        %reduce_min3A_881 = tpu.scan <min>, %reduce_min3A_880 masked %reduce_min3A_877 : vector<16xi32>, vector<16xi1> -> vector<16xi32>
        %reduce_min3A_882 = arith.xori %reduce_min3A_881, %reduce_min3A_879 : vector<16xi32>
        %reduce_min3A_883 = vector.extract %reduce_min3A_882[15] : i32 from vector<16xi32>
        %broadcast_in_dim3A_884 = arith.constant 0 : i32
        %broadcast_in_dim3A_885 = vector.broadcast %broadcast_in_dim3A_884 : i32 to vector<16xi32>
        %add3A_886 = vector.broadcast %min3A_870 : i32 to vector<16xi32>
        %add3A_887 = arith.addi %broadcast_in_dim3A_885, %add3A_886 : vector<16xi32>
        %gather3A_888 = tpu.vector_load_idx %arg16[%add3A_887] : memref<256xi32, #tpu.memory_space<vmem>>[vector<16xi32>], vector<16xi32>,
        %reduce_min3A_889 = arith.constant true
        %reduce_min3A_890 = vector.broadcast %reduce_min3A_889 : i1 to vector<16xi1>
        %reduce_min3A_891 = arith.constant -2147483648 : i32
        %reduce_min3A_892 = vector.broadcast %reduce_min3A_891 : i32 to vector<16xi32>
        %reduce_min3A_893 = arith.xori %gather3A_888, %reduce_min3A_892 : vector<16xi32>
        %reduce_min3A_894 = tpu.scan <min>, %reduce_min3A_893 masked %reduce_min3A_890 : vector<16xi32>, vector<16xi1> -> vector<16xi32>
        %reduce_min3A_895 = arith.xori %reduce_min3A_894, %reduce_min3A_892 : vector<16xi32>
        %reduce_min3A_896 = vector.extract %reduce_min3A_895[15] : i32 from vector<16xi32>
        %sub3A_897 = arith.subi %reduce_min3A_896, %reduce_min3A_883 : i32
        %broadcast_in_dim3A_898 = arith.constant 0 : i32
        %broadcast_in_dim3A_899 = vector.broadcast %broadcast_in_dim3A_898 : i32 to vector<16xi32>
        %while3A_900 = arith.constant 0 : i32
        %while3A_901 = arith.subi %select_n3A_719, %while3A_900 : i32
        %while3A_902 = arith.addi %while3A_900, %while3A_901 : i32
        %while3A_903 = arith.constant 1 : i32
        %while3A_904 = arith.divsi %while3A_901, %while3A_903 : i32
        %while3A_905 = arith.muli %while3A_904, %while3A_903 : i32
        %while3A_906 = arith.addi %while3A_900, %while3A_905 : i32
        %while3A_907 = arith.constant 1 : i32
        %while3A_908:2 = scf.for %while3A_1685 = %while3A_900 to %while3A_906 step %while3A_907 iter_args(%while3A_1686 = %while3A_668#0, %while3A_1687 = %broadcast_in_dim3A_899) -> (vector<16xi32>, vector<16xi32>)  : i32 {
          %mul3A_1688 = arith.constant 16 : i32
          %mul3A_1689 = arith.muli %while3A_1685, %mul3A_1688 : i32
          %get3A_1690 = arith.index_cast %mul3A_1689 : i32 to index
          %get3A_1691 = tpu.vector_load %arg13[%get3A_1690] {strides = array<i32>} : memref<4128xi32, #tpu.memory_space<vmem>>, vector<16xi32>,
          %iota3A_1692 = tpu.iota {dimensions = array<i32: 0>} : vector<16xi32>
          %mul3A_1693 = arith.constant 16 : i32
          %mul3A_1694 = arith.muli %while3A_1685, %mul3A_1693 : i32
          %add3A_1695 = vector.broadcast %mul3A_1694 : i32 to vector<16xi32>
          %add3A_1696 = arith.addi %iota3A_1692, %add3A_1695 : vector<16xi32>
          %lt3A_1697 = vector.broadcast %reduce_min3A_676 : i32 to vector<16xi32>
          %lt3A_1698 = arith.cmpi slt, %add3A_1696, %lt3A_1697 : vector<16xi32>
          %jit3A_1699 = arith.constant 0 : i32
          %broadcast_in_dim3A_1700 = vector.broadcast %jit3A_1699 : i32 to vector<16xi32>
          %select_n3A_1701 = arith.select %lt3A_1698, %get3A_1691, %broadcast_in_dim3A_1700 : vector<16xi1>, vector<16xi32>
          %gather3A_1702 = tpu.vector_load_idx %arg11[%select_n3A_1701] : memref<4096xi32, #tpu.memory_space<vmem>>[vector<16xi32>], vector<16xi32>,
          %shift_right_logical3A = arith.constant 12 : i32
          %shift_right_logical3A_1703 = vector.broadcast %shift_right_logical3A : i32 to vector<16xi32>
          %shift_right_logical3A_1704 = arith.shrui %gather3A_1702, %shift_right_logical3A_1703 : vector<16xi32>
          %and3A_1705 = arith.constant 63 : i32
          %and3A_1706 = vector.broadcast %and3A_1705 : i32 to vector<16xi32>
          %and3A_1707 = arith.andi %shift_right_logical3A_1704, %and3A_1706 : vector<16xi32>
          %lt3A_1708 = vector.broadcast %min3A_870 : i32 to vector<16xi32>
          %lt3A_1709 = arith.cmpi slt, %and3A_1707, %lt3A_1708 : vector<16xi32>
          %and3A_1710 = arith.andi %lt3A_1698, %lt3A_1709 : vector<16xi1>
          %eq3A_1711 = vector.broadcast %min3A_870 : i32 to vector<16xi32>
          %eq3A_1712 = arith.cmpi eq, %and3A_1707, %eq3A_1711 : vector<16xi32>
          %and3A_1713 = arith.andi %lt3A_1698, %eq3A_1712 : vector<16xi1>
          %convert_element_type3A_1714 = arith.extui %and3A_1710 : vector<16xi1> to vector<16xi32>
          %broadcast_in_dim3A_1715 = arith.constant true
          %broadcast_in_dim3A_1716 = vector.broadcast %broadcast_in_dim3A_1715 : i1 to vector<16xi1>
          %masked_cumsum3A_1717 = tpu.scan <sum>, %convert_element_type3A_1714 masked %broadcast_in_dim3A_1716 : vector<16xi32>, vector<16xi1> -> vector<16xi32>
          %add3A_1718 = arith.addi %while3A_1686, %masked_cumsum3A_1717 : vector<16xi32>
          %sub3A_1719 = arith.constant 1 : i32
          %sub3A_1720 = vector.broadcast %sub3A_1719 : i32 to vector<16xi32>
          %sub3A_1721 = arith.subi %add3A_1718, %sub3A_1720 : vector<16xi32>
          %jit3A_1722 = arith.constant 0 : i32
          %broadcast_in_dim3A_1723 = vector.broadcast %jit3A_1722 : i32 to vector<16xi32>
          %select_n3A_1724 = arith.select %and3A_1710, %sub3A_1721, %broadcast_in_dim3A_1723 : vector<16xi1>, vector<16xi32>
          tpu.vector_store_idx %arg14[%select_n3A_1724], %get3A_1691 masked %and3A_1710 : memref<64xi32, #tpu.memory_space<vmem>>[vector<16xi32>], vector<16xi32>, vector<16xi1>
          %all_reduce_population_count3A = tpu.all_reduce %and3A_1710 {dim = 0 : i64, kind = #tpu.reduction_kind<sum>} : vector<16xi1> -> vector<16xi32>
          %add3A_1725 = arith.addi %while3A_1686, %all_reduce_population_count3A : vector<16xi32>
          %convert_element_type3A_1726 = arith.extui %and3A_1713 : vector<16xi1> to vector<16xi32>
          %broadcast_in_dim3A_1727 = arith.constant true
          %broadcast_in_dim3A_1728 = vector.broadcast %broadcast_in_dim3A_1727 : i1 to vector<16xi1>
          %masked_cumsum3A_1729 = tpu.scan <sum>, %convert_element_type3A_1726 masked %broadcast_in_dim3A_1728 : vector<16xi32>, vector<16xi1> -> vector<16xi32>
          %add3A_1730 = arith.addi %while3A_1687, %masked_cumsum3A_1729 : vector<16xi32>
          %sub3A_1731 = arith.constant 1 : i32
          %sub3A_1732 = vector.broadcast %sub3A_1731 : i32 to vector<16xi32>
          %sub3A_1733 = arith.subi %add3A_1730, %sub3A_1732 : vector<16xi32>
          %jit3A_1734 = arith.constant 0 : i32
          %broadcast_in_dim3A_1735 = vector.broadcast %jit3A_1734 : i32 to vector<16xi32>
          %select_n3A_1736 = arith.select %and3A_1713, %sub3A_1733, %broadcast_in_dim3A_1735 : vector<16xi1>, vector<16xi32>
          tpu.vector_store_idx %arg12[%select_n3A_1736], %get3A_1691 masked %and3A_1713 : memref<4128xi32, #tpu.memory_space<vmem>>[vector<16xi32>], vector<16xi32>, vector<16xi1>
          %all_reduce_population_count3A_1737 = tpu.all_reduce %and3A_1713 {dim = 0 : i64, kind = #tpu.reduction_kind<sum>} : vector<16xi1> -> vector<16xi32>
          %add3A_1738 = arith.addi %while3A_1687, %all_reduce_population_count3A_1737 : vector<16xi32>
          scf.yield %add3A_1725, %add3A_1738 : vector<16xi32>, vector<16xi32>
        }
        %while3A_909 = arith.constant 1 : i32
        %while3A_910:2 = scf.for %while3A_1685 = %while3A_906 to %while3A_902 step %while3A_909 iter_args(%while3A_1686 = %while3A_908#0, %while3A_1687 = %while3A_908#1) -> (vector<16xi32>, vector<16xi32>)  : i32 {
          %mul3A_1688 = arith.constant 16 : i32
          %mul3A_1689 = arith.muli %while3A_1685, %mul3A_1688 : i32
          %get3A_1690 = arith.index_cast %mul3A_1689 : i32 to index
          %get3A_1691 = tpu.vector_load %arg13[%get3A_1690] {strides = array<i32>} : memref<4128xi32, #tpu.memory_space<vmem>>, vector<16xi32>,
          %iota3A_1692 = tpu.iota {dimensions = array<i32: 0>} : vector<16xi32>
          %mul3A_1693 = arith.constant 16 : i32
          %mul3A_1694 = arith.muli %while3A_1685, %mul3A_1693 : i32
          %add3A_1695 = vector.broadcast %mul3A_1694 : i32 to vector<16xi32>
          %add3A_1696 = arith.addi %iota3A_1692, %add3A_1695 : vector<16xi32>
          %lt3A_1697 = vector.broadcast %reduce_min3A_676 : i32 to vector<16xi32>
          %lt3A_1698 = arith.cmpi slt, %add3A_1696, %lt3A_1697 : vector<16xi32>
          %jit3A_1699 = arith.constant 0 : i32
          %broadcast_in_dim3A_1700 = vector.broadcast %jit3A_1699 : i32 to vector<16xi32>
          %select_n3A_1701 = arith.select %lt3A_1698, %get3A_1691, %broadcast_in_dim3A_1700 : vector<16xi1>, vector<16xi32>
          %gather3A_1702 = tpu.vector_load_idx %arg11[%select_n3A_1701] : memref<4096xi32, #tpu.memory_space<vmem>>[vector<16xi32>], vector<16xi32>,
          %shift_right_logical3A = arith.constant 12 : i32
          %shift_right_logical3A_1703 = vector.broadcast %shift_right_logical3A : i32 to vector<16xi32>
          %shift_right_logical3A_1704 = arith.shrui %gather3A_1702, %shift_right_logical3A_1703 : vector<16xi32>
          %and3A_1705 = arith.constant 63 : i32
          %and3A_1706 = vector.broadcast %and3A_1705 : i32 to vector<16xi32>
          %and3A_1707 = arith.andi %shift_right_logical3A_1704, %and3A_1706 : vector<16xi32>
          %lt3A_1708 = vector.broadcast %min3A_870 : i32 to vector<16xi32>
          %lt3A_1709 = arith.cmpi slt, %and3A_1707, %lt3A_1708 : vector<16xi32>
          %and3A_1710 = arith.andi %lt3A_1698, %lt3A_1709 : vector<16xi1>
          %eq3A_1711 = vector.broadcast %min3A_870 : i32 to vector<16xi32>
          %eq3A_1712 = arith.cmpi eq, %and3A_1707, %eq3A_1711 : vector<16xi32>
          %and3A_1713 = arith.andi %lt3A_1698, %eq3A_1712 : vector<16xi1>
          %convert_element_type3A_1714 = arith.extui %and3A_1710 : vector<16xi1> to vector<16xi32>
          %broadcast_in_dim3A_1715 = arith.constant true
          %broadcast_in_dim3A_1716 = vector.broadcast %broadcast_in_dim3A_1715 : i1 to vector<16xi1>
          %masked_cumsum3A_1717 = tpu.scan <sum>, %convert_element_type3A_1714 masked %broadcast_in_dim3A_1716 : vector<16xi32>, vector<16xi1> -> vector<16xi32>
          %add3A_1718 = arith.addi %while3A_1686, %masked_cumsum3A_1717 : vector<16xi32>
          %sub3A_1719 = arith.constant 1 : i32
          %sub3A_1720 = vector.broadcast %sub3A_1719 : i32 to vector<16xi32>
          %sub3A_1721 = arith.subi %add3A_1718, %sub3A_1720 : vector<16xi32>
          %jit3A_1722 = arith.constant 0 : i32
          %broadcast_in_dim3A_1723 = vector.broadcast %jit3A_1722 : i32 to vector<16xi32>
          %select_n3A_1724 = arith.select %and3A_1710, %sub3A_1721, %broadcast_in_dim3A_1723 : vector<16xi1>, vector<16xi32>
          tpu.vector_store_idx %arg14[%select_n3A_1724], %get3A_1691 masked %and3A_1710 : memref<64xi32, #tpu.memory_space<vmem>>[vector<16xi32>], vector<16xi32>, vector<16xi1>
          %all_reduce_population_count3A = tpu.all_reduce %and3A_1710 {dim = 0 : i64, kind = #tpu.reduction_kind<sum>} : vector<16xi1> -> vector<16xi32>
          %add3A_1725 = arith.addi %while3A_1686, %all_reduce_population_count3A : vector<16xi32>
          %convert_element_type3A_1726 = arith.extui %and3A_1713 : vector<16xi1> to vector<16xi32>
          %broadcast_in_dim3A_1727 = arith.constant true
          %broadcast_in_dim3A_1728 = vector.broadcast %broadcast_in_dim3A_1727 : i1 to vector<16xi1>
          %masked_cumsum3A_1729 = tpu.scan <sum>, %convert_element_type3A_1726 masked %broadcast_in_dim3A_1728 : vector<16xi32>, vector<16xi1> -> vector<16xi32>
          %add3A_1730 = arith.addi %while3A_1687, %masked_cumsum3A_1729 : vector<16xi32>
          %sub3A_1731 = arith.constant 1 : i32
          %sub3A_1732 = vector.broadcast %sub3A_1731 : i32 to vector<16xi32>
          %sub3A_1733 = arith.subi %add3A_1730, %sub3A_1732 : vector<16xi32>
          %jit3A_1734 = arith.constant 0 : i32
          %broadcast_in_dim3A_1735 = vector.broadcast %jit3A_1734 : i32 to vector<16xi32>
          %select_n3A_1736 = arith.select %and3A_1713, %sub3A_1733, %broadcast_in_dim3A_1735 : vector<16xi1>, vector<16xi32>
          tpu.vector_store_idx %arg12[%select_n3A_1736], %get3A_1691 masked %and3A_1713 : memref<4128xi32, #tpu.memory_space<vmem>>[vector<16xi32>], vector<16xi32>, vector<16xi1>
          %all_reduce_population_count3A_1737 = tpu.all_reduce %and3A_1713 {dim = 0 : i64, kind = #tpu.reduction_kind<sum>} : vector<16xi1> -> vector<16xi32>
          %add3A_1738 = arith.addi %while3A_1687, %all_reduce_population_count3A_1737 : vector<16xi32>
          scf.yield %add3A_1725, %add3A_1738 : vector<16xi32>, vector<16xi32>
        }
        %reduce_min3A_911 = arith.constant true
        %reduce_min3A_912 = vector.broadcast %reduce_min3A_911 : i1 to vector<16xi1>
        %reduce_min3A_913 = arith.constant -2147483648 : i32
        %reduce_min3A_914 = vector.broadcast %reduce_min3A_913 : i32 to vector<16xi32>
        %reduce_min3A_915 = arith.xori %while3A_910#1, %reduce_min3A_914 : vector<16xi32>
        %reduce_min3A_916 = tpu.scan <min>, %reduce_min3A_915 masked %reduce_min3A_912 : vector<16xi32>, vector<16xi1> -> vector<16xi32>
        %reduce_min3A_917 = arith.xori %reduce_min3A_916, %reduce_min3A_914 : vector<16xi32>
        %reduce_min3A_918 = vector.extract %reduce_min3A_917[15] : i32 from vector<16xi32>
        %sub3A_919 = arith.subi %sub3A_677, %sub3A_897 : i32
        %broadcast_in_dim3A_920 = arith.constant 0 : i32
        %broadcast_in_dim3A_921 = vector.broadcast %broadcast_in_dim3A_920 : i32 to vector<16xi32>
        %swap3A_922 = arith.constant 0 : index
        %swap3A_923 = tpu.vector_load %arg15[%swap3A_922] {strides = array<i32>} : memref<256xi32, #tpu.memory_space<vmem>>, vector<16xi32>,
        tpu.vector_store %arg15[%swap3A_922], %broadcast_in_dim3A_921 {strides = array<i32>} : memref<256xi32, #tpu.memory_space<vmem>>, vector<16xi32>,
        %broadcast_in_dim3A_924 = arith.constant 0 : i32
        %broadcast_in_dim3A_925 = vector.broadcast %broadcast_in_dim3A_924 : i32 to vector<16xi32>
        %swap3A_926 = arith.constant 16 : index
        %swap3A_927 = tpu.vector_load %arg15[%swap3A_926] {strides = array<i32>} : memref<256xi32, #tpu.memory_space<vmem>>, vector<16xi32>,
        tpu.vector_store %arg15[%swap3A_926], %broadcast_in_dim3A_925 {strides = array<i32>} : memref<256xi32, #tpu.memory_space<vmem>>, vector<16xi32>,
        %broadcast_in_dim3A_928 = arith.constant 0 : i32
        %broadcast_in_dim3A_929 = vector.broadcast %broadcast_in_dim3A_928 : i32 to vector<16xi32>
        %swap3A_930 = arith.constant 32 : index
        %swap3A_931 = tpu.vector_load %arg15[%swap3A_930] {strides = array<i32>} : memref<256xi32, #tpu.memory_space<vmem>>, vector<16xi32>,
        tpu.vector_store %arg15[%swap3A_930], %broadcast_in_dim3A_929 {strides = array<i32>} : memref<256xi32, #tpu.memory_space<vmem>>, vector<16xi32>,
        %broadcast_in_dim3A_932 = arith.constant 0 : i32
        %broadcast_in_dim3A_933 = vector.broadcast %broadcast_in_dim3A_932 : i32 to vector<16xi32>
        %swap3A_934 = arith.constant 48 : index
        %swap3A_935 = tpu.vector_load %arg15[%swap3A_934] {strides = array<i32>} : memref<256xi32, #tpu.memory_space<vmem>>, vector<16xi32>,
        tpu.vector_store %arg15[%swap3A_934], %broadcast_in_dim3A_933 {strides = array<i32>} : memref<256xi32, #tpu.memory_space<vmem>>, vector<16xi32>,
        %add3A_936 = arith.constant 15 : i32
        %add3A_937 = arith.addi %reduce_min3A_918, %add3A_936 : i32
        %jit3A_938 = arith.constant 16 : i32
        %div3A_939 = arith.divsi %add3A_937, %jit3A_938 : i32
        %sign3A_940 = arith.constant 0 : i32
        %sign3A_941 = arith.cmpi sgt, %add3A_937, %sign3A_940 : i32
        %sign3A_942 = arith.extui %sign3A_941 : i1 to i32
        %sign3A_943 = arith.constant 0 : i32
        %sign3A_944 = arith.cmpi slt, %add3A_937, %sign3A_943 : i32
        %sign3A_945 = arith.extui %sign3A_944 : i1 to i32
        %sign3A_946 = arith.subi %sign3A_942, %sign3A_945 : i32
        %sign3A_947 = arith.constant 0 : i32
        %sign3A_948 = arith.cmpi sgt, %jit3A_938, %sign3A_947 : i32
        %sign3A_949 = arith.extui %sign3A_948 : i1 to i32
        %sign3A_950 = arith.constant 0 : i32
        %sign3A_951 = arith.cmpi slt, %jit3A_938, %sign3A_950 : i32
        %sign3A_952 = arith.extui %sign3A_951 : i1 to i32
        %sign3A_953 = arith.subi %sign3A_949, %sign3A_952 : i32
        %ne3A_954 = arith.cmpi ne, %sign3A_946, %sign3A_953 : i32
        %rem3A_955 = arith.remsi %add3A_937, %jit3A_938 : i32
        %ne3A_956 = arith.constant 0 : i32
        %ne3A_957 = arith.cmpi ne, %rem3A_955, %ne3A_956 : i32
        %and3A_958 = arith.andi %ne3A_954, %ne3A_957 : i1
        %sub3A_959 = arith.constant 1 : i32
        %sub3A_960 = arith.subi %div3A_939, %sub3A_959 : i32
        %select_n3A_961 = arith.select %and3A_958, %sub3A_960, %div3A_939 : i32
        %while3A_962 = arith.constant 0 : i32
        %while3A_963 = arith.constant 0 : i32
        %while3A_964 = arith.subi %select_n3A_961, %while3A_962 : i32
        %while3A_965 = arith.addi %while3A_962, %while3A_964 : i32
        %while3A_966 = arith.constant 1 : i32
        %while3A_967 = arith.divsi %while3A_964, %while3A_966 : i32
        %while3A_968 = arith.muli %while3A_967, %while3A_966 : i32
        %while3A_969 = arith.addi %while3A_962, %while3A_968 : i32
        %while3A_970 = arith.constant 1 : i32
        %while3A_971 = scf.for %while3A_1685 = %while3A_962 to %while3A_969 step %while3A_970 iter_args(%while3A_1686 = %while3A_963) -> (i32)  : i32 {
          %mul3A_1687 = arith.constant 16 : i32
          %mul3A_1688 = arith.muli %while3A_1685, %mul3A_1687 : i32
          %get3A_1689 = arith.index_cast %mul3A_1688 : i32 to index
          %get3A_1690 = tpu.vector_load %arg12[%get3A_1689] {strides = array<i32>} : memref<4128xi32, #tpu.memory_space<vmem>>, vector<16xi32>,
          %iota3A_1691 = tpu.iota {dimensions = array<i32: 0>} : vector<16xi32>
          %mul3A_1692 = arith.constant 16 : i32
          %mul3A_1693 = arith.muli %while3A_1685, %mul3A_1692 : i32
          %add3A_1694 = vector.broadcast %mul3A_1693 : i32 to vector<16xi32>
          %add3A_1695 = arith.addi %iota3A_1691, %add3A_1694 : vector<16xi32>
          %lt3A_1696 = vector.broadcast %reduce_min3A_918 : i32 to vector<16xi32>
          %lt3A_1697 = arith.cmpi slt, %add3A_1695, %lt3A_1696 : vector<16xi32>
          %jit3A_1698 = arith.constant 0 : i32
          %broadcast_in_dim3A_1699 = vector.broadcast %jit3A_1698 : i32 to vector<16xi32>
          %select_n3A_1700 = arith.select %lt3A_1697, %get3A_1690, %broadcast_in_dim3A_1699 : vector<16xi1>, vector<16xi32>
          %gather3A_1701 = tpu.vector_load_idx %arg11[%select_n3A_1700] : memref<4096xi32, #tpu.memory_space<vmem>>[vector<16xi32>], vector<16xi32>,
          %shift_right_logical3A = arith.constant 6 : i32
          %shift_right_logical3A_1702 = vector.broadcast %shift_right_logical3A : i32 to vector<16xi32>
          %shift_right_logical3A_1703 = arith.shrui %gather3A_1701, %shift_right_logical3A_1702 : vector<16xi32>
          %and3A_1704 = arith.constant 63 : i32
          %and3A_1705 = vector.broadcast %and3A_1704 : i32 to vector<16xi32>
          %and3A_1706 = arith.andi %shift_right_logical3A_1703, %and3A_1705 : vector<16xi32>
          %unique3A_1707, %unique3A_1708 = tpu.scan_count mask(%lt3A_1697 : vector<16xi1>) value(%and3A_1706 : vector<16xi32>) : vector<16xi1>, vector<16xi32>
          %sub3A_1709 = vector.broadcast %sub3A_12 : i32 to vector<16xi32>
          %sub3A_1710 = arith.subi %unique3A_1708, %sub3A_1709 : vector<16xi32>
          %add3A_1711 = arith.constant 1 : i32
          %add3A_1712 = vector.broadcast %add3A_1711 : i32 to vector<16xi32>
          %add3A_1713 = arith.addi %sub3A_1710, %add3A_1712 : vector<16xi32>
          %and3A_1714 = arith.andi %unique3A_1707, %lt3A_1697 : vector<16xi1>
          tpu.vector_store_idx %arg15[%and3A_1706], %add3A_1713 masked %and3A_1714 {add = true} : memref<256xi32, #tpu.memory_space<vmem>>[vector<16xi32>], vector<16xi32>, vector<16xi1>
          %while3A_1715 = arith.constant 0 : i32
          scf.yield %while3A_1715 : i32
        }
        %while3A_972 = arith.constant 1 : i32
        %while3A_973 = scf.for %while3A_1685 = %while3A_969 to %while3A_965 step %while3A_972 iter_args(%while3A_1686 = %while3A_971) -> (i32)  : i32 {
          %mul3A_1687 = arith.constant 16 : i32
          %mul3A_1688 = arith.muli %while3A_1685, %mul3A_1687 : i32
          %get3A_1689 = arith.index_cast %mul3A_1688 : i32 to index
          %get3A_1690 = tpu.vector_load %arg12[%get3A_1689] {strides = array<i32>} : memref<4128xi32, #tpu.memory_space<vmem>>, vector<16xi32>,
          %iota3A_1691 = tpu.iota {dimensions = array<i32: 0>} : vector<16xi32>
          %mul3A_1692 = arith.constant 16 : i32
          %mul3A_1693 = arith.muli %while3A_1685, %mul3A_1692 : i32
          %add3A_1694 = vector.broadcast %mul3A_1693 : i32 to vector<16xi32>
          %add3A_1695 = arith.addi %iota3A_1691, %add3A_1694 : vector<16xi32>
          %lt3A_1696 = vector.broadcast %reduce_min3A_918 : i32 to vector<16xi32>
          %lt3A_1697 = arith.cmpi slt, %add3A_1695, %lt3A_1696 : vector<16xi32>
          %jit3A_1698 = arith.constant 0 : i32
          %broadcast_in_dim3A_1699 = vector.broadcast %jit3A_1698 : i32 to vector<16xi32>
          %select_n3A_1700 = arith.select %lt3A_1697, %get3A_1690, %broadcast_in_dim3A_1699 : vector<16xi1>, vector<16xi32>
          %gather3A_1701 = tpu.vector_load_idx %arg11[%select_n3A_1700] : memref<4096xi32, #tpu.memory_space<vmem>>[vector<16xi32>], vector<16xi32>,
          %shift_right_logical3A = arith.constant 6 : i32
          %shift_right_logical3A_1702 = vector.broadcast %shift_right_logical3A : i32 to vector<16xi32>
          %shift_right_logical3A_1703 = arith.shrui %gather3A_1701, %shift_right_logical3A_1702 : vector<16xi32>
          %and3A_1704 = arith.constant 63 : i32
          %and3A_1705 = vector.broadcast %and3A_1704 : i32 to vector<16xi32>
          %and3A_1706 = arith.andi %shift_right_logical3A_1703, %and3A_1705 : vector<16xi32>
          %unique3A_1707, %unique3A_1708 = tpu.scan_count mask(%lt3A_1697 : vector<16xi1>) value(%and3A_1706 : vector<16xi32>) : vector<16xi1>, vector<16xi32>
          %sub3A_1709 = vector.broadcast %sub3A_12 : i32 to vector<16xi32>
          %sub3A_1710 = arith.subi %unique3A_1708, %sub3A_1709 : vector<16xi32>
          %add3A_1711 = arith.constant 1 : i32
          %add3A_1712 = vector.broadcast %add3A_1711 : i32 to vector<16xi32>
          %add3A_1713 = arith.addi %sub3A_1710, %add3A_1712 : vector<16xi32>
          %and3A_1714 = arith.andi %unique3A_1707, %lt3A_1697 : vector<16xi1>
          tpu.vector_store_idx %arg15[%and3A_1706], %add3A_1713 masked %and3A_1714 {add = true} : memref<256xi32, #tpu.memory_space<vmem>>[vector<16xi32>], vector<16xi32>, vector<16xi1>
          %while3A_1715 = arith.constant 0 : i32
          scf.yield %while3A_1715 : i32
        }
        %get3A_974 = arith.constant 0 : index
        %get3A_975 = tpu.vector_load %arg15[%get3A_974] {strides = array<i32>} : memref<256xi32, #tpu.memory_space<vmem>>, vector<16xi32>,
        %broadcast_in_dim3A_976 = arith.constant true
        %broadcast_in_dim3A_977 = vector.broadcast %broadcast_in_dim3A_976 : i1 to vector<16xi1>
        %masked_cumsum3A_978 = tpu.scan <sum>, %get3A_975 masked %broadcast_in_dim3A_977 : vector<16xi32>, vector<16xi1> -> vector<16xi32>
        %add3A_979 = arith.constant 0 : i32
        %add3A_980 = vector.broadcast %add3A_979 : i32 to vector<16xi32>
        %add3A_981 = arith.addi %masked_cumsum3A_978, %add3A_980 : vector<16xi32>
        %swap3A_982 = arith.constant 0 : index
        %swap3A_983 = tpu.vector_load %arg16[%swap3A_982] {strides = array<i32>} : memref<256xi32, #tpu.memory_space<vmem>>, vector<16xi32>,
        tpu.vector_store %arg16[%swap3A_982], %add3A_981 {strides = array<i32>} : memref<256xi32, #tpu.memory_space<vmem>>, vector<16xi32>,
        %reduce_sum3A_984 = arith.constant true
        %reduce_sum3A_985 = vector.broadcast %reduce_sum3A_984 : i1 to vector<16xi1>
        %reduce_sum3A_986 = tpu.scan <sum>, %get3A_975 masked %reduce_sum3A_985 : vector<16xi32>, vector<16xi1> -> vector<16xi32>
        %reduce_sum3A_987 = vector.extract %reduce_sum3A_986[15] : i32 from vector<16xi32>
        %add3A_988 = arith.constant 0 : i32
        %add3A_989 = arith.addi %add3A_988, %reduce_sum3A_987 : i32
        %get3A_990 = arith.constant 16 : index
        %get3A_991 = tpu.vector_load %arg15[%get3A_990] {strides = array<i32>} : memref<256xi32, #tpu.memory_space<vmem>>, vector<16xi32>,
        %broadcast_in_dim3A_992 = arith.constant true
        %broadcast_in_dim3A_993 = vector.broadcast %broadcast_in_dim3A_992 : i1 to vector<16xi1>
        %masked_cumsum3A_994 = tpu.scan <sum>, %get3A_991 masked %broadcast_in_dim3A_993 : vector<16xi32>, vector<16xi1> -> vector<16xi32>
        %add3A_995 = vector.broadcast %add3A_989 : i32 to vector<16xi32>
        %add3A_996 = arith.addi %masked_cumsum3A_994, %add3A_995 : vector<16xi32>
        %swap3A_997 = arith.constant 16 : index
        %swap3A_998 = tpu.vector_load %arg16[%swap3A_997] {strides = array<i32>} : memref<256xi32, #tpu.memory_space<vmem>>, vector<16xi32>,
        tpu.vector_store %arg16[%swap3A_997], %add3A_996 {strides = array<i32>} : memref<256xi32, #tpu.memory_space<vmem>>, vector<16xi32>,
        %reduce_sum3A_999 = arith.constant true
        %reduce_sum3A_1000 = vector.broadcast %reduce_sum3A_999 : i1 to vector<16xi1>
        %reduce_sum3A_1001 = tpu.scan <sum>, %get3A_991 masked %reduce_sum3A_1000 : vector<16xi32>, vector<16xi1> -> vector<16xi32>
        %reduce_sum3A_1002 = vector.extract %reduce_sum3A_1001[15] : i32 from vector<16xi32>
        %add3A_1003 = arith.addi %add3A_989, %reduce_sum3A_1002 : i32
        %get3A_1004 = arith.constant 32 : index
        %get3A_1005 = tpu.vector_load %arg15[%get3A_1004] {strides = array<i32>} : memref<256xi32, #tpu.memory_space<vmem>>, vector<16xi32>,
        %broadcast_in_dim3A_1006 = arith.constant true
        %broadcast_in_dim3A_1007 = vector.broadcast %broadcast_in_dim3A_1006 : i1 to vector<16xi1>
        %masked_cumsum3A_1008 = tpu.scan <sum>, %get3A_1005 masked %broadcast_in_dim3A_1007 : vector<16xi32>, vector<16xi1> -> vector<16xi32>
        %add3A_1009 = vector.broadcast %add3A_1003 : i32 to vector<16xi32>
        %add3A_1010 = arith.addi %masked_cumsum3A_1008, %add3A_1009 : vector<16xi32>
        %swap3A_1011 = arith.constant 32 : index
        %swap3A_1012 = tpu.vector_load %arg16[%swap3A_1011] {strides = array<i32>} : memref<256xi32, #tpu.memory_space<vmem>>, vector<16xi32>,
        tpu.vector_store %arg16[%swap3A_1011], %add3A_1010 {strides = array<i32>} : memref<256xi32, #tpu.memory_space<vmem>>, vector<16xi32>,
        %reduce_sum3A_1013 = arith.constant true
        %reduce_sum3A_1014 = vector.broadcast %reduce_sum3A_1013 : i1 to vector<16xi1>
        %reduce_sum3A_1015 = tpu.scan <sum>, %get3A_1005 masked %reduce_sum3A_1014 : vector<16xi32>, vector<16xi1> -> vector<16xi32>
        %reduce_sum3A_1016 = vector.extract %reduce_sum3A_1015[15] : i32 from vector<16xi32>
        %add3A_1017 = arith.addi %add3A_1003, %reduce_sum3A_1016 : i32
        %get3A_1018 = arith.constant 48 : index
        %get3A_1019 = tpu.vector_load %arg15[%get3A_1018] {strides = array<i32>} : memref<256xi32, #tpu.memory_space<vmem>>, vector<16xi32>,
        %broadcast_in_dim3A_1020 = arith.constant true
        %broadcast_in_dim3A_1021 = vector.broadcast %broadcast_in_dim3A_1020 : i1 to vector<16xi1>
        %masked_cumsum3A_1022 = tpu.scan <sum>, %get3A_1019 masked %broadcast_in_dim3A_1021 : vector<16xi32>, vector<16xi1> -> vector<16xi32>
        %add3A_1023 = vector.broadcast %add3A_1017 : i32 to vector<16xi32>
        %add3A_1024 = arith.addi %masked_cumsum3A_1022, %add3A_1023 : vector<16xi32>
        %swap3A_1025 = arith.constant 48 : index
        %swap3A_1026 = tpu.vector_load %arg16[%swap3A_1025] {strides = array<i32>} : memref<256xi32, #tpu.memory_space<vmem>>, vector<16xi32>,
        tpu.vector_store %arg16[%swap3A_1025], %add3A_1024 {strides = array<i32>} : memref<256xi32, #tpu.memory_space<vmem>>, vector<16xi32>,
        %reduce_sum3A_1027 = arith.constant true
        %reduce_sum3A_1028 = vector.broadcast %reduce_sum3A_1027 : i1 to vector<16xi1>
        %reduce_sum3A_1029 = tpu.scan <sum>, %get3A_1019 masked %reduce_sum3A_1028 : vector<16xi32>, vector<16xi1> -> vector<16xi32>
        %reduce_sum3A_1030 = vector.extract %reduce_sum3A_1029[15] : i32 from vector<16xi32>
        %add3A_1031 = arith.addi %add3A_1017, %reduce_sum3A_1030 : i32
        %get3A_1032 = arith.constant 0 : index
        %get3A_1033 = tpu.vector_load %arg16[%get3A_1032] {strides = array<i32>} : memref<256xi32, #tpu.memory_space<vmem>>, vector<16xi32>,
        %iota3A_1034 = tpu.iota {dimensions = array<i32: 0>} : vector<16xi32>
        %add3A_1035 = arith.constant 0 : i32
        %add3A_1036 = vector.broadcast %add3A_1035 : i32 to vector<16xi32>
        %add3A_1037 = arith.addi %iota3A_1034, %add3A_1036 : vector<16xi32>
        %ge3A_1038 = vector.broadcast %sub3A_919 : i32 to vector<16xi32>
        %ge3A_1039 = arith.cmpi sge, %get3A_1033, %ge3A_1038 : vector<16xi32>
        %jit3A_1040 = arith.constant 64 : i32
        %broadcast_in_dim3A_1041 = vector.broadcast %jit3A_1040 : i32 to vector<16xi32>
        %select_n3A_1042 = arith.select %ge3A_1039, %add3A_1037, %broadcast_in_dim3A_1041 : vector<16xi1>, vector<16xi32>
        %reduce_min3A_1043 = arith.constant true
        %reduce_min3A_1044 = vector.broadcast %reduce_min3A_1043 : i1 to vector<16xi1>
        %reduce_min3A_1045 = arith.constant -2147483648 : i32
        %reduce_min3A_1046 = vector.broadcast %reduce_min3A_1045 : i32 to vector<16xi32>
        %reduce_min3A_1047 = arith.xori %select_n3A_1042, %reduce_min3A_1046 : vector<16xi32>
        %reduce_min3A_1048 = tpu.scan <min>, %reduce_min3A_1047 masked %reduce_min3A_1044 : vector<16xi32>, vector<16xi1> -> vector<16xi32>
        %reduce_min3A_1049 = arith.xori %reduce_min3A_1048, %reduce_min3A_1046 : vector<16xi32>
        %reduce_min3A_1050 = vector.extract %reduce_min3A_1049[15] : i32 from vector<16xi32>
        %min3A_1051 = arith.constant 64 : i32
        %min3A_1052 = arith.minsi %min3A_1051, %reduce_min3A_1050 : i32
        %get3A_1053 = arith.constant 16 : index
        %get3A_1054 = tpu.vector_load %arg16[%get3A_1053] {strides = array<i32>} : memref<256xi32, #tpu.memory_space<vmem>>, vector<16xi32>,
        %iota3A_1055 = tpu.iota {dimensions = array<i32: 0>} : vector<16xi32>
        %add3A_1056 = arith.constant 16 : i32
        %add3A_1057 = vector.broadcast %add3A_1056 : i32 to vector<16xi32>
        %add3A_1058 = arith.addi %iota3A_1055, %add3A_1057 : vector<16xi32>
        %ge3A_1059 = vector.broadcast %sub3A_919 : i32 to vector<16xi32>
        %ge3A_1060 = arith.cmpi sge, %get3A_1054, %ge3A_1059 : vector<16xi32>
        %jit3A_1061 = arith.constant 64 : i32
        %broadcast_in_dim3A_1062 = vector.broadcast %jit3A_1061 : i32 to vector<16xi32>
        %select_n3A_1063 = arith.select %ge3A_1060, %add3A_1058, %broadcast_in_dim3A_1062 : vector<16xi1>, vector<16xi32>
        %reduce_min3A_1064 = arith.constant true
        %reduce_min3A_1065 = vector.broadcast %reduce_min3A_1064 : i1 to vector<16xi1>
        %reduce_min3A_1066 = arith.constant -2147483648 : i32
        %reduce_min3A_1067 = vector.broadcast %reduce_min3A_1066 : i32 to vector<16xi32>
        %reduce_min3A_1068 = arith.xori %select_n3A_1063, %reduce_min3A_1067 : vector<16xi32>
        %reduce_min3A_1069 = tpu.scan <min>, %reduce_min3A_1068 masked %reduce_min3A_1065 : vector<16xi32>, vector<16xi1> -> vector<16xi32>
        %reduce_min3A_1070 = arith.xori %reduce_min3A_1069, %reduce_min3A_1067 : vector<16xi32>
        %reduce_min3A_1071 = vector.extract %reduce_min3A_1070[15] : i32 from vector<16xi32>
        %min3A_1072 = arith.minsi %min3A_1052, %reduce_min3A_1071 : i32
        %get3A_1073 = arith.constant 32 : index
        %get3A_1074 = tpu.vector_load %arg16[%get3A_1073] {strides = array<i32>} : memref<256xi32, #tpu.memory_space<vmem>>, vector<16xi32>,
        %iota3A_1075 = tpu.iota {dimensions = array<i32: 0>} : vector<16xi32>
        %add3A_1076 = arith.constant 32 : i32
        %add3A_1077 = vector.broadcast %add3A_1076 : i32 to vector<16xi32>
        %add3A_1078 = arith.addi %iota3A_1075, %add3A_1077 : vector<16xi32>
        %ge3A_1079 = vector.broadcast %sub3A_919 : i32 to vector<16xi32>
        %ge3A_1080 = arith.cmpi sge, %get3A_1074, %ge3A_1079 : vector<16xi32>
        %jit3A_1081 = arith.constant 64 : i32
        %broadcast_in_dim3A_1082 = vector.broadcast %jit3A_1081 : i32 to vector<16xi32>
        %select_n3A_1083 = arith.select %ge3A_1080, %add3A_1078, %broadcast_in_dim3A_1082 : vector<16xi1>, vector<16xi32>
        %reduce_min3A_1084 = arith.constant true
        %reduce_min3A_1085 = vector.broadcast %reduce_min3A_1084 : i1 to vector<16xi1>
        %reduce_min3A_1086 = arith.constant -2147483648 : i32
        %reduce_min3A_1087 = vector.broadcast %reduce_min3A_1086 : i32 to vector<16xi32>
        %reduce_min3A_1088 = arith.xori %select_n3A_1083, %reduce_min3A_1087 : vector<16xi32>
        %reduce_min3A_1089 = tpu.scan <min>, %reduce_min3A_1088 masked %reduce_min3A_1085 : vector<16xi32>, vector<16xi1> -> vector<16xi32>
        %reduce_min3A_1090 = arith.xori %reduce_min3A_1089, %reduce_min3A_1087 : vector<16xi32>
        %reduce_min3A_1091 = vector.extract %reduce_min3A_1090[15] : i32 from vector<16xi32>
        %min3A_1092 = arith.minsi %min3A_1072, %reduce_min3A_1091 : i32
        %get3A_1093 = arith.constant 48 : index
        %get3A_1094 = tpu.vector_load %arg16[%get3A_1093] {strides = array<i32>} : memref<256xi32, #tpu.memory_space<vmem>>, vector<16xi32>,
        %iota3A_1095 = tpu.iota {dimensions = array<i32: 0>} : vector<16xi32>
        %add3A_1096 = arith.constant 48 : i32
        %add3A_1097 = vector.broadcast %add3A_1096 : i32 to vector<16xi32>
        %add3A_1098 = arith.addi %iota3A_1095, %add3A_1097 : vector<16xi32>
        %ge3A_1099 = vector.broadcast %sub3A_919 : i32 to vector<16xi32>
        %ge3A_1100 = arith.cmpi sge, %get3A_1094, %ge3A_1099 : vector<16xi32>
        %jit3A_1101 = arith.constant 64 : i32
        %broadcast_in_dim3A_1102 = vector.broadcast %jit3A_1101 : i32 to vector<16xi32>
        %select_n3A_1103 = arith.select %ge3A_1100, %add3A_1098, %broadcast_in_dim3A_1102 : vector<16xi1>, vector<16xi32>
        %reduce_min3A_1104 = arith.constant true
        %reduce_min3A_1105 = vector.broadcast %reduce_min3A_1104 : i1 to vector<16xi1>
        %reduce_min3A_1106 = arith.constant -2147483648 : i32
        %reduce_min3A_1107 = vector.broadcast %reduce_min3A_1106 : i32 to vector<16xi32>
        %reduce_min3A_1108 = arith.xori %select_n3A_1103, %reduce_min3A_1107 : vector<16xi32>
        %reduce_min3A_1109 = tpu.scan <min>, %reduce_min3A_1108 masked %reduce_min3A_1105 : vector<16xi32>, vector<16xi1> -> vector<16xi32>
        %reduce_min3A_1110 = arith.xori %reduce_min3A_1109, %reduce_min3A_1107 : vector<16xi32>
        %reduce_min3A_1111 = vector.extract %reduce_min3A_1110[15] : i32 from vector<16xi32>
        %min3A_1112 = arith.minsi %min3A_1092, %reduce_min3A_1111 : i32
        %broadcast_in_dim3A_1113 = arith.constant 0 : i32
        %broadcast_in_dim3A_1114 = vector.broadcast %broadcast_in_dim3A_1113 : i32 to vector<16xi32>
        %add3A_1115 = vector.broadcast %min3A_1112 : i32 to vector<16xi32>
        %add3A_1116 = arith.addi %broadcast_in_dim3A_1114, %add3A_1115 : vector<16xi32>
        %gather3A_1117 = tpu.vector_load_idx %arg15[%add3A_1116] : memref<256xi32, #tpu.memory_space<vmem>>[vector<16xi32>], vector<16xi32>,
        %reduce_min3A_1118 = arith.constant true
        %reduce_min3A_1119 = vector.broadcast %reduce_min3A_1118 : i1 to vector<16xi1>
        %reduce_min3A_1120 = arith.constant -2147483648 : i32
        %reduce_min3A_1121 = vector.broadcast %reduce_min3A_1120 : i32 to vector<16xi32>
        %reduce_min3A_1122 = arith.xori %gather3A_1117, %reduce_min3A_1121 : vector<16xi32>
        %reduce_min3A_1123 = tpu.scan <min>, %reduce_min3A_1122 masked %reduce_min3A_1119 : vector<16xi32>, vector<16xi1> -> vector<16xi32>
        %reduce_min3A_1124 = arith.xori %reduce_min3A_1123, %reduce_min3A_1121 : vector<16xi32>
        %reduce_min3A_1125 = vector.extract %reduce_min3A_1124[15] : i32 from vector<16xi32>
        %broadcast_in_dim3A_1126 = arith.constant 0 : i32
        %broadcast_in_dim3A_1127 = vector.broadcast %broadcast_in_dim3A_1126 : i32 to vector<16xi32>
        %add3A_1128 = vector.broadcast %min3A_1112 : i32 to vector<16xi32>
        %add3A_1129 = arith.addi %broadcast_in_dim3A_1127, %add3A_1128 : vector<16xi32>
        %gather3A_1130 = tpu.vector_load_idx %arg16[%add3A_1129] : memref<256xi32, #tpu.memory_space<vmem>>[vector<16xi32>], vector<16xi32>,
        %reduce_min3A_1131 = arith.constant true
        %reduce_min3A_1132 = vector.broadcast %reduce_min3A_1131 : i1 to vector<16xi1>
        %reduce_min3A_1133 = arith.constant -2147483648 : i32
        %reduce_min3A_1134 = vector.broadcast %reduce_min3A_1133 : i32 to vector<16xi32>
        %reduce_min3A_1135 = arith.xori %gather3A_1130, %reduce_min3A_1134 : vector<16xi32>
        %reduce_min3A_1136 = tpu.scan <min>, %reduce_min3A_1135 masked %reduce_min3A_1132 : vector<16xi32>, vector<16xi1> -> vector<16xi32>
        %reduce_min3A_1137 = arith.xori %reduce_min3A_1136, %reduce_min3A_1134 : vector<16xi32>
        %reduce_min3A_1138 = vector.extract %reduce_min3A_1137[15] : i32 from vector<16xi32>
        %sub3A_1139 = arith.subi %reduce_min3A_1138, %reduce_min3A_1125 : i32
        %broadcast_in_dim3A_1140 = arith.constant 0 : i32
        %broadcast_in_dim3A_1141 = vector.broadcast %broadcast_in_dim3A_1140 : i32 to vector<16xi32>
        %while3A_1142 = arith.constant 0 : i32
        %while3A_1143 = arith.subi %select_n3A_961, %while3A_1142 : i32
        %while3A_1144 = arith.addi %while3A_1142, %while3A_1143 : i32
        %while3A_1145 = arith.constant 1 : i32
        %while3A_1146 = arith.divsi %while3A_1143, %while3A_1145 : i32
        %while3A_1147 = arith.muli %while3A_1146, %while3A_1145 : i32
        %while3A_1148 = arith.addi %while3A_1142, %while3A_1147 : i32
        %while3A_1149 = arith.constant 1 : i32
        %while3A_1150:2 = scf.for %while3A_1685 = %while3A_1142 to %while3A_1148 step %while3A_1149 iter_args(%while3A_1686 = %while3A_910#0, %while3A_1687 = %broadcast_in_dim3A_1141) -> (vector<16xi32>, vector<16xi32>)  : i32 {
          %mul3A_1688 = arith.constant 16 : i32
          %mul3A_1689 = arith.muli %while3A_1685, %mul3A_1688 : i32
          %get3A_1690 = arith.index_cast %mul3A_1689 : i32 to index
          %get3A_1691 = tpu.vector_load %arg12[%get3A_1690] {strides = array<i32>} : memref<4128xi32, #tpu.memory_space<vmem>>, vector<16xi32>,
          %iota3A_1692 = tpu.iota {dimensions = array<i32: 0>} : vector<16xi32>
          %mul3A_1693 = arith.constant 16 : i32
          %mul3A_1694 = arith.muli %while3A_1685, %mul3A_1693 : i32
          %add3A_1695 = vector.broadcast %mul3A_1694 : i32 to vector<16xi32>
          %add3A_1696 = arith.addi %iota3A_1692, %add3A_1695 : vector<16xi32>
          %lt3A_1697 = vector.broadcast %reduce_min3A_918 : i32 to vector<16xi32>
          %lt3A_1698 = arith.cmpi slt, %add3A_1696, %lt3A_1697 : vector<16xi32>
          %jit3A_1699 = arith.constant 0 : i32
          %broadcast_in_dim3A_1700 = vector.broadcast %jit3A_1699 : i32 to vector<16xi32>
          %select_n3A_1701 = arith.select %lt3A_1698, %get3A_1691, %broadcast_in_dim3A_1700 : vector<16xi1>, vector<16xi32>
          %gather3A_1702 = tpu.vector_load_idx %arg11[%select_n3A_1701] : memref<4096xi32, #tpu.memory_space<vmem>>[vector<16xi32>], vector<16xi32>,
          %shift_right_logical3A = arith.constant 6 : i32
          %shift_right_logical3A_1703 = vector.broadcast %shift_right_logical3A : i32 to vector<16xi32>
          %shift_right_logical3A_1704 = arith.shrui %gather3A_1702, %shift_right_logical3A_1703 : vector<16xi32>
          %and3A_1705 = arith.constant 63 : i32
          %and3A_1706 = vector.broadcast %and3A_1705 : i32 to vector<16xi32>
          %and3A_1707 = arith.andi %shift_right_logical3A_1704, %and3A_1706 : vector<16xi32>
          %lt3A_1708 = vector.broadcast %min3A_1112 : i32 to vector<16xi32>
          %lt3A_1709 = arith.cmpi slt, %and3A_1707, %lt3A_1708 : vector<16xi32>
          %and3A_1710 = arith.andi %lt3A_1698, %lt3A_1709 : vector<16xi1>
          %eq3A_1711 = vector.broadcast %min3A_1112 : i32 to vector<16xi32>
          %eq3A_1712 = arith.cmpi eq, %and3A_1707, %eq3A_1711 : vector<16xi32>
          %and3A_1713 = arith.andi %lt3A_1698, %eq3A_1712 : vector<16xi1>
          %convert_element_type3A_1714 = arith.extui %and3A_1710 : vector<16xi1> to vector<16xi32>
          %broadcast_in_dim3A_1715 = arith.constant true
          %broadcast_in_dim3A_1716 = vector.broadcast %broadcast_in_dim3A_1715 : i1 to vector<16xi1>
          %masked_cumsum3A_1717 = tpu.scan <sum>, %convert_element_type3A_1714 masked %broadcast_in_dim3A_1716 : vector<16xi32>, vector<16xi1> -> vector<16xi32>
          %add3A_1718 = arith.addi %while3A_1686, %masked_cumsum3A_1717 : vector<16xi32>
          %sub3A_1719 = arith.constant 1 : i32
          %sub3A_1720 = vector.broadcast %sub3A_1719 : i32 to vector<16xi32>
          %sub3A_1721 = arith.subi %add3A_1718, %sub3A_1720 : vector<16xi32>
          %jit3A_1722 = arith.constant 0 : i32
          %broadcast_in_dim3A_1723 = vector.broadcast %jit3A_1722 : i32 to vector<16xi32>
          %select_n3A_1724 = arith.select %and3A_1710, %sub3A_1721, %broadcast_in_dim3A_1723 : vector<16xi1>, vector<16xi32>
          tpu.vector_store_idx %arg14[%select_n3A_1724], %get3A_1691 masked %and3A_1710 : memref<64xi32, #tpu.memory_space<vmem>>[vector<16xi32>], vector<16xi32>, vector<16xi1>
          %all_reduce_population_count3A = tpu.all_reduce %and3A_1710 {dim = 0 : i64, kind = #tpu.reduction_kind<sum>} : vector<16xi1> -> vector<16xi32>
          %add3A_1725 = arith.addi %while3A_1686, %all_reduce_population_count3A : vector<16xi32>
          %convert_element_type3A_1726 = arith.extui %and3A_1713 : vector<16xi1> to vector<16xi32>
          %broadcast_in_dim3A_1727 = arith.constant true
          %broadcast_in_dim3A_1728 = vector.broadcast %broadcast_in_dim3A_1727 : i1 to vector<16xi1>
          %masked_cumsum3A_1729 = tpu.scan <sum>, %convert_element_type3A_1726 masked %broadcast_in_dim3A_1728 : vector<16xi32>, vector<16xi1> -> vector<16xi32>
          %add3A_1730 = arith.addi %while3A_1687, %masked_cumsum3A_1729 : vector<16xi32>
          %sub3A_1731 = arith.constant 1 : i32
          %sub3A_1732 = vector.broadcast %sub3A_1731 : i32 to vector<16xi32>
          %sub3A_1733 = arith.subi %add3A_1730, %sub3A_1732 : vector<16xi32>
          %jit3A_1734 = arith.constant 0 : i32
          %broadcast_in_dim3A_1735 = vector.broadcast %jit3A_1734 : i32 to vector<16xi32>
          %select_n3A_1736 = arith.select %and3A_1713, %sub3A_1733, %broadcast_in_dim3A_1735 : vector<16xi1>, vector<16xi32>
          tpu.vector_store_idx %arg13[%select_n3A_1736], %get3A_1691 masked %and3A_1713 : memref<4128xi32, #tpu.memory_space<vmem>>[vector<16xi32>], vector<16xi32>, vector<16xi1>
          %all_reduce_population_count3A_1737 = tpu.all_reduce %and3A_1713 {dim = 0 : i64, kind = #tpu.reduction_kind<sum>} : vector<16xi1> -> vector<16xi32>
          %add3A_1738 = arith.addi %while3A_1687, %all_reduce_population_count3A_1737 : vector<16xi32>
          scf.yield %add3A_1725, %add3A_1738 : vector<16xi32>, vector<16xi32>
        }
        %while3A_1151 = arith.constant 1 : i32
        %while3A_1152:2 = scf.for %while3A_1685 = %while3A_1148 to %while3A_1144 step %while3A_1151 iter_args(%while3A_1686 = %while3A_1150#0, %while3A_1687 = %while3A_1150#1) -> (vector<16xi32>, vector<16xi32>)  : i32 {
          %mul3A_1688 = arith.constant 16 : i32
          %mul3A_1689 = arith.muli %while3A_1685, %mul3A_1688 : i32
          %get3A_1690 = arith.index_cast %mul3A_1689 : i32 to index
          %get3A_1691 = tpu.vector_load %arg12[%get3A_1690] {strides = array<i32>} : memref<4128xi32, #tpu.memory_space<vmem>>, vector<16xi32>,
          %iota3A_1692 = tpu.iota {dimensions = array<i32: 0>} : vector<16xi32>
          %mul3A_1693 = arith.constant 16 : i32
          %mul3A_1694 = arith.muli %while3A_1685, %mul3A_1693 : i32
          %add3A_1695 = vector.broadcast %mul3A_1694 : i32 to vector<16xi32>
          %add3A_1696 = arith.addi %iota3A_1692, %add3A_1695 : vector<16xi32>
          %lt3A_1697 = vector.broadcast %reduce_min3A_918 : i32 to vector<16xi32>
          %lt3A_1698 = arith.cmpi slt, %add3A_1696, %lt3A_1697 : vector<16xi32>
          %jit3A_1699 = arith.constant 0 : i32
          %broadcast_in_dim3A_1700 = vector.broadcast %jit3A_1699 : i32 to vector<16xi32>
          %select_n3A_1701 = arith.select %lt3A_1698, %get3A_1691, %broadcast_in_dim3A_1700 : vector<16xi1>, vector<16xi32>
          %gather3A_1702 = tpu.vector_load_idx %arg11[%select_n3A_1701] : memref<4096xi32, #tpu.memory_space<vmem>>[vector<16xi32>], vector<16xi32>,
          %shift_right_logical3A = arith.constant 6 : i32
          %shift_right_logical3A_1703 = vector.broadcast %shift_right_logical3A : i32 to vector<16xi32>
          %shift_right_logical3A_1704 = arith.shrui %gather3A_1702, %shift_right_logical3A_1703 : vector<16xi32>
          %and3A_1705 = arith.constant 63 : i32
          %and3A_1706 = vector.broadcast %and3A_1705 : i32 to vector<16xi32>
          %and3A_1707 = arith.andi %shift_right_logical3A_1704, %and3A_1706 : vector<16xi32>
          %lt3A_1708 = vector.broadcast %min3A_1112 : i32 to vector<16xi32>
          %lt3A_1709 = arith.cmpi slt, %and3A_1707, %lt3A_1708 : vector<16xi32>
          %and3A_1710 = arith.andi %lt3A_1698, %lt3A_1709 : vector<16xi1>
          %eq3A_1711 = vector.broadcast %min3A_1112 : i32 to vector<16xi32>
          %eq3A_1712 = arith.cmpi eq, %and3A_1707, %eq3A_1711 : vector<16xi32>
          %and3A_1713 = arith.andi %lt3A_1698, %eq3A_1712 : vector<16xi1>
          %convert_element_type3A_1714 = arith.extui %and3A_1710 : vector<16xi1> to vector<16xi32>
          %broadcast_in_dim3A_1715 = arith.constant true
          %broadcast_in_dim3A_1716 = vector.broadcast %broadcast_in_dim3A_1715 : i1 to vector<16xi1>
          %masked_cumsum3A_1717 = tpu.scan <sum>, %convert_element_type3A_1714 masked %broadcast_in_dim3A_1716 : vector<16xi32>, vector<16xi1> -> vector<16xi32>
          %add3A_1718 = arith.addi %while3A_1686, %masked_cumsum3A_1717 : vector<16xi32>
          %sub3A_1719 = arith.constant 1 : i32
          %sub3A_1720 = vector.broadcast %sub3A_1719 : i32 to vector<16xi32>
          %sub3A_1721 = arith.subi %add3A_1718, %sub3A_1720 : vector<16xi32>
          %jit3A_1722 = arith.constant 0 : i32
          %broadcast_in_dim3A_1723 = vector.broadcast %jit3A_1722 : i32 to vector<16xi32>
          %select_n3A_1724 = arith.select %and3A_1710, %sub3A_1721, %broadcast_in_dim3A_1723 : vector<16xi1>, vector<16xi32>
          tpu.vector_store_idx %arg14[%select_n3A_1724], %get3A_1691 masked %and3A_1710 : memref<64xi32, #tpu.memory_space<vmem>>[vector<16xi32>], vector<16xi32>, vector<16xi1>
          %all_reduce_population_count3A = tpu.all_reduce %and3A_1710 {dim = 0 : i64, kind = #tpu.reduction_kind<sum>} : vector<16xi1> -> vector<16xi32>
          %add3A_1725 = arith.addi %while3A_1686, %all_reduce_population_count3A : vector<16xi32>
          %convert_element_type3A_1726 = arith.extui %and3A_1713 : vector<16xi1> to vector<16xi32>
          %broadcast_in_dim3A_1727 = arith.constant true
          %broadcast_in_dim3A_1728 = vector.broadcast %broadcast_in_dim3A_1727 : i1 to vector<16xi1>
          %masked_cumsum3A_1729 = tpu.scan <sum>, %convert_element_type3A_1726 masked %broadcast_in_dim3A_1728 : vector<16xi32>, vector<16xi1> -> vector<16xi32>
          %add3A_1730 = arith.addi %while3A_1687, %masked_cumsum3A_1729 : vector<16xi32>
          %sub3A_1731 = arith.constant 1 : i32
          %sub3A_1732 = vector.broadcast %sub3A_1731 : i32 to vector<16xi32>
          %sub3A_1733 = arith.subi %add3A_1730, %sub3A_1732 : vector<16xi32>
          %jit3A_1734 = arith.constant 0 : i32
          %broadcast_in_dim3A_1735 = vector.broadcast %jit3A_1734 : i32 to vector<16xi32>
          %select_n3A_1736 = arith.select %and3A_1713, %sub3A_1733, %broadcast_in_dim3A_1735 : vector<16xi1>, vector<16xi32>
          tpu.vector_store_idx %arg13[%select_n3A_1736], %get3A_1691 masked %and3A_1713 : memref<4128xi32, #tpu.memory_space<vmem>>[vector<16xi32>], vector<16xi32>, vector<16xi1>
          %all_reduce_population_count3A_1737 = tpu.all_reduce %and3A_1713 {dim = 0 : i64, kind = #tpu.reduction_kind<sum>} : vector<16xi1> -> vector<16xi32>
          %add3A_1738 = arith.addi %while3A_1687, %all_reduce_population_count3A_1737 : vector<16xi32>
          scf.yield %add3A_1725, %add3A_1738 : vector<16xi32>, vector<16xi32>
        }
        %reduce_min3A_1153 = arith.constant true
        %reduce_min3A_1154 = vector.broadcast %reduce_min3A_1153 : i1 to vector<16xi1>
        %reduce_min3A_1155 = arith.constant -2147483648 : i32
        %reduce_min3A_1156 = vector.broadcast %reduce_min3A_1155 : i32 to vector<16xi32>
        %reduce_min3A_1157 = arith.xori %while3A_1152#1, %reduce_min3A_1156 : vector<16xi32>
        %reduce_min3A_1158 = tpu.scan <min>, %reduce_min3A_1157 masked %reduce_min3A_1154 : vector<16xi32>, vector<16xi1> -> vector<16xi32>
        %reduce_min3A_1159 = arith.xori %reduce_min3A_1158, %reduce_min3A_1156 : vector<16xi32>
        %reduce_min3A_1160 = vector.extract %reduce_min3A_1159[15] : i32 from vector<16xi32>
        %sub3A_1161 = arith.subi %sub3A_919, %sub3A_1139 : i32
        %broadcast_in_dim3A_1162 = arith.constant 0 : i32
        %broadcast_in_dim3A_1163 = vector.broadcast %broadcast_in_dim3A_1162 : i32 to vector<16xi32>
        %swap3A_1164 = arith.constant 0 : index
        %swap3A_1165 = tpu.vector_load %arg15[%swap3A_1164] {strides = array<i32>} : memref<256xi32, #tpu.memory_space<vmem>>, vector<16xi32>,
        tpu.vector_store %arg15[%swap3A_1164], %broadcast_in_dim3A_1163 {strides = array<i32>} : memref<256xi32, #tpu.memory_space<vmem>>, vector<16xi32>,
        %broadcast_in_dim3A_1166 = arith.constant 0 : i32
        %broadcast_in_dim3A_1167 = vector.broadcast %broadcast_in_dim3A_1166 : i32 to vector<16xi32>
        %swap3A_1168 = arith.constant 16 : index
        %swap3A_1169 = tpu.vector_load %arg15[%swap3A_1168] {strides = array<i32>} : memref<256xi32, #tpu.memory_space<vmem>>, vector<16xi32>,
        tpu.vector_store %arg15[%swap3A_1168], %broadcast_in_dim3A_1167 {strides = array<i32>} : memref<256xi32, #tpu.memory_space<vmem>>, vector<16xi32>,
        %broadcast_in_dim3A_1170 = arith.constant 0 : i32
        %broadcast_in_dim3A_1171 = vector.broadcast %broadcast_in_dim3A_1170 : i32 to vector<16xi32>
        %swap3A_1172 = arith.constant 32 : index
        %swap3A_1173 = tpu.vector_load %arg15[%swap3A_1172] {strides = array<i32>} : memref<256xi32, #tpu.memory_space<vmem>>, vector<16xi32>,
        tpu.vector_store %arg15[%swap3A_1172], %broadcast_in_dim3A_1171 {strides = array<i32>} : memref<256xi32, #tpu.memory_space<vmem>>, vector<16xi32>,
        %broadcast_in_dim3A_1174 = arith.constant 0 : i32
        %broadcast_in_dim3A_1175 = vector.broadcast %broadcast_in_dim3A_1174 : i32 to vector<16xi32>
        %swap3A_1176 = arith.constant 48 : index
        %swap3A_1177 = tpu.vector_load %arg15[%swap3A_1176] {strides = array<i32>} : memref<256xi32, #tpu.memory_space<vmem>>, vector<16xi32>,
        tpu.vector_store %arg15[%swap3A_1176], %broadcast_in_dim3A_1175 {strides = array<i32>} : memref<256xi32, #tpu.memory_space<vmem>>, vector<16xi32>,
        %add3A_1178 = arith.constant 15 : i32
        %add3A_1179 = arith.addi %reduce_min3A_1160, %add3A_1178 : i32
        %jit3A_1180 = arith.constant 16 : i32
        %div3A_1181 = arith.divsi %add3A_1179, %jit3A_1180 : i32
        %sign3A_1182 = arith.constant 0 : i32
        %sign3A_1183 = arith.cmpi sgt, %add3A_1179, %sign3A_1182 : i32
        %sign3A_1184 = arith.extui %sign3A_1183 : i1 to i32
        %sign3A_1185 = arith.constant 0 : i32
        %sign3A_1186 = arith.cmpi slt, %add3A_1179, %sign3A_1185 : i32
        %sign3A_1187 = arith.extui %sign3A_1186 : i1 to i32
        %sign3A_1188 = arith.subi %sign3A_1184, %sign3A_1187 : i32
        %sign3A_1189 = arith.constant 0 : i32
        %sign3A_1190 = arith.cmpi sgt, %jit3A_1180, %sign3A_1189 : i32
        %sign3A_1191 = arith.extui %sign3A_1190 : i1 to i32
        %sign3A_1192 = arith.constant 0 : i32
        %sign3A_1193 = arith.cmpi slt, %jit3A_1180, %sign3A_1192 : i32
        %sign3A_1194 = arith.extui %sign3A_1193 : i1 to i32
        %sign3A_1195 = arith.subi %sign3A_1191, %sign3A_1194 : i32
        %ne3A_1196 = arith.cmpi ne, %sign3A_1188, %sign3A_1195 : i32
        %rem3A_1197 = arith.remsi %add3A_1179, %jit3A_1180 : i32
        %ne3A_1198 = arith.constant 0 : i32
        %ne3A_1199 = arith.cmpi ne, %rem3A_1197, %ne3A_1198 : i32
        %and3A_1200 = arith.andi %ne3A_1196, %ne3A_1199 : i1
        %sub3A_1201 = arith.constant 1 : i32
        %sub3A_1202 = arith.subi %div3A_1181, %sub3A_1201 : i32
        %select_n3A_1203 = arith.select %and3A_1200, %sub3A_1202, %div3A_1181 : i32
        %while3A_1204 = arith.constant 0 : i32
        %while3A_1205 = arith.constant 0 : i32
        %while3A_1206 = arith.subi %select_n3A_1203, %while3A_1204 : i32
        %while3A_1207 = arith.addi %while3A_1204, %while3A_1206 : i32
        %while3A_1208 = arith.constant 1 : i32
        %while3A_1209 = arith.divsi %while3A_1206, %while3A_1208 : i32
        %while3A_1210 = arith.muli %while3A_1209, %while3A_1208 : i32
        %while3A_1211 = arith.addi %while3A_1204, %while3A_1210 : i32
        %while3A_1212 = arith.constant 1 : i32
        %while3A_1213 = scf.for %while3A_1685 = %while3A_1204 to %while3A_1211 step %while3A_1212 iter_args(%while3A_1686 = %while3A_1205) -> (i32)  : i32 {
          %mul3A_1687 = arith.constant 16 : i32
          %mul3A_1688 = arith.muli %while3A_1685, %mul3A_1687 : i32
          %get3A_1689 = arith.index_cast %mul3A_1688 : i32 to index
          %get3A_1690 = tpu.vector_load %arg13[%get3A_1689] {strides = array<i32>} : memref<4128xi32, #tpu.memory_space<vmem>>, vector<16xi32>,
          %iota3A_1691 = tpu.iota {dimensions = array<i32: 0>} : vector<16xi32>
          %mul3A_1692 = arith.constant 16 : i32
          %mul3A_1693 = arith.muli %while3A_1685, %mul3A_1692 : i32
          %add3A_1694 = vector.broadcast %mul3A_1693 : i32 to vector<16xi32>
          %add3A_1695 = arith.addi %iota3A_1691, %add3A_1694 : vector<16xi32>
          %lt3A_1696 = vector.broadcast %reduce_min3A_1160 : i32 to vector<16xi32>
          %lt3A_1697 = arith.cmpi slt, %add3A_1695, %lt3A_1696 : vector<16xi32>
          %jit3A_1698 = arith.constant 0 : i32
          %broadcast_in_dim3A_1699 = vector.broadcast %jit3A_1698 : i32 to vector<16xi32>
          %select_n3A_1700 = arith.select %lt3A_1697, %get3A_1690, %broadcast_in_dim3A_1699 : vector<16xi1>, vector<16xi32>
          %gather3A_1701 = tpu.vector_load_idx %arg11[%select_n3A_1700] : memref<4096xi32, #tpu.memory_space<vmem>>[vector<16xi32>], vector<16xi32>,
          %shift_right_logical3A = arith.constant 0 : i32
          %shift_right_logical3A_1702 = vector.broadcast %shift_right_logical3A : i32 to vector<16xi32>
          %shift_right_logical3A_1703 = arith.shrui %gather3A_1701, %shift_right_logical3A_1702 : vector<16xi32>
          %and3A_1704 = arith.constant 63 : i32
          %and3A_1705 = vector.broadcast %and3A_1704 : i32 to vector<16xi32>
          %and3A_1706 = arith.andi %shift_right_logical3A_1703, %and3A_1705 : vector<16xi32>
          %unique3A_1707, %unique3A_1708 = tpu.scan_count mask(%lt3A_1697 : vector<16xi1>) value(%and3A_1706 : vector<16xi32>) : vector<16xi1>, vector<16xi32>
          %sub3A_1709 = vector.broadcast %sub3A_12 : i32 to vector<16xi32>
          %sub3A_1710 = arith.subi %unique3A_1708, %sub3A_1709 : vector<16xi32>
          %add3A_1711 = arith.constant 1 : i32
          %add3A_1712 = vector.broadcast %add3A_1711 : i32 to vector<16xi32>
          %add3A_1713 = arith.addi %sub3A_1710, %add3A_1712 : vector<16xi32>
          %and3A_1714 = arith.andi %unique3A_1707, %lt3A_1697 : vector<16xi1>
          tpu.vector_store_idx %arg15[%and3A_1706], %add3A_1713 masked %and3A_1714 {add = true} : memref<256xi32, #tpu.memory_space<vmem>>[vector<16xi32>], vector<16xi32>, vector<16xi1>
          %while3A_1715 = arith.constant 0 : i32
          scf.yield %while3A_1715 : i32
        }
        %while3A_1214 = arith.constant 1 : i32
        %while3A_1215 = scf.for %while3A_1685 = %while3A_1211 to %while3A_1207 step %while3A_1214 iter_args(%while3A_1686 = %while3A_1213) -> (i32)  : i32 {
          %mul3A_1687 = arith.constant 16 : i32
          %mul3A_1688 = arith.muli %while3A_1685, %mul3A_1687 : i32
          %get3A_1689 = arith.index_cast %mul3A_1688 : i32 to index
          %get3A_1690 = tpu.vector_load %arg13[%get3A_1689] {strides = array<i32>} : memref<4128xi32, #tpu.memory_space<vmem>>, vector<16xi32>,
          %iota3A_1691 = tpu.iota {dimensions = array<i32: 0>} : vector<16xi32>
          %mul3A_1692 = arith.constant 16 : i32
          %mul3A_1693 = arith.muli %while3A_1685, %mul3A_1692 : i32
          %add3A_1694 = vector.broadcast %mul3A_1693 : i32 to vector<16xi32>
          %add3A_1695 = arith.addi %iota3A_1691, %add3A_1694 : vector<16xi32>
          %lt3A_1696 = vector.broadcast %reduce_min3A_1160 : i32 to vector<16xi32>
          %lt3A_1697 = arith.cmpi slt, %add3A_1695, %lt3A_1696 : vector<16xi32>
          %jit3A_1698 = arith.constant 0 : i32
          %broadcast_in_dim3A_1699 = vector.broadcast %jit3A_1698 : i32 to vector<16xi32>
          %select_n3A_1700 = arith.select %lt3A_1697, %get3A_1690, %broadcast_in_dim3A_1699 : vector<16xi1>, vector<16xi32>
          %gather3A_1701 = tpu.vector_load_idx %arg11[%select_n3A_1700] : memref<4096xi32, #tpu.memory_space<vmem>>[vector<16xi32>], vector<16xi32>,
          %shift_right_logical3A = arith.constant 0 : i32
          %shift_right_logical3A_1702 = vector.broadcast %shift_right_logical3A : i32 to vector<16xi32>
          %shift_right_logical3A_1703 = arith.shrui %gather3A_1701, %shift_right_logical3A_1702 : vector<16xi32>
          %and3A_1704 = arith.constant 63 : i32
          %and3A_1705 = vector.broadcast %and3A_1704 : i32 to vector<16xi32>
          %and3A_1706 = arith.andi %shift_right_logical3A_1703, %and3A_1705 : vector<16xi32>
          %unique3A_1707, %unique3A_1708 = tpu.scan_count mask(%lt3A_1697 : vector<16xi1>) value(%and3A_1706 : vector<16xi32>) : vector<16xi1>, vector<16xi32>
          %sub3A_1709 = vector.broadcast %sub3A_12 : i32 to vector<16xi32>
          %sub3A_1710 = arith.subi %unique3A_1708, %sub3A_1709 : vector<16xi32>
          %add3A_1711 = arith.constant 1 : i32
          %add3A_1712 = vector.broadcast %add3A_1711 : i32 to vector<16xi32>
          %add3A_1713 = arith.addi %sub3A_1710, %add3A_1712 : vector<16xi32>
          %and3A_1714 = arith.andi %unique3A_1707, %lt3A_1697 : vector<16xi1>
          tpu.vector_store_idx %arg15[%and3A_1706], %add3A_1713 masked %and3A_1714 {add = true} : memref<256xi32, #tpu.memory_space<vmem>>[vector<16xi32>], vector<16xi32>, vector<16xi1>
          %while3A_1715 = arith.constant 0 : i32
          scf.yield %while3A_1715 : i32
        }
        %get3A_1216 = arith.constant 0 : index
        %get3A_1217 = tpu.vector_load %arg15[%get3A_1216] {strides = array<i32>} : memref<256xi32, #tpu.memory_space<vmem>>, vector<16xi32>,
        %broadcast_in_dim3A_1218 = arith.constant true
        %broadcast_in_dim3A_1219 = vector.broadcast %broadcast_in_dim3A_1218 : i1 to vector<16xi1>
        %masked_cumsum3A_1220 = tpu.scan <sum>, %get3A_1217 masked %broadcast_in_dim3A_1219 : vector<16xi32>, vector<16xi1> -> vector<16xi32>
        %add3A_1221 = arith.constant 0 : i32
        %add3A_1222 = vector.broadcast %add3A_1221 : i32 to vector<16xi32>
        %add3A_1223 = arith.addi %masked_cumsum3A_1220, %add3A_1222 : vector<16xi32>
        %swap3A_1224 = arith.constant 0 : index
        %swap3A_1225 = tpu.vector_load %arg16[%swap3A_1224] {strides = array<i32>} : memref<256xi32, #tpu.memory_space<vmem>>, vector<16xi32>,
        tpu.vector_store %arg16[%swap3A_1224], %add3A_1223 {strides = array<i32>} : memref<256xi32, #tpu.memory_space<vmem>>, vector<16xi32>,
        %reduce_sum3A_1226 = arith.constant true
        %reduce_sum3A_1227 = vector.broadcast %reduce_sum3A_1226 : i1 to vector<16xi1>
        %reduce_sum3A_1228 = tpu.scan <sum>, %get3A_1217 masked %reduce_sum3A_1227 : vector<16xi32>, vector<16xi1> -> vector<16xi32>
        %reduce_sum3A_1229 = vector.extract %reduce_sum3A_1228[15] : i32 from vector<16xi32>
        %add3A_1230 = arith.constant 0 : i32
        %add3A_1231 = arith.addi %add3A_1230, %reduce_sum3A_1229 : i32
        %get3A_1232 = arith.constant 16 : index
        %get3A_1233 = tpu.vector_load %arg15[%get3A_1232] {strides = array<i32>} : memref<256xi32, #tpu.memory_space<vmem>>, vector<16xi32>,
        %broadcast_in_dim3A_1234 = arith.constant true
        %broadcast_in_dim3A_1235 = vector.broadcast %broadcast_in_dim3A_1234 : i1 to vector<16xi1>
        %masked_cumsum3A_1236 = tpu.scan <sum>, %get3A_1233 masked %broadcast_in_dim3A_1235 : vector<16xi32>, vector<16xi1> -> vector<16xi32>
        %add3A_1237 = vector.broadcast %add3A_1231 : i32 to vector<16xi32>
        %add3A_1238 = arith.addi %masked_cumsum3A_1236, %add3A_1237 : vector<16xi32>
        %swap3A_1239 = arith.constant 16 : index
        %swap3A_1240 = tpu.vector_load %arg16[%swap3A_1239] {strides = array<i32>} : memref<256xi32, #tpu.memory_space<vmem>>, vector<16xi32>,
        tpu.vector_store %arg16[%swap3A_1239], %add3A_1238 {strides = array<i32>} : memref<256xi32, #tpu.memory_space<vmem>>, vector<16xi32>,
        %reduce_sum3A_1241 = arith.constant true
        %reduce_sum3A_1242 = vector.broadcast %reduce_sum3A_1241 : i1 to vector<16xi1>
        %reduce_sum3A_1243 = tpu.scan <sum>, %get3A_1233 masked %reduce_sum3A_1242 : vector<16xi32>, vector<16xi1> -> vector<16xi32>
        %reduce_sum3A_1244 = vector.extract %reduce_sum3A_1243[15] : i32 from vector<16xi32>
        %add3A_1245 = arith.addi %add3A_1231, %reduce_sum3A_1244 : i32
        %get3A_1246 = arith.constant 32 : index
        %get3A_1247 = tpu.vector_load %arg15[%get3A_1246] {strides = array<i32>} : memref<256xi32, #tpu.memory_space<vmem>>, vector<16xi32>,
        %broadcast_in_dim3A_1248 = arith.constant true
        %broadcast_in_dim3A_1249 = vector.broadcast %broadcast_in_dim3A_1248 : i1 to vector<16xi1>
        %masked_cumsum3A_1250 = tpu.scan <sum>, %get3A_1247 masked %broadcast_in_dim3A_1249 : vector<16xi32>, vector<16xi1> -> vector<16xi32>
        %add3A_1251 = vector.broadcast %add3A_1245 : i32 to vector<16xi32>
        %add3A_1252 = arith.addi %masked_cumsum3A_1250, %add3A_1251 : vector<16xi32>
        %swap3A_1253 = arith.constant 32 : index
        %swap3A_1254 = tpu.vector_load %arg16[%swap3A_1253] {strides = array<i32>} : memref<256xi32, #tpu.memory_space<vmem>>, vector<16xi32>,
        tpu.vector_store %arg16[%swap3A_1253], %add3A_1252 {strides = array<i32>} : memref<256xi32, #tpu.memory_space<vmem>>, vector<16xi32>,
        %reduce_sum3A_1255 = arith.constant true
        %reduce_sum3A_1256 = vector.broadcast %reduce_sum3A_1255 : i1 to vector<16xi1>
        %reduce_sum3A_1257 = tpu.scan <sum>, %get3A_1247 masked %reduce_sum3A_1256 : vector<16xi32>, vector<16xi1> -> vector<16xi32>
        %reduce_sum3A_1258 = vector.extract %reduce_sum3A_1257[15] : i32 from vector<16xi32>
        %add3A_1259 = arith.addi %add3A_1245, %reduce_sum3A_1258 : i32
        %get3A_1260 = arith.constant 48 : index
        %get3A_1261 = tpu.vector_load %arg15[%get3A_1260] {strides = array<i32>} : memref<256xi32, #tpu.memory_space<vmem>>, vector<16xi32>,
        %broadcast_in_dim3A_1262 = arith.constant true
        %broadcast_in_dim3A_1263 = vector.broadcast %broadcast_in_dim3A_1262 : i1 to vector<16xi1>
        %masked_cumsum3A_1264 = tpu.scan <sum>, %get3A_1261 masked %broadcast_in_dim3A_1263 : vector<16xi32>, vector<16xi1> -> vector<16xi32>
        %add3A_1265 = vector.broadcast %add3A_1259 : i32 to vector<16xi32>
        %add3A_1266 = arith.addi %masked_cumsum3A_1264, %add3A_1265 : vector<16xi32>
        %swap3A_1267 = arith.constant 48 : index
        %swap3A_1268 = tpu.vector_load %arg16[%swap3A_1267] {strides = array<i32>} : memref<256xi32, #tpu.memory_space<vmem>>, vector<16xi32>,
        tpu.vector_store %arg16[%swap3A_1267], %add3A_1266 {strides = array<i32>} : memref<256xi32, #tpu.memory_space<vmem>>, vector<16xi32>,
        %reduce_sum3A_1269 = arith.constant true
        %reduce_sum3A_1270 = vector.broadcast %reduce_sum3A_1269 : i1 to vector<16xi1>
        %reduce_sum3A_1271 = tpu.scan <sum>, %get3A_1261 masked %reduce_sum3A_1270 : vector<16xi32>, vector<16xi1> -> vector<16xi32>
        %reduce_sum3A_1272 = vector.extract %reduce_sum3A_1271[15] : i32 from vector<16xi32>
        %add3A_1273 = arith.addi %add3A_1259, %reduce_sum3A_1272 : i32
        %get3A_1274 = arith.constant 0 : index
        %get3A_1275 = tpu.vector_load %arg16[%get3A_1274] {strides = array<i32>} : memref<256xi32, #tpu.memory_space<vmem>>, vector<16xi32>,
        %iota3A_1276 = tpu.iota {dimensions = array<i32: 0>} : vector<16xi32>
        %add3A_1277 = arith.constant 0 : i32
        %add3A_1278 = vector.broadcast %add3A_1277 : i32 to vector<16xi32>
        %add3A_1279 = arith.addi %iota3A_1276, %add3A_1278 : vector<16xi32>
        %ge3A_1280 = vector.broadcast %sub3A_1161 : i32 to vector<16xi32>
        %ge3A_1281 = arith.cmpi sge, %get3A_1275, %ge3A_1280 : vector<16xi32>
        %jit3A_1282 = arith.constant 64 : i32
        %broadcast_in_dim3A_1283 = vector.broadcast %jit3A_1282 : i32 to vector<16xi32>
        %select_n3A_1284 = arith.select %ge3A_1281, %add3A_1279, %broadcast_in_dim3A_1283 : vector<16xi1>, vector<16xi32>
        %reduce_min3A_1285 = arith.constant true
        %reduce_min3A_1286 = vector.broadcast %reduce_min3A_1285 : i1 to vector<16xi1>
        %reduce_min3A_1287 = arith.constant -2147483648 : i32
        %reduce_min3A_1288 = vector.broadcast %reduce_min3A_1287 : i32 to vector<16xi32>
        %reduce_min3A_1289 = arith.xori %select_n3A_1284, %reduce_min3A_1288 : vector<16xi32>
        %reduce_min3A_1290 = tpu.scan <min>, %reduce_min3A_1289 masked %reduce_min3A_1286 : vector<16xi32>, vector<16xi1> -> vector<16xi32>
        %reduce_min3A_1291 = arith.xori %reduce_min3A_1290, %reduce_min3A_1288 : vector<16xi32>
        %reduce_min3A_1292 = vector.extract %reduce_min3A_1291[15] : i32 from vector<16xi32>
        %min3A_1293 = arith.constant 64 : i32
        %min3A_1294 = arith.minsi %min3A_1293, %reduce_min3A_1292 : i32
        %get3A_1295 = arith.constant 16 : index
        %get3A_1296 = tpu.vector_load %arg16[%get3A_1295] {strides = array<i32>} : memref<256xi32, #tpu.memory_space<vmem>>, vector<16xi32>,
        %iota3A_1297 = tpu.iota {dimensions = array<i32: 0>} : vector<16xi32>
        %add3A_1298 = arith.constant 16 : i32
        %add3A_1299 = vector.broadcast %add3A_1298 : i32 to vector<16xi32>
        %add3A_1300 = arith.addi %iota3A_1297, %add3A_1299 : vector<16xi32>
        %ge3A_1301 = vector.broadcast %sub3A_1161 : i32 to vector<16xi32>
        %ge3A_1302 = arith.cmpi sge, %get3A_1296, %ge3A_1301 : vector<16xi32>
        %jit3A_1303 = arith.constant 64 : i32
        %broadcast_in_dim3A_1304 = vector.broadcast %jit3A_1303 : i32 to vector<16xi32>
        %select_n3A_1305 = arith.select %ge3A_1302, %add3A_1300, %broadcast_in_dim3A_1304 : vector<16xi1>, vector<16xi32>
        %reduce_min3A_1306 = arith.constant true
        %reduce_min3A_1307 = vector.broadcast %reduce_min3A_1306 : i1 to vector<16xi1>
        %reduce_min3A_1308 = arith.constant -2147483648 : i32
        %reduce_min3A_1309 = vector.broadcast %reduce_min3A_1308 : i32 to vector<16xi32>
        %reduce_min3A_1310 = arith.xori %select_n3A_1305, %reduce_min3A_1309 : vector<16xi32>
        %reduce_min3A_1311 = tpu.scan <min>, %reduce_min3A_1310 masked %reduce_min3A_1307 : vector<16xi32>, vector<16xi1> -> vector<16xi32>
        %reduce_min3A_1312 = arith.xori %reduce_min3A_1311, %reduce_min3A_1309 : vector<16xi32>
        %reduce_min3A_1313 = vector.extract %reduce_min3A_1312[15] : i32 from vector<16xi32>
        %min3A_1314 = arith.minsi %min3A_1294, %reduce_min3A_1313 : i32
        %get3A_1315 = arith.constant 32 : index
        %get3A_1316 = tpu.vector_load %arg16[%get3A_1315] {strides = array<i32>} : memref<256xi32, #tpu.memory_space<vmem>>, vector<16xi32>,
        %iota3A_1317 = tpu.iota {dimensions = array<i32: 0>} : vector<16xi32>
        %add3A_1318 = arith.constant 32 : i32
        %add3A_1319 = vector.broadcast %add3A_1318 : i32 to vector<16xi32>
        %add3A_1320 = arith.addi %iota3A_1317, %add3A_1319 : vector<16xi32>
        %ge3A_1321 = vector.broadcast %sub3A_1161 : i32 to vector<16xi32>
        %ge3A_1322 = arith.cmpi sge, %get3A_1316, %ge3A_1321 : vector<16xi32>
        %jit3A_1323 = arith.constant 64 : i32
        %broadcast_in_dim3A_1324 = vector.broadcast %jit3A_1323 : i32 to vector<16xi32>
        %select_n3A_1325 = arith.select %ge3A_1322, %add3A_1320, %broadcast_in_dim3A_1324 : vector<16xi1>, vector<16xi32>
        %reduce_min3A_1326 = arith.constant true
        %reduce_min3A_1327 = vector.broadcast %reduce_min3A_1326 : i1 to vector<16xi1>
        %reduce_min3A_1328 = arith.constant -2147483648 : i32
        %reduce_min3A_1329 = vector.broadcast %reduce_min3A_1328 : i32 to vector<16xi32>
        %reduce_min3A_1330 = arith.xori %select_n3A_1325, %reduce_min3A_1329 : vector<16xi32>
        %reduce_min3A_1331 = tpu.scan <min>, %reduce_min3A_1330 masked %reduce_min3A_1327 : vector<16xi32>, vector<16xi1> -> vector<16xi32>
        %reduce_min3A_1332 = arith.xori %reduce_min3A_1331, %reduce_min3A_1329 : vector<16xi32>
        %reduce_min3A_1333 = vector.extract %reduce_min3A_1332[15] : i32 from vector<16xi32>
        %min3A_1334 = arith.minsi %min3A_1314, %reduce_min3A_1333 : i32
        %get3A_1335 = arith.constant 48 : index
        %get3A_1336 = tpu.vector_load %arg16[%get3A_1335] {strides = array<i32>} : memref<256xi32, #tpu.memory_space<vmem>>, vector<16xi32>,
        %iota3A_1337 = tpu.iota {dimensions = array<i32: 0>} : vector<16xi32>
        %add3A_1338 = arith.constant 48 : i32
        %add3A_1339 = vector.broadcast %add3A_1338 : i32 to vector<16xi32>
        %add3A_1340 = arith.addi %iota3A_1337, %add3A_1339 : vector<16xi32>
        %ge3A_1341 = vector.broadcast %sub3A_1161 : i32 to vector<16xi32>
        %ge3A_1342 = arith.cmpi sge, %get3A_1336, %ge3A_1341 : vector<16xi32>
        %jit3A_1343 = arith.constant 64 : i32
        %broadcast_in_dim3A_1344 = vector.broadcast %jit3A_1343 : i32 to vector<16xi32>
        %select_n3A_1345 = arith.select %ge3A_1342, %add3A_1340, %broadcast_in_dim3A_1344 : vector<16xi1>, vector<16xi32>
        %reduce_min3A_1346 = arith.constant true
        %reduce_min3A_1347 = vector.broadcast %reduce_min3A_1346 : i1 to vector<16xi1>
        %reduce_min3A_1348 = arith.constant -2147483648 : i32
        %reduce_min3A_1349 = vector.broadcast %reduce_min3A_1348 : i32 to vector<16xi32>
        %reduce_min3A_1350 = arith.xori %select_n3A_1345, %reduce_min3A_1349 : vector<16xi32>
        %reduce_min3A_1351 = tpu.scan <min>, %reduce_min3A_1350 masked %reduce_min3A_1347 : vector<16xi32>, vector<16xi1> -> vector<16xi32>
        %reduce_min3A_1352 = arith.xori %reduce_min3A_1351, %reduce_min3A_1349 : vector<16xi32>
        %reduce_min3A_1353 = vector.extract %reduce_min3A_1352[15] : i32 from vector<16xi32>
        %min3A_1354 = arith.minsi %min3A_1334, %reduce_min3A_1353 : i32
        %broadcast_in_dim3A_1355 = arith.constant 0 : i32
        %broadcast_in_dim3A_1356 = vector.broadcast %broadcast_in_dim3A_1355 : i32 to vector<16xi32>
        %add3A_1357 = vector.broadcast %min3A_1354 : i32 to vector<16xi32>
        %add3A_1358 = arith.addi %broadcast_in_dim3A_1356, %add3A_1357 : vector<16xi32>
        %gather3A_1359 = tpu.vector_load_idx %arg15[%add3A_1358] : memref<256xi32, #tpu.memory_space<vmem>>[vector<16xi32>], vector<16xi32>,
        %reduce_min3A_1360 = arith.constant true
        %reduce_min3A_1361 = vector.broadcast %reduce_min3A_1360 : i1 to vector<16xi1>
        %reduce_min3A_1362 = arith.constant -2147483648 : i32
        %reduce_min3A_1363 = vector.broadcast %reduce_min3A_1362 : i32 to vector<16xi32>
        %reduce_min3A_1364 = arith.xori %gather3A_1359, %reduce_min3A_1363 : vector<16xi32>
        %reduce_min3A_1365 = tpu.scan <min>, %reduce_min3A_1364 masked %reduce_min3A_1361 : vector<16xi32>, vector<16xi1> -> vector<16xi32>
        %reduce_min3A_1366 = arith.xori %reduce_min3A_1365, %reduce_min3A_1363 : vector<16xi32>
        %reduce_min3A_1367 = vector.extract %reduce_min3A_1366[15] : i32 from vector<16xi32>
        %broadcast_in_dim3A_1368 = arith.constant 0 : i32
        %broadcast_in_dim3A_1369 = vector.broadcast %broadcast_in_dim3A_1368 : i32 to vector<16xi32>
        %add3A_1370 = vector.broadcast %min3A_1354 : i32 to vector<16xi32>
        %add3A_1371 = arith.addi %broadcast_in_dim3A_1369, %add3A_1370 : vector<16xi32>
        %gather3A_1372 = tpu.vector_load_idx %arg16[%add3A_1371] : memref<256xi32, #tpu.memory_space<vmem>>[vector<16xi32>], vector<16xi32>,
        %reduce_min3A_1373 = arith.constant true
        %reduce_min3A_1374 = vector.broadcast %reduce_min3A_1373 : i1 to vector<16xi1>
        %reduce_min3A_1375 = arith.constant -2147483648 : i32
        %reduce_min3A_1376 = vector.broadcast %reduce_min3A_1375 : i32 to vector<16xi32>
        %reduce_min3A_1377 = arith.xori %gather3A_1372, %reduce_min3A_1376 : vector<16xi32>
        %reduce_min3A_1378 = tpu.scan <min>, %reduce_min3A_1377 masked %reduce_min3A_1374 : vector<16xi32>, vector<16xi1> -> vector<16xi32>
        %reduce_min3A_1379 = arith.xori %reduce_min3A_1378, %reduce_min3A_1376 : vector<16xi32>
        %reduce_min3A_1380 = vector.extract %reduce_min3A_1379[15] : i32 from vector<16xi32>
        %sub3A_1381 = arith.subi %reduce_min3A_1380, %reduce_min3A_1367 : i32
        %broadcast_in_dim3A_1382 = arith.constant 0 : i32
        %broadcast_in_dim3A_1383 = vector.broadcast %broadcast_in_dim3A_1382 : i32 to vector<16xi32>
        %while3A_1384 = arith.constant 0 : i32
        %while3A_1385 = arith.subi %select_n3A_1203, %while3A_1384 : i32
        %while3A_1386 = arith.addi %while3A_1384, %while3A_1385 : i32
        %while3A_1387 = arith.constant 1 : i32
        %while3A_1388 = arith.divsi %while3A_1385, %while3A_1387 : i32
        %while3A_1389 = arith.muli %while3A_1388, %while3A_1387 : i32
        %while3A_1390 = arith.addi %while3A_1384, %while3A_1389 : i32
        %while3A_1391 = arith.constant 1 : i32
        %while3A_1392:2 = scf.for %while3A_1685 = %while3A_1384 to %while3A_1390 step %while3A_1391 iter_args(%while3A_1686 = %while3A_1152#0, %while3A_1687 = %broadcast_in_dim3A_1383) -> (vector<16xi32>, vector<16xi32>)  : i32 {
          %mul3A_1688 = arith.constant 16 : i32
          %mul3A_1689 = arith.muli %while3A_1685, %mul3A_1688 : i32
          %get3A_1690 = arith.index_cast %mul3A_1689 : i32 to index
          %get3A_1691 = tpu.vector_load %arg13[%get3A_1690] {strides = array<i32>} : memref<4128xi32, #tpu.memory_space<vmem>>, vector<16xi32>,
          %iota3A_1692 = tpu.iota {dimensions = array<i32: 0>} : vector<16xi32>
          %mul3A_1693 = arith.constant 16 : i32
          %mul3A_1694 = arith.muli %while3A_1685, %mul3A_1693 : i32
          %add3A_1695 = vector.broadcast %mul3A_1694 : i32 to vector<16xi32>
          %add3A_1696 = arith.addi %iota3A_1692, %add3A_1695 : vector<16xi32>
          %lt3A_1697 = vector.broadcast %reduce_min3A_1160 : i32 to vector<16xi32>
          %lt3A_1698 = arith.cmpi slt, %add3A_1696, %lt3A_1697 : vector<16xi32>
          %jit3A_1699 = arith.constant 0 : i32
          %broadcast_in_dim3A_1700 = vector.broadcast %jit3A_1699 : i32 to vector<16xi32>
          %select_n3A_1701 = arith.select %lt3A_1698, %get3A_1691, %broadcast_in_dim3A_1700 : vector<16xi1>, vector<16xi32>
          %gather3A_1702 = tpu.vector_load_idx %arg11[%select_n3A_1701] : memref<4096xi32, #tpu.memory_space<vmem>>[vector<16xi32>], vector<16xi32>,
          %shift_right_logical3A = arith.constant 0 : i32
          %shift_right_logical3A_1703 = vector.broadcast %shift_right_logical3A : i32 to vector<16xi32>
          %shift_right_logical3A_1704 = arith.shrui %gather3A_1702, %shift_right_logical3A_1703 : vector<16xi32>
          %and3A_1705 = arith.constant 63 : i32
          %and3A_1706 = vector.broadcast %and3A_1705 : i32 to vector<16xi32>
          %and3A_1707 = arith.andi %shift_right_logical3A_1704, %and3A_1706 : vector<16xi32>
          %lt3A_1708 = vector.broadcast %min3A_1354 : i32 to vector<16xi32>
          %lt3A_1709 = arith.cmpi slt, %and3A_1707, %lt3A_1708 : vector<16xi32>
          %and3A_1710 = arith.andi %lt3A_1698, %lt3A_1709 : vector<16xi1>
          %eq3A_1711 = vector.broadcast %min3A_1354 : i32 to vector<16xi32>
          %eq3A_1712 = arith.cmpi eq, %and3A_1707, %eq3A_1711 : vector<16xi32>
          %and3A_1713 = arith.andi %lt3A_1698, %eq3A_1712 : vector<16xi1>
          %convert_element_type3A_1714 = arith.extui %and3A_1710 : vector<16xi1> to vector<16xi32>
          %broadcast_in_dim3A_1715 = arith.constant true
          %broadcast_in_dim3A_1716 = vector.broadcast %broadcast_in_dim3A_1715 : i1 to vector<16xi1>
          %masked_cumsum3A_1717 = tpu.scan <sum>, %convert_element_type3A_1714 masked %broadcast_in_dim3A_1716 : vector<16xi32>, vector<16xi1> -> vector<16xi32>
          %add3A_1718 = arith.addi %while3A_1686, %masked_cumsum3A_1717 : vector<16xi32>
          %sub3A_1719 = arith.constant 1 : i32
          %sub3A_1720 = vector.broadcast %sub3A_1719 : i32 to vector<16xi32>
          %sub3A_1721 = arith.subi %add3A_1718, %sub3A_1720 : vector<16xi32>
          %jit3A_1722 = arith.constant 0 : i32
          %broadcast_in_dim3A_1723 = vector.broadcast %jit3A_1722 : i32 to vector<16xi32>
          %select_n3A_1724 = arith.select %and3A_1710, %sub3A_1721, %broadcast_in_dim3A_1723 : vector<16xi1>, vector<16xi32>
          tpu.vector_store_idx %arg14[%select_n3A_1724], %get3A_1691 masked %and3A_1710 : memref<64xi32, #tpu.memory_space<vmem>>[vector<16xi32>], vector<16xi32>, vector<16xi1>
          %all_reduce_population_count3A = tpu.all_reduce %and3A_1710 {dim = 0 : i64, kind = #tpu.reduction_kind<sum>} : vector<16xi1> -> vector<16xi32>
          %add3A_1725 = arith.addi %while3A_1686, %all_reduce_population_count3A : vector<16xi32>
          %convert_element_type3A_1726 = arith.extui %and3A_1713 : vector<16xi1> to vector<16xi32>
          %broadcast_in_dim3A_1727 = arith.constant true
          %broadcast_in_dim3A_1728 = vector.broadcast %broadcast_in_dim3A_1727 : i1 to vector<16xi1>
          %masked_cumsum3A_1729 = tpu.scan <sum>, %convert_element_type3A_1726 masked %broadcast_in_dim3A_1728 : vector<16xi32>, vector<16xi1> -> vector<16xi32>
          %add3A_1730 = arith.addi %while3A_1687, %masked_cumsum3A_1729 : vector<16xi32>
          %sub3A_1731 = arith.constant 1 : i32
          %sub3A_1732 = vector.broadcast %sub3A_1731 : i32 to vector<16xi32>
          %sub3A_1733 = arith.subi %add3A_1730, %sub3A_1732 : vector<16xi32>
          %jit3A_1734 = arith.constant 0 : i32
          %broadcast_in_dim3A_1735 = vector.broadcast %jit3A_1734 : i32 to vector<16xi32>
          %select_n3A_1736 = arith.select %and3A_1713, %sub3A_1733, %broadcast_in_dim3A_1735 : vector<16xi1>, vector<16xi32>
          tpu.vector_store_idx %arg12[%select_n3A_1736], %get3A_1691 masked %and3A_1713 : memref<4128xi32, #tpu.memory_space<vmem>>[vector<16xi32>], vector<16xi32>, vector<16xi1>
          %all_reduce_population_count3A_1737 = tpu.all_reduce %and3A_1713 {dim = 0 : i64, kind = #tpu.reduction_kind<sum>} : vector<16xi1> -> vector<16xi32>
          %add3A_1738 = arith.addi %while3A_1687, %all_reduce_population_count3A_1737 : vector<16xi32>
          scf.yield %add3A_1725, %add3A_1738 : vector<16xi32>, vector<16xi32>
        }
        %while3A_1393 = arith.constant 1 : i32
        %while3A_1394:2 = scf.for %while3A_1685 = %while3A_1390 to %while3A_1386 step %while3A_1393 iter_args(%while3A_1686 = %while3A_1392#0, %while3A_1687 = %while3A_1392#1) -> (vector<16xi32>, vector<16xi32>)  : i32 {
          %mul3A_1688 = arith.constant 16 : i32
          %mul3A_1689 = arith.muli %while3A_1685, %mul3A_1688 : i32
          %get3A_1690 = arith.index_cast %mul3A_1689 : i32 to index
          %get3A_1691 = tpu.vector_load %arg13[%get3A_1690] {strides = array<i32>} : memref<4128xi32, #tpu.memory_space<vmem>>, vector<16xi32>,
          %iota3A_1692 = tpu.iota {dimensions = array<i32: 0>} : vector<16xi32>
          %mul3A_1693 = arith.constant 16 : i32
          %mul3A_1694 = arith.muli %while3A_1685, %mul3A_1693 : i32
          %add3A_1695 = vector.broadcast %mul3A_1694 : i32 to vector<16xi32>
          %add3A_1696 = arith.addi %iota3A_1692, %add3A_1695 : vector<16xi32>
          %lt3A_1697 = vector.broadcast %reduce_min3A_1160 : i32 to vector<16xi32>
          %lt3A_1698 = arith.cmpi slt, %add3A_1696, %lt3A_1697 : vector<16xi32>
          %jit3A_1699 = arith.constant 0 : i32
          %broadcast_in_dim3A_1700 = vector.broadcast %jit3A_1699 : i32 to vector<16xi32>
          %select_n3A_1701 = arith.select %lt3A_1698, %get3A_1691, %broadcast_in_dim3A_1700 : vector<16xi1>, vector<16xi32>
          %gather3A_1702 = tpu.vector_load_idx %arg11[%select_n3A_1701] : memref<4096xi32, #tpu.memory_space<vmem>>[vector<16xi32>], vector<16xi32>,
          %shift_right_logical3A = arith.constant 0 : i32
          %shift_right_logical3A_1703 = vector.broadcast %shift_right_logical3A : i32 to vector<16xi32>
          %shift_right_logical3A_1704 = arith.shrui %gather3A_1702, %shift_right_logical3A_1703 : vector<16xi32>
          %and3A_1705 = arith.constant 63 : i32
          %and3A_1706 = vector.broadcast %and3A_1705 : i32 to vector<16xi32>
          %and3A_1707 = arith.andi %shift_right_logical3A_1704, %and3A_1706 : vector<16xi32>
          %lt3A_1708 = vector.broadcast %min3A_1354 : i32 to vector<16xi32>
          %lt3A_1709 = arith.cmpi slt, %and3A_1707, %lt3A_1708 : vector<16xi32>
          %and3A_1710 = arith.andi %lt3A_1698, %lt3A_1709 : vector<16xi1>
          %eq3A_1711 = vector.broadcast %min3A_1354 : i32 to vector<16xi32>
          %eq3A_1712 = arith.cmpi eq, %and3A_1707, %eq3A_1711 : vector<16xi32>
          %and3A_1713 = arith.andi %lt3A_1698, %eq3A_1712 : vector<16xi1>
          %convert_element_type3A_1714 = arith.extui %and3A_1710 : vector<16xi1> to vector<16xi32>
          %broadcast_in_dim3A_1715 = arith.constant true
          %broadcast_in_dim3A_1716 = vector.broadcast %broadcast_in_dim3A_1715 : i1 to vector<16xi1>
          %masked_cumsum3A_1717 = tpu.scan <sum>, %convert_element_type3A_1714 masked %broadcast_in_dim3A_1716 : vector<16xi32>, vector<16xi1> -> vector<16xi32>
          %add3A_1718 = arith.addi %while3A_1686, %masked_cumsum3A_1717 : vector<16xi32>
          %sub3A_1719 = arith.constant 1 : i32
          %sub3A_1720 = vector.broadcast %sub3A_1719 : i32 to vector<16xi32>
          %sub3A_1721 = arith.subi %add3A_1718, %sub3A_1720 : vector<16xi32>
          %jit3A_1722 = arith.constant 0 : i32
          %broadcast_in_dim3A_1723 = vector.broadcast %jit3A_1722 : i32 to vector<16xi32>
          %select_n3A_1724 = arith.select %and3A_1710, %sub3A_1721, %broadcast_in_dim3A_1723 : vector<16xi1>, vector<16xi32>
          tpu.vector_store_idx %arg14[%select_n3A_1724], %get3A_1691 masked %and3A_1710 : memref<64xi32, #tpu.memory_space<vmem>>[vector<16xi32>], vector<16xi32>, vector<16xi1>
          %all_reduce_population_count3A = tpu.all_reduce %and3A_1710 {dim = 0 : i64, kind = #tpu.reduction_kind<sum>} : vector<16xi1> -> vector<16xi32>
          %add3A_1725 = arith.addi %while3A_1686, %all_reduce_population_count3A : vector<16xi32>
          %convert_element_type3A_1726 = arith.extui %and3A_1713 : vector<16xi1> to vector<16xi32>
          %broadcast_in_dim3A_1727 = arith.constant true
          %broadcast_in_dim3A_1728 = vector.broadcast %broadcast_in_dim3A_1727 : i1 to vector<16xi1>
          %masked_cumsum3A_1729 = tpu.scan <sum>, %convert_element_type3A_1726 masked %broadcast_in_dim3A_1728 : vector<16xi32>, vector<16xi1> -> vector<16xi32>
          %add3A_1730 = arith.addi %while3A_1687, %masked_cumsum3A_1729 : vector<16xi32>
          %sub3A_1731 = arith.constant 1 : i32
          %sub3A_1732 = vector.broadcast %sub3A_1731 : i32 to vector<16xi32>
          %sub3A_1733 = arith.subi %add3A_1730, %sub3A_1732 : vector<16xi32>
          %jit3A_1734 = arith.constant 0 : i32
          %broadcast_in_dim3A_1735 = vector.broadcast %jit3A_1734 : i32 to vector<16xi32>
          %select_n3A_1736 = arith.select %and3A_1713, %sub3A_1733, %broadcast_in_dim3A_1735 : vector<16xi1>, vector<16xi32>
          tpu.vector_store_idx %arg12[%select_n3A_1736], %get3A_1691 masked %and3A_1713 : memref<4128xi32, #tpu.memory_space<vmem>>[vector<16xi32>], vector<16xi32>, vector<16xi1>
          %all_reduce_population_count3A_1737 = tpu.all_reduce %and3A_1713 {dim = 0 : i64, kind = #tpu.reduction_kind<sum>} : vector<16xi1> -> vector<16xi32>
          %add3A_1738 = arith.addi %while3A_1687, %all_reduce_population_count3A_1737 : vector<16xi32>
          scf.yield %add3A_1725, %add3A_1738 : vector<16xi32>, vector<16xi32>
        }
        %reduce_min3A_1395 = arith.constant true
        %reduce_min3A_1396 = vector.broadcast %reduce_min3A_1395 : i1 to vector<16xi1>
        %reduce_min3A_1397 = arith.constant -2147483648 : i32
        %reduce_min3A_1398 = vector.broadcast %reduce_min3A_1397 : i32 to vector<16xi32>
        %reduce_min3A_1399 = arith.xori %while3A_1394#1, %reduce_min3A_1398 : vector<16xi32>
        %reduce_min3A_1400 = tpu.scan <min>, %reduce_min3A_1399 masked %reduce_min3A_1396 : vector<16xi32>, vector<16xi1> -> vector<16xi32>
        %reduce_min3A_1401 = arith.xori %reduce_min3A_1400, %reduce_min3A_1398 : vector<16xi32>
        %reduce_min3A_1402 = vector.extract %reduce_min3A_1401[15] : i32 from vector<16xi32>
        %sub3A_1403 = arith.subi %sub3A_1161, %sub3A_1381 : i32
        %add3A_1404 = arith.constant 15 : i32
        %add3A_1405 = arith.addi %sub3A_1403, %add3A_1404 : i32
        %jit3A_1406 = arith.constant 16 : i32
        %div3A_1407 = arith.divsi %add3A_1405, %jit3A_1406 : i32
        %sign3A_1408 = arith.constant 0 : i32
        %sign3A_1409 = arith.cmpi sgt, %add3A_1405, %sign3A_1408 : i32
        %sign3A_1410 = arith.extui %sign3A_1409 : i1 to i32
        %sign3A_1411 = arith.constant 0 : i32
        %sign3A_1412 = arith.cmpi slt, %add3A_1405, %sign3A_1411 : i32
        %sign3A_1413 = arith.extui %sign3A_1412 : i1 to i32
        %sign3A_1414 = arith.subi %sign3A_1410, %sign3A_1413 : i32
        %sign3A_1415 = arith.constant 0 : i32
        %sign3A_1416 = arith.cmpi sgt, %jit3A_1406, %sign3A_1415 : i32
        %sign3A_1417 = arith.extui %sign3A_1416 : i1 to i32
        %sign3A_1418 = arith.constant 0 : i32
        %sign3A_1419 = arith.cmpi slt, %jit3A_1406, %sign3A_1418 : i32
        %sign3A_1420 = arith.extui %sign3A_1419 : i1 to i32
        %sign3A_1421 = arith.subi %sign3A_1417, %sign3A_1420 : i32
        %ne3A_1422 = arith.cmpi ne, %sign3A_1414, %sign3A_1421 : i32
        %rem3A_1423 = arith.remsi %add3A_1405, %jit3A_1406 : i32
        %ne3A_1424 = arith.constant 0 : i32
        %ne3A_1425 = arith.cmpi ne, %rem3A_1423, %ne3A_1424 : i32
        %and3A_1426 = arith.andi %ne3A_1422, %ne3A_1425 : i1
        %sub3A_1427 = arith.constant 1 : i32
        %sub3A_1428 = arith.subi %div3A_1407, %sub3A_1427 : i32
        %select_n3A_1429 = arith.select %and3A_1426, %sub3A_1428, %div3A_1407 : i32
        %while3A_1430 = arith.constant 0 : i32
        %while3A_1431 = arith.subi %select_n3A_1429, %while3A_1430 : i32
        %while3A_1432 = arith.addi %while3A_1430, %while3A_1431 : i32
        %while3A_1433 = arith.constant 1 : i32
        %while3A_1434 = arith.divsi %while3A_1431, %while3A_1433 : i32
        %while3A_1435 = arith.muli %while3A_1434, %while3A_1433 : i32
        %while3A_1436 = arith.addi %while3A_1430, %while3A_1435 : i32
        %while3A_1437 = arith.constant 1 : i32
        %while3A_1438 = scf.for %while3A_1685 = %while3A_1430 to %while3A_1436 step %while3A_1437 iter_args(%while3A_1686 = %while3A_1394#0) -> (vector<16xi32>)  : i32 {
          %mul3A_1687 = arith.constant 16 : i32
          %mul3A_1688 = arith.muli %while3A_1685, %mul3A_1687 : i32
          %get3A_1689 = arith.index_cast %mul3A_1688 : i32 to index
          %get3A_1690 = tpu.vector_load %arg12[%get3A_1689] {strides = array<i32>} : memref<4128xi32, #tpu.memory_space<vmem>>, vector<16xi32>,
          %iota3A_1691 = tpu.iota {dimensions = array<i32: 0>} : vector<16xi32>
          %mul3A_1692 = arith.constant 16 : i32
          %mul3A_1693 = arith.muli %while3A_1685, %mul3A_1692 : i32
          %add3A_1694 = vector.broadcast %mul3A_1693 : i32 to vector<16xi32>
          %add3A_1695 = arith.addi %iota3A_1691, %add3A_1694 : vector<16xi32>
          %lt3A_1696 = vector.broadcast %sub3A_1403 : i32 to vector<16xi32>
          %lt3A_1697 = arith.cmpi slt, %add3A_1695, %lt3A_1696 : vector<16xi32>
          %convert_element_type3A_1698 = arith.extui %lt3A_1697 : vector<16xi1> to vector<16xi32>
          %broadcast_in_dim3A_1699 = arith.constant true
          %broadcast_in_dim3A_1700 = vector.broadcast %broadcast_in_dim3A_1699 : i1 to vector<16xi1>
          %masked_cumsum3A_1701 = tpu.scan <sum>, %convert_element_type3A_1698 masked %broadcast_in_dim3A_1700 : vector<16xi32>, vector<16xi1> -> vector<16xi32>
          %add3A_1702 = arith.addi %while3A_1686, %masked_cumsum3A_1701 : vector<16xi32>
          %sub3A_1703 = arith.constant 1 : i32
          %sub3A_1704 = vector.broadcast %sub3A_1703 : i32 to vector<16xi32>
          %sub3A_1705 = arith.subi %add3A_1702, %sub3A_1704 : vector<16xi32>
          %jit3A_1706 = arith.constant 0 : i32
          %broadcast_in_dim3A_1707 = vector.broadcast %jit3A_1706 : i32 to vector<16xi32>
          %select_n3A_1708 = arith.select %lt3A_1697, %sub3A_1705, %broadcast_in_dim3A_1707 : vector<16xi1>, vector<16xi32>
          tpu.vector_store_idx %arg14[%select_n3A_1708], %get3A_1690 masked %lt3A_1697 : memref<64xi32, #tpu.memory_space<vmem>>[vector<16xi32>], vector<16xi32>, vector<16xi1>
          %all_reduce_population_count3A = tpu.all_reduce %lt3A_1697 {dim = 0 : i64, kind = #tpu.reduction_kind<sum>} : vector<16xi1> -> vector<16xi32>
          %add3A_1709 = arith.addi %while3A_1686, %all_reduce_population_count3A : vector<16xi32>
          scf.yield %add3A_1709 : vector<16xi32>
        }
        %while3A_1439 = arith.constant 1 : i32
        %while3A_1440 = scf.for %while3A_1685 = %while3A_1436 to %while3A_1432 step %while3A_1439 iter_args(%while3A_1686 = %while3A_1438) -> (vector<16xi32>)  : i32 {
          %mul3A_1687 = arith.constant 16 : i32
          %mul3A_1688 = arith.muli %while3A_1685, %mul3A_1687 : i32
          %get3A_1689 = arith.index_cast %mul3A_1688 : i32 to index
          %get3A_1690 = tpu.vector_load %arg12[%get3A_1689] {strides = array<i32>} : memref<4128xi32, #tpu.memory_space<vmem>>, vector<16xi32>,
          %iota3A_1691 = tpu.iota {dimensions = array<i32: 0>} : vector<16xi32>
          %mul3A_1692 = arith.constant 16 : i32
          %mul3A_1693 = arith.muli %while3A_1685, %mul3A_1692 : i32
          %add3A_1694 = vector.broadcast %mul3A_1693 : i32 to vector<16xi32>
          %add3A_1695 = arith.addi %iota3A_1691, %add3A_1694 : vector<16xi32>
          %lt3A_1696 = vector.broadcast %sub3A_1403 : i32 to vector<16xi32>
          %lt3A_1697 = arith.cmpi slt, %add3A_1695, %lt3A_1696 : vector<16xi32>
          %convert_element_type3A_1698 = arith.extui %lt3A_1697 : vector<16xi1> to vector<16xi32>
          %broadcast_in_dim3A_1699 = arith.constant true
          %broadcast_in_dim3A_1700 = vector.broadcast %broadcast_in_dim3A_1699 : i1 to vector<16xi1>
          %masked_cumsum3A_1701 = tpu.scan <sum>, %convert_element_type3A_1698 masked %broadcast_in_dim3A_1700 : vector<16xi32>, vector<16xi1> -> vector<16xi32>
          %add3A_1702 = arith.addi %while3A_1686, %masked_cumsum3A_1701 : vector<16xi32>
          %sub3A_1703 = arith.constant 1 : i32
          %sub3A_1704 = vector.broadcast %sub3A_1703 : i32 to vector<16xi32>
          %sub3A_1705 = arith.subi %add3A_1702, %sub3A_1704 : vector<16xi32>
          %jit3A_1706 = arith.constant 0 : i32
          %broadcast_in_dim3A_1707 = vector.broadcast %jit3A_1706 : i32 to vector<16xi32>
          %select_n3A_1708 = arith.select %lt3A_1697, %sub3A_1705, %broadcast_in_dim3A_1707 : vector<16xi1>, vector<16xi32>
          tpu.vector_store_idx %arg14[%select_n3A_1708], %get3A_1690 masked %lt3A_1697 : memref<64xi32, #tpu.memory_space<vmem>>[vector<16xi32>], vector<16xi32>, vector<16xi1>
          %all_reduce_population_count3A = tpu.all_reduce %lt3A_1697 {dim = 0 : i64, kind = #tpu.reduction_kind<sum>} : vector<16xi1> -> vector<16xi32>
          %add3A_1709 = arith.addi %while3A_1686, %all_reduce_population_count3A : vector<16xi32>
          scf.yield %add3A_1709 : vector<16xi32>
        }
        %get3A_1441 = arith.constant 0 : index
        %get3A_1442 = tpu.vector_load %arg14[%get3A_1441] {strides = array<i32>} : memref<64xi32, #tpu.memory_space<vmem>>, vector<16xi32>,
        %iota3A_1443 = tpu.iota {dimensions = array<i32: 0>} : vector<16xi32>
        %add3A_1444 = arith.constant 0 : i32
        %add3A_1445 = vector.broadcast %add3A_1444 : i32 to vector<16xi32>
        %add3A_1446 = arith.addi %iota3A_1443, %add3A_1445 : vector<16xi32>
        %lt3A_1447 = arith.constant 40 : i32
        %lt3A_1448 = vector.broadcast %lt3A_1447 : i32 to vector<16xi32>
        %lt3A_1449 = arith.cmpi slt, %add3A_1446, %lt3A_1448 : vector<16xi32>
        %jit3A_1450 = arith.constant 0 : i32
        %broadcast_in_dim3A_1451 = vector.broadcast %jit3A_1450 : i32 to vector<16xi32>
        %select_n3A_1452 = arith.select %lt3A_1449, %get3A_1442, %broadcast_in_dim3A_1451 : vector<16xi1>, vector<16xi32>
        %gather3A_1453 = tpu.vector_load_idx %arg9[%select_n3A_1452] : memref<4096xi32, #tpu.memory_space<vmem>>[vector<16xi32>], vector<16xi32>,
        %gather3A_1454 = tpu.vector_load_idx %arg11[%select_n3A_1452] : memref<4096xi32, #tpu.memory_space<vmem>>[vector<16xi32>], vector<16xi32>,
        %xor3A = arith.constant -2147483648 : i32
        %xor3A_1455 = vector.broadcast %xor3A : i32 to vector<16xi32>
        %xor3A_1456 = arith.xori %gather3A_1454, %xor3A_1455 : vector<16xi32>
        %jit3A_1457 = arith.constant 2147483647 : i32
        %broadcast_in_dim3A_1458 = vector.broadcast %jit3A_1457 : i32 to vector<16xi32>
        %select_n3A_1459 = arith.select %lt3A_1449, %gather3A_1453, %broadcast_in_dim3A_1458 : vector<16xi1>, vector<16xi32>
        %jit3A_1460 = arith.constant 2147483647 : i32
        %broadcast_in_dim3A_1461 = vector.broadcast %jit3A_1460 : i32 to vector<16xi32>
        %select_n3A_1462 = arith.select %lt3A_1449, %xor3A_1456, %broadcast_in_dim3A_1461 : vector<16xi1>, vector<16xi32>
        %get3A_1463 = arith.constant 16 : index
        %get3A_1464 = tpu.vector_load %arg14[%get3A_1463] {strides = array<i32>} : memref<64xi32, #tpu.memory_space<vmem>>, vector<16xi32>,
        %iota3A_1465 = tpu.iota {dimensions = array<i32: 0>} : vector<16xi32>
        %add3A_1466 = arith.constant 16 : i32
        %add3A_1467 = vector.broadcast %add3A_1466 : i32 to vector<16xi32>
        %add3A_1468 = arith.addi %iota3A_1465, %add3A_1467 : vector<16xi32>
        %lt3A_1469 = arith.constant 40 : i32
        %lt3A_1470 = vector.broadcast %lt3A_1469 : i32 to vector<16xi32>
        %lt3A_1471 = arith.cmpi slt, %add3A_1468, %lt3A_1470 : vector<16xi32>
        %jit3A_1472 = arith.constant 0 : i32
        %broadcast_in_dim3A_1473 = vector.broadcast %jit3A_1472 : i32 to vector<16xi32>
        %select_n3A_1474 = arith.select %lt3A_1471, %get3A_1464, %broadcast_in_dim3A_1473 : vector<16xi1>, vector<16xi32>
        %gather3A_1475 = tpu.vector_load_idx %arg9[%select_n3A_1474] : memref<4096xi32, #tpu.memory_space<vmem>>[vector<16xi32>], vector<16xi32>,
        %gather3A_1476 = tpu.vector_load_idx %arg11[%select_n3A_1474] : memref<4096xi32, #tpu.memory_space<vmem>>[vector<16xi32>], vector<16xi32>,
        %xor3A_1477 = arith.constant -2147483648 : i32
        %xor3A_1478 = vector.broadcast %xor3A_1477 : i32 to vector<16xi32>
        %xor3A_1479 = arith.xori %gather3A_1476, %xor3A_1478 : vector<16xi32>
        %jit3A_1480 = arith.constant 2147483647 : i32
        %broadcast_in_dim3A_1481 = vector.broadcast %jit3A_1480 : i32 to vector<16xi32>
        %select_n3A_1482 = arith.select %lt3A_1471, %gather3A_1475, %broadcast_in_dim3A_1481 : vector<16xi1>, vector<16xi32>
        %jit3A_1483 = arith.constant 2147483647 : i32
        %broadcast_in_dim3A_1484 = vector.broadcast %jit3A_1483 : i32 to vector<16xi32>
        %select_n3A_1485 = arith.select %lt3A_1471, %xor3A_1479, %broadcast_in_dim3A_1484 : vector<16xi1>, vector<16xi32>
        %get3A_1486 = arith.constant 32 : index
        %get3A_1487 = tpu.vector_load %arg14[%get3A_1486] {strides = array<i32>} : memref<64xi32, #tpu.memory_space<vmem>>, vector<16xi32>,
        %iota3A_1488 = tpu.iota {dimensions = array<i32: 0>} : vector<16xi32>
        %add3A_1489 = arith.constant 32 : i32
        %add3A_1490 = vector.broadcast %add3A_1489 : i32 to vector<16xi32>
        %add3A_1491 = arith.addi %iota3A_1488, %add3A_1490 : vector<16xi32>
        %lt3A_1492 = arith.constant 40 : i32
        %lt3A_1493 = vector.broadcast %lt3A_1492 : i32 to vector<16xi32>
        %lt3A_1494 = arith.cmpi slt, %add3A_1491, %lt3A_1493 : vector<16xi32>
        %jit3A_1495 = arith.constant 0 : i32
        %broadcast_in_dim3A_1496 = vector.broadcast %jit3A_1495 : i32 to vector<16xi32>
        %select_n3A_1497 = arith.select %lt3A_1494, %get3A_1487, %broadcast_in_dim3A_1496 : vector<16xi1>, vector<16xi32>
        %gather3A_1498 = tpu.vector_load_idx %arg9[%select_n3A_1497] : memref<4096xi32, #tpu.memory_space<vmem>>[vector<16xi32>], vector<16xi32>,
        %gather3A_1499 = tpu.vector_load_idx %arg11[%select_n3A_1497] : memref<4096xi32, #tpu.memory_space<vmem>>[vector<16xi32>], vector<16xi32>,
        %xor3A_1500 = arith.constant -2147483648 : i32
        %xor3A_1501 = vector.broadcast %xor3A_1500 : i32 to vector<16xi32>
        %xor3A_1502 = arith.xori %gather3A_1499, %xor3A_1501 : vector<16xi32>
        %jit3A_1503 = arith.constant 2147483647 : i32
        %broadcast_in_dim3A_1504 = vector.broadcast %jit3A_1503 : i32 to vector<16xi32>
        %select_n3A_1505 = arith.select %lt3A_1494, %gather3A_1498, %broadcast_in_dim3A_1504 : vector<16xi1>, vector<16xi32>
        %jit3A_1506 = arith.constant 2147483647 : i32
        %broadcast_in_dim3A_1507 = vector.broadcast %jit3A_1506 : i32 to vector<16xi32>
        %select_n3A_1508 = arith.select %lt3A_1494, %xor3A_1502, %broadcast_in_dim3A_1507 : vector<16xi1>, vector<16xi32>
        %jit3A_1509 = arith.constant 2147483647 : i32
        %broadcast_in_dim3A_1510 = vector.broadcast %jit3A_1509 : i32 to vector<16xi32>
        %select_n3A_1511 = arith.select %lt3A_1449, %select_n3A_1459, %broadcast_in_dim3A_1510 : vector<16xi1>, vector<16xi32>
        %jit3A_1512 = arith.constant 2147483647 : i32
        %broadcast_in_dim3A_1513 = vector.broadcast %jit3A_1512 : i32 to vector<16xi32>
        %select_n3A_1514 = arith.select %lt3A_1471, %select_n3A_1482, %broadcast_in_dim3A_1513 : vector<16xi1>, vector<16xi32>
        %min3A_1515 = arith.minsi %select_n3A_1511, %select_n3A_1514 : vector<16xi32>
        %jit3A_1516 = arith.constant 2147483647 : i32
        %broadcast_in_dim3A_1517 = vector.broadcast %jit3A_1516 : i32 to vector<16xi32>
        %select_n3A_1518 = arith.select %lt3A_1494, %select_n3A_1505, %broadcast_in_dim3A_1517 : vector<16xi1>, vector<16xi32>
        %min3A_1519 = arith.minsi %min3A_1515, %select_n3A_1518 : vector<16xi32>
        %reduce_min3A_1520 = arith.constant true
        %reduce_min3A_1521 = vector.broadcast %reduce_min3A_1520 : i1 to vector<16xi1>
        %reduce_min3A_1522 = arith.constant -2147483648 : i32
        %reduce_min3A_1523 = vector.broadcast %reduce_min3A_1522 : i32 to vector<16xi32>
        %reduce_min3A_1524 = arith.xori %min3A_1519, %reduce_min3A_1523 : vector<16xi32>
        %reduce_min3A_1525 = tpu.scan <min>, %reduce_min3A_1524 masked %reduce_min3A_1521 : vector<16xi32>, vector<16xi1> -> vector<16xi32>
        %reduce_min3A_1526 = arith.xori %reduce_min3A_1525, %reduce_min3A_1523 : vector<16xi32>
        %reduce_min3A_1527 = vector.extract %reduce_min3A_1526[15] : i32 from vector<16xi32>
        %eq3A = vector.broadcast %reduce_min3A_1527 : i32 to vector<16xi32>
        %eq3A_1528 = arith.cmpi eq, %select_n3A_1459, %eq3A : vector<16xi32>
        %and3A_1529 = arith.andi %lt3A_1449, %eq3A_1528 : vector<16xi1>
        %eq3A_1530 = vector.broadcast %reduce_min3A_1527 : i32 to vector<16xi32>
        %eq3A_1531 = arith.cmpi eq, %select_n3A_1482, %eq3A_1530 : vector<16xi32>
        %and3A_1532 = arith.andi %lt3A_1471, %eq3A_1531 : vector<16xi1>
        %eq3A_1533 = vector.broadcast %reduce_min3A_1527 : i32 to vector<16xi32>
        %eq3A_1534 = arith.cmpi eq, %select_n3A_1505, %eq3A_1533 : vector<16xi32>
        %and3A_1535 = arith.andi %lt3A_1494, %eq3A_1534 : vector<16xi1>
        %jit3A_1536 = arith.constant 2147483647 : i32
        %broadcast_in_dim3A_1537 = vector.broadcast %jit3A_1536 : i32 to vector<16xi32>
        %select_n3A_1538 = arith.select %and3A_1529, %select_n3A_1462, %broadcast_in_dim3A_1537 : vector<16xi1>, vector<16xi32>
        %jit3A_1539 = arith.constant 2147483647 : i32
        %broadcast_in_dim3A_1540 = vector.broadcast %jit3A_1539 : i32 to vector<16xi32>
        %select_n3A_1541 = arith.select %and3A_1532, %select_n3A_1485, %broadcast_in_dim3A_1540 : vector<16xi1>, vector<16xi32>
        %min3A_1542 = arith.minsi %select_n3A_1538, %select_n3A_1541 : vector<16xi32>
        %jit3A_1543 = arith.constant 2147483647 : i32
        %broadcast_in_dim3A_1544 = vector.broadcast %jit3A_1543 : i32 to vector<16xi32>
        %select_n3A_1545 = arith.select %and3A_1535, %select_n3A_1508, %broadcast_in_dim3A_1544 : vector<16xi1>, vector<16xi32>
        %min3A_1546 = arith.minsi %min3A_1542, %select_n3A_1545 : vector<16xi32>
        %reduce_min3A_1547 = arith.constant true
        %reduce_min3A_1548 = vector.broadcast %reduce_min3A_1547 : i1 to vector<16xi1>
        %reduce_min3A_1549 = arith.constant -2147483648 : i32
        %reduce_min3A_1550 = vector.broadcast %reduce_min3A_1549 : i32 to vector<16xi32>
        %reduce_min3A_1551 = arith.xori %min3A_1546, %reduce_min3A_1550 : vector<16xi32>
        %reduce_min3A_1552 = tpu.scan <min>, %reduce_min3A_1551 masked %reduce_min3A_1548 : vector<16xi32>, vector<16xi1> -> vector<16xi32>
        %reduce_min3A_1553 = arith.xori %reduce_min3A_1552, %reduce_min3A_1550 : vector<16xi32>
        %reduce_min3A_1554 = vector.extract %reduce_min3A_1553[15] : i32 from vector<16xi32>
        %eq3A_1555 = vector.broadcast %reduce_min3A_1554 : i32 to vector<16xi32>
        %eq3A_1556 = arith.cmpi eq, %select_n3A_1462, %eq3A_1555 : vector<16xi32>
        %and3A_1557 = arith.andi %and3A_1529, %eq3A_1556 : vector<16xi1>
        %eq3A_1558 = vector.broadcast %reduce_min3A_1554 : i32 to vector<16xi32>
        %eq3A_1559 = arith.cmpi eq, %select_n3A_1485, %eq3A_1558 : vector<16xi32>
        %and3A_1560 = arith.andi %and3A_1532, %eq3A_1559 : vector<16xi1>
        %eq3A_1561 = vector.broadcast %reduce_min3A_1554 : i32 to vector<16xi32>
        %eq3A_1562 = arith.cmpi eq, %select_n3A_1508, %eq3A_1561 : vector<16xi32>
        %and3A_1563 = arith.andi %and3A_1535, %eq3A_1562 : vector<16xi1>
        %jit3A_1564 = arith.constant 4096 : i32
        %broadcast_in_dim3A_1565 = vector.broadcast %jit3A_1564 : i32 to vector<16xi32>
        %select_n3A_1566 = arith.select %and3A_1557, %select_n3A_1452, %broadcast_in_dim3A_1565 : vector<16xi1>, vector<16xi32>
        %jit3A_1567 = arith.constant 4096 : i32
        %broadcast_in_dim3A_1568 = vector.broadcast %jit3A_1567 : i32 to vector<16xi32>
        %select_n3A_1569 = arith.select %and3A_1560, %select_n3A_1474, %broadcast_in_dim3A_1568 : vector<16xi1>, vector<16xi32>
        %min3A_1570 = arith.minsi %select_n3A_1566, %select_n3A_1569 : vector<16xi32>
        %jit3A_1571 = arith.constant 4096 : i32
        %broadcast_in_dim3A_1572 = vector.broadcast %jit3A_1571 : i32 to vector<16xi32>
        %select_n3A_1573 = arith.select %and3A_1563, %select_n3A_1497, %broadcast_in_dim3A_1572 : vector<16xi1>, vector<16xi32>
        %min3A_1574 = arith.minsi %min3A_1570, %select_n3A_1573 : vector<16xi32>
        %reduce_min3A_1575 = arith.constant true
        %reduce_min3A_1576 = vector.broadcast %reduce_min3A_1575 : i1 to vector<16xi1>
        %reduce_min3A_1577 = arith.constant -2147483648 : i32
        %reduce_min3A_1578 = vector.broadcast %reduce_min3A_1577 : i32 to vector<16xi32>
        %reduce_min3A_1579 = arith.xori %min3A_1574, %reduce_min3A_1578 : vector<16xi32>
        %reduce_min3A_1580 = tpu.scan <min>, %reduce_min3A_1579 masked %reduce_min3A_1576 : vector<16xi32>, vector<16xi1> -> vector<16xi32>
        %reduce_min3A_1581 = arith.xori %reduce_min3A_1580, %reduce_min3A_1578 : vector<16xi32>
        %reduce_min3A_1582 = vector.extract %reduce_min3A_1581[15] : i32 from vector<16xi32>
        %ne3A_1583 = vector.broadcast %reduce_min3A_1582 : i32 to vector<16xi32>
        %ne3A_1584 = arith.cmpi ne, %select_n3A_1452, %ne3A_1583 : vector<16xi32>
        %and3A_1585 = arith.andi %lt3A_1449, %ne3A_1584 : vector<16xi1>
        %ne3A_1586 = vector.broadcast %reduce_min3A_1582 : i32 to vector<16xi32>
        %ne3A_1587 = arith.cmpi ne, %select_n3A_1474, %ne3A_1586 : vector<16xi32>
        %and3A_1588 = arith.andi %lt3A_1471, %ne3A_1587 : vector<16xi1>
        %ne3A_1589 = vector.broadcast %reduce_min3A_1582 : i32 to vector<16xi32>
        %ne3A_1590 = arith.cmpi ne, %select_n3A_1497, %ne3A_1589 : vector<16xi32>
        %and3A_1591 = arith.andi %lt3A_1494, %ne3A_1590 : vector<16xi1>
        %jit3A_1592 = arith.constant 2147483647 : i32
        %broadcast_in_dim3A_1593 = vector.broadcast %jit3A_1592 : i32 to vector<16xi32>
        %select_n3A_1594 = arith.select %and3A_1585, %select_n3A_1459, %broadcast_in_dim3A_1593 : vector<16xi1>, vector<16xi32>
        %jit3A_1595 = arith.constant 2147483647 : i32
        %broadcast_in_dim3A_1596 = vector.broadcast %jit3A_1595 : i32 to vector<16xi32>
        %select_n3A_1597 = arith.select %and3A_1588, %select_n3A_1482, %broadcast_in_dim3A_1596 : vector<16xi1>, vector<16xi32>
        %min3A_1598 = arith.minsi %select_n3A_1594, %select_n3A_1597 : vector<16xi32>
        %jit3A_1599 = arith.constant 2147483647 : i32
        %broadcast_in_dim3A_1600 = vector.broadcast %jit3A_1599 : i32 to vector<16xi32>
        %select_n3A_1601 = arith.select %and3A_1591, %select_n3A_1505, %broadcast_in_dim3A_1600 : vector<16xi1>, vector<16xi32>
        %min3A_1602 = arith.minsi %min3A_1598, %select_n3A_1601 : vector<16xi32>
        %reduce_min3A_1603 = arith.constant true
        %reduce_min3A_1604 = vector.broadcast %reduce_min3A_1603 : i1 to vector<16xi1>
        %reduce_min3A_1605 = arith.constant -2147483648 : i32
        %reduce_min3A_1606 = vector.broadcast %reduce_min3A_1605 : i32 to vector<16xi32>
        %reduce_min3A_1607 = arith.xori %min3A_1602, %reduce_min3A_1606 : vector<16xi32>
        %reduce_min3A_1608 = tpu.scan <min>, %reduce_min3A_1607 masked %reduce_min3A_1604 : vector<16xi32>, vector<16xi1> -> vector<16xi32>
        %reduce_min3A_1609 = arith.xori %reduce_min3A_1608, %reduce_min3A_1606 : vector<16xi32>
        %reduce_min3A_1610 = vector.extract %reduce_min3A_1609[15] : i32 from vector<16xi32>
        %eq3A_1611 = vector.broadcast %reduce_min3A_1610 : i32 to vector<16xi32>
        %eq3A_1612 = arith.cmpi eq, %select_n3A_1459, %eq3A_1611 : vector<16xi32>
        %and3A_1613 = arith.andi %and3A_1585, %eq3A_1612 : vector<16xi1>
        %eq3A_1614 = vector.broadcast %reduce_min3A_1610 : i32 to vector<16xi32>
        %eq3A_1615 = arith.cmpi eq, %select_n3A_1482, %eq3A_1614 : vector<16xi32>
        %and3A_1616 = arith.andi %and3A_1588, %eq3A_1615 : vector<16xi1>
        %eq3A_1617 = vector.broadcast %reduce_min3A_1610 : i32 to vector<16xi32>
        %eq3A_1618 = arith.cmpi eq, %select_n3A_1505, %eq3A_1617 : vector<16xi32>
        %and3A_1619 = arith.andi %and3A_1591, %eq3A_1618 : vector<16xi1>
        %jit3A_1620 = arith.constant 2147483647 : i32
        %broadcast_in_dim3A_1621 = vector.broadcast %jit3A_1620 : i32 to vector<16xi32>
        %select_n3A_1622 = arith.select %and3A_1613, %select_n3A_1462, %broadcast_in_dim3A_1621 : vector<16xi1>, vector<16xi32>
        %jit3A_1623 = arith.constant 2147483647 : i32
        %broadcast_in_dim3A_1624 = vector.broadcast %jit3A_1623 : i32 to vector<16xi32>
        %select_n3A_1625 = arith.select %and3A_1616, %select_n3A_1485, %broadcast_in_dim3A_1624 : vector<16xi1>, vector<16xi32>
        %min3A_1626 = arith.minsi %select_n3A_1622, %select_n3A_1625 : vector<16xi32>
        %jit3A_1627 = arith.constant 2147483647 : i32
        %broadcast_in_dim3A_1628 = vector.broadcast %jit3A_1627 : i32 to vector<16xi32>
        %select_n3A_1629 = arith.select %and3A_1619, %select_n3A_1508, %broadcast_in_dim3A_1628 : vector<16xi1>, vector<16xi32>
        %min3A_1630 = arith.minsi %min3A_1626, %select_n3A_1629 : vector<16xi32>
        %reduce_min3A_1631 = arith.constant true
        %reduce_min3A_1632 = vector.broadcast %reduce_min3A_1631 : i1 to vector<16xi1>
        %reduce_min3A_1633 = arith.constant -2147483648 : i32
        %reduce_min3A_1634 = vector.broadcast %reduce_min3A_1633 : i32 to vector<16xi32>
        %reduce_min3A_1635 = arith.xori %min3A_1630, %reduce_min3A_1634 : vector<16xi32>
        %reduce_min3A_1636 = tpu.scan <min>, %reduce_min3A_1635 masked %reduce_min3A_1632 : vector<16xi32>, vector<16xi1> -> vector<16xi32>
        %reduce_min3A_1637 = arith.xori %reduce_min3A_1636, %reduce_min3A_1634 : vector<16xi32>
        %reduce_min3A_1638 = vector.extract %reduce_min3A_1637[15] : i32 from vector<16xi32>
        %eq3A_1639 = vector.broadcast %reduce_min3A_1638 : i32 to vector<16xi32>
        %eq3A_1640 = arith.cmpi eq, %select_n3A_1462, %eq3A_1639 : vector<16xi32>
        %and3A_1641 = arith.andi %and3A_1613, %eq3A_1640 : vector<16xi1>
        %eq3A_1642 = vector.broadcast %reduce_min3A_1638 : i32 to vector<16xi32>
        %eq3A_1643 = arith.cmpi eq, %select_n3A_1485, %eq3A_1642 : vector<16xi32>
        %and3A_1644 = arith.andi %and3A_1616, %eq3A_1643 : vector<16xi1>
        %eq3A_1645 = vector.broadcast %reduce_min3A_1638 : i32 to vector<16xi32>
        %eq3A_1646 = arith.cmpi eq, %select_n3A_1508, %eq3A_1645 : vector<16xi32>
        %and3A_1647 = arith.andi %and3A_1619, %eq3A_1646 : vector<16xi1>
        %jit3A_1648 = arith.constant 4096 : i32
        %broadcast_in_dim3A_1649 = vector.broadcast %jit3A_1648 : i32 to vector<16xi32>
        %select_n3A_1650 = arith.select %and3A_1641, %select_n3A_1452, %broadcast_in_dim3A_1649 : vector<16xi1>, vector<16xi32>
        %jit3A_1651 = arith.constant 4096 : i32
        %broadcast_in_dim3A_1652 = vector.broadcast %jit3A_1651 : i32 to vector<16xi32>
        %select_n3A_1653 = arith.select %and3A_1644, %select_n3A_1474, %broadcast_in_dim3A_1652 : vector<16xi1>, vector<16xi32>
        %min3A_1654 = arith.minsi %select_n3A_1650, %select_n3A_1653 : vector<16xi32>
        %jit3A_1655 = arith.constant 4096 : i32
        %broadcast_in_dim3A_1656 = vector.broadcast %jit3A_1655 : i32 to vector<16xi32>
        %select_n3A_1657 = arith.select %and3A_1647, %select_n3A_1497, %broadcast_in_dim3A_1656 : vector<16xi1>, vector<16xi32>
        %min3A_1658 = arith.minsi %min3A_1654, %select_n3A_1657 : vector<16xi32>
        %reduce_min3A_1659 = arith.constant true
        %reduce_min3A_1660 = vector.broadcast %reduce_min3A_1659 : i1 to vector<16xi1>
        %reduce_min3A_1661 = arith.constant -2147483648 : i32
        %reduce_min3A_1662 = vector.broadcast %reduce_min3A_1661 : i32 to vector<16xi32>
        %reduce_min3A_1663 = arith.xori %min3A_1658, %reduce_min3A_1662 : vector<16xi32>
        %reduce_min3A_1664 = tpu.scan <min>, %reduce_min3A_1663 masked %reduce_min3A_1660 : vector<16xi32>, vector<16xi1> -> vector<16xi32>
        %reduce_min3A_1665 = arith.xori %reduce_min3A_1664, %reduce_min3A_1662 : vector<16xi32>
        %reduce_min3A_1666 = vector.extract %reduce_min3A_1665[15] : i32 from vector<16xi32>
        %iota3A_1667 = tpu.iota {dimensions = array<i32: 0>} : vector<16xi32>
        %eq3A_1668 = arith.constant 0 : i32
        %eq3A_1669 = vector.broadcast %eq3A_1668 : i32 to vector<16xi32>
        %eq3A_1670 = arith.cmpi eq, %iota3A_1667, %eq3A_1669 : vector<16xi32>
        %broadcast_in_dim3A_1671 = vector.broadcast %reduce_min3A_1582 : i32 to vector<16xi32>
        %broadcast_in_dim3A_1672 = vector.broadcast %reduce_min3A_1666 : i32 to vector<16xi32>
        %select_n3A_1673 = arith.select %eq3A_1670, %broadcast_in_dim3A_1671, %broadcast_in_dim3A_1672 : vector<16xi1>, vector<16xi32>
        %mul3A_1674 = arith.constant 2 : i32
        %mul3A_1675 = arith.muli %mul3A_1674, %scan3A_67 : i32
        %broadcast_in_dim3A_1676 = arith.constant 0 : i32
        %broadcast_in_dim3A_1677 = vector.broadcast %broadcast_in_dim3A_1676 : i32 to vector<16xi32>
        %add3A_1678 = vector.broadcast %mul3A_1675 : i32 to vector<16xi32>
        %add3A_1679 = arith.addi %broadcast_in_dim3A_1677, %add3A_1678 : vector<16xi32>
        %add3A_1680 = arith.addi %add3A_1679, %iota3A_1667 : vector<16xi32>
        %lt3A_1681 = arith.constant 2 : i32
        %lt3A_1682 = vector.broadcast %lt3A_1681 : i32 to vector<16xi32>
        %lt3A_1683 = arith.cmpi slt, %iota3A_1667, %lt3A_1682 : vector<16xi32>
        tpu.vector_store_idx %arg20[%add3A_1680], %select_n3A_1673 masked %lt3A_1683 : memref<128xi32, #tpu.memory_space<vmem>>[vector<16xi32>], vector<16xi32>, vector<16xi1>
        %scan3A_1684 = arith.constant 0 : i32
        scf.yield %scan3A_1684 : i32
      }
      %scan3A_53 = arith.constant 64 : i32
      %dma_start3A_54 = arith.constant 0 : i32
      %dma_start3A_55 = arith.constant 0 : i32
      %dma_start3A_56 = tpu.memref_slice %arg7[%dma_start3A_54, %dma_start3A_55] : memref<4096x128xf32, #tpu.memory_space<vmem_shared>> -> memref<4096x128xf32, #tpu.memory_space<vmem_shared>>
      tpu.enqueue_indirect_dma source(%dma_start3A_56 : memref<4096x128xf32, #tpu.memory_space<vmem_shared>>) target(%arg21 : memref<128x128xf32, #tpu.memory_space<vmem>>) offsets(%arg20 : memref<128xi32, #tpu.memory_space<vmem>>) semaphore(%arg22 : memref<!tpu.dma_semaphore, #tpu.memory_space<semaphore_mem>>)
      %dma_wait3A = arith.constant 0 : i32
      %dma_wait3A_57 = arith.constant 0 : i32
      %dma_wait3A_58 = tpu.memref_slice %arg7[%dma_wait3A, %dma_wait3A_57] : memref<4096x128xf32, #tpu.memory_space<vmem_shared>> -> memref<4096x128xf32, #tpu.memory_space<vmem_shared>>
      tpu.wait_indirect_dma semaphore(%arg22 : memref<!tpu.dma_semaphore, #tpu.memory_space<semaphore_mem>>) src(%dma_wait3A_58 : memref<4096x128xf32, #tpu.memory_space<vmem_shared>>) dst(%arg21 : memref<128x128xf32, #tpu.memory_space<vmem>>)
      %scan3A_59 = arith.constant 0 : i32
      %scan3A_60 = arith.constant 0 : i32
      %scan3A_61 = arith.constant 64 : i32
      %scan3A_62 = arith.addi %scan3A_60, %scan3A_61 : i32
      %scan3A_63 = arith.constant 1 : i32
      %scan3A_64 = scf.for %scan3A_67 = %scan3A_60 to %scan3A_62 step %scan3A_63 iter_args(%scan3A_68 = %scan3A_59) -> (i32)  : i32 {
        %mul3A_69 = arith.constant 2 : i32
        %mul3A_70 = arith.muli %mul3A_69, %scan3A_67 : i32
        %get3A = arith.index_cast %mul3A_70 : i32 to index
        %get3A_71 = arith.constant 0 : index
        %get3A_72 = tpu.vector_load %arg21[%get3A, %get3A_71] {strides = array<i32>} : memref<128x128xf32, #tpu.memory_space<vmem>>, vector<16xf32>,
        %mul3A_73 = arith.constant 2 : i32
        %mul3A_74 = arith.muli %mul3A_73, %scan3A_67 : i32
        %add3A_75 = arith.constant 1 : i32
        %add3A_76 = arith.addi %mul3A_74, %add3A_75 : i32
        %get3A_77 = arith.index_cast %add3A_76 : i32 to index
        %get3A_78 = arith.constant 0 : index
        %get3A_79 = tpu.vector_load %arg21[%get3A_77, %get3A_78] {strides = array<i32>} : memref<128x128xf32, #tpu.memory_space<vmem>>, vector<16xf32>,
        %get3A_80 = arith.index_cast %scan3A_67 : i32 to index
        %get3A_81 = arith.constant 0 : index
        %get3A_82 = tpu.vector_load %arg18[%get3A_80, %get3A_81] {strides = array<i32>} : memref<64x64xi32, #tpu.memory_space<vmem>>, vector<16xi32>,
        %ne3A = arith.constant 0 : i32
        %ne3A_83 = vector.broadcast %ne3A : i32 to vector<16xi32>
        %ne3A_84 = arith.cmpi ne, %get3A_82, %ne3A_83 : vector<16xi32>
        %select_n3A = arith.select %ne3A_84, %get3A_72, %get3A_79 : vector<16xi1>, vector<16xf32>
        %swap3A = arith.index_cast %scan3A_67 : i32 to index
        %swap3A_85 = arith.constant 0 : index
        %swap3A_86 = tpu.vector_load %arg19[%swap3A, %swap3A_85] {strides = array<i32>} : memref<64x64xf32, #tpu.memory_space<vmem>>, vector<16xf32>,
        tpu.vector_store %arg19[%swap3A, %swap3A_85], %select_n3A {strides = array<i32>} : memref<64x64xf32, #tpu.memory_space<vmem>>, vector<16xf32>,
        %mul3A_87 = arith.constant 2 : i32
        %mul3A_88 = arith.muli %mul3A_87, %scan3A_67 : i32
        %get3A_89 = arith.index_cast %mul3A_88 : i32 to index
        %get3A_90 = arith.constant 16 : index
        %get3A_91 = tpu.vector_load %arg21[%get3A_89, %get3A_90] {strides = array<i32>} : memref<128x128xf32, #tpu.memory_space<vmem>>, vector<16xf32>,
        %mul3A_92 = arith.constant 2 : i32
        %mul3A_93 = arith.muli %mul3A_92, %scan3A_67 : i32
        %add3A_94 = arith.constant 1 : i32
        %add3A_95 = arith.addi %mul3A_93, %add3A_94 : i32
        %get3A_96 = arith.index_cast %add3A_95 : i32 to index
        %get3A_97 = arith.constant 16 : index
        %get3A_98 = tpu.vector_load %arg21[%get3A_96, %get3A_97] {strides = array<i32>} : memref<128x128xf32, #tpu.memory_space<vmem>>, vector<16xf32>,
        %get3A_99 = arith.index_cast %scan3A_67 : i32 to index
        %get3A_100 = arith.constant 16 : index
        %get3A_101 = tpu.vector_load %arg18[%get3A_99, %get3A_100] {strides = array<i32>} : memref<64x64xi32, #tpu.memory_space<vmem>>, vector<16xi32>,
        %ne3A_102 = arith.constant 0 : i32
        %ne3A_103 = vector.broadcast %ne3A_102 : i32 to vector<16xi32>
        %ne3A_104 = arith.cmpi ne, %get3A_101, %ne3A_103 : vector<16xi32>
        %select_n3A_105 = arith.select %ne3A_104, %get3A_91, %get3A_98 : vector<16xi1>, vector<16xf32>
        %swap3A_106 = arith.index_cast %scan3A_67 : i32 to index
        %swap3A_107 = arith.constant 16 : index
        %swap3A_108 = tpu.vector_load %arg19[%swap3A_106, %swap3A_107] {strides = array<i32>} : memref<64x64xf32, #tpu.memory_space<vmem>>, vector<16xf32>,
        tpu.vector_store %arg19[%swap3A_106, %swap3A_107], %select_n3A_105 {strides = array<i32>} : memref<64x64xf32, #tpu.memory_space<vmem>>, vector<16xf32>,
        %mul3A_109 = arith.constant 2 : i32
        %mul3A_110 = arith.muli %mul3A_109, %scan3A_67 : i32
        %get3A_111 = arith.index_cast %mul3A_110 : i32 to index
        %get3A_112 = arith.constant 32 : index
        %get3A_113 = tpu.vector_load %arg21[%get3A_111, %get3A_112] {strides = array<i32>} : memref<128x128xf32, #tpu.memory_space<vmem>>, vector<16xf32>,
        %mul3A_114 = arith.constant 2 : i32
        %mul3A_115 = arith.muli %mul3A_114, %scan3A_67 : i32
        %add3A_116 = arith.constant 1 : i32
        %add3A_117 = arith.addi %mul3A_115, %add3A_116 : i32
        %get3A_118 = arith.index_cast %add3A_117 : i32 to index
        %get3A_119 = arith.constant 32 : index
        %get3A_120 = tpu.vector_load %arg21[%get3A_118, %get3A_119] {strides = array<i32>} : memref<128x128xf32, #tpu.memory_space<vmem>>, vector<16xf32>,
        %get3A_121 = arith.index_cast %scan3A_67 : i32 to index
        %get3A_122 = arith.constant 32 : index
        %get3A_123 = tpu.vector_load %arg18[%get3A_121, %get3A_122] {strides = array<i32>} : memref<64x64xi32, #tpu.memory_space<vmem>>, vector<16xi32>,
        %ne3A_124 = arith.constant 0 : i32
        %ne3A_125 = vector.broadcast %ne3A_124 : i32 to vector<16xi32>
        %ne3A_126 = arith.cmpi ne, %get3A_123, %ne3A_125 : vector<16xi32>
        %select_n3A_127 = arith.select %ne3A_126, %get3A_113, %get3A_120 : vector<16xi1>, vector<16xf32>
        %swap3A_128 = arith.index_cast %scan3A_67 : i32 to index
        %swap3A_129 = arith.constant 32 : index
        %swap3A_130 = tpu.vector_load %arg19[%swap3A_128, %swap3A_129] {strides = array<i32>} : memref<64x64xf32, #tpu.memory_space<vmem>>, vector<16xf32>,
        tpu.vector_store %arg19[%swap3A_128, %swap3A_129], %select_n3A_127 {strides = array<i32>} : memref<64x64xf32, #tpu.memory_space<vmem>>, vector<16xf32>,
        %mul3A_131 = arith.constant 2 : i32
        %mul3A_132 = arith.muli %mul3A_131, %scan3A_67 : i32
        %get3A_133 = arith.index_cast %mul3A_132 : i32 to index
        %get3A_134 = arith.constant 48 : index
        %get3A_135 = tpu.vector_load %arg21[%get3A_133, %get3A_134] {strides = array<i32>} : memref<128x128xf32, #tpu.memory_space<vmem>>, vector<16xf32>,
        %mul3A_136 = arith.constant 2 : i32
        %mul3A_137 = arith.muli %mul3A_136, %scan3A_67 : i32
        %add3A_138 = arith.constant 1 : i32
        %add3A_139 = arith.addi %mul3A_137, %add3A_138 : i32
        %get3A_140 = arith.index_cast %add3A_139 : i32 to index
        %get3A_141 = arith.constant 48 : index
        %get3A_142 = tpu.vector_load %arg21[%get3A_140, %get3A_141] {strides = array<i32>} : memref<128x128xf32, #tpu.memory_space<vmem>>, vector<16xf32>,
        %get3A_143 = arith.index_cast %scan3A_67 : i32 to index
        %get3A_144 = arith.constant 48 : index
        %get3A_145 = tpu.vector_load %arg18[%get3A_143, %get3A_144] {strides = array<i32>} : memref<64x64xi32, #tpu.memory_space<vmem>>, vector<16xi32>,
        %ne3A_146 = arith.constant 0 : i32
        %ne3A_147 = vector.broadcast %ne3A_146 : i32 to vector<16xi32>
        %ne3A_148 = arith.cmpi ne, %get3A_145, %ne3A_147 : vector<16xi32>
        %select_n3A_149 = arith.select %ne3A_148, %get3A_135, %get3A_142 : vector<16xi1>, vector<16xf32>
        %swap3A_150 = arith.index_cast %scan3A_67 : i32 to index
        %swap3A_151 = arith.constant 48 : index
        %swap3A_152 = tpu.vector_load %arg19[%swap3A_150, %swap3A_151] {strides = array<i32>} : memref<64x64xf32, #tpu.memory_space<vmem>>, vector<16xf32>,
        tpu.vector_store %arg19[%swap3A_150, %swap3A_151], %select_n3A_149 {strides = array<i32>} : memref<64x64xf32, #tpu.memory_space<vmem>>, vector<16xf32>,
        %scan3A_153 = arith.constant 0 : i32
        scf.yield %scan3A_153 : i32
      }
      %scan3A_65 = arith.constant 64 : i32
      "tpu.region"() ({
        %run_scoped3A = tpu.sem_alloc : memref<!tpu.dma_semaphore, #tpu.memory_space<semaphore_mem>>
        %dma_start3A_67 = arith.constant 0 : i32
        %dma_start3A_68 = tpu.memref_slice %arg6[%add3A_46, %dma_start3A_67] : memref<12288x64xf32, #tpu.memory_space<hbm>> -> memref<64x64xf32, #tpu.memory_space<hbm>>
        %dma_start3A_69 = arith.constant 0 : i32
        %dma_start3A_70 = tpu.memref_slice %arg6[%add3A_46, %dma_start3A_69] : memref<12288x64xf32, #tpu.memory_space<hbm>> -> memref<64x64xf32, #tpu.memory_space<hbm>>
        tpu.enqueue_dma source(%arg19 : memref<64x64xf32, #tpu.memory_space<vmem>>) target(%dma_start3A_70 : memref<64x64xf32, #tpu.memory_space<hbm>>) target_semaphore(%run_scoped3A : memref<!tpu.dma_semaphore, #tpu.memory_space<semaphore_mem>>)
        %dma_wait3A_71 = arith.constant 0 : i32
        %dma_wait3A_72 = tpu.memref_slice %arg6[%add3A_46, %dma_wait3A_71] : memref<12288x64xf32, #tpu.memory_space<hbm>> -> memref<64x64xf32, #tpu.memory_space<hbm>>
        %dma_wait3A_73 = arith.constant 0 : i32
        %dma_wait3A_74 = tpu.memref_slice %arg6[%add3A_46, %dma_wait3A_73] : memref<12288x64xf32, #tpu.memory_space<hbm>> -> memref<64x64xf32, #tpu.memory_space<hbm>>
        tpu.wait_dma2 semaphore(%run_scoped3A : memref<!tpu.dma_semaphore, #tpu.memory_space<semaphore_mem>>) src(%arg19 : memref<64x64xf32, #tpu.memory_space<vmem>>) dst(%dma_wait3A_74 : memref<64x64xf32, #tpu.memory_space<hbm>>)
        tpu.yield
      }) : () -> ()
      %scan3A_66 = arith.constant 0 : i32
      scf.yield %scan3A_66 : i32
    }
    %scan3A_39 = arith.constant 6 : i32
    return
  }
}

#map = affine_map<(d0, d1) -> (0, 0)>
#map1 = affine_map<(d0, d1) -> (0)>
module attributes {stable_mosaic.version = 14 : i64} {
  func.func @_sort_body(%arg0: i32, %arg1: i32, %arg2: memref<16384x64xf32, #tpu.memory_space<hbm>>, %arg3: memref<64xf32, #tpu.memory_space<hbm>>, %arg4: memref<4096x64xf32, #tpu.memory_space<hbm>>, %arg5: memref<4096xi32, #tpu.memory_space<hbm>>, %arg6: memref<4096xf32, #tpu.memory_space<hbm>>, %arg7: memref<16384xi32, #tpu.memory_space<vmem_shared>>, %arg8: memref<4096xi32, #tpu.memory_space<vmem_shared>>, %arg9: memref<256x64xf32, #tpu.memory_space<vmem>>, %arg10: memref<64xf32, #tpu.memory_space<vmem>>, %arg11: memref<1024xi32, #tpu.memory_space<vmem>>, %arg12: memref<16384xi32, #tpu.memory_space<vmem>>, %arg13: memref<16384xi32, #tpu.memory_space<vmem>>, %arg14: memref<16384xi32, #tpu.memory_space<vmem>>, %arg15: memref<16384xi32, #tpu.memory_space<vmem>>, %arg16: memref<2048xi32, #tpu.memory_space<vmem>>, %arg17: memref<2048xi32, #tpu.memory_space<vmem>>, %arg18: memref<4096xf32, #tpu.memory_space<vmem>>, %arg19: memref<256xi32, #tpu.memory_space<vmem>>, %arg20: memref<!tpu.dma_semaphore, #tpu.memory_space<semaphore_mem>>) attributes {dimension_semantics = [#tpu.dimension_semantics<core_parallel>, #tpu.dimension_semantics<subcore_parallel>], iteration_bounds = array<i64: 1, 16>, scalar_prefetch = 0 : i64, scratch_operands = 14 : i64, tpu.core_type = #tpu.core_type<sc_vector_subcore>, window_params = [{transform_indices = #map}, {transform_indices = #map1}, {transform_indices = #map}, {transform_indices = #map1}, {transform_indices = #map1}]} {
    %broadcast_in_dim3A = arith.constant 0 : i32
    %broadcast_in_dim3A_0 = vector.broadcast %broadcast_in_dim3A : i32 to vector<16xi32>
    %broadcast_in_dim3A_1 = arith.constant true
    %broadcast_in_dim3A_2 = vector.broadcast %broadcast_in_dim3A_1 : i1 to vector<16xi1>
    %unique3A, %unique3A_3 = tpu.scan_count mask(%broadcast_in_dim3A_2 : vector<16xi1>) value(%broadcast_in_dim3A_0 : vector<16xi32>) : vector<16xi1>, vector<16xi32>
    %reduce_max3A = arith.constant true
    %reduce_max3A_4 = vector.broadcast %reduce_max3A : i1 to vector<16xi1>
    %reduce_max3A_5 = arith.constant -2147483648 : i32
    %reduce_max3A_6 = vector.broadcast %reduce_max3A_5 : i32 to vector<16xi32>
    %reduce_max3A_7 = arith.xori %unique3A_3, %reduce_max3A_6 : vector<16xi32>
    %reduce_max3A_8 = tpu.scan <max>, %reduce_max3A_7 masked %reduce_max3A_4 : vector<16xi32>, vector<16xi1> -> vector<16xi32>
    %reduce_max3A_9 = arith.xori %reduce_max3A_8, %reduce_max3A_6 : vector<16xi32>
    %reduce_max3A_10 = vector.extract %reduce_max3A_9[15] : i32 from vector<16xi32>
    %sub3A = arith.constant 15 : i32
    %sub3A_11 = arith.subi %reduce_max3A_10, %sub3A : i32
    "tpu.region"() ({
      %run_scoped3A = tpu.sem_alloc : memref<!tpu.dma_semaphore, #tpu.memory_space<semaphore_mem>>
      tpu.enqueue_dma source(%arg3 : memref<64xf32, #tpu.memory_space<hbm>>) target(%arg10 : memref<64xf32, #tpu.memory_space<vmem>>) target_semaphore(%run_scoped3A : memref<!tpu.dma_semaphore, #tpu.memory_space<semaphore_mem>>)
      tpu.wait_dma2 semaphore(%run_scoped3A : memref<!tpu.dma_semaphore, #tpu.memory_space<semaphore_mem>>) src(%arg3 : memref<64xf32, #tpu.memory_space<hbm>>) dst(%arg10 : memref<64xf32, #tpu.memory_space<vmem>>)
      tpu.yield
    }) : () -> ()
    %mul3A = arith.constant 1024 : i32
    %mul3A_12 = arith.muli %arg1, %mul3A : i32
    %add3A = arith.constant 0 : i32
    %add3A_13 = arith.addi %mul3A_12, %add3A : i32
    "tpu.region"() ({
      %run_scoped3A = tpu.sem_alloc : memref<!tpu.dma_semaphore, #tpu.memory_space<semaphore_mem>>
      %dma_start3A_58 = arith.constant 0 : i32
      %dma_start3A_59 = tpu.memref_slice %arg2[%add3A_13, %dma_start3A_58] : memref<16384x64xf32, #tpu.memory_space<hbm>> -> memref<256x64xf32, #tpu.memory_space<hbm>>
      %dma_start3A_60 = arith.constant 0 : i32
      %dma_start3A_61 = tpu.memref_slice %arg2[%add3A_13, %dma_start3A_60] : memref<16384x64xf32, #tpu.memory_space<hbm>> -> memref<256x64xf32, #tpu.memory_space<hbm>>
      tpu.enqueue_dma source(%dma_start3A_61 : memref<256x64xf32, #tpu.memory_space<hbm>>) target(%arg9 : memref<256x64xf32, #tpu.memory_space<vmem>>) target_semaphore(%run_scoped3A : memref<!tpu.dma_semaphore, #tpu.memory_space<semaphore_mem>>)
      %dma_wait3A_62 = arith.constant 0 : i32
      %dma_wait3A_63 = tpu.memref_slice %arg2[%add3A_13, %dma_wait3A_62] : memref<16384x64xf32, #tpu.memory_space<hbm>> -> memref<256x64xf32, #tpu.memory_space<hbm>>
      %dma_wait3A_64 = arith.constant 0 : i32
      %dma_wait3A_65 = tpu.memref_slice %arg2[%add3A_13, %dma_wait3A_64] : memref<16384x64xf32, #tpu.memory_space<hbm>> -> memref<256x64xf32, #tpu.memory_space<hbm>>
      tpu.wait_dma2 semaphore(%run_scoped3A : memref<!tpu.dma_semaphore, #tpu.memory_space<semaphore_mem>>) src(%dma_wait3A_65 : memref<256x64xf32, #tpu.memory_space<hbm>>) dst(%arg9 : memref<256x64xf32, #tpu.memory_space<vmem>>)
      tpu.yield
    }) : () -> ()
    %scan3A = arith.constant 0 : i32
    %scan3A_14 = arith.constant 0 : i32
    %scan3A_15 = arith.constant 16 : i32
    %scan3A_16 = arith.addi %scan3A_14, %scan3A_15 : i32
    %scan3A_17 = arith.constant 1 : i32
    %scan3A_18 = scf.for %scan3A_58 = %scan3A_14 to %scan3A_16 step %scan3A_17 iter_args(%scan3A_59 = %scan3A) -> (i32)  : i32 {
      %iota3A = tpu.iota {dimensions = array<i32: 0>} : vector<16xi32>
      %mul3A_60 = arith.constant 16 : i32
      %mul3A_61 = arith.muli %scan3A_58, %mul3A_60 : i32
      %add3A_62 = vector.broadcast %mul3A_61 : i32 to vector<16xi32>
      %add3A_63 = arith.addi %iota3A, %add3A_62 : vector<16xi32>
      %broadcast_in_dim3A_64 = arith.constant 0.000000e+00 : f32
      %broadcast_in_dim3A_65 = vector.broadcast %broadcast_in_dim3A_64 : f32 to vector<16xf32>
      %scan3A_66 = arith.constant 0 : i32
      %scan3A_67 = arith.constant 64 : i32
      %scan3A_68 = arith.addi %scan3A_66, %scan3A_67 : i32
      %scan3A_69 = arith.constant 1 : i32
      %scan3A_70 = scf.for %scan3A_79 = %scan3A_66 to %scan3A_68 step %scan3A_69 iter_args(%scan3A_80 = %broadcast_in_dim3A_65) -> (vector<16xf32>)  : i32 {
        %broadcast_in_dim3A_81 = arith.constant 0 : i32
        %broadcast_in_dim3A_82 = vector.broadcast %broadcast_in_dim3A_81 : i32 to vector<16xi32>
        %add3A_83 = vector.broadcast %scan3A_79 : i32 to vector<16xi32>
        %add3A_84 = arith.addi %broadcast_in_dim3A_82, %add3A_83 : vector<16xi32>
        %gather3A = tpu.vector_load_idx %arg9[%add3A_63, %add3A_84] : memref<256x64xf32, #tpu.memory_space<vmem>>[vector<16xi32>, vector<16xi32>], vector<16xf32>,
        %broadcast_in_dim3A_85 = arith.constant 0 : i32
        %broadcast_in_dim3A_86 = vector.broadcast %broadcast_in_dim3A_85 : i32 to vector<16xi32>
        %add3A_87 = vector.broadcast %scan3A_79 : i32 to vector<16xi32>
        %add3A_88 = arith.addi %broadcast_in_dim3A_86, %add3A_87 : vector<16xi32>
        %gather3A_89 = tpu.vector_load_idx %arg10[%add3A_88] : memref<64xf32, #tpu.memory_space<vmem>>[vector<16xi32>], vector<16xf32>,
        %sub3A_90 = arith.subf %gather3A, %gather3A_89 : vector<16xf32>
        %mul3A_91 = arith.mulf %sub3A_90, %sub3A_90 : vector<16xf32>
        %add3A_92 = arith.addf %scan3A_80, %mul3A_91 : vector<16xf32>
        scf.yield %add3A_92 : vector<16xf32>
      }
      %scan3A_71 = arith.constant 64 : i32
      %convert_element_type3A_72 = arith.fptosi %scan3A_70 : vector<16xf32> to vector<16xi32>
      %mul3A_73 = arith.constant 16 : i32
      %mul3A_74 = arith.muli %scan3A_58, %mul3A_73 : i32
      %add3A_75 = arith.constant 0 : i32
      %add3A_76 = arith.addi %add3A_75, %mul3A_74 : i32
      %swap3A = arith.index_cast %add3A_76 : i32 to index
      %swap3A_77 = tpu.vector_load %arg11[%swap3A] {strides = array<i32>} : memref<1024xi32, #tpu.memory_space<vmem>>, vector<16xi32>,
      tpu.vector_store %arg11[%swap3A], %convert_element_type3A_72 {strides = array<i32>} : memref<1024xi32, #tpu.memory_space<vmem>>, vector<16xi32>,
      %scan3A_78 = arith.constant 0 : i32
      scf.yield %scan3A_78 : i32
    }
    %scan3A_19 = arith.constant 16 : i32
    %add3A_20 = arith.constant 256 : i32
    %add3A_21 = arith.addi %mul3A_12, %add3A_20 : i32
    "tpu.region"() ({
      %run_scoped3A = tpu.sem_alloc : memref<!tpu.dma_semaphore, #tpu.memory_space<semaphore_mem>>
      %dma_start3A_58 = arith.constant 0 : i32
      %dma_start3A_59 = tpu.memref_slice %arg2[%add3A_21, %dma_start3A_58] : memref<16384x64xf32, #tpu.memory_space<hbm>> -> memref<256x64xf32, #tpu.memory_space<hbm>>
      %dma_start3A_60 = arith.constant 0 : i32
      %dma_start3A_61 = tpu.memref_slice %arg2[%add3A_21, %dma_start3A_60] : memref<16384x64xf32, #tpu.memory_space<hbm>> -> memref<256x64xf32, #tpu.memory_space<hbm>>
      tpu.enqueue_dma source(%dma_start3A_61 : memref<256x64xf32, #tpu.memory_space<hbm>>) target(%arg9 : memref<256x64xf32, #tpu.memory_space<vmem>>) target_semaphore(%run_scoped3A : memref<!tpu.dma_semaphore, #tpu.memory_space<semaphore_mem>>)
      %dma_wait3A_62 = arith.constant 0 : i32
      %dma_wait3A_63 = tpu.memref_slice %arg2[%add3A_21, %dma_wait3A_62] : memref<16384x64xf32, #tpu.memory_space<hbm>> -> memref<256x64xf32, #tpu.memory_space<hbm>>
      %dma_wait3A_64 = arith.constant 0 : i32
      %dma_wait3A_65 = tpu.memref_slice %arg2[%add3A_21, %dma_wait3A_64] : memref<16384x64xf32, #tpu.memory_space<hbm>> -> memref<256x64xf32, #tpu.memory_space<hbm>>
      tpu.wait_dma2 semaphore(%run_scoped3A : memref<!tpu.dma_semaphore, #tpu.memory_space<semaphore_mem>>) src(%dma_wait3A_65 : memref<256x64xf32, #tpu.memory_space<hbm>>) dst(%arg9 : memref<256x64xf32, #tpu.memory_space<vmem>>)
      tpu.yield
    }) : () -> ()
    %scan3A_22 = arith.constant 0 : i32
    %scan3A_23 = arith.constant 0 : i32
    %scan3A_24 = arith.constant 16 : i32
    %scan3A_25 = arith.addi %scan3A_23, %scan3A_24 : i32
    %scan3A_26 = arith.constant 1 : i32
    %scan3A_27 = scf.for %scan3A_58 = %scan3A_23 to %scan3A_25 step %scan3A_26 iter_args(%scan3A_59 = %scan3A_22) -> (i32)  : i32 {
      %iota3A = tpu.iota {dimensions = array<i32: 0>} : vector<16xi32>
      %mul3A_60 = arith.constant 16 : i32
      %mul3A_61 = arith.muli %scan3A_58, %mul3A_60 : i32
      %add3A_62 = vector.broadcast %mul3A_61 : i32 to vector<16xi32>
      %add3A_63 = arith.addi %iota3A, %add3A_62 : vector<16xi32>
      %broadcast_in_dim3A_64 = arith.constant 0.000000e+00 : f32
      %broadcast_in_dim3A_65 = vector.broadcast %broadcast_in_dim3A_64 : f32 to vector<16xf32>
      %scan3A_66 = arith.constant 0 : i32
      %scan3A_67 = arith.constant 64 : i32
      %scan3A_68 = arith.addi %scan3A_66, %scan3A_67 : i32
      %scan3A_69 = arith.constant 1 : i32
      %scan3A_70 = scf.for %scan3A_79 = %scan3A_66 to %scan3A_68 step %scan3A_69 iter_args(%scan3A_80 = %broadcast_in_dim3A_65) -> (vector<16xf32>)  : i32 {
        %broadcast_in_dim3A_81 = arith.constant 0 : i32
        %broadcast_in_dim3A_82 = vector.broadcast %broadcast_in_dim3A_81 : i32 to vector<16xi32>
        %add3A_83 = vector.broadcast %scan3A_79 : i32 to vector<16xi32>
        %add3A_84 = arith.addi %broadcast_in_dim3A_82, %add3A_83 : vector<16xi32>
        %gather3A = tpu.vector_load_idx %arg9[%add3A_63, %add3A_84] : memref<256x64xf32, #tpu.memory_space<vmem>>[vector<16xi32>, vector<16xi32>], vector<16xf32>,
        %broadcast_in_dim3A_85 = arith.constant 0 : i32
        %broadcast_in_dim3A_86 = vector.broadcast %broadcast_in_dim3A_85 : i32 to vector<16xi32>
        %add3A_87 = vector.broadcast %scan3A_79 : i32 to vector<16xi32>
        %add3A_88 = arith.addi %broadcast_in_dim3A_86, %add3A_87 : vector<16xi32>
        %gather3A_89 = tpu.vector_load_idx %arg10[%add3A_88] : memref<64xf32, #tpu.memory_space<vmem>>[vector<16xi32>], vector<16xf32>,
        %sub3A_90 = arith.subf %gather3A, %gather3A_89 : vector<16xf32>
        %mul3A_91 = arith.mulf %sub3A_90, %sub3A_90 : vector<16xf32>
        %add3A_92 = arith.addf %scan3A_80, %mul3A_91 : vector<16xf32>
        scf.yield %add3A_92 : vector<16xf32>
      }
      %scan3A_71 = arith.constant 64 : i32
      %convert_element_type3A_72 = arith.fptosi %scan3A_70 : vector<16xf32> to vector<16xi32>
      %mul3A_73 = arith.constant 16 : i32
      %mul3A_74 = arith.muli %scan3A_58, %mul3A_73 : i32
      %add3A_75 = arith.constant 256 : i32
      %add3A_76 = arith.addi %add3A_75, %mul3A_74 : i32
      %swap3A = arith.index_cast %add3A_76 : i32 to index
      %swap3A_77 = tpu.vector_load %arg11[%swap3A] {strides = array<i32>} : memref<1024xi32, #tpu.memory_space<vmem>>, vector<16xi32>,
      tpu.vector_store %arg11[%swap3A], %convert_element_type3A_72 {strides = array<i32>} : memref<1024xi32, #tpu.memory_space<vmem>>, vector<16xi32>,
      %scan3A_78 = arith.constant 0 : i32
      scf.yield %scan3A_78 : i32
    }
    %scan3A_28 = arith.constant 16 : i32
    %add3A_29 = arith.constant 512 : i32
    %add3A_30 = arith.addi %mul3A_12, %add3A_29 : i32
    "tpu.region"() ({
      %run_scoped3A = tpu.sem_alloc : memref<!tpu.dma_semaphore, #tpu.memory_space<semaphore_mem>>
      %dma_start3A_58 = arith.constant 0 : i32
      %dma_start3A_59 = tpu.memref_slice %arg2[%add3A_30, %dma_start3A_58] : memref<16384x64xf32, #tpu.memory_space<hbm>> -> memref<256x64xf32, #tpu.memory_space<hbm>>
      %dma_start3A_60 = arith.constant 0 : i32
      %dma_start3A_61 = tpu.memref_slice %arg2[%add3A_30, %dma_start3A_60] : memref<16384x64xf32, #tpu.memory_space<hbm>> -> memref<256x64xf32, #tpu.memory_space<hbm>>
      tpu.enqueue_dma source(%dma_start3A_61 : memref<256x64xf32, #tpu.memory_space<hbm>>) target(%arg9 : memref<256x64xf32, #tpu.memory_space<vmem>>) target_semaphore(%run_scoped3A : memref<!tpu.dma_semaphore, #tpu.memory_space<semaphore_mem>>)
      %dma_wait3A_62 = arith.constant 0 : i32
      %dma_wait3A_63 = tpu.memref_slice %arg2[%add3A_30, %dma_wait3A_62] : memref<16384x64xf32, #tpu.memory_space<hbm>> -> memref<256x64xf32, #tpu.memory_space<hbm>>
      %dma_wait3A_64 = arith.constant 0 : i32
      %dma_wait3A_65 = tpu.memref_slice %arg2[%add3A_30, %dma_wait3A_64] : memref<16384x64xf32, #tpu.memory_space<hbm>> -> memref<256x64xf32, #tpu.memory_space<hbm>>
      tpu.wait_dma2 semaphore(%run_scoped3A : memref<!tpu.dma_semaphore, #tpu.memory_space<semaphore_mem>>) src(%dma_wait3A_65 : memref<256x64xf32, #tpu.memory_space<hbm>>) dst(%arg9 : memref<256x64xf32, #tpu.memory_space<vmem>>)
      tpu.yield
    }) : () -> ()
    %scan3A_31 = arith.constant 0 : i32
    %scan3A_32 = arith.constant 0 : i32
    %scan3A_33 = arith.constant 16 : i32
    %scan3A_34 = arith.addi %scan3A_32, %scan3A_33 : i32
    %scan3A_35 = arith.constant 1 : i32
    %scan3A_36 = scf.for %scan3A_58 = %scan3A_32 to %scan3A_34 step %scan3A_35 iter_args(%scan3A_59 = %scan3A_31) -> (i32)  : i32 {
      %iota3A = tpu.iota {dimensions = array<i32: 0>} : vector<16xi32>
      %mul3A_60 = arith.constant 16 : i32
      %mul3A_61 = arith.muli %scan3A_58, %mul3A_60 : i32
      %add3A_62 = vector.broadcast %mul3A_61 : i32 to vector<16xi32>
      %add3A_63 = arith.addi %iota3A, %add3A_62 : vector<16xi32>
      %broadcast_in_dim3A_64 = arith.constant 0.000000e+00 : f32
      %broadcast_in_dim3A_65 = vector.broadcast %broadcast_in_dim3A_64 : f32 to vector<16xf32>
      %scan3A_66 = arith.constant 0 : i32
      %scan3A_67 = arith.constant 64 : i32
      %scan3A_68 = arith.addi %scan3A_66, %scan3A_67 : i32
      %scan3A_69 = arith.constant 1 : i32
      %scan3A_70 = scf.for %scan3A_79 = %scan3A_66 to %scan3A_68 step %scan3A_69 iter_args(%scan3A_80 = %broadcast_in_dim3A_65) -> (vector<16xf32>)  : i32 {
        %broadcast_in_dim3A_81 = arith.constant 0 : i32
        %broadcast_in_dim3A_82 = vector.broadcast %broadcast_in_dim3A_81 : i32 to vector<16xi32>
        %add3A_83 = vector.broadcast %scan3A_79 : i32 to vector<16xi32>
        %add3A_84 = arith.addi %broadcast_in_dim3A_82, %add3A_83 : vector<16xi32>
        %gather3A = tpu.vector_load_idx %arg9[%add3A_63, %add3A_84] : memref<256x64xf32, #tpu.memory_space<vmem>>[vector<16xi32>, vector<16xi32>], vector<16xf32>,
        %broadcast_in_dim3A_85 = arith.constant 0 : i32
        %broadcast_in_dim3A_86 = vector.broadcast %broadcast_in_dim3A_85 : i32 to vector<16xi32>
        %add3A_87 = vector.broadcast %scan3A_79 : i32 to vector<16xi32>
        %add3A_88 = arith.addi %broadcast_in_dim3A_86, %add3A_87 : vector<16xi32>
        %gather3A_89 = tpu.vector_load_idx %arg10[%add3A_88] : memref<64xf32, #tpu.memory_space<vmem>>[vector<16xi32>], vector<16xf32>,
        %sub3A_90 = arith.subf %gather3A, %gather3A_89 : vector<16xf32>
        %mul3A_91 = arith.mulf %sub3A_90, %sub3A_90 : vector<16xf32>
        %add3A_92 = arith.addf %scan3A_80, %mul3A_91 : vector<16xf32>
        scf.yield %add3A_92 : vector<16xf32>
      }
      %scan3A_71 = arith.constant 64 : i32
      %convert_element_type3A_72 = arith.fptosi %scan3A_70 : vector<16xf32> to vector<16xi32>
      %mul3A_73 = arith.constant 16 : i32
      %mul3A_74 = arith.muli %scan3A_58, %mul3A_73 : i32
      %add3A_75 = arith.constant 512 : i32
      %add3A_76 = arith.addi %add3A_75, %mul3A_74 : i32
      %swap3A = arith.index_cast %add3A_76 : i32 to index
      %swap3A_77 = tpu.vector_load %arg11[%swap3A] {strides = array<i32>} : memref<1024xi32, #tpu.memory_space<vmem>>, vector<16xi32>,
      tpu.vector_store %arg11[%swap3A], %convert_element_type3A_72 {strides = array<i32>} : memref<1024xi32, #tpu.memory_space<vmem>>, vector<16xi32>,
      %scan3A_78 = arith.constant 0 : i32
      scf.yield %scan3A_78 : i32
    }
    %scan3A_37 = arith.constant 16 : i32
    %add3A_38 = arith.constant 768 : i32
    %add3A_39 = arith.addi %mul3A_12, %add3A_38 : i32
    "tpu.region"() ({
      %run_scoped3A = tpu.sem_alloc : memref<!tpu.dma_semaphore, #tpu.memory_space<semaphore_mem>>
      %dma_start3A_58 = arith.constant 0 : i32
      %dma_start3A_59 = tpu.memref_slice %arg2[%add3A_39, %dma_start3A_58] : memref<16384x64xf32, #tpu.memory_space<hbm>> -> memref<256x64xf32, #tpu.memory_space<hbm>>
      %dma_start3A_60 = arith.constant 0 : i32
      %dma_start3A_61 = tpu.memref_slice %arg2[%add3A_39, %dma_start3A_60] : memref<16384x64xf32, #tpu.memory_space<hbm>> -> memref<256x64xf32, #tpu.memory_space<hbm>>
      tpu.enqueue_dma source(%dma_start3A_61 : memref<256x64xf32, #tpu.memory_space<hbm>>) target(%arg9 : memref<256x64xf32, #tpu.memory_space<vmem>>) target_semaphore(%run_scoped3A : memref<!tpu.dma_semaphore, #tpu.memory_space<semaphore_mem>>)
      %dma_wait3A_62 = arith.constant 0 : i32
      %dma_wait3A_63 = tpu.memref_slice %arg2[%add3A_39, %dma_wait3A_62] : memref<16384x64xf32, #tpu.memory_space<hbm>> -> memref<256x64xf32, #tpu.memory_space<hbm>>
      %dma_wait3A_64 = arith.constant 0 : i32
      %dma_wait3A_65 = tpu.memref_slice %arg2[%add3A_39, %dma_wait3A_64] : memref<16384x64xf32, #tpu.memory_space<hbm>> -> memref<256x64xf32, #tpu.memory_space<hbm>>
      tpu.wait_dma2 semaphore(%run_scoped3A : memref<!tpu.dma_semaphore, #tpu.memory_space<semaphore_mem>>) src(%dma_wait3A_65 : memref<256x64xf32, #tpu.memory_space<hbm>>) dst(%arg9 : memref<256x64xf32, #tpu.memory_space<vmem>>)
      tpu.yield
    }) : () -> ()
    %scan3A_40 = arith.constant 0 : i32
    %scan3A_41 = arith.constant 0 : i32
    %scan3A_42 = arith.constant 16 : i32
    %scan3A_43 = arith.addi %scan3A_41, %scan3A_42 : i32
    %scan3A_44 = arith.constant 1 : i32
    %scan3A_45 = scf.for %scan3A_58 = %scan3A_41 to %scan3A_43 step %scan3A_44 iter_args(%scan3A_59 = %scan3A_40) -> (i32)  : i32 {
      %iota3A = tpu.iota {dimensions = array<i32: 0>} : vector<16xi32>
      %mul3A_60 = arith.constant 16 : i32
      %mul3A_61 = arith.muli %scan3A_58, %mul3A_60 : i32
      %add3A_62 = vector.broadcast %mul3A_61 : i32 to vector<16xi32>
      %add3A_63 = arith.addi %iota3A, %add3A_62 : vector<16xi32>
      %broadcast_in_dim3A_64 = arith.constant 0.000000e+00 : f32
      %broadcast_in_dim3A_65 = vector.broadcast %broadcast_in_dim3A_64 : f32 to vector<16xf32>
      %scan3A_66 = arith.constant 0 : i32
      %scan3A_67 = arith.constant 64 : i32
      %scan3A_68 = arith.addi %scan3A_66, %scan3A_67 : i32
      %scan3A_69 = arith.constant 1 : i32
      %scan3A_70 = scf.for %scan3A_79 = %scan3A_66 to %scan3A_68 step %scan3A_69 iter_args(%scan3A_80 = %broadcast_in_dim3A_65) -> (vector<16xf32>)  : i32 {
        %broadcast_in_dim3A_81 = arith.constant 0 : i32
        %broadcast_in_dim3A_82 = vector.broadcast %broadcast_in_dim3A_81 : i32 to vector<16xi32>
        %add3A_83 = vector.broadcast %scan3A_79 : i32 to vector<16xi32>
        %add3A_84 = arith.addi %broadcast_in_dim3A_82, %add3A_83 : vector<16xi32>
        %gather3A = tpu.vector_load_idx %arg9[%add3A_63, %add3A_84] : memref<256x64xf32, #tpu.memory_space<vmem>>[vector<16xi32>, vector<16xi32>], vector<16xf32>,
        %broadcast_in_dim3A_85 = arith.constant 0 : i32
        %broadcast_in_dim3A_86 = vector.broadcast %broadcast_in_dim3A_85 : i32 to vector<16xi32>
        %add3A_87 = vector.broadcast %scan3A_79 : i32 to vector<16xi32>
        %add3A_88 = arith.addi %broadcast_in_dim3A_86, %add3A_87 : vector<16xi32>
        %gather3A_89 = tpu.vector_load_idx %arg10[%add3A_88] : memref<64xf32, #tpu.memory_space<vmem>>[vector<16xi32>], vector<16xf32>,
        %sub3A_90 = arith.subf %gather3A, %gather3A_89 : vector<16xf32>
        %mul3A_91 = arith.mulf %sub3A_90, %sub3A_90 : vector<16xf32>
        %add3A_92 = arith.addf %scan3A_80, %mul3A_91 : vector<16xf32>
        scf.yield %add3A_92 : vector<16xf32>
      }
      %scan3A_71 = arith.constant 64 : i32
      %convert_element_type3A_72 = arith.fptosi %scan3A_70 : vector<16xf32> to vector<16xi32>
      %mul3A_73 = arith.constant 16 : i32
      %mul3A_74 = arith.muli %scan3A_58, %mul3A_73 : i32
      %add3A_75 = arith.constant 768 : i32
      %add3A_76 = arith.addi %add3A_75, %mul3A_74 : i32
      %swap3A = arith.index_cast %add3A_76 : i32 to index
      %swap3A_77 = tpu.vector_load %arg11[%swap3A] {strides = array<i32>} : memref<1024xi32, #tpu.memory_space<vmem>>, vector<16xi32>,
      tpu.vector_store %arg11[%swap3A], %convert_element_type3A_72 {strides = array<i32>} : memref<1024xi32, #tpu.memory_space<vmem>>, vector<16xi32>,
      %scan3A_78 = arith.constant 0 : i32
      scf.yield %scan3A_78 : i32
    }
    %scan3A_46 = arith.constant 16 : i32
    "tpu.region"() ({
      %run_scoped3A = tpu.sem_alloc : memref<!tpu.dma_semaphore, #tpu.memory_space<semaphore_mem>>
      %dma_start3A_58 = tpu.memref_slice %arg7[%mul3A_12] : memref<16384xi32, #tpu.memory_space<vmem_shared>> -> memref<1024xi32, #tpu.memory_space<vmem_shared>>
      %dma_start3A_59 = tpu.memref_slice %arg7[%mul3A_12] : memref<16384xi32, #tpu.memory_space<vmem_shared>> -> memref<1024xi32, #tpu.memory_space<vmem_shared>>
      tpu.enqueue_dma source(%arg11 : memref<1024xi32, #tpu.memory_space<vmem>>) target(%dma_start3A_59 : memref<1024xi32, #tpu.memory_space<vmem_shared>>) target_semaphore(%run_scoped3A : memref<!tpu.dma_semaphore, #tpu.memory_space<semaphore_mem>>)
      %dma_wait3A_60 = tpu.memref_slice %arg7[%mul3A_12] : memref<16384xi32, #tpu.memory_space<vmem_shared>> -> memref<1024xi32, #tpu.memory_space<vmem_shared>>
      %dma_wait3A_61 = tpu.memref_slice %arg7[%mul3A_12] : memref<16384xi32, #tpu.memory_space<vmem_shared>> -> memref<1024xi32, #tpu.memory_space<vmem_shared>>
      tpu.wait_dma2 semaphore(%run_scoped3A : memref<!tpu.dma_semaphore, #tpu.memory_space<semaphore_mem>>) src(%arg11 : memref<1024xi32, #tpu.memory_space<vmem>>) dst(%dma_wait3A_61 : memref<1024xi32, #tpu.memory_space<vmem_shared>>)
      tpu.yield
    }) : () -> ()
    %barrier3A = arith.constant 0 : index
    tpu.barrier barrier_id(%barrier3A)
    %eq3A = arith.constant 0 : i32
    %eq3A_47 = arith.cmpi eq, %arg1, %eq3A : i32
    %convert_element_type3A = arith.extui %eq3A_47 : i1 to i32
    %cond3A = arith.constant 0 : i32
    %cond3A_48 = arith.cmpi ne, %convert_element_type3A, %cond3A : i32
    scf.if %cond3A_48 {
      "tpu.region"() ({
        %run_scoped3A = tpu.sem_alloc : memref<!tpu.dma_semaphore, #tpu.memory_space<semaphore_mem>>
        tpu.enqueue_dma source(%arg7 : memref<16384xi32, #tpu.memory_space<vmem_shared>>) target(%arg12 : memref<16384xi32, #tpu.memory_space<vmem>>) target_semaphore(%run_scoped3A : memref<!tpu.dma_semaphore, #tpu.memory_space<semaphore_mem>>)
        tpu.wait_dma2 semaphore(%run_scoped3A : memref<!tpu.dma_semaphore, #tpu.memory_space<semaphore_mem>>) src(%arg7 : memref<16384xi32, #tpu.memory_space<vmem_shared>>) dst(%arg12 : memref<16384xi32, #tpu.memory_space<vmem>>)
        tpu.yield
      }) : () -> ()
      %parallel_loop3A = arith.constant 0 : i32
      %parallel_loop3A_58 = arith.constant 1024 : i32
      %parallel_loop3A_59 = arith.constant 1 : i32
      scf.for %parallel_loop3A_115 = %parallel_loop3A to %parallel_loop3A_58 step %parallel_loop3A_59  : i32 {
        %parallel_loop3A_116 = tpu.iota {dimensions = array<i32: 0>} : vector<16xi32>
        %parallel_loop3A_117 = arith.constant 16 : i32
        %parallel_loop3A_118 = arith.muli %parallel_loop3A_115, %parallel_loop3A_117 : i32
        %parallel_loop3A_119 = vector.broadcast %parallel_loop3A_118 : i32 to vector<16xi32>
        %parallel_loop3A_120 = arith.addi %parallel_loop3A_116, %parallel_loop3A_119 : vector<16xi32>
        %parallel_loop3A_121 = arith.constant 16 : i32
        %parallel_loop3A_122 = arith.muli %parallel_loop3A_115, %parallel_loop3A_121 : i32
        %parallel_loop3A_123 = arith.index_cast %parallel_loop3A_122 : i32 to index
        %parallel_loop3A_124 = tpu.vector_load %arg13[%parallel_loop3A_123] {strides = array<i32>} : memref<16384xi32, #tpu.memory_space<vmem>>, vector<16xi32>,
        tpu.vector_store %arg13[%parallel_loop3A_123], %parallel_loop3A_120 {strides = array<i32>} : memref<16384xi32, #tpu.memory_space<vmem>>, vector<16xi32>,
      } {sc.loop_unroll_factor = 4 : i64, sc.parallel_access}
      %scan3A_60 = arith.constant 0 : i32
      %scan3A_61 = arith.constant 0 : i32
      %scan3A_62 = arith.constant 128 : i32
      %scan3A_63 = arith.addi %scan3A_61, %scan3A_62 : i32
      %scan3A_64 = arith.constant 1 : i32
      %scan3A_65 = scf.for %scan3A_115 = %scan3A_61 to %scan3A_63 step %scan3A_64 iter_args(%scan3A_116 = %scan3A_60) -> (i32)  : i32 {
        %broadcast_in_dim3A_117 = arith.constant 0 : i32
        %broadcast_in_dim3A_118 = vector.broadcast %broadcast_in_dim3A_117 : i32 to vector<16xi32>
        %mul3A_119 = arith.constant 16 : i32
        %mul3A_120 = arith.muli %scan3A_115, %mul3A_119 : i32
        %swap3A = arith.index_cast %mul3A_120 : i32 to index
        %swap3A_121 = tpu.vector_load %arg16[%swap3A] {strides = array<i32>} : memref<2048xi32, #tpu.memory_space<vmem>>, vector<16xi32>,
        tpu.vector_store %arg16[%swap3A], %broadcast_in_dim3A_118 {strides = array<i32>} : memref<2048xi32, #tpu.memory_space<vmem>>, vector<16xi32>,
        %scan3A_122 = arith.constant 0 : i32
        scf.yield %scan3A_122 : i32
      }
      %scan3A_66 = arith.constant 128 : i32
      %parallel_loop3A_67 = arith.constant 0 : i32
      %parallel_loop3A_68 = arith.constant 1024 : i32
      %parallel_loop3A_69 = arith.constant 1 : i32
      scf.for %parallel_loop3A_115 = %parallel_loop3A_67 to %parallel_loop3A_68 step %parallel_loop3A_69  : i32 {
        %parallel_loop3A_116 = arith.constant 16 : i32
        %parallel_loop3A_117 = arith.muli %parallel_loop3A_115, %parallel_loop3A_116 : i32
        %parallel_loop3A_118 = arith.index_cast %parallel_loop3A_117 : i32 to index
        %parallel_loop3A_119 = tpu.vector_load %arg12[%parallel_loop3A_118] {strides = array<i32>} : memref<16384xi32, #tpu.memory_space<vmem>>, vector<16xi32>,
        %parallel_loop3A_120 = arith.constant 0 : i32
        %parallel_loop3A_121 = vector.broadcast %parallel_loop3A_120 : i32 to vector<16xi32>
        %parallel_loop3A_122 = arith.shrui %parallel_loop3A_119, %parallel_loop3A_121 : vector<16xi32>
        %parallel_loop3A_123 = arith.constant 2047 : i32
        %parallel_loop3A_124 = vector.broadcast %parallel_loop3A_123 : i32 to vector<16xi32>
        %parallel_loop3A_125 = arith.andi %parallel_loop3A_122, %parallel_loop3A_124 : vector<16xi32>
        %parallel_loop3A_126 = arith.constant true
        %parallel_loop3A_127 = vector.broadcast %parallel_loop3A_126 : i1 to vector<16xi1>
        %parallel_loop3A_128, %parallel_loop3A_129 = tpu.scan_count mask(%parallel_loop3A_127 : vector<16xi1>) value(%parallel_loop3A_125 : vector<16xi32>) : vector<16xi1>, vector<16xi32>
        %parallel_loop3A_130 = vector.broadcast %sub3A_11 : i32 to vector<16xi32>
        %parallel_loop3A_131 = arith.subi %parallel_loop3A_129, %parallel_loop3A_130 : vector<16xi32>
        %parallel_loop3A_132 = arith.constant 1 : i32
        %parallel_loop3A_133 = vector.broadcast %parallel_loop3A_132 : i32 to vector<16xi32>
        %parallel_loop3A_134 = arith.addi %parallel_loop3A_131, %parallel_loop3A_133 : vector<16xi32>
        tpu.vector_store_idx %arg16[%parallel_loop3A_125], %parallel_loop3A_134 masked %parallel_loop3A_128 {add = true} : memref<2048xi32, #tpu.memory_space<vmem>>[vector<16xi32>], vector<16xi32>, vector<16xi1>
      } {sc.loop_unroll_factor = 4 : i64, sc.parallel_access}
      %scan3A_70 = arith.constant 0 : i32
      %scan3A_71 = arith.constant 0 : i32
      %scan3A_72 = arith.constant 128 : i32
      %scan3A_73 = arith.addi %scan3A_71, %scan3A_72 : i32
      %scan3A_74 = arith.constant 1 : i32
      %scan3A_75 = scf.for %scan3A_115 = %scan3A_71 to %scan3A_73 step %scan3A_74 iter_args(%scan3A_116 = %scan3A_70) -> (i32)  : i32 {
        %mul3A_117 = arith.constant 16 : i32
        %mul3A_118 = arith.muli %scan3A_115, %mul3A_117 : i32
        %get3A = arith.index_cast %mul3A_118 : i32 to index
        %get3A_119 = tpu.vector_load %arg16[%get3A] {strides = array<i32>} : memref<2048xi32, #tpu.memory_space<vmem>>, vector<16xi32>,
        %broadcast_in_dim3A_120 = arith.constant true
        %broadcast_in_dim3A_121 = vector.broadcast %broadcast_in_dim3A_120 : i1 to vector<16xi1>
        %masked_cumsum3A = tpu.scan <sum>, %get3A_119 masked %broadcast_in_dim3A_121 : vector<16xi32>, vector<16xi1> -> vector<16xi32>
        %sub3A_122 = arith.subi %masked_cumsum3A, %get3A_119 : vector<16xi32>
        %add3A_123 = vector.broadcast %scan3A_116 : i32 to vector<16xi32>
        %add3A_124 = arith.addi %sub3A_122, %add3A_123 : vector<16xi32>
        %mul3A_125 = arith.constant 16 : i32
        %mul3A_126 = arith.muli %scan3A_115, %mul3A_125 : i32
        %swap3A = arith.index_cast %mul3A_126 : i32 to index
        %swap3A_127 = tpu.vector_load %arg17[%swap3A] {strides = array<i32>} : memref<2048xi32, #tpu.memory_space<vmem>>, vector<16xi32>,
        tpu.vector_store %arg17[%swap3A], %add3A_124 {strides = array<i32>} : memref<2048xi32, #tpu.memory_space<vmem>>, vector<16xi32>,
        %reduce_sum3A = arith.constant true
        %reduce_sum3A_128 = vector.broadcast %reduce_sum3A : i1 to vector<16xi1>
        %reduce_sum3A_129 = tpu.scan <sum>, %get3A_119 masked %reduce_sum3A_128 : vector<16xi32>, vector<16xi1> -> vector<16xi32>
        %reduce_sum3A_130 = vector.extract %reduce_sum3A_129[15] : i32 from vector<16xi32>
        %add3A_131 = arith.addi %scan3A_116, %reduce_sum3A_130 : i32
        scf.yield %add3A_131 : i32
      }
      %scan3A_76 = arith.constant 128 : i32
      %scan3A_77 = arith.constant 0 : i32
      %scan3A_78 = arith.constant 0 : i32
      %scan3A_79 = arith.constant 1024 : i32
      %scan3A_80 = arith.addi %scan3A_78, %scan3A_79 : i32
      %scan3A_81 = arith.constant 1 : i32
      %scan3A_82 = scf.for %scan3A_115 = %scan3A_78 to %scan3A_80 step %scan3A_81 iter_args(%scan3A_116 = %scan3A_77) -> (i32)  : i32 {
        %mul3A_117 = arith.constant 16 : i32
        %mul3A_118 = arith.muli %scan3A_115, %mul3A_117 : i32
        %get3A = arith.index_cast %mul3A_118 : i32 to index
        %get3A_119 = tpu.vector_load %arg12[%get3A] {strides = array<i32>} : memref<16384xi32, #tpu.memory_space<vmem>>, vector<16xi32>,
        %mul3A_120 = arith.constant 16 : i32
        %mul3A_121 = arith.muli %scan3A_115, %mul3A_120 : i32
        %get3A_122 = arith.index_cast %mul3A_121 : i32 to index
        %get3A_123 = tpu.vector_load %arg13[%get3A_122] {strides = array<i32>} : memref<16384xi32, #tpu.memory_space<vmem>>, vector<16xi32>,
        %shift_right_logical3A = arith.constant 0 : i32
        %shift_right_logical3A_124 = vector.broadcast %shift_right_logical3A : i32 to vector<16xi32>
        %shift_right_logical3A_125 = arith.shrui %get3A_119, %shift_right_logical3A_124 : vector<16xi32>
        %and3A = arith.constant 2047 : i32
        %and3A_126 = vector.broadcast %and3A : i32 to vector<16xi32>
        %and3A_127 = arith.andi %shift_right_logical3A_125, %and3A_126 : vector<16xi32>
        %broadcast_in_dim3A_128 = arith.constant true
        %broadcast_in_dim3A_129 = vector.broadcast %broadcast_in_dim3A_128 : i1 to vector<16xi1>
        %unique3A_130, %unique3A_131 = tpu.scan_count mask(%broadcast_in_dim3A_129 : vector<16xi1>) value(%and3A_127 : vector<16xi32>) : vector<16xi1>, vector<16xi32>
        %sub3A_132 = vector.broadcast %sub3A_11 : i32 to vector<16xi32>
        %sub3A_133 = arith.subi %unique3A_131, %sub3A_132 : vector<16xi32>
        %gather3A = tpu.vector_load_idx %arg17[%and3A_127] : memref<2048xi32, #tpu.memory_space<vmem>>[vector<16xi32>], vector<16xi32>,
        %add3A_134 = arith.addi %gather3A, %sub3A_133 : vector<16xi32>
        tpu.vector_store_idx %arg14[%add3A_134], %get3A_119 : memref<16384xi32, #tpu.memory_space<vmem>>[vector<16xi32>], vector<16xi32>,
        tpu.vector_store_idx %arg15[%add3A_134], %get3A_123 : memref<16384xi32, #tpu.memory_space<vmem>>[vector<16xi32>], vector<16xi32>,
        %add3A_135 = arith.constant 1 : i32
        %add3A_136 = vector.broadcast %add3A_135 : i32 to vector<16xi32>
        %add3A_137 = arith.addi %sub3A_133, %add3A_136 : vector<16xi32>
        tpu.vector_store_idx %arg17[%and3A_127], %add3A_137 masked %unique3A_130 {add = true} : memref<2048xi32, #tpu.memory_space<vmem>>[vector<16xi32>], vector<16xi32>, vector<16xi1>
        %scan3A_138 = arith.constant 0 : i32
        scf.yield %scan3A_138 : i32
      }
      %scan3A_83 = arith.constant 1024 : i32
      %scan3A_84 = arith.constant 0 : i32
      %scan3A_85 = arith.constant 0 : i32
      %scan3A_86 = arith.constant 128 : i32
      %scan3A_87 = arith.addi %scan3A_85, %scan3A_86 : i32
      %scan3A_88 = arith.constant 1 : i32
      %scan3A_89 = scf.for %scan3A_115 = %scan3A_85 to %scan3A_87 step %scan3A_88 iter_args(%scan3A_116 = %scan3A_84) -> (i32)  : i32 {
        %broadcast_in_dim3A_117 = arith.constant 0 : i32
        %broadcast_in_dim3A_118 = vector.broadcast %broadcast_in_dim3A_117 : i32 to vector<16xi32>
        %mul3A_119 = arith.constant 16 : i32
        %mul3A_120 = arith.muli %scan3A_115, %mul3A_119 : i32
        %swap3A = arith.index_cast %mul3A_120 : i32 to index
        %swap3A_121 = tpu.vector_load %arg16[%swap3A] {strides = array<i32>} : memref<2048xi32, #tpu.memory_space<vmem>>, vector<16xi32>,
        tpu.vector_store %arg16[%swap3A], %broadcast_in_dim3A_118 {strides = array<i32>} : memref<2048xi32, #tpu.memory_space<vmem>>, vector<16xi32>,
        %scan3A_122 = arith.constant 0 : i32
        scf.yield %scan3A_122 : i32
      }
      %scan3A_90 = arith.constant 128 : i32
      %parallel_loop3A_91 = arith.constant 0 : i32
      %parallel_loop3A_92 = arith.constant 1024 : i32
      %parallel_loop3A_93 = arith.constant 1 : i32
      scf.for %parallel_loop3A_115 = %parallel_loop3A_91 to %parallel_loop3A_92 step %parallel_loop3A_93  : i32 {
        %parallel_loop3A_116 = arith.constant 16 : i32
        %parallel_loop3A_117 = arith.muli %parallel_loop3A_115, %parallel_loop3A_116 : i32
        %parallel_loop3A_118 = arith.index_cast %parallel_loop3A_117 : i32 to index
        %parallel_loop3A_119 = tpu.vector_load %arg14[%parallel_loop3A_118] {strides = array<i32>} : memref<16384xi32, #tpu.memory_space<vmem>>, vector<16xi32>,
        %parallel_loop3A_120 = arith.constant 11 : i32
        %parallel_loop3A_121 = vector.broadcast %parallel_loop3A_120 : i32 to vector<16xi32>
        %parallel_loop3A_122 = arith.shrui %parallel_loop3A_119, %parallel_loop3A_121 : vector<16xi32>
        %parallel_loop3A_123 = arith.constant 2047 : i32
        %parallel_loop3A_124 = vector.broadcast %parallel_loop3A_123 : i32 to vector<16xi32>
        %parallel_loop3A_125 = arith.andi %parallel_loop3A_122, %parallel_loop3A_124 : vector<16xi32>
        %parallel_loop3A_126 = arith.constant true
        %parallel_loop3A_127 = vector.broadcast %parallel_loop3A_126 : i1 to vector<16xi1>
        %parallel_loop3A_128, %parallel_loop3A_129 = tpu.scan_count mask(%parallel_loop3A_127 : vector<16xi1>) value(%parallel_loop3A_125 : vector<16xi32>) : vector<16xi1>, vector<16xi32>
        %parallel_loop3A_130 = vector.broadcast %sub3A_11 : i32 to vector<16xi32>
        %parallel_loop3A_131 = arith.subi %parallel_loop3A_129, %parallel_loop3A_130 : vector<16xi32>
        %parallel_loop3A_132 = arith.constant 1 : i32
        %parallel_loop3A_133 = vector.broadcast %parallel_loop3A_132 : i32 to vector<16xi32>
        %parallel_loop3A_134 = arith.addi %parallel_loop3A_131, %parallel_loop3A_133 : vector<16xi32>
        tpu.vector_store_idx %arg16[%parallel_loop3A_125], %parallel_loop3A_134 masked %parallel_loop3A_128 {add = true} : memref<2048xi32, #tpu.memory_space<vmem>>[vector<16xi32>], vector<16xi32>, vector<16xi1>
      } {sc.loop_unroll_factor = 4 : i64, sc.parallel_access}
      %scan3A_94 = arith.constant 0 : i32
      %scan3A_95 = arith.constant 0 : i32
      %scan3A_96 = arith.constant 128 : i32
      %scan3A_97 = arith.addi %scan3A_95, %scan3A_96 : i32
      %scan3A_98 = arith.constant 1 : i32
      %scan3A_99 = scf.for %scan3A_115 = %scan3A_95 to %scan3A_97 step %scan3A_98 iter_args(%scan3A_116 = %scan3A_94) -> (i32)  : i32 {
        %mul3A_117 = arith.constant 16 : i32
        %mul3A_118 = arith.muli %scan3A_115, %mul3A_117 : i32
        %get3A = arith.index_cast %mul3A_118 : i32 to index
        %get3A_119 = tpu.vector_load %arg16[%get3A] {strides = array<i32>} : memref<2048xi32, #tpu.memory_space<vmem>>, vector<16xi32>,
        %broadcast_in_dim3A_120 = arith.constant true
        %broadcast_in_dim3A_121 = vector.broadcast %broadcast_in_dim3A_120 : i1 to vector<16xi1>
        %masked_cumsum3A = tpu.scan <sum>, %get3A_119 masked %broadcast_in_dim3A_121 : vector<16xi32>, vector<16xi1> -> vector<16xi32>
        %sub3A_122 = arith.subi %masked_cumsum3A, %get3A_119 : vector<16xi32>
        %add3A_123 = vector.broadcast %scan3A_116 : i32 to vector<16xi32>
        %add3A_124 = arith.addi %sub3A_122, %add3A_123 : vector<16xi32>
        %mul3A_125 = arith.constant 16 : i32
        %mul3A_126 = arith.muli %scan3A_115, %mul3A_125 : i32
        %swap3A = arith.index_cast %mul3A_126 : i32 to index
        %swap3A_127 = tpu.vector_load %arg17[%swap3A] {strides = array<i32>} : memref<2048xi32, #tpu.memory_space<vmem>>, vector<16xi32>,
        tpu.vector_store %arg17[%swap3A], %add3A_124 {strides = array<i32>} : memref<2048xi32, #tpu.memory_space<vmem>>, vector<16xi32>,
        %reduce_sum3A = arith.constant true
        %reduce_sum3A_128 = vector.broadcast %reduce_sum3A : i1 to vector<16xi1>
        %reduce_sum3A_129 = tpu.scan <sum>, %get3A_119 masked %reduce_sum3A_128 : vector<16xi32>, vector<16xi1> -> vector<16xi32>
        %reduce_sum3A_130 = vector.extract %reduce_sum3A_129[15] : i32 from vector<16xi32>
        %add3A_131 = arith.addi %scan3A_116, %reduce_sum3A_130 : i32
        scf.yield %add3A_131 : i32
      }
      %scan3A_100 = arith.constant 128 : i32
      %scan3A_101 = arith.constant 0 : i32
      %scan3A_102 = arith.constant 0 : i32
      %scan3A_103 = arith.constant 1024 : i32
      %scan3A_104 = arith.addi %scan3A_102, %scan3A_103 : i32
      %scan3A_105 = arith.constant 1 : i32
      %scan3A_106 = scf.for %scan3A_115 = %scan3A_102 to %scan3A_104 step %scan3A_105 iter_args(%scan3A_116 = %scan3A_101) -> (i32)  : i32 {
        %mul3A_117 = arith.constant 16 : i32
        %mul3A_118 = arith.muli %scan3A_115, %mul3A_117 : i32
        %get3A = arith.index_cast %mul3A_118 : i32 to index
        %get3A_119 = tpu.vector_load %arg14[%get3A] {strides = array<i32>} : memref<16384xi32, #tpu.memory_space<vmem>>, vector<16xi32>,
        %mul3A_120 = arith.constant 16 : i32
        %mul3A_121 = arith.muli %scan3A_115, %mul3A_120 : i32
        %get3A_122 = arith.index_cast %mul3A_121 : i32 to index
        %get3A_123 = tpu.vector_load %arg15[%get3A_122] {strides = array<i32>} : memref<16384xi32, #tpu.memory_space<vmem>>, vector<16xi32>,
        %shift_right_logical3A = arith.constant 11 : i32
        %shift_right_logical3A_124 = vector.broadcast %shift_right_logical3A : i32 to vector<16xi32>
        %shift_right_logical3A_125 = arith.shrui %get3A_119, %shift_right_logical3A_124 : vector<16xi32>
        %and3A = arith.constant 2047 : i32
        %and3A_126 = vector.broadcast %and3A : i32 to vector<16xi32>
        %and3A_127 = arith.andi %shift_right_logical3A_125, %and3A_126 : vector<16xi32>
        %broadcast_in_dim3A_128 = arith.constant true
        %broadcast_in_dim3A_129 = vector.broadcast %broadcast_in_dim3A_128 : i1 to vector<16xi1>
        %unique3A_130, %unique3A_131 = tpu.scan_count mask(%broadcast_in_dim3A_129 : vector<16xi1>) value(%and3A_127 : vector<16xi32>) : vector<16xi1>, vector<16xi32>
        %sub3A_132 = vector.broadcast %sub3A_11 : i32 to vector<16xi32>
        %sub3A_133 = arith.subi %unique3A_131, %sub3A_132 : vector<16xi32>
        %gather3A = tpu.vector_load_idx %arg17[%and3A_127] : memref<2048xi32, #tpu.memory_space<vmem>>[vector<16xi32>], vector<16xi32>,
        %add3A_134 = arith.addi %gather3A, %sub3A_133 : vector<16xi32>
        tpu.vector_store_idx %arg12[%add3A_134], %get3A_119 : memref<16384xi32, #tpu.memory_space<vmem>>[vector<16xi32>], vector<16xi32>,
        tpu.vector_store_idx %arg13[%add3A_134], %get3A_123 : memref<16384xi32, #tpu.memory_space<vmem>>[vector<16xi32>], vector<16xi32>,
        %add3A_135 = arith.constant 1 : i32
        %add3A_136 = vector.broadcast %add3A_135 : i32 to vector<16xi32>
        %add3A_137 = arith.addi %sub3A_133, %add3A_136 : vector<16xi32>
        tpu.vector_store_idx %arg17[%and3A_127], %add3A_137 masked %unique3A_130 {add = true} : memref<2048xi32, #tpu.memory_space<vmem>>[vector<16xi32>], vector<16xi32>, vector<16xi1>
        %scan3A_138 = arith.constant 0 : i32
        scf.yield %scan3A_138 : i32
      }
      %scan3A_107 = arith.constant 1024 : i32
      "tpu.region"() ({
        %run_scoped3A = tpu.sem_alloc : memref<!tpu.dma_semaphore, #tpu.memory_space<semaphore_mem>>
        %dma_start3A_115 = arith.constant 0 : i32
        %dma_start3A_116 = tpu.memref_slice %arg12[%dma_start3A_115] : memref<16384xi32, #tpu.memory_space<vmem>> -> memref<4096xi32, #tpu.memory_space<vmem>>
        %dma_start3A_117 = arith.constant 0 : i32
        %dma_start3A_118 = tpu.memref_slice %arg12[%dma_start3A_117] : memref<16384xi32, #tpu.memory_space<vmem>> -> memref<4096xi32, #tpu.memory_space<vmem>>
        tpu.enqueue_dma source(%dma_start3A_118 : memref<4096xi32, #tpu.memory_space<vmem>>) target(%arg5 : memref<4096xi32, #tpu.memory_space<hbm>>) target_semaphore(%run_scoped3A : memref<!tpu.dma_semaphore, #tpu.memory_space<semaphore_mem>>)
        %dma_wait3A_119 = arith.constant 0 : i32
        %dma_wait3A_120 = tpu.memref_slice %arg12[%dma_wait3A_119] : memref<16384xi32, #tpu.memory_space<vmem>> -> memref<4096xi32, #tpu.memory_space<vmem>>
        %dma_wait3A_121 = arith.constant 0 : i32
        %dma_wait3A_122 = tpu.memref_slice %arg12[%dma_wait3A_121] : memref<16384xi32, #tpu.memory_space<vmem>> -> memref<4096xi32, #tpu.memory_space<vmem>>
        tpu.wait_dma2 semaphore(%run_scoped3A : memref<!tpu.dma_semaphore, #tpu.memory_space<semaphore_mem>>) src(%dma_wait3A_122 : memref<4096xi32, #tpu.memory_space<vmem>>) dst(%arg5 : memref<4096xi32, #tpu.memory_space<hbm>>)
        tpu.yield
      }) : () -> ()
      %scan3A_108 = arith.constant 0 : i32
      %scan3A_109 = arith.constant 0 : i32
      %scan3A_110 = arith.constant 256 : i32
      %scan3A_111 = arith.addi %scan3A_109, %scan3A_110 : i32
      %scan3A_112 = arith.constant 1 : i32
      %scan3A_113 = scf.for %scan3A_115 = %scan3A_109 to %scan3A_111 step %scan3A_112 iter_args(%scan3A_116 = %scan3A_108) -> (i32)  : i32 {
        %mul3A_117 = arith.constant 16 : i32
        %mul3A_118 = arith.muli %scan3A_115, %mul3A_117 : i32
        %get3A = arith.index_cast %mul3A_118 : i32 to index
        %get3A_119 = tpu.vector_load %arg12[%get3A] {strides = array<i32>} : memref<16384xi32, #tpu.memory_space<vmem>>, vector<16xi32>,
        %convert_element_type3A_120 = arith.sitofp %get3A_119 : vector<16xi32> to vector<16xf32>
        %div3A = arith.constant 1.000000e+00 : f32
        %div3A_121 = vector.broadcast %div3A : f32 to vector<16xf32>
        %div3A_122 = arith.divf %div3A_121, %convert_element_type3A_120 : vector<16xf32>
        %mul3A_123 = arith.constant 16 : i32
        %mul3A_124 = arith.muli %scan3A_115, %mul3A_123 : i32
        %swap3A = arith.index_cast %mul3A_124 : i32 to index
        %swap3A_125 = tpu.vector_load %arg18[%swap3A] {strides = array<i32>} : memref<4096xf32, #tpu.memory_space<vmem>>, vector<16xf32>,
        tpu.vector_store %arg18[%swap3A], %div3A_122 {strides = array<i32>} : memref<4096xf32, #tpu.memory_space<vmem>>, vector<16xf32>,
        %scan3A_126 = arith.constant 0 : i32
        scf.yield %scan3A_126 : i32
      }
      %scan3A_114 = arith.constant 256 : i32
      "tpu.region"() ({
        %run_scoped3A = tpu.sem_alloc : memref<!tpu.dma_semaphore, #tpu.memory_space<semaphore_mem>>
        tpu.enqueue_dma source(%arg18 : memref<4096xf32, #tpu.memory_space<vmem>>) target(%arg6 : memref<4096xf32, #tpu.memory_space<hbm>>) target_semaphore(%run_scoped3A : memref<!tpu.dma_semaphore, #tpu.memory_space<semaphore_mem>>)
        tpu.wait_dma2 semaphore(%run_scoped3A : memref<!tpu.dma_semaphore, #tpu.memory_space<semaphore_mem>>) src(%arg18 : memref<4096xf32, #tpu.memory_space<vmem>>) dst(%arg6 : memref<4096xf32, #tpu.memory_space<hbm>>)
        tpu.yield
      }) : () -> ()
      "tpu.region"() ({
        %run_scoped3A = tpu.sem_alloc : memref<!tpu.dma_semaphore, #tpu.memory_space<semaphore_mem>>
        %dma_start3A_115 = arith.constant 0 : i32
        %dma_start3A_116 = tpu.memref_slice %arg13[%dma_start3A_115] : memref<16384xi32, #tpu.memory_space<vmem>> -> memref<4096xi32, #tpu.memory_space<vmem>>
        %dma_start3A_117 = arith.constant 0 : i32
        %dma_start3A_118 = tpu.memref_slice %arg13[%dma_start3A_117] : memref<16384xi32, #tpu.memory_space<vmem>> -> memref<4096xi32, #tpu.memory_space<vmem>>
        tpu.enqueue_dma source(%dma_start3A_118 : memref<4096xi32, #tpu.memory_space<vmem>>) target(%arg8 : memref<4096xi32, #tpu.memory_space<vmem_shared>>) target_semaphore(%run_scoped3A : memref<!tpu.dma_semaphore, #tpu.memory_space<semaphore_mem>>)
        %dma_wait3A_119 = arith.constant 0 : i32
        %dma_wait3A_120 = tpu.memref_slice %arg13[%dma_wait3A_119] : memref<16384xi32, #tpu.memory_space<vmem>> -> memref<4096xi32, #tpu.memory_space<vmem>>
        %dma_wait3A_121 = arith.constant 0 : i32
        %dma_wait3A_122 = tpu.memref_slice %arg13[%dma_wait3A_121] : memref<16384xi32, #tpu.memory_space<vmem>> -> memref<4096xi32, #tpu.memory_space<vmem>>
        tpu.wait_dma2 semaphore(%run_scoped3A : memref<!tpu.dma_semaphore, #tpu.memory_space<semaphore_mem>>) src(%dma_wait3A_122 : memref<4096xi32, #tpu.memory_space<vmem>>) dst(%arg8 : memref<4096xi32, #tpu.memory_space<vmem_shared>>)
        tpu.yield
      }) : () -> ()
    } else {
    }
    %barrier3A_49 = arith.constant 0 : index
    tpu.barrier barrier_id(%barrier3A_49)
    %mul3A_50 = arith.constant 256 : i32
    %mul3A_51 = arith.muli %arg1, %mul3A_50 : i32
    "tpu.region"() ({
      %run_scoped3A = tpu.sem_alloc : memref<!tpu.dma_semaphore, #tpu.memory_space<semaphore_mem>>
      %dma_start3A_58 = tpu.memref_slice %arg8[%mul3A_51] : memref<4096xi32, #tpu.memory_space<vmem_shared>> -> memref<256xi32, #tpu.memory_space<vmem_shared>>
      %dma_start3A_59 = tpu.memref_slice %arg8[%mul3A_51] : memref<4096xi32, #tpu.memory_space<vmem_shared>> -> memref<256xi32, #tpu.memory_space<vmem_shared>>
      tpu.enqueue_dma source(%dma_start3A_59 : memref<256xi32, #tpu.memory_space<vmem_shared>>) target(%arg19 : memref<256xi32, #tpu.memory_space<vmem>>) target_semaphore(%run_scoped3A : memref<!tpu.dma_semaphore, #tpu.memory_space<semaphore_mem>>)
      %dma_wait3A_60 = tpu.memref_slice %arg8[%mul3A_51] : memref<4096xi32, #tpu.memory_space<vmem_shared>> -> memref<256xi32, #tpu.memory_space<vmem_shared>>
      %dma_wait3A_61 = tpu.memref_slice %arg8[%mul3A_51] : memref<4096xi32, #tpu.memory_space<vmem_shared>> -> memref<256xi32, #tpu.memory_space<vmem_shared>>
      tpu.wait_dma2 semaphore(%run_scoped3A : memref<!tpu.dma_semaphore, #tpu.memory_space<semaphore_mem>>) src(%dma_wait3A_61 : memref<256xi32, #tpu.memory_space<vmem_shared>>) dst(%arg19 : memref<256xi32, #tpu.memory_space<vmem>>)
      tpu.yield
    }) : () -> ()
    %dma_start3A = arith.constant 0 : i32
    %dma_start3A_52 = arith.constant 0 : i32
    %dma_start3A_53 = tpu.memref_slice %arg2[%dma_start3A, %dma_start3A_52] : memref<16384x64xf32, #tpu.memory_space<hbm>> -> memref<16384x64xf32, #tpu.memory_space<hbm>>
    tpu.enqueue_indirect_dma source(%dma_start3A_53 : memref<16384x64xf32, #tpu.memory_space<hbm>>) target(%arg9 : memref<256x64xf32, #tpu.memory_space<vmem>>) offsets(%arg19 : memref<256xi32, #tpu.memory_space<vmem>>) semaphore(%arg20 : memref<!tpu.dma_semaphore, #tpu.memory_space<semaphore_mem>>)
    %dma_wait3A = arith.constant 0 : i32
    %dma_wait3A_54 = arith.constant 0 : i32
    %dma_wait3A_55 = tpu.memref_slice %arg2[%dma_wait3A, %dma_wait3A_54] : memref<16384x64xf32, #tpu.memory_space<hbm>> -> memref<16384x64xf32, #tpu.memory_space<hbm>>
    tpu.wait_indirect_dma semaphore(%arg20 : memref<!tpu.dma_semaphore, #tpu.memory_space<semaphore_mem>>) src(%dma_wait3A_55 : memref<16384x64xf32, #tpu.memory_space<hbm>>) dst(%arg9 : memref<256x64xf32, #tpu.memory_space<vmem>>)
    %mul3A_56 = arith.constant 256 : i32
    %mul3A_57 = arith.muli %arg1, %mul3A_56 : i32
    "tpu.region"() ({
      %run_scoped3A = tpu.sem_alloc : memref<!tpu.dma_semaphore, #tpu.memory_space<semaphore_mem>>
      %dma_start3A_58 = arith.constant 0 : i32
      %dma_start3A_59 = tpu.memref_slice %arg4[%mul3A_57, %dma_start3A_58] : memref<4096x64xf32, #tpu.memory_space<hbm>> -> memref<256x64xf32, #tpu.memory_space<hbm>>
      %dma_start3A_60 = arith.constant 0 : i32
      %dma_start3A_61 = tpu.memref_slice %arg4[%mul3A_57, %dma_start3A_60] : memref<4096x64xf32, #tpu.memory_space<hbm>> -> memref<256x64xf32, #tpu.memory_space<hbm>>
      tpu.enqueue_dma source(%arg9 : memref<256x64xf32, #tpu.memory_space<vmem>>) target(%dma_start3A_61 : memref<256x64xf32, #tpu.memory_space<hbm>>) target_semaphore(%run_scoped3A : memref<!tpu.dma_semaphore, #tpu.memory_space<semaphore_mem>>)
      %dma_wait3A_62 = arith.constant 0 : i32
      %dma_wait3A_63 = tpu.memref_slice %arg4[%mul3A_57, %dma_wait3A_62] : memref<4096x64xf32, #tpu.memory_space<hbm>> -> memref<256x64xf32, #tpu.memory_space<hbm>>
      %dma_wait3A_64 = arith.constant 0 : i32
      %dma_wait3A_65 = tpu.memref_slice %arg4[%mul3A_57, %dma_wait3A_64] : memref<4096x64xf32, #tpu.memory_space<hbm>> -> memref<256x64xf32, #tpu.memory_space<hbm>>
      tpu.wait_dma2 semaphore(%run_scoped3A : memref<!tpu.dma_semaphore, #tpu.memory_space<semaphore_mem>>) src(%arg9 : memref<256x64xf32, #tpu.memory_space<vmem>>) dst(%dma_wait3A_65 : memref<256x64xf32, #tpu.memory_space<hbm>>)
      tpu.yield
    }) : () -> ()
    return
  }
}

module attributes {stable_mosaic.version = 14 : i64} {
  func.func @_mut_body(%arg0: i32, %arg1: memref<256x64xf32, #tpu.memory_space<vmem>>, %arg2: memref<256x64xf32, #tpu.memory_space<vmem>>, %arg3: memref<256x64xf32, #tpu.memory_space<vmem>>, %arg4: memref<256x64xf32, #tpu.memory_space<vmem>>) attributes {dimension_semantics = [#tpu.dimension_semantics<arbitrary>], iteration_bounds = array<i64: 64>, scalar_prefetch = 0 : i64, scratch_operands = 0 : i64, tpu.core_type = #tpu.core_type<tc>, window_params = [{transform_indices = @transform_0, window_bounds = array<i64: 256, 64>}, {transform_indices = @transform_1, window_bounds = array<i64: 256, 64>}, {transform_indices = @transform_2, window_bounds = array<i64: 256, 64>}, {transform_indices = @transform_3, window_bounds = array<i64: 256, 64>}]} {
    %get3A = arith.constant 0 : index
    %get3A_0 = arith.constant 0 : index
    %get3A_1 = vector.load %arg1[%get3A, %get3A_0] : memref<256x64xf32, #tpu.memory_space<vmem>>, vector<256x64xf32>
    %get3A_2 = arith.constant 0 : index
    %get3A_3 = arith.constant 0 : index
    %get3A_4 = vector.load %arg2[%get3A_2, %get3A_3] : memref<256x64xf32, #tpu.memory_space<vmem>>, vector<256x64xf32>
    %get3A_5 = arith.constant 0 : index
    %get3A_6 = arith.constant 0 : index
    %get3A_7 = vector.load %arg3[%get3A_5, %get3A_6] : memref<256x64xf32, #tpu.memory_space<vmem>>, vector<256x64xf32>
    %bitcast_convert_type3A = tpu.bitcast %get3A_4 : vector<256x64xf32> -> vector<256x64xi32>
    %shift_right_arithmetic3A = arith.constant 31 : i32
    %shift_right_arithmetic3A_8 = vector.broadcast %shift_right_arithmetic3A : i32 to vector<256x64xi32>
    %shift_right_arithmetic3A_9 = arith.shrsi %bitcast_convert_type3A, %shift_right_arithmetic3A_8 : vector<256x64xi32>
    %and3A = arith.constant 2147483647 : i32
    %and3A_10 = vector.broadcast %and3A : i32 to vector<256x64xi32>
    %and3A_11 = arith.andi %shift_right_arithmetic3A_9, %and3A_10 : vector<256x64xi32>
    %xor3A = arith.xori %bitcast_convert_type3A, %and3A_11 : vector<256x64xi32>
    %iota3A = tpu.iota {dimensions = array<i32: 1>} : vector<256x64xi32>
    %broadcast_in_dim3A = arith.constant false
    %broadcast_in_dim3A_12 = vector.broadcast %broadcast_in_dim3A : i1 to vector<256x64xi1>
    %slice3A = vector.extract_strided_slice %xor3A {offsets = [0, 0], sizes = [256, 1], strides = [1, 1]} : vector<256x64xi32> to vector<256x1xi32>
    %lt3A = vector.broadcast %slice3A : vector<256x1xi32> to vector<256x64xi32>
    %lt3A_13 = arith.cmpi slt, %xor3A, %lt3A : vector<256x64xi32>
    %eq3A = vector.broadcast %slice3A : vector<256x1xi32> to vector<256x64xi32>
    %eq3A_14 = arith.cmpi eq, %xor3A, %eq3A : vector<256x64xi32>
    %lt3A_15 = arith.constant 0 : i32
    %lt3A_16 = vector.broadcast %lt3A_15 : i32 to vector<256x64xi32>
    %lt3A_17 = arith.cmpi slt, %iota3A, %lt3A_16 : vector<256x64xi32>
    %and3A_18 = arith.andi %eq3A_14, %lt3A_17 : vector<256x64xi1>
    %or3A = arith.ori %lt3A_13, %and3A_18 : vector<256x64xi1>
    %convert_element_type3A = arith.extui %or3A : vector<256x64xi1> to vector<256x64xi32>
    %reduce_sum3A = arith.constant dense<0> : vector<256xi32>
    %reduce_sum3A_19 = vector.multi_reduction <add>, %convert_element_type3A, %reduce_sum3A [1] : vector<256x64xi32> to vector<256xi32>
    %broadcast_in_dim3A_20 = vector.shape_cast %reduce_sum3A_19 : vector<256xi32> to vector<256x1xi32>
    %eq3A_21 = vector.broadcast %broadcast_in_dim3A_20 : vector<256x1xi32> to vector<256x64xi32>
    %eq3A_22 = arith.cmpi eq, %iota3A, %eq3A_21 : vector<256x64xi32>
    %or3A_23 = arith.ori %broadcast_in_dim3A_12, %eq3A_22 : vector<256x64xi1>
    %slice3A_24 = vector.extract_strided_slice %xor3A {offsets = [0, 1], sizes = [256, 1], strides = [1, 1]} : vector<256x64xi32> to vector<256x1xi32>
    %lt3A_25 = vector.broadcast %slice3A_24 : vector<256x1xi32> to vector<256x64xi32>
    %lt3A_26 = arith.cmpi slt, %xor3A, %lt3A_25 : vector<256x64xi32>
    %eq3A_27 = vector.broadcast %slice3A_24 : vector<256x1xi32> to vector<256x64xi32>
    %eq3A_28 = arith.cmpi eq, %xor3A, %eq3A_27 : vector<256x64xi32>
    %lt3A_29 = arith.constant 1 : i32
    %lt3A_30 = vector.broadcast %lt3A_29 : i32 to vector<256x64xi32>
    %lt3A_31 = arith.cmpi slt, %iota3A, %lt3A_30 : vector<256x64xi32>
    %and3A_32 = arith.andi %eq3A_28, %lt3A_31 : vector<256x64xi1>
    %or3A_33 = arith.ori %lt3A_26, %and3A_32 : vector<256x64xi1>
    %convert_element_type3A_34 = arith.extui %or3A_33 : vector<256x64xi1> to vector<256x64xi32>
    %reduce_sum3A_35 = arith.constant dense<0> : vector<256xi32>
    %reduce_sum3A_36 = vector.multi_reduction <add>, %convert_element_type3A_34, %reduce_sum3A_35 [1] : vector<256x64xi32> to vector<256xi32>
    %broadcast_in_dim3A_37 = vector.shape_cast %reduce_sum3A_36 : vector<256xi32> to vector<256x1xi32>
    %eq3A_38 = vector.broadcast %broadcast_in_dim3A_37 : vector<256x1xi32> to vector<256x64xi32>
    %eq3A_39 = arith.cmpi eq, %iota3A, %eq3A_38 : vector<256x64xi32>
    %or3A_40 = arith.ori %or3A_23, %eq3A_39 : vector<256x64xi1>
    %slice3A_41 = vector.extract_strided_slice %xor3A {offsets = [0, 2], sizes = [256, 1], strides = [1, 1]} : vector<256x64xi32> to vector<256x1xi32>
    %lt3A_42 = vector.broadcast %slice3A_41 : vector<256x1xi32> to vector<256x64xi32>
    %lt3A_43 = arith.cmpi slt, %xor3A, %lt3A_42 : vector<256x64xi32>
    %eq3A_44 = vector.broadcast %slice3A_41 : vector<256x1xi32> to vector<256x64xi32>
    %eq3A_45 = arith.cmpi eq, %xor3A, %eq3A_44 : vector<256x64xi32>
    %lt3A_46 = arith.constant 2 : i32
    %lt3A_47 = vector.broadcast %lt3A_46 : i32 to vector<256x64xi32>
    %lt3A_48 = arith.cmpi slt, %iota3A, %lt3A_47 : vector<256x64xi32>
    %and3A_49 = arith.andi %eq3A_45, %lt3A_48 : vector<256x64xi1>
    %or3A_50 = arith.ori %lt3A_43, %and3A_49 : vector<256x64xi1>
    %convert_element_type3A_51 = arith.extui %or3A_50 : vector<256x64xi1> to vector<256x64xi32>
    %reduce_sum3A_52 = arith.constant dense<0> : vector<256xi32>
    %reduce_sum3A_53 = vector.multi_reduction <add>, %convert_element_type3A_51, %reduce_sum3A_52 [1] : vector<256x64xi32> to vector<256xi32>
    %broadcast_in_dim3A_54 = vector.shape_cast %reduce_sum3A_53 : vector<256xi32> to vector<256x1xi32>
    %eq3A_55 = vector.broadcast %broadcast_in_dim3A_54 : vector<256x1xi32> to vector<256x64xi32>
    %eq3A_56 = arith.cmpi eq, %iota3A, %eq3A_55 : vector<256x64xi32>
    %or3A_57 = arith.ori %or3A_40, %eq3A_56 : vector<256x64xi1>
    %slice3A_58 = vector.extract_strided_slice %xor3A {offsets = [0, 3], sizes = [256, 1], strides = [1, 1]} : vector<256x64xi32> to vector<256x1xi32>
    %lt3A_59 = vector.broadcast %slice3A_58 : vector<256x1xi32> to vector<256x64xi32>
    %lt3A_60 = arith.cmpi slt, %xor3A, %lt3A_59 : vector<256x64xi32>
    %eq3A_61 = vector.broadcast %slice3A_58 : vector<256x1xi32> to vector<256x64xi32>
    %eq3A_62 = arith.cmpi eq, %xor3A, %eq3A_61 : vector<256x64xi32>
    %lt3A_63 = arith.constant 3 : i32
    %lt3A_64 = vector.broadcast %lt3A_63 : i32 to vector<256x64xi32>
    %lt3A_65 = arith.cmpi slt, %iota3A, %lt3A_64 : vector<256x64xi32>
    %and3A_66 = arith.andi %eq3A_62, %lt3A_65 : vector<256x64xi1>
    %or3A_67 = arith.ori %lt3A_60, %and3A_66 : vector<256x64xi1>
    %convert_element_type3A_68 = arith.extui %or3A_67 : vector<256x64xi1> to vector<256x64xi32>
    %reduce_sum3A_69 = arith.constant dense<0> : vector<256xi32>
    %reduce_sum3A_70 = vector.multi_reduction <add>, %convert_element_type3A_68, %reduce_sum3A_69 [1] : vector<256x64xi32> to vector<256xi32>
    %broadcast_in_dim3A_71 = vector.shape_cast %reduce_sum3A_70 : vector<256xi32> to vector<256x1xi32>
    %eq3A_72 = vector.broadcast %broadcast_in_dim3A_71 : vector<256x1xi32> to vector<256x64xi32>
    %eq3A_73 = arith.cmpi eq, %iota3A, %eq3A_72 : vector<256x64xi32>
    %or3A_74 = arith.ori %or3A_57, %eq3A_73 : vector<256x64xi1>
    %lt3A_75 = arith.constant 5.000000e-01 : f32
    %lt3A_76 = vector.broadcast %lt3A_75 : f32 to vector<256x64xf32>
    %lt3A_77 = arith.cmpf olt, %get3A_7, %lt3A_76 : vector<256x64xf32>
    %jit3A = arith.constant 1.000000e+00 : f32
    %jit3A_78 = arith.constant -1.000000e+00 : f32
    %broadcast_in_dim3A_79 = vector.broadcast %jit3A : f32 to vector<256x64xf32>
    %broadcast_in_dim3A_80 = vector.broadcast %jit3A_78 : f32 to vector<256x64xf32>
    %select_n3A = arith.select %lt3A_77, %broadcast_in_dim3A_79, %broadcast_in_dim3A_80 : vector<256x64xi1>, vector<256x64xf32>
    %add3A = arith.addf %get3A_1, %select_n3A : vector<256x64xf32>
    %select_n3A_81 = arith.select %or3A_74, %add3A, %get3A_1 : vector<256x64xi1>, vector<256x64xf32>
    %jit3A_82 = arith.constant 0.000000e+00 : f32
    %jit3A_83 = arith.constant 2.550000e+02 : f32
    %max3A = vector.broadcast %jit3A_82 : f32 to vector<256x64xf32>
    %max3A_84 = arith.maximumf %max3A, %select_n3A_81 : vector<256x64xf32>
    %min3A = vector.broadcast %jit3A_83 : f32 to vector<256x64xf32>
    %min3A_85 = arith.minimumf %min3A, %max3A_84 : vector<256x64xf32>
    %swap3A = arith.constant 0 : index
    %swap3A_86 = arith.constant 0 : index
    %swap3A_87 = vector.load %arg4[%swap3A, %swap3A_86] : memref<256x64xf32, #tpu.memory_space<vmem>>, vector<256x64xf32>
    tpu.vector_store %arg4[%swap3A, %swap3A_86], %min3A_85 {strides = array<i32>} : memref<256x64xf32, #tpu.memory_space<vmem>>, vector<256x64xf32>,
    return
  }
  func.func @transform_0(%arg0: i32) -> (i32, i32) {
    %c0_i32 = arith.constant 0 : i32
    %c0_i32_0 = arith.constant 0 : i32
    return %arg0, %c0_i32 : i32, i32
  }
  func.func @transform_1(%arg0: i32) -> (i32, i32) {
    %c0_i32 = arith.constant 0 : i32
    %c0_i32_0 = arith.constant 0 : i32
    return %arg0, %c0_i32 : i32, i32
  }
  func.func @transform_2(%arg0: i32) -> (i32, i32) {
    %c0_i32 = arith.constant 0 : i32
    %c0_i32_0 = arith.constant 0 : i32
    return %arg0, %c0_i32 : i32, i32
  }
  func.func @transform_3(%arg0: i32) -> (i32, i32) {
    %c0_i32 = arith.constant 0 : i32
    %c0_i32_0 = arith.constant 0 : i32
    return %arg0, %c0_i32 : i32, i32
  }
}

</mosaic_0001>

<sc_bundles>
// kernel: kernel.5.cloned.1.call-start
scs
__scs_entry_jumppad:
0x0: {  	(pc) =	sbr.rel $0x88, $3  }
0x1: {  	(tag) =	ssettag $0x0;
	lr =	simm.s32 $0x1  }
0x2: {  	[smem:$0x3F9B] =	sst lr;
	_ =	strace $0xD0000000  }
0x3: {  	_ = 	snop  }
0x4: {  	_ = 	snop  }
0x5: {  	_ = 	snop  }
0x6: {  	_ = 	snop  }
0x7: {  	_ = 	snop  }
__scs_overlays_trampoline_lowered:
0x8: {  	[smem:$0x3FAA] =	sst s0  }
0x9: {  	[smem:$0x3FAB] =	sst s1  }
0xa: {  	[smem:$0x3FAC] =	sst s2  }
0xb: {  	[smem:$0x3FAD] =	sst s3  }
0xc: {  	[smem:$0x3FAE] =	sst s4  }
0xd: {  	[smem:$0x3FAF] =	sst s5  }
0xe: {  	[smem:$0x3FB0] =	sst s6  }
0xf: {  	[smem:$0x3FB1] =	sst s7  }
0x10: {  	[smem:$0x3FB2] =	sst s8  }
0x11: {  	[smem:$0x3FB3] =	sst s9;
	s0 =	simm.s32 @!p0 $0x0  }
0x12: {  	s1 =	sld [smem:$0x3F99];
	s0 =	simm.s32 @p0 $0x1  }
0x13: {  	[smem:$0x3FB4] =	sst s0;
	s0 =	simm.s32 @!p1 $0x0  }
0x14: {  	s2 =	sld [smem:$0x3F98];
	s0 =	simm.s32 @p1 $0x1  }
0x15: {  	[smem:$0x3FB5] =	sst s0;
	s0 =	simm.s32 @!p2 $0x0  }
0x16: {  	s3 =	sld [smem:$0x3FDB];
	s0 =	simm.s32 @p2 $0x1  }
0x17: {  	s4 =	simm.s32 $0x1BF5;
	[smem:$0x3FB7] =	sst s0  }
0x18: {  	s0 =	sld [smem:$0x3F9A];
	_ =	swait.ge [sflag:s4], $0x0  }
0x19: {  	s7 =	sld [smem:$0x3F9B]  }
0x1a: {  	s8 =	sadd.s32 $0xFFFFE003, lr  }
0x1b: {  	s9 =	sadd.s32 $0xFFFFFEF7, lr;
	s5 =	simm.s32 $0xFFFFFFFF;
	p2 =	slt.u32 s8, $0xFFFFF086  }
0x1c: {  	p1 =	slt.u32 s9, $0xF7A;
	s5 =	simm.s32 @!p2 $0x0  }
0x1d: {  	s5 =	simm.s32 @p1 $0x1;
	p0 =	seq.s32 s7, s2  }
0x1e: {  	s7 =	smul.u32 @!p0 $0xF7A, s2;
	p2 =	seq.s32 @!p0 s5, $0x0  }
0x1f: {  	s9 =	smul.u32 $0xF7A, s1;
	s8 =	simm.s32 @!p0 $0x1BF5;
	p2 =	por !p2, p0  }
0x20: {  	[sflag:s8] =	ssyncset.s32 @!p0 $0xFFFFF086;
	s6 =	sadd.s32 @!p0 s3, s7;
	s7 =	simm.s32 @!p0 $0x108  }
0x21: {  	s3 =	sadd.s32 s3, s9;
	s6 =	sadd.s32 @!p0 $0x88, s6;
	s7 =	simm.s32 @p2 $0x1082  }
0x22: {  	[simem:s7], [sflag:s8] =	dma.local @!p0 [hbm:s6], $0xF7A  }
0x23: {  	s9 =	sor.u32 $0xD0000000, s2;
	s6 =	simm.s32 $0x108;
	_ =	swait.ge @!p0 [sflag:s8], $0x0  }
0x24: {  	s3 =	sadd.s32 $0x88, s3;
	s6 =	simm.s32 @!p1 $0x1082;
	[sflag:s4] =	ssyncset.s32 $0xFFFFF086  }
0x25: {  	[simem:s6], [sflag:s4] =	dma.local [hbm:s3], $0xF7A  }
0x26: {  	[smem:$0x3F9B] =	sst s1;
	(tag) =	ssettag s2;
	_ =	strace s9  }
0x27: {  	s1 =	sld [smem:$0x3FAB]  }
0x28: {  	s2 =	sld [smem:$0x3FAC]  }
0x29: {  	s4 =	sld [smem:$0x3FAE]  }
0x2a: {  	p0 =	seq.s32 s5, $0x0;
	s5 =	sld [smem:$0x3FAF]  }
0x2b: {  	s6 =	sld [smem:$0x3FB0]  }
0x2c: {  	s7 =	sld [smem:$0x3FB1]  }
0x2d: {  	s3 =	simm.s32 $0x108;
	s8 =	sld [smem:$0x3FB2]  }
0x2e: {  	s3 =	simm.s32 @!p0 $0x1082;
	s9 =	sld [smem:$0x3FB3]  }
0x2f: {  	lr =	sadd.s32 s0, s3;
	s0 =	sld [smem:$0x3FAA]  }
0x30: {  	s3 =	sld [smem:$0x3FAD]  }
0x31: {  	[smem:$0x3FB6] =	sst s10  }
0x32: {  	s10 =	sld [smem:$0x3FB4];
	_ =	sdelay $0x3  }
0x33: {  	p0 =	seq.s32 s10, $0x1;
	s10 =	sld [smem:$0x3FB6];
	_ =	sdelay $0x3  }
0x34: {  	[smem:$0x3FB6] =	sst s10  }
0x35: {  	s10 =	sld [smem:$0x3FB5];
	_ =	sdelay $0x3  }
0x36: {  	p1 =	seq.s32 s10, $0x1;
	s10 =	sld [smem:$0x3FB6];
	_ =	sdelay $0x3  }
0x37: {  	[smem:$0x3FB6] =	sst s10  }
0x38: {  	s10 =	sld [smem:$0x3FB7]  }
0x39: {  	_ = 	snop;
	(pc) =	sbr.ind lr, $3  }
0x3a: {  	_ = 	snop  }
0x3b: {  	_ = 	snop  }
0x3c: {  	p2 =	seq.s32 s10, $0x1;
	s10 =	sld [smem:$0x3FB6]  }
0x3d: {  	_ =	shalt  }
0x3e: {  	_ =	shalt  }
0x3f: {  	_ =	shalt  }
0x40: {  	_ =	shalt  }
0x41: {  	_ =	shalt  }
0x42: {  	_ =	shalt  }
0x43: {  	_ =	shalt  }
0x44: {  	_ =	shalt  }
0x45: {  	_ =	shalt  }
0x46: {  	_ =	shalt  }
0x47: {  	_ =	shalt  }
0x48: {  	_ =	shalt  }
0x49: {  	_ =	shalt  }
0x4a: {  	_ =	shalt  }
0x4b: {  	_ =	shalt  }
0x4c: {  	_ =	shalt  }
0x4d: {  	_ =	shalt  }
0x4e: {  	_ =	shalt  }
0x4f: {  	_ =	shalt  }
0x50: {  	_ =	shalt  }
0x51: {  	_ =	shalt  }
0x52: {  	_ =	shalt  }
0x53: {  	_ =	shalt  }
0x54: {  	_ =	shalt  }
0x55: {  	_ =	shalt  }
0x56: {  	_ =	shalt  }
0x57: {  	_ =	shalt  }
0x58: {  	_ =	shalt  }
0x59: {  	_ =	shalt  }
0x5a: {  	_ =	shalt  }
0x5b: {  	_ =	shalt  }
0x5c: {  	_ =	shalt  }
0x5d: {  	_ =	shalt  }
0x5e: {  	_ =	shalt  }
0x5f: {  	_ =	shalt  }
0x60: {  	_ =	shalt  }
0x61: {  	_ =	shalt  }
0x62: {  	_ =	shalt  }
0x63: {  	_ =	shalt  }
0x64: {  	_ =	shalt  }
0x65: {  	_ =	shalt  }
0x66: {  	_ =	shalt  }
0x67: {  	_ =	shalt  }
0x68: {  	_ =	shalt  }
0x69: {  	_ =	shalt  }
0x6a: {  	_ =	shalt  }
0x6b: {  	_ =	shalt  }
0x6c: {  	_ =	shalt  }
0x6d: {  	_ =	shalt  }
0x6e: {  	_ =	shalt  }
0x6f: {  	_ =	shalt  }
0x70: {  	_ =	shalt  }
0x71: {  	_ =	shalt  }
0x72: {  	_ =	shalt  }
0x73: {  	_ =	shalt  }
0x74: {  	_ =	shalt  }
0x75: {  	_ =	shalt  }
0x76: {  	_ =	shalt  }
0x77: {  	_ =	shalt  }
0x78: {  	_ =	shalt  }
0x79: {  	_ =	shalt  }
0x7a: {  	_ =	shalt  }
0x7b: {  	_ =	shalt  }
0x7c: {  	_ =	shalt  }
0x7d: {  	_ =	shalt  }
0x7e: {  	_ =	shalt  }
0x7f: {  	_ =	shalt  }
0x80: {  	_ =	shalt  }
0x81: {  	_ =	shalt  }
0x82: {  	_ =	shalt  }
0x83: {  	_ =	shalt  }
0x84: {  	_ =	shalt  }
0x85: {  	_ =	shalt  }
0x86: {  	_ =	shalt  }
0x87: {  	_ =	shalt  }
.Lfunc_end0:
.L_simem_size_0:
called_computation_lowered:
.L_overlay_start_0:
0x88: {  	s0 =	sld [smem:$0x3FD9]  }
0x89: {  	s1 =	sld [smem:$0x3FFE];
	_ =	sdelay $0x3  }
0x8a: {  	s0 =	sadd.s32 s1, s0  }
0x8b: {  	[smem:$0x3FC2] =	sst s0  }
0x8c: {  	_ = 	snop  }
0x8d: {  	s0 =	sld [smem:$0x3FD0];
	_ =	sdelay $0x2  }
0x8e: {  	s13 =	simm.s32 $0xA;
	s2 =	simm.s32 $0x10  }
0x8f: {  	[smem:s2], [sflag:s13] =	dma.local [hbm:s0], $0x1  }
0x90: {  	_ =	swait.eq [sflag:s13], $0x1  }
0x91: {  	[sflag:s13] =	ssyncset.done $0x0  }
0x92: {  	s14 =	sld [smem:$0x10];
	[sflag:s13] =	ssyncadd.s32 $0xFFFFFFFF  }
0x93: {  	s15 =	sld [smem:$0x11];
	(tm) =	ssettm $0x1  }
0x94: {  	s16 =	sld [smem:$0x3FFB];
	_ =	sdelay $0x3  }
0x95: {  	_ =	strace s16  }
0x96: {  	s2 =	sld [smem:$0x3FFC];
	_ =	sdelay $0x3  }
0x97: {  	_ =	strace s2  }
0x98: {  	s2 =	sld [smem:$0x3FFD];
	_ =	sdelay $0x3  }
0x99: {  	_ =	strace s2  }
0x9a: {  	_ =	strace $0x8FFFFFFF  }
0x9b: {  	s17 =	sld [smem:$0x3FDB];
	_ =	sdelay $0x1  }
0x9c: {  	s3 =	simm.s32 $_scs_section_size  }
0x9d: {  	s4 =	simm.s32 $_size__tile_overlayer_lowered;
	s5 =	simm.s32 $_tile_overlayer_lowered  }
0x9e: {  	s20 =	simm.s32 $0x1BFF;
	s19 =	sshll.u32 s5, $0x1;
	s2 =	sadd.s32 s3, s17  }
0x9f: {  	s6 =	simm.s32 $0x0;
	s18 =	sshll.u32 s4, $0x1;
	s4 =	sadd.s32 s19, s2  }
0xa0: {  	[timem:s6], [sflag:s20] =	dma.local [hbm:s4], s18  }
0xa1: {  	_ =	swait.ge [sflag:s20], s18  }
0xa2: {  	s3 =	ssub.s32 $0x0, s18;
	[sflag:s20] =	ssyncset.done $0x0  }
0xa3: {  	[sflag:s20] =	ssyncadd.s32 s3;
	_ =	sdelay $0x1  }
0xa4: {  	s21 =	simm.s32 $0x1B8B  }
0xa5: {  	_ =	swait.ge [sflag:s21], $0x1  }
0xa6: {  	[sflag:s21] =	ssyncset.done $0x0  }
0xa7: {  	s23 =	simm.s32 $0x1B8E;
	s22 =	sld [smem:$0x3FFE];
	[sflag:s21] =	ssyncadd.s32 $0xFFFFFFFF  }
0xa8: {  	s24 =	simm.s32 $execute0_lowered;
	[smem:$0x3FD2] =	sst s23  }
0xa9: {  	s4 =	sshll.u32 s24, $0x1;
	_ =	strace $0x80000046;
	[dreg:$0x1] =	wrdreg $0xFFFFFFFF  }
0xaa: {  	s25 =	simm.s32 $_size_execute0_lowered;
	s2 =	sadd.s32 s2, s4;
	[dreg:$0x0] =	wrdreg $0x0  }
0xab: {  	s4 =	sshll.u32 s25, $0x1;
	[dreg:$0x2] =	wrdreg s2  }
0xac: {  	[dreg:$0x3] =	wrdreg s4  }
0xad: {  	[dreg:$0x4] =	wrdreg $0xC0  }
0xae: {  	_ =	task [dreg:s6], $0x5FFFF  }
0xaf: {  	[dreg:$0x1] =	wrdreg $0xFFFFFFFF  }
0xb0: {  	[dreg:$0x0] =	wrdreg $0x60  }
0xb1: {  	[dreg:$0x2] =	wrdreg s14  }
0xb2: {  	[dreg:$0x3] =	wrdreg s22  }
0xb3: {  	[dreg:$0x4] =	wrdreg s15  }
0xb4: {  	[dreg:$0x5] =	wrdreg $0x0  }
0xb5: {  	[dreg:$0x6] =	wrdreg $0x4000  }
0xb6: {  	[dreg:$0x7] =	wrdreg $0x9  }
0xb7: {  	_ =	task.clear_ibuf [dreg:s6], $0x8FFFF;
	_ =	strace $0x90000046  }
0xb8: {  	s26 =	simm.s32 $0x9;
	_ =	strace $0x80000048  }
0xb9: {  	_ =	swait.ge [sflag:s26], $0x1  }
0xba: {  	[sflag:s26] =	ssyncadd.s32 $0xFFFFFFFF  }
0xbb: {  	_ =	strace $0x90000048  }
0xbc: {  	_ =	sfence  }
0xbd: {  	s28 =	sld [smem:$0x0];
	_ =	sdelay $0x1  }
0xbe: {  	s29 =	srdreg.scid  }
0xbf: {  	s30 =	sshll.u32 s29, $0xD;
	s31 =	sshrl.u32 s29, $0x2  }
0xc0: {  	s1 =	sand.u32 $0x1, s29;
	s2 =	sand.u32 $0x4000, s30;
	s0 =	sadd.s32 s31, s28  }
0xc1: {  	s1 =	sor.u32 s2, s1;
	s0 =	sshll.u32 s0, $0x11  }
0xc2: {  	s0 =	sor.u32 s0, s1  }
0xc3: {  	s0 =	sadd.s32 $0x8F2B, s0  }
0xc4: {  	[sflag:s0] =	ssyncadd.remote.s32 $0x1  }
0xc5: {  	_ =	sfence.sel $0xFFFF  }
0xc6: {  	[dreg:$0x0] =	wrdreg $0xFFFFFFFF;
	(pc) =	sbr.abs _section_cstart, $3  }
0xc7: {  	[dreg:$0x1] =	wrdreg $0xFFFFFFFF  }
0xc8: {  	_ =	task.clear_ibuf [dreg:s6], $0x2FFFF;
	_ =	strace $0x9FFFFFFF  }
0xc9: {  	(tm) =	ssettm $0x7FFFFFFF  }
tec
execute0_lowered:
.L_overlay_start_1:
0x0: {  	(tag) =	ssettag $0x1  }
0x1: {  	s1 =	rddreg [dreg:$0x0]  }
0x2: {  	s4 =	rddreg [dreg:$0x1]  }
0x3: {  	s3 =	rddreg [dreg:$0x2]  }
0x4: {  	s8 =	rddreg [dreg:$0x3]  }
0x5: {  	s2 =	rddreg [dreg:$0x4]  }
0x6: {  	s0 =	rddreg [dreg:$0x5];
	s5 =	simm.s32 $0x0  }
0x7: {  	s7 =	simm.s32 $0x4500;
	[smem:$0x7FF] =	sst s5  }
0x8: {  	s12 =	simm.s32 $0x2;
	s6 =	sadd.s32 $0x1600, s4;
	_ =	strace $0x80000047  }
0x9: {  	[tilespmem:s7], [sflag:$0x2] =	stream.linear.gather [hbm4b:s6+s5], $0x40, $0x38;
	[tilespmem:$0x16A40] =	vst v63  }
0xa: {  	s6 =	stileid.u32;
	_ =	swait.ge [sflag:s12], $0x40  }
0xb: {  	s10 =	sshll.u32 s6, $0xD;
	[sflag:s12] =	ssyncset.done $0x0  }
0xc: {  	s11 =	simm.s32 $0x500;
	s9 =	sadd.s32 s1, s10;
	[sflag:s12] =	ssyncadd.s32 $0xFFFFFFC0  }
0xd: {  	[tilespmem:s11], [sflag:$0x2] =	stream.linear.gather [hbm4b:s9+s5], $0x4000, $0x38;
	[tilespmem:$0x16A40] =	vst v63  }
0xe: {  	_ =	swait.ge [sflag:s12], $0x4000  }
0xf: {  	v0 =	vlaneseq.u32;
	s9 =	sadd.s32 $0x1800, s4;
	[sflag:s12] =	ssyncset.done $0x0  }
0x10: {  	v0 =	vmul.u32 $0x40, v0;
	s4 =	sadd.s32 $0x9800, s4;
	[sflag:s12] =	ssyncadd.s32 $0xFFFFC000;
	s12 =	simm.s32 $0x0  }
.LBB2_1:
0x11: {  	s13 =	sshll.u32 s12, $0x4  }
0x12: {  	v1 =	vmov s13  }
0x13: {  	v2 =	vmov s5;
	v1 =	vshll.u32 v1, $0x6  }
0x14: {  	v1 =	vor.u32 v0, v1;
	_ =	sdelay $0x2  }
0x15: {  	s14 =	simm.s32 $0x1  }
0x16: {  	v4 =	vmov s14;
	v3 =	vor.u32 $0x1, v1;
	v6 =	vld.idx.msk [tilespmem:v2+s7+$0x0], $0xffff  }
0x17: {  	v5 =	vadd.s32 s5, v3;
	v2 =	vld.idx.msk [tilespmem:v1+s11+$0x0], $0xffff;
	_ =	sdelay $0x3  }
0x18: {  	s15 =	simm.s32 $0x2;
	v4 =	vld.idx.msk [tilespmem:v4+s7+$0x0], $0xffff;
	v1 =	vimm.f32 $0.0e+00  }
.LBB2_2:
0x19: {  	v7 =	vmov s15;
	v6 =	vsub.f32 v2, v6;
	v2 =	vld.idx.msk [tilespmem:v5+s11+$0x0], $0xffff;
	s16 =	smov.u32 s15;
	p0 =	sne.s32 s15, $0x3F  }
.Ltmp0:
0x1a: {  	s15 =	sadd.s32 $0x1, s15;
	v5 =	vadd.s32 s14, v3;
	(pc) =	sbr.rel @p0 .LBB2_2-.Ltmp0, $3  }
0x1b: {  	s14 =	smov.u32 s16;
	v8 =	vmul.f32 v6, v6;
	_ =	sdelay $0x1  }
0x1c: {  	v1 =	vadd.f32 v8, v1  }
0x1d: {  	v6 =	vmov v4;
	v4 =	vld.idx.msk [tilespmem:v7+s7+$0x0], $0xffff  }
0x1e: {  	_ =	sdelay $0x3  }
0x1f: {  	v3 =	vld.idx.msk [tilespmem:v5+s11+$0x0], $0xffff;
	_ =	sdelay $0x2  }
0x20: {  	v2 =	vsub.f32 v2, v6;
	_ =	sdelay $0x1  }
0x21: {  	v2 =	vmul.f32 v2, v2;
	v3 =	vsub.f32 v3, v4;
	_ =	sdelay $0x1  }
0x22: {  	v1 =	vadd.f32 v2, v1;
	v2 =	vmul.f32 v3, v3  }
0x23: {  	s12 =	sadd.s32 $0x1, s12  }
0x24: {  	p0 =	sne.s32 s12, $0x10;
	v1 =	vadd.f32 v2, v1  }
.Ltmp1:
0x25: {  	_ = 	snop;
	(pc) =	sbr.rel @p0 .LBB2_1-.Ltmp1, $3  }
0x26: {  	v1 =	vtrunc.f32 v1  }
0x27: {  	v1 =	vcvt.f32.s32 v1;
	_ =	sdelay $0x1  }
0x28: {  	[tilespmem:s13+$0x4540] =	vst v1  }
0x29: {  	s5 =	sadd.s32 s10, s1;
	s7 =	simm.s32 $0x0  }
0x2a: {  	s10 =	simm.s32 $0x500;
	s31 =	simm.s32 $0x2;
	s11 =	sadd.s32 $0x800, s5  }
0x2b: {  	[tilespmem:s10], [sflag:$0x2] =	stream.linear.gather [hbm4b:s11+s7], $0x4000, $0x38;
	[tilespmem:$0x16A40] =	vst v63  }
0x2c: {  	_ =	swait.ge [sflag:s31], $0x4000  }
0x2d: {  	v0 =	vlaneseq.u32;
	[sflag:s31] =	ssyncset.done $0x0  }
0x2e: {  	s12 =	simm.s32 $0x0;
	v0 =	vmul.u32 $0x40, v0;
	s11 =	simm.s32 $0x4500;
	[sflag:s31] =	ssyncadd.s32 $0xFFFFC000  }
.LBB2_5:
0x2f: {  	s13 =	sshll.u32 s12, $0x4  }
0x30: {  	v1 =	vmov s13  }
0x31: {  	v2 =	vmov s7;
	v1 =	vshll.u32 v1, $0x6  }
0x32: {  	v1 =	vor.u32 v0, v1;
	_ =	sdelay $0x2  }
0x33: {  	s14 =	simm.s32 $0x1  }
0x34: {  	v4 =	vmov s14;
	v3 =	vor.u32 $0x1, v1;
	v6 =	vld.idx.msk [tilespmem:v2+s11+$0x0], $0xffff  }
0x35: {  	v5 =	vadd.s32 s7, v3;
	v2 =	vld.idx.msk [tilespmem:v1+s10+$0x0], $0xffff;
	_ =	sdelay $0x3  }
0x36: {  	s15 =	simm.s32 $0x2;
	v4 =	vld.idx.msk [tilespmem:v4+s11+$0x0], $0xffff;
	v1 =	vimm.f32 $0.0e+00  }
.LBB2_6:
0x37: {  	v7 =	vmov s15;
	v6 =	vsub.f32 v2, v6;
	v2 =	vld.idx.msk [tilespmem:v5+s10+$0x0], $0xffff;
	s16 =	smov.u32 s15;
	p0 =	sne.s32 s15, $0x3F  }
.Ltmp2:
0x38: {  	s15 =	sadd.s32 $0x1, s15;
	v5 =	vadd.s32 s14, v3;
	(pc) =	sbr.rel @p0 .LBB2_6-.Ltmp2, $3  }
0x39: {  	s14 =	smov.u32 s16;
	v8 =	vmul.f32 v6, v6;
	_ =	sdelay $0x1  }
0x3a: {  	v1 =	vadd.f32 v8, v1  }
0x3b: {  	v6 =	vmov v4;
	v4 =	vld.idx.msk [tilespmem:v7+s11+$0x0], $0xffff  }
0x3c: {  	_ =	sdelay $0x3  }
0x3d: {  	v3 =	vld.idx.msk [tilespmem:v5+s10+$0x0], $0xffff;
	_ =	sdelay $0x2  }
0x3e: {  	v2 =	vsub.f32 v2, v6;
	_ =	sdelay $0x1  }
0x3f: {  	v2 =	vmul.f32 v2, v2;
	v3 =	vsub.f32 v3, v4;
	_ =	sdelay $0x1  }
0x40: {  	v1 =	vadd.f32 v2, v1;
	v2 =	vmul.f32 v3, v3  }
0x41: {  	s12 =	sadd.s32 $0x1, s12  }
0x42: {  	p0 =	sne.s32 s12, $0x10;
	v1 =	vadd.f32 v2, v1  }
.Ltmp3:
0x43: {  	_ = 	snop;
	(pc) =	sbr.rel @p0 .LBB2_5-.Ltmp3, $3  }
0x44: {  	v1 =	vtrunc.f32 v1  }
0x45: {  	v1 =	vcvt.f32.s32 v1;
	_ =	sdelay $0x1  }
0x46: {  	[tilespmem:s13+$0x4640] =	vst v1  }
0x47: {  	s11 =	sadd.s32 $0x1000, s5  }
0x48: {  	s7 =	simm.s32 $0x0;
	s10 =	simm.s32 $0x500;
	s31 =	simm.s32 $0x2  }
0x49: {  	[tilespmem:s10], [sflag:$0x2] =	stream.linear.gather [hbm4b:s11+s7], $0x4000, $0x38;
	[tilespmem:$0x16A40] =	vst v63  }
0x4a: {  	_ =	swait.ge [sflag:s31], $0x4000  }
0x4b: {  	v0 =	vlaneseq.u32;
	[sflag:s31] =	ssyncset.done $0x0  }
0x4c: {  	s12 =	simm.s32 $0x0;
	v0 =	vmul.u32 $0x40, v0;
	s11 =	simm.s32 $0x4500;
	[sflag:s31] =	ssyncadd.s32 $0xFFFFC000  }
.LBB2_9:
0x4d: {  	s13 =	sshll.u32 s12, $0x4  }
0x4e: {  	v1 =	vmov s13  }
0x4f: {  	v2 =	vmov s7;
	v1 =	vshll.u32 v1, $0x6  }
0x50: {  	v1 =	vor.u32 v0, v1;
	_ =	sdelay $0x2  }
0x51: {  	s14 =	simm.s32 $0x1  }
0x52: {  	v4 =	vmov s14;
	v3 =	vor.u32 $0x1, v1;
	v6 =	vld.idx.msk [tilespmem:v2+s11+$0x0], $0xffff  }
0x53: {  	v5 =	vadd.s32 s7, v3;
	v2 =	vld.idx.msk [tilespmem:v1+s10+$0x0], $0xffff;
	_ =	sdelay $0x3  }
0x54: {  	s15 =	simm.s32 $0x2;
	v4 =	vld.idx.msk [tilespmem:v4+s11+$0x0], $0xffff;
	v1 =	vimm.f32 $0.0e+00  }
.LBB2_10:
0x55: {  	v7 =	vmov s15;
	v6 =	vsub.f32 v2, v6;
	v2 =	vld.idx.msk [tilespmem:v5+s10+$0x0], $0xffff;
	s16 =	smov.u32 s15;
	p0 =	sne.s32 s15, $0x3F  }
.Ltmp4:
0x56: {  	s15 =	sadd.s32 $0x1, s15;
	v5 =	vadd.s32 s14, v3;
	(pc) =	sbr.rel @p0 .LBB2_10-.Ltmp4, $3  }
0x57: {  	s14 =	smov.u32 s16;
	v8 =	vmul.f32 v6, v6;
	_ =	sdelay $0x1  }
0x58: {  	v1 =	vadd.f32 v8, v1  }
0x59: {  	v6 =	vmov v4;
	v4 =	vld.idx.msk [tilespmem:v7+s11+$0x0], $0xffff  }
0x5a: {  	_ =	sdelay $0x3  }
0x5b: {  	v3 =	vld.idx.msk [tilespmem:v5+s10+$0x0], $0xffff;
	_ =	sdelay $0x2  }
0x5c: {  	v2 =	vsub.f32 v2, v6;
	_ =	sdelay $0x1  }
0x5d: {  	v2 =	vmul.f32 v2, v2;
	v3 =	vsub.f32 v3, v4;
	_ =	sdelay $0x1  }
0x5e: {  	v1 =	vadd.f32 v2, v1;
	v2 =	vmul.f32 v3, v3  }
0x5f: {  	s12 =	sadd.s32 $0x1, s12  }
0x60: {  	p0 =	sne.s32 s12, $0x10;
	v1 =	vadd.f32 v2, v1  }
.Ltmp5:
0x61: {  	_ = 	snop;
	(pc) =	sbr.rel @p0 .LBB2_9-.Ltmp5, $3  }
0x62: {  	v1 =	vtrunc.f32 v1  }
0x63: {  	v1 =	vcvt.f32.s32 v1;
	_ =	sdelay $0x1  }
0x64: {  	[tilespmem:s13+$0x4740] =	vst v1  }
0x65: {  	s10 =	sadd.s32 $0x1800, s5  }
0x66: {  	s5 =	simm.s32 $0x0;
	s7 =	simm.s32 $0x500;
	s31 =	simm.s32 $0x2  }
0x67: {  	[tilespmem:s7], [sflag:$0x2] =	stream.linear.gather [hbm4b:s10+s5], $0x4000, $0x38;
	[tilespmem:$0x16A40] =	vst v63  }
0x68: {  	_ =	swait.ge [sflag:s31], $0x4000  }
0x69: {  	v0 =	vlaneseq.u32;
	[sflag:s31] =	ssyncset.done $0x0  }
0x6a: {  	s11 =	simm.s32 $0x0;
	v0 =	vmul.u32 $0x40, v0;
	s10 =	simm.s32 $0x4500;
	[sflag:s31] =	ssyncadd.s32 $0xFFFFC000  }
.LBB2_13:
0x6b: {  	s12 =	sshll.u32 s11, $0x4  }
0x6c: {  	v1 =	vmov s12  }
0x6d: {  	v2 =	vmov s5;
	v1 =	vshll.u32 v1, $0x6  }
0x6e: {  	v1 =	vor.u32 v0, v1;
	_ =	sdelay $0x2  }
0x6f: {  	s13 =	simm.s32 $0x1  }
0x70: {  	v4 =	vmov s13;
	v3 =	vor.u32 $0x1, v1;
	v6 =	vld.idx.msk [tilespmem:v2+s10+$0x0], $0xffff  }
0x71: {  	v5 =	vadd.s32 s5, v3;
	v2 =	vld.idx.msk [tilespmem:v1+s7+$0x0], $0xffff;
	_ =	sdelay $0x3  }
0x72: {  	s14 =	simm.s32 $0x2;
	v4 =	vld.idx.msk [tilespmem:v4+s10+$0x0], $0xffff;
	v1 =	vimm.f32 $0.0e+00  }
.LBB2_14:
0x73: {  	v7 =	vmov s14;
	v6 =	vsub.f32 v2, v6;
	v2 =	vld.idx.msk [tilespmem:v5+s7+$0x0], $0xffff;
	s15 =	smov.u32 s14;
	p0 =	sne.s32 s14, $0x3F  }
.Ltmp6:
0x74: {  	s14 =	sadd.s32 $0x1, s14;
	v5 =	vadd.s32 s13, v3;
	(pc) =	sbr.rel @p0 .LBB2_14-.Ltmp6, $3  }
0x75: {  	s13 =	smov.u32 s15;
	v8 =	vmul.f32 v6, v6;
	_ =	sdelay $0x1  }
0x76: {  	v1 =	vadd.f32 v8, v1  }
0x77: {  	v6 =	vmov v4;
	v4 =	vld.idx.msk [tilespmem:v7+s10+$0x0], $0xffff  }
0x78: {  	_ =	sdelay $0x3  }
0x79: {  	v3 =	vld.idx.msk [tilespmem:v5+s7+$0x0], $0xffff;
	_ =	sdelay $0x2  }
0x7a: {  	v2 =	vsub.f32 v2, v6;
	_ =	sdelay $0x1  }
0x7b: {  	v2 =	vmul.f32 v2, v2;
	v3 =	vsub.f32 v3, v4;
	_ =	sdelay $0x1  }
0x7c: {  	v1 =	vadd.f32 v2, v1;
	v2 =	vmul.f32 v3, v3  }
0x7d: {  	s11 =	sadd.s32 $0x1, s11  }
0x7e: {  	p0 =	sne.s32 s11, $0x10;
	v1 =	vadd.f32 v2, v1  }
.Ltmp7:
0x7f: {  	_ = 	snop;
	(pc) =	sbr.rel @p0 .LBB2_13-.Ltmp7, $3  }
0x80: {  	v1 =	vtrunc.f32 v1  }
0x81: {  	v1 =	vcvt.f32.s32 v1;
	_ =	sdelay $0x1  }
0x82: {  	[tilespmem:s12+$0x4840] =	vst v1  }
0x83: {  	v0 =	vimm.s32 $0x0  }
0x84: {  	(xrf1) =	vunique.msk.u32 $0xffff, v0;
	_ =	sdelay $0xd  }
0x85: {  	_, v0, _ =	vpop (xrf1)  }
0x86: {  	v0 =	vxor.u32 $0x80000000, v0  }
0x87: {  	(xrf0) =	vmax.scan.msk.u32 $0xffff, v0;
	_ =	sdelay $0x5  }
0x88: {  	v0, _, _ =	vpop (xrf0)  }
0x89: {  	(v2sf) =	vpush v0, $0xF;
	_ =	sdelay $0xb  }
0x8a: {  	s5 =	sshll.u32 s6, $0xA  }
0x8b: {  	s7 =	simm.s32 $0x4540;
	s5 =	sadd.s32 s5, s8  }
0x8c: {  	[spmem:s5] =	stream.linear.scatter [tilespmem:s7], [sflag:$0x2], $0x400, $0x38;
	[tilespmem:$0x16A40] =	vst v63  }
0x8d: {  	p0 =	sne.s32 s6, $0x0;
	s5 =	simm.s32 $0x2;
	s10 =	spop (v2sf)  }
.Ltmp8:
0x8e: {  	_ =	swait.ge [sflag:s5], $0x400;
	(pc) =	sbr.rel @p0 .LBB2_38-.Ltmp8, $4  }
0x8f: {  	[sflag:s5] =	ssyncset.done $0x0  }
0x90: {  	[sflag:s5] =	ssyncadd.s32 $0xFFFFFC00  }
0x91: {  	s30 =	sshll.u32 s6, $0x8;
	s31 =	sshll.u32 s6, $0xB;
	[bflag:$0x0] =	sbarrier.arrive $0xFFFF  }
0x92: {  	s6 =	sadd.s32 s9, s31;
	s7 =	sadd.s32 s30, s2  }
0x93: {  	s9 =	simm.s32 $0x4940;
	s31 =	sadd.s32 $0x7FFFFFF1, s10  }
0x94: {  	[tilespmem:s9], [sflag:$0x2] =	stream.linear.gather [spmem:s8], $0x4000, $0x38;
	v0 =	vmov s31;
	[tilespmem:$0x16A40] =	vst v63  }
0x95: {  	_ =	swait.ge [sflag:s5], $0x4000;
	v1 =	vsub.s32 $0x1, v0  }
0x96: {  	s10 =	simm.s32 $0x8960;
	[sflag:s5] =	ssyncset.done $0x0;
	v1 =	vbroadcast v1, $0x0  }
0x97: {  	v2 =	vlaneseq.u32;
	s8 =	simm.s32 $0xFFFFFFFC;
	s9 =	simm.s32 $0x0;
	[sflag:s5] =	ssyncadd.s32 $0xFFFFC000  }
.LBB2_18:
0x98: {  	s8 =	sadd.s32 $0x4, s8  }
0x99: {  	p1 =	slt.u32 s8, $0x3FC  }
.Ltmp9:
0x9a: {  	v3 =	vor.u32 s9, v2;
	s11 =	sadd.s32 $0x10, s9;
	(pc) =	sbr.rel @p1 .LBB2_18-.Ltmp9, $4  }
0x9b: {  	s30 =	sadd.s32 $0x20, s9;
	[tilespmem:s10+$0xFFFFFFE0] =	vst v3;
	v3 =	vor.u32 s11, v2  }
0x9c: {  	s31 =	sadd.s32 $0x30, s9;
	[tilespmem:s10+$0xFFFFFFF0] =	vst v3;
	v3 =	vor.u32 s30, v2  }
0x9d: {  	[tilespmem:s10+$0x0] =	vst v3;
	v3 =	vor.u32 s31, v2  }
0x9e: {  	s9 =	sadd.s32 $0x40, s9;
	[tilespmem:s10+$0x10] =	vst v3;
	s10 =	sadd.s32 $0x40, s10  }
0x9f: {  	v2 =	vimm.s32 $0x0;
	s8 =	simm.s32 $0x40;
	s9 =	simm.s32 $0x0  }
.LBB2_20:
0xa0: {  	p1 =	sne.s32 s8, $0x1FC0;
	[tilespmem:s9+$0x14940] =	vst v2;
	s9 =	smov.u32 s8;
	s8 =	sadd.s32 $0x40, s8  }
.Ltmp10:
0xa1: {  	(pc) =	sbr.rel @p1 .LBB2_20-.Ltmp10, $2  }
0xa2: {  	_ =	sdelay $0x2  }
0xa3: {  	s9 =	sshra.s32 s9, $0x2  }
0xa4: {  	[tilespmem:s9+$0x14940] =	vst v2;
	s8 =	simm.s32 $0x4960  }
0xa5: {  	v2 =	vld [tilespmem:s8+$0x10]  }
0xa6: {  	v4 =	vld [tilespmem:s8+$0xFFFFFFF0];
	_ =	sdelay $0x1  }
0xa7: {  	v5 =	vld [tilespmem:s8+$0x0];
	_ =	sdelay $0x1  }
0xa8: {  	v3 =	vand.u32 $0x7FF, v2  }
0xa9: {  	v4 =	vand.u32 $0x7FF, v4;
	(xrf1) =	vunique.msk.u32 $0xffff, v3  }
0xaa: {  	(xrf1) =	vunique.msk.u32 $0xffff, v4  }
0xab: {  	v2 =	vand.u32 $0x7FF, v5;
	v5 =	vld [tilespmem:s8+$0xFFFFFFE0]  }
0xac: {  	s31 =	simm.s32 $0x49A0  }
0xad: {  	v6 =	vld [tilespmem:s31+$0x10]  }
0xae: {  	v8 =	vld [tilespmem:s31+$0xFFFFFFF0]  }
0xaf: {  	v10 =	vld [tilespmem:s31+$0x0]  }
0xb0: {  	s10 =	simm.s32 $0x49E0;
	v11 =	vld [tilespmem:s31+$0xFFFFFFE0];
	(xrf1) =	vunique.msk.u32 $0xffff, v2;
	v9 =	vand.u32 $0x7FF, v5  }
0xb1: {  	v13 =	vld [tilespmem:s10+$0x10];
	(xrf1) =	vunique.msk.u32 $0xffff, v9  }
0xb2: {  	v15 =	vld [tilespmem:s10+$0xFFFFFFF0];
	v7 =	vand.u32 $0x7FF, v6  }
0xb3: {  	v6 =	vand.u32 $0x7FF, v8;
	(xrf1) =	vunique.msk.u32 $0xffff, v7  }
0xb4: {  	v5 =	vand.u32 $0x7FF, v10;
	(xrf1) =	vunique.msk.u32 $0xffff, v6  }
0xb5: {  	v10 =	vand.u32 $0x7FF, v11;
	(xrf1) =	vunique.msk.u32 $0xffff, v5  }
0xb6: {  	v11 =	vand.u32 $0x7FF, v13;
	(xrf1) =	vunique.msk.u32 $0xffff, v10  }
0xb7: {  	v8 =	vand.u32 $0x7FF, v15;
	_, v12, vm2 =	vpop (xrf1);
	(xrf1) =	vunique.msk.u32 $0xffff, v11  }
0xb8: {  	_, v13, vm0 =	vpop (xrf1);
	(xrf1) =	vunique.msk.u32 $0xffff, v8;
	_ =	sdelay $0x1  }
0xb9: {  	v14 =	vld [tilespmem:s10+$0x0]  }
0xba: {  	v15 =	vld [tilespmem:s10+$0xFFFFFFE0];
	_ =	sdelay $0x2  }
0xbb: {  	s9 =	simm.s32 $0x8;
	s8 =	simm.s32 $0x14940;
	s10 =	simm.s32 $0x4A20;
	v13 =	vadd.s32 v13, v1;
	_, v16, vm1 =	vpop (xrf1)  }
.LBB2_22:
0xbc: {  	v17 =	vld [tilespmem:s10+$0x10];
	s9 =	sadd.s32 $0x4, s9;
	v18 =	vand.u32 $0x7FF, v14;
	v16 =	vadd.s32 v16, v1;
	_, v14, vm3 =	vpop (xrf1);
	v19 =	vmov v10  }
0xbd: {  	v22 =	vadd.s32 v12, v1;
	v20 =	vld [tilespmem:s10+$0xFFFFFFF0];
	p1 =	slt.u32 s9, $0x3FC;
	v10 =	vand.u32 $0x7FF, v15;
	(xrf1) =	vunique.msk.u32 $0xffff, v18;
	v21 =	vadd.s32 v14, v1  }
0xbe: {  	(xrf1) =	vunique.msk.u32 $0xffff, v10;
	[tilespmem:v3+s8+$0x0] =	vst.idx.add.s32.msk vm2, v22;
	v3 =	vmov v7;
	v7 =	vmov v11  }
.Ltmp11:
0xbf: {  	v14 =	vld [tilespmem:s10+$0x0];
	(pc) =	sbr.rel @p1 .LBB2_22-.Ltmp11, $4  }
0xc0: {  	v15 =	vld [tilespmem:s10+$0xFFFFFFE0];
	_, v12, vm2 =	vpop (xrf1)  }
0xc1: {  	v11 =	vand.u32 $0x7FF, v17;
	[tilespmem:v4+s8+$0x0] =	vst.idx.add.s32.msk vm0, v13;
	_, v13, vm0 =	vpop (xrf1);
	v4 =	vmov v6;
	v6 =	vmov v8  }
0xc2: {  	v8 =	vand.u32 $0x7FF, v20;
	(xrf1) =	vunique.msk.u32 $0xffff, v11;
	v13 =	vadd.s32 v13, v1;
	[tilespmem:v9+s8+$0x0] =	vst.idx.add.s32.msk vm3, v21;
	v9 =	vmovc v19  }
0xc3: {  	s10 =	sadd.s32 $0x40, s10;
	(xrf1) =	vunique.msk.u32 $0xffff, v8;
	[tilespmem:v2+s8+$0x0] =	vst.idx.add.s32.msk vm1, v16;
	_, v16, vm1 =	vpop (xrf1);
	v2 =	vmov v5;
	v5 =	vmov v18  }
0xc4: {  	v14 =	vand.u32 $0x7FF, v14  }
0xc5: {  	v15 =	vand.u32 $0x7FF, v15;
	(xrf1) =	vunique.msk.u32 $0xffff, v14  }
0xc6: {  	(xrf1) =	vunique.msk.u32 $0xffff, v15;
	_ =	sdelay $0x2  }
0xc7: {  	_, v17, vm3 =	vpop (xrf1);
	_ =	sdelay $0x2  }
0xc8: {  	_, v18, vm4 =	vpop (xrf1)  }
0xc9: {  	v12 =	vadd.s32 v12, v1;
	[tilespmem:v4+s8+$0x0] =	vst.idx.add.s32.msk vm0, v13;
	_, v19, vm5 =	vpop (xrf1)  }
0xca: {  	[tilespmem:v3+s8+$0x0] =	vst.idx.add.s32.msk vm2, v12;
	v4 =	vadd.s32 v17, v1;
	_, v20, vm6 =	vpop (xrf1)  }
0xcb: {  	[tilespmem:v9+s8+$0x0] =	vst.idx.add.s32.msk vm3, v4;
	v4 =	vadd.s32 v16, v1;
	_, v3, vm2 =	vpop (xrf1);
	_ =	sdelay $0x1  }
0xcc: {  	_, v63, vm15 =	vpop (xrf1)  }
0xcd: {  	[tilespmem:v2+s8+$0x0] =	vst.idx.add.s32.msk vm1, v4;
	v2 =	vadd.s32 v18, v1;
	_, v9, vm3 =	vpop (xrf1)  }
0xce: {  	[tilespmem:v7+s8+$0x0] =	vst.idx.add.s32.msk vm4, v2;
	v2 =	vadd.s32 v19, v1;
	_, v4, vm1 =	vpop (xrf1)  }
0xcf: {  	[tilespmem:v6+s8+$0x0] =	vst.idx.add.s32.msk vm5, v2;
	v2 =	vadd.s32 v3, v1;
	_, v7, vm4 =	vpop (xrf1)  }
0xd0: {  	[tilespmem:v10+s8+$0x0] =	vst.idx.add.s32.msk vm2, v2;
	v2 =	vadd.s32 v20, v1  }
0xd1: {  	[tilespmem:v5+s8+$0x0] =	vst.idx.add.s32.msk vm6, v2;
	v2 =	vadd.s32 v63, v1  }
0xd2: {  	v3 =	vadd.s32 v9, v1;
	[tilespmem:v11+s8+$0x0] =	vst.idx.add.s32.msk vm15, v2  }
0xd3: {  	[tilespmem:v8+s8+$0x0] =	vst.idx.add.s32.msk vm3, v3;
	v3 =	vadd.s32 v4, v1  }
0xd4: {  	v2 =	vadd.s32 v7, v1;
	[tilespmem:v14+s8+$0x0] =	vst.idx.add.s32.msk vm1, v3  }
0xd5: {  	s10 =	simm.s32 $0x0;
	[tilespmem:v15+s8+$0x0] =	vst.idx.add.s32.msk vm4, v2  }
0xd6: {  	s8 =	simm.s32 $0x10;
	v3 =	vld [tilespmem:s10+$0x14940]  }
0xd7: {  	v2 =	vld [tilespmem:s8+$0x14940];
	_ =	sdelay $0x3  }
0xd8: {  	(xrf0) =	vadd.scan.msk.s32 $0xffff, v3  }
0xd9: {  	(xrf0) =	vadd.scan.msk.s32 $0xffff, v2;
	_ =	sdelay $0x4  }
0xda: {  	s9 =	simm.s32 $0x20;
	v7, _, _ =	vpop (xrf0)  }
0xdb: {  	v5 =	vld [tilespmem:s9+$0x14940];
	(v2sf) =	vpush v7, $0xF;
	v6, _, _ =	vpop (xrf0)  }
0xdc: {  	(v2sf) =	vpush v6, $0xF;
	_ =	sdelay $0x3  }
0xdd: {  	s11 =	simm.s32 $0x30;
	(xrf0) =	vadd.scan.msk.s32 $0xffff, v5  }
0xde: {  	v4 =	vld [tilespmem:s11+$0x14940];
	_ =	sdelay $0x3  }
0xdf: {  	s12 =	simm.s32 $0x0;
	s13 =	simm.s32 $0x100  }
.LBB2_24:
0xe0: {  	s14 =	sshra.s32 s13, $0x2;
	p1 =	sne.s32 s13, $0x1FC0;
	s13 =	sadd.s32 $0x40, s13;
	(xrf0) =	vadd.scan.msk.s32 $0xffff, v4;
	v8, _, _ =	vpop (xrf0);
	v9 =	vsub.s32 s12, v3;
	v3 =	vmov v2;
	v2 =	vmov v5  }
.Ltmp12:
0xe1: {  	v5 =	vmovc v4;
	(v2sf) =	vpush v8, $0xF;
	v9 =	vadd.s32 v7, v9;
	v7 =	vmovc v6;
	v6 =	vmov v8;
	v4 =	vld [tilespmem:s14+$0x14940];
	(pc) =	sbr.rel @p1 .LBB2_24-.Ltmp12, $4  }
0xe2: {  	[tilespmem:s10+$0x15140] =	vst v9;
	s10 =	smov.u32 s8;
	s8 =	smov.u32 s9;
	s9 =	smov.u32 s11  }
0xe3: {  	s11 =	smov.u32 s14  }
0xe4: {  	s14 =	spop (v2sf)  }
0xe5: {  	s12 =	sadd.s32 s12, s14  }
0xe6: {  	(xrf0) =	vadd.scan.msk.s32 $0xffff, v4;
	_ =	sdelay $0x1  }
0xe7: {  	v8, _, _ =	vpop (xrf0)  }
0xe8: {  	(v2sf) =	vpush v8, $0xF;
	_ =	sdelay $0x2  }
0xe9: {  	v9, _, _ =	vpop (xrf0)  }
0xea: {  	(v2sf) =	vpush v9, $0xF;
	_ =	sdelay $0x8  }
0xeb: {  	s13 =	spop (v2sf)  }
0xec: {  	v3 =	vsub.s32 s12, v3;
	s26 =	sadd.s32 s12, s13;
	s28 =	spop (v2sf)  }
0xed: {  	v3 =	vadd.s32 v7, v3;
	v2 =	vsub.s32 s26, v2;
	s12 =	sadd.s32 s26, s28;
	s29 =	spop (v2sf)  }
0xee: {  	[tilespmem:s10+$0x15140] =	vst v3;
	v2 =	vadd.s32 v6, v2;
	v3 =	vsub.s32 s12, v5;
	s30 =	sadd.s32 s12, s29  }
0xef: {  	[tilespmem:s8+$0x15140] =	vst v2;
	v2 =	vadd.s32 v8, v3;
	v3 =	vsub.s32 s30, v4  }
0xf0: {  	s10 =	simm.s32 $0xC940;
	s8 =	simm.s32 $0x0;
	[tilespmem:s9+$0x15140] =	vst v2;
	v2 =	vadd.s32 v9, v3  }
0xf1: {  	s9 =	simm.s32 $0x15140;
	[tilespmem:s11+$0x15140] =	vst v2;
	s11 =	simm.s32 $0x10940;
	s31 =	spop (v2sf)  }
.LBB2_26:
0xf2: {  	s12 =	sshra.s32 s8, $0x2  }
0xf3: {  	v2 =	vld [tilespmem:s12+$0x4940];
	_ =	sdelay $0x4  }
0xf4: {  	v3 =	vand.u32 $0x7FF, v2  }
0xf5: {  	(xrf1) =	vunique.msk.u32 $0xffff, v3;
	_ =	sdelay $0xa  }
0xf6: {  	v4 =	vld.idx.msk [tilespmem:v3+s9+$0x0], $0xffff;
	_ =	sdelay $0x2  }
0xf7: {  	_, v5, vm0 =	vpop (xrf1)  }
0xf8: {  	v5 =	vsub.s32 v5, v0  }
0xf9: {  	v4 =	vadd.s32 v4, v5  }
0xfa: {  	v6 =	vld [tilespmem:s12+$0x8940]  }
0xfb: {  	p1 =	sne.s32 s8, $0xFFC0  }
.Ltmp13:
0xfc: {  	_ = 	snop;
	(pc) =	sbr.rel @p1 .LBB2_26-.Ltmp13, $4  }
0xfd: {  	_ = 	snop  }
0xfe: {  	[tilespmem:v4+s10+$0x0] =	vst.idx.msk $0xffff, v2  }
0xff: {  	v2 =	vadd.s32 $0x1, v5;
	[tilespmem:v4+s11+$0x0] =	vst.idx.msk $0xffff, v6  }
0x100: {  	s8 =	sadd.s32 $0x40, s8;
	[tilespmem:v3+s9+$0x0] =	vst.idx.add.s32.msk vm0, v2  }
0x101: {  	v2 =	vimm.s32 $0x0;
	s8 =	simm.s32 $0x40;
	s9 =	simm.s32 $0x0  }
.LBB2_28:
0x102: {  	p1 =	sne.s32 s8, $0x1FC0;
	[tilespmem:s9+$0x14940] =	vst v2;
	s9 =	smov.u32 s8;
	s8 =	sadd.s32 $0x40, s8  }
.Ltmp14:
0x103: {  	(pc) =	sbr.rel @p1 .LBB2_28-.Ltmp14, $2  }
0x104: {  	_ =	sdelay $0x2  }
0x105: {  	s9 =	sshra.s32 s9, $0x2  }
0x106: {  	[tilespmem:s9+$0x14940] =	vst v2;
	s8 =	simm.s32 $0xC960  }
0x107: {  	v2 =	vld [tilespmem:s8+$0xFFFFFFE0]  }
0x108: {  	v3 =	vld [tilespmem:s8+$0x10]  }
0x109: {  	v4 =	vld [tilespmem:s8+$0x0];
	_ =	sdelay $0x2  }
0x10a: {  	v2 =	vshrl.u32 v2, $0xB  }
0x10b: {  	v9 =	vand.u32 $0x7FF, v2;
	v2 =	vshrl.u32 v3, $0xB;
	v3 =	vld [tilespmem:s8+$0xFFFFFFF0]  }
0x10c: {  	v4 =	vshrl.u32 v4, $0xB;
	v12 =	vand.u32 $0x7FF, v2;
	(xrf1) =	vunique.msk.u32 $0xffff, v9  }
0x10d: {  	v17 =	vand.u32 $0x7FF, v4;
	(xrf1) =	vunique.msk.u32 $0xffff, v12  }
0x10e: {  	(xrf1) =	vunique.msk.u32 $0xffff, v17;
	_ =	sdelay $0x1  }
0x10f: {  	v3 =	vshrl.u32 v3, $0xB  }
0x110: {  	s30 =	simm.s32 $0xC9A0;
	v3 =	vand.u32 $0x7FF, v3  }
0x111: {  	v2 =	vld [tilespmem:s30+$0xFFFFFFE0];
	(xrf1) =	vunique.msk.u32 $0xffff, v3  }
0x112: {  	v4 =	vld [tilespmem:s30+$0x10]  }
0x113: {  	v6 =	vld [tilespmem:s30+$0x0]  }
0x114: {  	v5 =	vld [tilespmem:s30+$0xFFFFFFF0]  }
0x115: {  	s31 =	simm.s32 $0xC9E0  }
0x116: {  	v7 =	vld [tilespmem:s31+$0xFFFFFFE0];
	v2 =	vshrl.u32 v2, $0xB  }
0x117: {  	v10 =	vld [tilespmem:s31+$0x10];
	v4 =	vshrl.u32 v4, $0xB;
	v2 =	vand.u32 $0x7FF, v2  }
0x118: {  	v13 =	vld [tilespmem:s31+$0x0];
	v6 =	vshrl.u32 v6, $0xB;
	v4 =	vand.u32 $0x7FF, v4;
	(xrf1) =	vunique.msk.u32 $0xffff, v2  }
0x119: {  	v14 =	vld [tilespmem:s31+$0xFFFFFFF0];
	v8 =	vshrl.u32 v5, $0xB;
	v5 =	vand.u32 $0x7FF, v6;
	_, v15, vm0 =	vpop (xrf1);
	(xrf1) =	vunique.msk.u32 $0xffff, v4  }
0x11a: {  	v8 =	vand.u32 $0x7FF, v8;
	_, v16, vm1 =	vpop (xrf1);
	(xrf1) =	vunique.msk.u32 $0xffff, v5  }
0x11b: {  	v6 =	vshrl.u32 v7, $0xB;
	_, v18, vm2 =	vpop (xrf1);
	(xrf1) =	vunique.msk.u32 $0xffff, v8  }
0x11c: {  	v7 =	vshrl.u32 v10, $0xB;
	v6 =	vand.u32 $0x7FF, v6  }
0x11d: {  	v10 =	vshrl.u32 v13, $0xB;
	v7 =	vand.u32 $0x7FF, v7;
	(xrf1) =	vunique.msk.u32 $0xffff, v6  }
0x11e: {  	v20 =	vshrl.u32 v14, $0xB;
	s8 =	simm.s32 $0x14940;
	v10 =	vand.u32 $0x7FF, v10;
	v15 =	vadd.s32 v15, v1;
	(xrf1) =	vunique.msk.u32 $0xffff, v7  }
0x11f: {  	[tilespmem:v9+s8+$0x0] =	vst.idx.add.s32.msk vm0, v15;
	_, v21, vm0 =	vpop (xrf1);
	v9 =	vand.u32 $0x7FF, v20;
	(xrf1) =	vunique.msk.u32 $0xffff, v10  }
0x120: {  	s9 =	simm.s32 $0xCA20;
	(xrf1) =	vunique.msk.u32 $0xffff, v9  }
0x121: {  	v19 =	vld [tilespmem:s9+$0xFFFFFFE0]  }
0x122: {  	v13 =	vld [tilespmem:s9+$0x10]  }
0x123: {  	v14 =	vld [tilespmem:s9+$0x0]  }
0x124: {  	v11 =	vld [tilespmem:s9+$0xFFFFFFF0];
	v15 =	vadd.s32 v16, v1  }
0x125: {  	v18 =	vadd.s32 v18, v1;
	[tilespmem:v12+s8+$0x0] =	vst.idx.add.s32.msk vm1, v15  }
0x126: {  	s10 =	simm.s32 $0xC;
	v16 =	vshrl.u32 v19, $0xB;
	_, v12, vm1 =	vpop (xrf1);
	v15 =	vadd.s32 v21, v1;
	[tilespmem:v17+s8+$0x0] =	vst.idx.add.s32.msk vm2, v18  }
.LBB2_30:
0x127: {  	s10 =	sadd.s32 $0x4, s10;
	v16 =	vand.u32 $0x7FF, v16;
	v13 =	vshrl.u32 v13, $0xB;
	s9 =	sadd.s32 $0x40, s9;
	_, v17, vm2 =	vpop (xrf1);
	[tilespmem:v3+s8+$0x0] =	vst.idx.add.s32.msk vm0, v15;
	v18 =	vmov v10  }
0x128: {  	v3 =	vmov v8;
	v15 =	vld [tilespmem:s9+$0xFFFFFFF0];
	p1 =	slt.u32 s10, $0x3FC;
	v10 =	vshrl.u32 v14, $0xB;
	v19 =	vand.u32 $0x7FF, v13;
	(xrf1) =	vunique.msk.u32 $0xffff, v16;
	_, v20, vm3 =	vpop (xrf1)  }
0x129: {  	v11 =	vshrl.u32 v11, $0xB;
	v8 =	vmov v9;
	v21 =	vld [tilespmem:s9+$0xFFFFFFE0];
	v10 =	vand.u32 $0x7FF, v10;
	(xrf1) =	vunique.msk.u32 $0xffff, v19;
	_, v22, vm0 =	vpop (xrf1)  }
.Ltmp15:
0x12a: {  	v9 =	vand.u32 $0x7FF, v11;
	v13 =	vld [tilespmem:s9+$0x10];
	(xrf1) =	vunique.msk.u32 $0xffff, v10;
	(pc) =	sbr.rel @p1 .LBB2_30-.Ltmp15, $4  }
0x12b: {  	v23 =	vadd.s32 v12, v1;
	v14 =	vld [tilespmem:s9+$0x0];
	(xrf1) =	vunique.msk.u32 $0xffff, v9  }
0x12c: {  	[tilespmem:v2+s8+$0x0] =	vst.idx.add.s32.msk vm1, v23;
	v23 =	vadd.s32 v17, v1;
	v2 =	vmov v6;
	v6 =	vmov v16  }
0x12d: {  	v17 =	vadd.s32 v20, v1;
	[tilespmem:v4+s8+$0x0] =	vst.idx.add.s32.msk vm2, v23;
	v11 =	vmovc v15;
	v4 =	vmov v7;
	v7 =	vmov v19  }
0x12e: {  	v15 =	vadd.s32 v22, v1;
	v16 =	vshrl.u32 v21, $0xB;
	_, v12, vm1 =	vpop (xrf1);
	[tilespmem:v5+s8+$0x0] =	vst.idx.add.s32.msk vm3, v17;
	v5 =	vmov v18  }
0x12f: {  	v16 =	vand.u32 $0x7FF, v16;
	v13 =	vshrl.u32 v13, $0xB  }
0x130: {  	v14 =	vshrl.u32 v14, $0xB;
	v13 =	vand.u32 $0x7FF, v13;
	(xrf1) =	vunique.msk.u32 $0xffff, v16  }
0x131: {  	v11 =	vshrl.u32 v11, $0xB;
	v14 =	vand.u32 $0x7FF, v14;
	(xrf1) =	vunique.msk.u32 $0xffff, v13  }
0x132: {  	v11 =	vand.u32 $0x7FF, v11;
	(xrf1) =	vunique.msk.u32 $0xffff, v14  }
0x133: {  	(xrf1) =	vunique.msk.u32 $0xffff, v11  }
0x134: {  	_, v17, vm2 =	vpop (xrf1)  }
0x135: {  	_, v18, vm3 =	vpop (xrf1)  }
0x136: {  	_, v19, vm4 =	vpop (xrf1)  }
0x137: {  	_, v20, vm5 =	vpop (xrf1)  }
0x138: {  	[tilespmem:v3+s8+$0x0] =	vst.idx.add.s32.msk vm0, v15;
	v3 =	vadd.s32 v12, v1  }
0x139: {  	[tilespmem:v2+s8+$0x0] =	vst.idx.add.s32.msk vm1, v3;
	v2 =	vadd.s32 v17, v1  }
0x13a: {  	[tilespmem:v4+s8+$0x0] =	vst.idx.add.s32.msk vm2, v2;
	v2 =	vadd.s32 v18, v1  }
0x13b: {  	[tilespmem:v5+s8+$0x0] =	vst.idx.add.s32.msk vm3, v2;
	v2 =	vadd.s32 v19, v1;
	_, v63, vm15 =	vpop (xrf1)  }
0x13c: {  	[tilespmem:v8+s8+$0x0] =	vst.idx.add.s32.msk vm4, v2;
	v2 =	vadd.s32 v20, v1;
	_, v3, vm1 =	vpop (xrf1)  }
0x13d: {  	_, v4, vm2 =	vpop (xrf1);
	[tilespmem:v6+s8+$0x0] =	vst.idx.add.s32.msk vm5, v2;
	v2 =	vadd.s32 v63, v1  }
0x13e: {  	_, v5, vm3 =	vpop (xrf1)  }
0x13f: {  	_, v8, vm4 =	vpop (xrf1)  }
0x140: {  	_, v6, vm5 =	vpop (xrf1)  }
0x141: {  	v3 =	vadd.s32 v3, v1;
	[tilespmem:v7+s8+$0x0] =	vst.idx.add.s32.msk vm15, v2;
	_, v2, vm0 =	vpop (xrf1)  }
0x142: {  	[tilespmem:v10+s8+$0x0] =	vst.idx.add.s32.msk vm1, v3;
	v3 =	vadd.s32 v4, v1  }
0x143: {  	[tilespmem:v9+s8+$0x0] =	vst.idx.add.s32.msk vm2, v3;
	v3 =	vadd.s32 v5, v1  }
0x144: {  	[tilespmem:v16+s8+$0x0] =	vst.idx.add.s32.msk vm3, v3;
	v3 =	vadd.s32 v8, v1  }
0x145: {  	v4 =	vadd.s32 v6, v1;
	[tilespmem:v13+s8+$0x0] =	vst.idx.add.s32.msk vm4, v3  }
0x146: {  	v1 =	vadd.s32 v2, v1;
	[tilespmem:v14+s8+$0x0] =	vst.idx.add.s32.msk vm5, v4  }
0x147: {  	s10 =	simm.s32 $0x0;
	[tilespmem:v11+s8+$0x0] =	vst.idx.add.s32.msk vm0, v1  }
0x148: {  	s8 =	simm.s32 $0x10;
	v2 =	vld [tilespmem:s10+$0x14940]  }
0x149: {  	v1 =	vld [tilespmem:s8+$0x14940];
	_ =	sdelay $0x3  }
0x14a: {  	(xrf0) =	vadd.scan.msk.s32 $0xffff, v2  }
0x14b: {  	(xrf0) =	vadd.scan.msk.s32 $0xffff, v1;
	_ =	sdelay $0x4  }
0x14c: {  	s9 =	simm.s32 $0x20;
	v6, _, _ =	vpop (xrf0)  }
0x14d: {  	v4 =	vld [tilespmem:s9+$0x14940];
	(v2sf) =	vpush v6, $0xF;
	v5, _, _ =	vpop (xrf0)  }
0x14e: {  	(v2sf) =	vpush v5, $0xF;
	_ =	sdelay $0x3  }
0x14f: {  	s11 =	simm.s32 $0x30;
	(xrf0) =	vadd.scan.msk.s32 $0xffff, v4  }
0x150: {  	v3 =	vld [tilespmem:s11+$0x14940];
	_ =	sdelay $0x3  }
0x151: {  	s12 =	simm.s32 $0x0;
	s13 =	simm.s32 $0x100  }
.LBB2_32:
0x152: {  	s14 =	sshra.s32 s13, $0x2;
	p1 =	sne.s32 s13, $0x1FC0;
	s13 =	sadd.s32 $0x40, s13;
	(xrf0) =	vadd.scan.msk.s32 $0xffff, v3;
	v7, _, _ =	vpop (xrf0);
	v8 =	vsub.s32 s12, v2;
	v2 =	vmov v1;
	v1 =	vmov v4  }
.Ltmp16:
0x153: {  	v4 =	vmovc v3;
	(v2sf) =	vpush v7, $0xF;
	v8 =	vadd.s32 v6, v8;
	v6 =	vmovc v5;
	v5 =	vmov v7;
	v3 =	vld [tilespmem:s14+$0x14940];
	(pc) =	sbr.rel @p1 .LBB2_32-.Ltmp16, $4  }
0x154: {  	[tilespmem:s10+$0x15140] =	vst v8;
	s10 =	smov.u32 s8;
	s8 =	smov.u32 s9;
	s9 =	smov.u32 s11  }
0x155: {  	s11 =	smov.u32 s14  }
0x156: {  	s14 =	spop (v2sf)  }
0x157: {  	s12 =	sadd.s32 s12, s14  }
0x158: {  	(xrf0) =	vadd.scan.msk.s32 $0xffff, v3;
	v7, _, _ =	vpop (xrf0)  }
0x159: {  	(v2sf) =	vpush v7, $0xF;
	_ =	sdelay $0x4  }
0x15a: {  	v8, _, _ =	vpop (xrf0)  }
0x15b: {  	(v2sf) =	vpush v8, $0xF;
	_ =	sdelay $0x6  }
0x15c: {  	s13 =	spop (v2sf)  }
0x15d: {  	v2 =	vsub.s32 s12, v2;
	s25 =	sadd.s32 s12, s13;
	s26 =	spop (v2sf)  }
0x15e: {  	v2 =	vadd.s32 v6, v2;
	v1 =	vsub.s32 s25, v1;
	s12 =	sadd.s32 s25, s26;
	s28 =	spop (v2sf)  }
0x15f: {  	[tilespmem:s10+$0x15140] =	vst v2;
	v1 =	vadd.s32 v5, v1;
	v2 =	vsub.s32 s12, v4;
	s29 =	sadd.s32 s12, s28  }
0x160: {  	[tilespmem:s8+$0x15140] =	vst v1;
	v1 =	vadd.s32 v7, v2;
	v2 =	vsub.s32 s29, v3  }
0x161: {  	[tilespmem:s9+$0x15140] =	vst v1;
	v1 =	vadd.s32 v8, v2  }
0x162: {  	s30 =	simm.s32 $0x0;
	[tilespmem:s11+$0x15140] =	vst v1  }
0x163: {  	s10 =	simm.s32 $0x4940;
	s8 =	simm.s32 $0x15140;
	v1 =	vld [tilespmem:s30+$0xC940]  }
0x164: {  	s9 =	simm.s32 $0x8940;
	s11 =	simm.s32 $0x40;
	v2 =	vld [tilespmem:s30+$0x10940];
	s31 =	spop (v2sf)  }
.LBB2_34:
0x165: {  	p1 =	sne.s32 s11, $0xFFC0;
	_ =	sdelay $0x2  }
0x166: {  	v3 =	vshrl.u32 v1, $0xB  }
0x167: {  	v3 =	vand.u32 $0x7FF, v3  }
0x168: {  	(xrf1) =	vunique.msk.u32 $0xffff, v3;
	_ =	sdelay $0x9  }
0x169: {  	v4 =	vld.idx.msk [tilespmem:v3+s8+$0x0], $0xffff;
	_ =	sdelay $0x3  }
0x16a: {  	_, v5, vm0 =	vpop (xrf1)  }
0x16b: {  	v5 =	vsub.s32 v5, v0  }
0x16c: {  	v4 =	vadd.s32 v4, v5;
	v5 =	vadd.s32 $0x1, v5;
	_ =	sdelay $0x4  }
.Ltmp17:
0x16d: {  	[tilespmem:v4+s10+$0x0] =	vst.idx.msk $0xffff, v1;
	(pc) =	sbr.rel @p1 .LBB2_34-.Ltmp17, $4  }
0x16e: {  	[tilespmem:v4+s9+$0x0] =	vst.idx.msk $0xffff, v2  }
0x16f: {  	s12 =	sshra.s32 s11, $0x2;
	[tilespmem:v3+s8+$0x0] =	vst.idx.add.s32.msk vm0, v5  }
0x170: {  	v1 =	vld [tilespmem:s12+$0xC940]  }
0x171: {  	s11 =	sadd.s32 $0x40, s11;
	v2 =	vld [tilespmem:s12+$0x10940]  }
0x172: {  	_ =	sdelay $0x2  }
0x173: {  	v3 =	vshrl.u32 v1, $0xB  }
0x174: {  	v3 =	vand.u32 $0x7FF, v3  }
0x175: {  	(xrf1) =	vunique.msk.u32 $0xffff, v3;
	_ =	sdelay $0xa  }
0x176: {  	v4 =	vld.idx.msk [tilespmem:v3+s8+$0x0], $0xffff;
	_ =	sdelay $0x2  }
0x177: {  	_, v5, vm0 =	vpop (xrf1)  }
0x178: {  	v0 =	vsub.s32 v5, v0  }
0x179: {  	v4 =	vadd.s32 v4, v0;
	_ =	sdelay $0x4  }
0x17a: {  	[tilespmem:v4+s10+$0x0] =	vst.idx.msk $0xffff, v1  }
0x17b: {  	v0 =	vadd.s32 $0x1, v0;
	[tilespmem:v4+s9+$0x0] =	vst.idx.msk $0xffff, v2  }
0x17c: {  	s29 =	simm.s32 $0x0;
	s30 =	simm.s32 $0x4940;
	s31 =	simm.s32 $0x2;
	[tilespmem:v3+s8+$0x0] =	vst.idx.add.s32.msk vm0, v0  }
0x17d: {  	[hbm4b:s4+s29] =	stream.linear.scatter [tilespmem:s30], [sflag:$0x2], $0x1000, $0x38;
	[tilespmem:$0x16A40] =	vst v63  }
0x17e: {  	_ =	swait.ge [sflag:s31], $0x1000  }
0x17f: {  	[sflag:s31] =	ssyncset.done $0x0  }
0x180: {  	s4 =	simm.s32 $0x0;
	[sflag:s31] =	ssyncadd.s32 $0xFFFFF000  }
0x181: {  	v0 =	vld [tilespmem:s4+$0x4940];
	_ =	sdelay $0x4  }
0x182: {  	v0 =	vcvt.s32.f32 v0  }
0x183: {  	s8 =	simm.s32 $0x10  }
0x184: {  	(erf) = vrcp.f32 v0;
	v0 =	vld [tilespmem:s8+$0x4940];
	_ =	sdelay $0x4  }
0x185: {  	s9 =	simm.s32 $0x20;
	v1 =	vcvt.s32.f32 v0  }
0x186: {  	v0 =	vld [tilespmem:s9+$0x4940]  }
0x187: {  	(erf) = vrcp.f32 v1;
	_ =	sdelay $0x2  }
0x188: {  	s10 =	simm.s32 $0xC0;
	v1 =	vpop (erf)  }
.LBB2_36:
0x189: {  	s11 =	sshra.s32 s10, $0x2;
	p1 =	sne.s32 s10, $0x3FC0;
	s10 =	sadd.s32 $0x40, s10;
	v2 =	vcvt.s32.f32 v0;
	[tilespmem:s4+$0x15940] =	vst v1  }
.Ltmp18:
0x18a: {  	s4 =	smov.u32 s8;
	s8 =	smov.u32 s9;
	v0 =	vld [tilespmem:s11+$0x4940];
	(pc) =	sbr.rel @p1 .LBB2_36-.Ltmp18, $2  }
0x18b: {  	s9 =	smov.u32 s11;
	(erf) = vrcp.f32 v2;
	_ =	sdelay $0x2  }
0x18c: {  	v1 =	vpop (erf)  }
0x18d: {  	v0 =	vcvt.s32.f32 v0;
	_ =	sdelay $0x1  }
0x18e: {  	(erf) = vrcp.f32 v0;
	_ =	sdelay $0x7  }
0x18f: {  	[tilespmem:s4+$0x15940] =	vst v1;
	v62 =	vpop (erf)  }
0x190: {  	[tilespmem:s8+$0x15940] =	vst v62;
	v63 =	vpop (erf)  }
0x191: {  	s28 =	simm.s32 $0x0;
	s29 =	simm.s32 $0x15940;
	s30 =	simm.s32 $0x2;
	[tilespmem:s9+$0x15940] =	vst v63  }
0x192: {  	[hbm4b:s3+s28] =	stream.linear.scatter [tilespmem:s29], [sflag:$0x2], $0x1000, $0x38;
	[tilespmem:$0x16A40] =	vst v63  }
0x193: {  	_ =	swait.ge [sflag:s30], $0x1000  }
0x194: {  	[sflag:s30] =	ssyncset.done $0x0  }
0x195: {  	s31 =	simm.s32 $0x8940;
	[sflag:s30] =	ssyncadd.s32 $0xFFFFF000  }
0x196: {  	[spmem:s2] =	stream.linear.scatter [tilespmem:s31], [sflag:$0x2], $0x1000, $0x38;
	[tilespmem:$0x16A40] =	vst v63  }
0x197: {  	_ =	swait.ge [sflag:s30], $0x1000  }
0x198: {  	[sflag:s30] =	ssyncset.done $0x0  }
0x199: {  	[sflag:s30] =	ssyncadd.s32 $0xFFFFF000  }
.LBB2_38:
0x19a: {  	[bflag:$0x0] =	sbarrier.arrive $0xFFFF;
	s2 =	simm.s32 $0x16940  }
0x19b: {  	[tilespmem:s2], [sflag:$0x2] =	stream.linear.gather [spmem:s7], $0x100, $0x38;
	[tilespmem:$0x16A40] =	vst v63  }
0x19c: {  	_ =	swait.ge [sflag:s5], $0x100  }
0x19d: {  	s3 =	simm.s32 $0x100;
	[sflag:s5] =	ssyncset.done $0x0  }
0x19e: {  	s4 =	simm.s32 $0x500;
	s30 =	simm.s32 $0x1;
	[sflag:s5] =	ssyncadd.s32 $0xFFFFFF00  }
0x19f: {  	[tilespmem:s4], [sflag:$0x1] =	stream.indirect.gather [hbm4b:s1+s3], $0x40, s2, s3, $0xb8;
	[tilespmem:$0x16A40] =	vst v63  }
0x1a0: {  	_ =	swait.ge [sflag:s30], $0x4000  }
0x1a1: {  	[sflag:s30] =	ssyncset.done $0x0  }
0x1a2: {  	s31 =	simm.s32 $0x0;
	[sflag:s30] =	ssyncadd.s32 $0xFFFFC000  }
0x1a3: {  	[hbm4b:s6+s31] =	stream.linear.scatter [tilespmem:s4], [sflag:$0x2], $0x4000, $0x38;
	[tilespmem:$0x16A40] =	vst v63  }
0x1a4: {  	_ =	swait.ge [sflag:s5], $0x4000  }
0x1a5: {  	[sflag:s5] =	ssyncset.done $0x0  }
0x1a6: {  	[sflag:s5] =	ssyncadd.s32 $0xFFFFC000  }
0x1a7: {  	_ =	sfence.sel $0x180000  }
0x1a8: {  	[bflag:$0x0] =	sbarrier.arrive $0xFFFF  }
0x1a9: {  	_ =	strace $0x90000047  }
0x1aa: {  	s0 =	sadd.s32 @!p0 $0x100000, s0;
	[bflag:$0x2] =	sbarrier.arrive $0xFFFF  }
0x1ab: {  	[sflag:s0] =	ssyncadd.tile.s32 @!p0 $0x1;
	_ =	shalt  }
.Lfunc_end2:
_tile_overlayer_lowered:
.L_overlay_start_2:
0x1ac: {  	(tag) =	ssettag $0x2  }
0x1ad: {  	s0 =	rddreg [dreg:$0x0];
	s2 =	stileid.u32  }
0x1ae: {  	s1 =	rddreg [dreg:$0x1];
	p0 =	sne.s32 s2, $0x0  }
0x1af: {  	s3 =	rddreg [dreg:$0x2];
	[bflag:$0x3] =	sbarrier.arrive $0xFFFF;
	s2 =	simm.s32 @!p0 $0x1C02  }
0x1b0: {  	[timem:s3], [sflag:s2] =	dma.local @!p0 [hbm:s0], s1  }
0x1b1: {  	s0 =	simm.s32 @!p0 $0x2  }
0x1b2: {  	_ =	swait.ge @!p0 [sflag:s0], s1  }
0x1b3: {  	s1 =	ssub.s32 @!p0 $0x0, s1;
	[sflag:s0] =	ssyncset.done @!p0 $0x0  }
0x1b4: {  	[sflag:s0] =	ssyncadd.s32 @!p0 s1  }
0x1b5: {  	[bflag:$0x3] =	sbarrier.arrive $0xFFFF  }
0x1b6: {  	_ =	shalt  }

// kernel: kernel.8.cloned.1.call-start
scs
__scs_entry_jumppad:
0x0: {  	(pc) =	sbr.rel $0x88, $3  }
0x1: {  	(tag) =	ssettag $0x0;
	lr =	simm.s32 $0x1  }
0x2: {  	[smem:$0x3F9B] =	sst lr;
	_ =	strace $0xD0000000  }
0x3: {  	_ = 	snop  }
0x4: {  	_ = 	snop  }
0x5: {  	_ = 	snop  }
0x6: {  	_ = 	snop  }
0x7: {  	_ = 	snop  }
__scs_overlays_trampoline_lowered:
0x8: {  	[smem:$0x3FAA] =	sst s0  }
0x9: {  	[smem:$0x3FAB] =	sst s1  }
0xa: {  	[smem:$0x3FAC] =	sst s2  }
0xb: {  	[smem:$0x3FAD] =	sst s3  }
0xc: {  	[smem:$0x3FAE] =	sst s4  }
0xd: {  	[smem:$0x3FAF] =	sst s5  }
0xe: {  	[smem:$0x3FB0] =	sst s6  }
0xf: {  	[smem:$0x3FB1] =	sst s7  }
0x10: {  	[smem:$0x3FB2] =	sst s8  }
0x11: {  	[smem:$0x3FB3] =	sst s9;
	s0 =	simm.s32 @!p0 $0x0  }
0x12: {  	s1 =	sld [smem:$0x3F99];
	s0 =	simm.s32 @p0 $0x1  }
0x13: {  	[smem:$0x3FB4] =	sst s0;
	s0 =	simm.s32 @!p1 $0x0  }
0x14: {  	s2 =	sld [smem:$0x3F98];
	s0 =	simm.s32 @p1 $0x1  }
0x15: {  	[smem:$0x3FB5] =	sst s0;
	s0 =	simm.s32 @!p2 $0x0  }
0x16: {  	s3 =	sld [smem:$0x3FDB];
	s0 =	simm.s32 @p2 $0x1  }
0x17: {  	s4 =	simm.s32 $0x1BF5;
	[smem:$0x3FB7] =	sst s0  }
0x18: {  	s0 =	sld [smem:$0x3F9A];
	_ =	swait.ge [sflag:s4], $0x0  }
0x19: {  	s7 =	sld [smem:$0x3F9B]  }
0x1a: {  	s8 =	sadd.s32 $0xFFFFE003, lr  }
0x1b: {  	s9 =	sadd.s32 $0xFFFFFEF7, lr;
	s5 =	simm.s32 $0xFFFFFFFF;
	p2 =	slt.u32 s8, $0xFFFFF086  }
0x1c: {  	p1 =	slt.u32 s9, $0xF7A;
	s5 =	simm.s32 @!p2 $0x0  }
0x1d: {  	s5 =	simm.s32 @p1 $0x1;
	p0 =	seq.s32 s7, s2  }
0x1e: {  	s7 =	smul.u32 @!p0 $0xF7A, s2;
	p2 =	seq.s32 @!p0 s5, $0x0  }
0x1f: {  	s9 =	smul.u32 $0xF7A, s1;
	s8 =	simm.s32 @!p0 $0x1BF5;
	p2 =	por !p2, p0  }
0x20: {  	[sflag:s8] =	ssyncset.s32 @!p0 $0xFFFFF086;
	s6 =	sadd.s32 @!p0 s3, s7;
	s7 =	simm.s32 @!p0 $0x108  }
0x21: {  	s3 =	sadd.s32 s3, s9;
	s6 =	sadd.s32 @!p0 $0x88, s6;
	s7 =	simm.s32 @p2 $0x1082  }
0x22: {  	[simem:s7], [sflag:s8] =	dma.local @!p0 [hbm:s6], $0xF7A  }
0x23: {  	s9 =	sor.u32 $0xD0000000, s2;
	s6 =	simm.s32 $0x108;
	_ =	swait.ge @!p0 [sflag:s8], $0x0  }
0x24: {  	s3 =	sadd.s32 $0x88, s3;
	s6 =	simm.s32 @!p1 $0x1082;
	[sflag:s4] =	ssyncset.s32 $0xFFFFF086  }
0x25: {  	[simem:s6], [sflag:s4] =	dma.local [hbm:s3], $0xF7A  }
0x26: {  	[smem:$0x3F9B] =	sst s1;
	(tag) =	ssettag s2;
	_ =	strace s9  }
0x27: {  	s1 =	sld [smem:$0x3FAB]  }
0x28: {  	s2 =	sld [smem:$0x3FAC]  }
0x29: {  	s4 =	sld [smem:$0x3FAE]  }
0x2a: {  	p0 =	seq.s32 s5, $0x0;
	s5 =	sld [smem:$0x3FAF]  }
0x2b: {  	s6 =	sld [smem:$0x3FB0]  }
0x2c: {  	s7 =	sld [smem:$0x3FB1]  }
0x2d: {  	s3 =	simm.s32 $0x108;
	s8 =	sld [smem:$0x3FB2]  }
0x2e: {  	s3 =	simm.s32 @!p0 $0x1082;
	s9 =	sld [smem:$0x3FB3]  }
0x2f: {  	lr =	sadd.s32 s0, s3;
	s0 =	sld [smem:$0x3FAA]  }
0x30: {  	s3 =	sld [smem:$0x3FAD]  }
0x31: {  	[smem:$0x3FB6] =	sst s10  }
0x32: {  	s10 =	sld [smem:$0x3FB4];
	_ =	sdelay $0x3  }
0x33: {  	p0 =	seq.s32 s10, $0x1;
	s10 =	sld [smem:$0x3FB6];
	_ =	sdelay $0x3  }
0x34: {  	[smem:$0x3FB6] =	sst s10  }
0x35: {  	s10 =	sld [smem:$0x3FB5];
	_ =	sdelay $0x3  }
0x36: {  	p1 =	seq.s32 s10, $0x1;
	s10 =	sld [smem:$0x3FB6];
	_ =	sdelay $0x3  }
0x37: {  	[smem:$0x3FB6] =	sst s10  }
0x38: {  	s10 =	sld [smem:$0x3FB7]  }
0x39: {  	_ = 	snop;
	(pc) =	sbr.ind lr, $3  }
0x3a: {  	_ = 	snop  }
0x3b: {  	_ = 	snop  }
0x3c: {  	p2 =	seq.s32 s10, $0x1;
	s10 =	sld [smem:$0x3FB6]  }
0x3d: {  	_ =	shalt  }
0x3e: {  	_ =	shalt  }
0x3f: {  	_ =	shalt  }
0x40: {  	_ =	shalt  }
0x41: {  	_ =	shalt  }
0x42: {  	_ =	shalt  }
0x43: {  	_ =	shalt  }
0x44: {  	_ =	shalt  }
0x45: {  	_ =	shalt  }
0x46: {  	_ =	shalt  }
0x47: {  	_ =	shalt  }
0x48: {  	_ =	shalt  }
0x49: {  	_ =	shalt  }
0x4a: {  	_ =	shalt  }
0x4b: {  	_ =	shalt  }
0x4c: {  	_ =	shalt  }
0x4d: {  	_ =	shalt  }
0x4e: {  	_ =	shalt  }
0x4f: {  	_ =	shalt  }
0x50: {  	_ =	shalt  }
0x51: {  	_ =	shalt  }
0x52: {  	_ =	shalt  }
0x53: {  	_ =	shalt  }
0x54: {  	_ =	shalt  }
0x55: {  	_ =	shalt  }
0x56: {  	_ =	shalt  }
0x57: {  	_ =	shalt  }
0x58: {  	_ =	shalt  }
0x59: {  	_ =	shalt  }
0x5a: {  	_ =	shalt  }
0x5b: {  	_ =	shalt  }
0x5c: {  	_ =	shalt  }
0x5d: {  	_ =	shalt  }
0x5e: {  	_ =	shalt  }
0x5f: {  	_ =	shalt  }
0x60: {  	_ =	shalt  }
0x61: {  	_ =	shalt  }
0x62: {  	_ =	shalt  }
0x63: {  	_ =	shalt  }
0x64: {  	_ =	shalt  }
0x65: {  	_ =	shalt  }
0x66: {  	_ =	shalt  }
0x67: {  	_ =	shalt  }
0x68: {  	_ =	shalt  }
0x69: {  	_ =	shalt  }
0x6a: {  	_ =	shalt  }
0x6b: {  	_ =	shalt  }
0x6c: {  	_ =	shalt  }
0x6d: {  	_ =	shalt  }
0x6e: {  	_ =	shalt  }
0x6f: {  	_ =	shalt  }
0x70: {  	_ =	shalt  }
0x71: {  	_ =	shalt  }
0x72: {  	_ =	shalt  }
0x73: {  	_ =	shalt  }
0x74: {  	_ =	shalt  }
0x75: {  	_ =	shalt  }
0x76: {  	_ =	shalt  }
0x77: {  	_ =	shalt  }
0x78: {  	_ =	shalt  }
0x79: {  	_ =	shalt  }
0x7a: {  	_ =	shalt  }
0x7b: {  	_ =	shalt  }
0x7c: {  	_ =	shalt  }
0x7d: {  	_ =	shalt  }
0x7e: {  	_ =	shalt  }
0x7f: {  	_ =	shalt  }
0x80: {  	_ =	shalt  }
0x81: {  	_ =	shalt  }
0x82: {  	_ =	shalt  }
0x83: {  	_ =	shalt  }
0x84: {  	_ =	shalt  }
0x85: {  	_ =	shalt  }
0x86: {  	_ =	shalt  }
0x87: {  	_ =	shalt  }
.Lfunc_end0:
.L_simem_size_0:
called_computation.1_lowered:
.L_overlay_start_0:
0x88: {  	s2 =	sld [smem:$0x3FD9]  }
0x89: {  	s3 =	sld [smem:$0x3FFE];
	_ =	sdelay $0x1  }
0x8a: {  	s1 =	srdreg.scid  }
0x8b: {  	s0 =	sand.u32 $0x1, s1  }
0x8c: {  	s14 =	sshll.u32 s0, $0xA;
	s2 =	sadd.s32 s3, s2  }
0x8d: {  	s2 =	sadd.s32 s2, s14  }
0x8e: {  	[smem:$0x3FC2] =	sst s2  }
0x8f: {  	_ = 	snop  }
0x90: {  	s2 =	sld [smem:$0x3FD0];
	_ =	sdelay $0x2  }
0x91: {  	s4 =	simm.s32 $0xA;
	s5 =	simm.s32 $0x10;
	s15 =	sld [smem:$0x3FC6]  }
0x92: {  	[smem:s5], [sflag:s4] =	dma.local [hbm:s2], $0x1  }
0x93: {  	_ =	swait.eq [sflag:s4], $0x1  }
0x94: {  	[sflag:s4] =	ssyncset.done $0x0  }
0x95: {  	[sflag:s4] =	ssyncadd.s32 $0xFFFFFFFF  }
0x96: {  	s16 =	sld [smem:$0x10];
	(tm) =	ssettm $0x1  }
0x97: {  	s17 =	sld [smem:$0x3FFB];
	_ =	sdelay $0x3  }
0x98: {  	_ =	strace s17  }
0x99: {  	s4 =	sld [smem:$0x3FFC];
	_ =	sdelay $0x3  }
0x9a: {  	_ =	strace s4  }
0x9b: {  	s4 =	sld [smem:$0x3FFD];
	_ =	sdelay $0x3  }
0x9c: {  	_ =	strace s4  }
0x9d: {  	_ =	strace $0x8FFFFFFF  }
0x9e: {  	s18 =	sld [smem:$0x3FDB];
	_ =	sdelay $0x1  }
0x9f: {  	s19 =	simm.s32 $_scs_section_size  }
0xa0: {  	s6 =	simm.s32 $_size__tile_overlayer_lowered;
	s7 =	simm.s32 $_tile_overlayer_lowered  }
0xa1: {  	s22 =	simm.s32 $0x1BFF;
	s21 =	sshll.u32 s7, $0x1;
	s4 =	sadd.s32 s19, s18  }
0xa2: {  	s8 =	simm.s32 $0x0;
	s20 =	sshll.u32 s6, $0x1;
	s6 =	sadd.s32 s21, s4  }
0xa3: {  	[timem:s8], [sflag:s22] =	dma.local [hbm:s6], s20  }
0xa4: {  	_ =	swait.ge [sflag:s22], s20  }
0xa5: {  	s5 =	ssub.s32 $0x0, s20;
	[sflag:s22] =	ssyncset.done $0x0  }
0xa6: {  	[sflag:s22] =	ssyncadd.s32 s5;
	_ =	sdelay $0x1  }
0xa7: {  	s23 =	simm.s32 $0x1B8B  }
0xa8: {  	_ =	swait.ge [sflag:s23], $0x1  }
0xa9: {  	[sflag:s23] =	ssyncset.done $0x0  }
0xaa: {  	s25 =	simm.s32 $0x1B8E;
	s24 =	sld [smem:$0x3FFE];
	[sflag:s23] =	ssyncadd.s32 $0xFFFFFFFF  }
0xab: {  	s26 =	simm.s32 $execute0_lowered;
	[smem:$0x3FD2] =	sst s25  }
0xac: {  	s6 =	sshll.u32 s26, $0x1;
	_ =	strace $0x80000049;
	[dreg:$0x1] =	wrdreg $0xFFFFFFFF  }
0xad: {  	s28 =	simm.s32 $_size_execute0_lowered;
	s4 =	sadd.s32 s4, s6;
	[dreg:$0x0] =	wrdreg $0x0  }
0xae: {  	s6 =	sshll.u32 s28, $0x1;
	[dreg:$0x2] =	wrdreg s4  }
0xaf: {  	[dreg:$0x3] =	wrdreg s6  }
0xb0: {  	[dreg:$0x4] =	wrdreg $0xC0  }
0xb1: {  	_ =	task [dreg:s8], $0x5FFFF  }
0xb2: {  	[dreg:$0x1] =	wrdreg $0xFFFFFFFF  }
0xb3: {  	[dreg:$0x0] =	wrdreg $0x60  }
0xb4: {  	[dreg:$0x2] =	wrdreg s15  }
0xb5: {  	[dreg:$0x3] =	wrdreg s24  }
0xb6: {  	[dreg:$0x4] =	wrdreg s16  }
0xb7: {  	[dreg:$0x5] =	wrdreg $0x0  }
0xb8: {  	[dreg:$0x6] =	wrdreg $0x9  }
0xb9: {  	_ =	task.clear_ibuf [dreg:s8], $0x7FFFF;
	_ =	strace $0x90000049  }
0xba: {  	s29 =	simm.s32 $0x9;
	_ =	strace $0x8000004B  }
0xbb: {  	_ =	swait.ge [sflag:s29], $0x1  }
0xbc: {  	[sflag:s29] =	ssyncadd.s32 $0xFFFFFFFF  }
0xbd: {  	_ =	strace $0x9000004B  }
0xbe: {  	_ =	sfence  }
0xbf: {  	s30 =	sld [smem:$0x0];
	_ =	sdelay $0x2  }
0xc0: {  	s31 =	sshll.u32 s1, $0xD;
	s1 =	sshrl.u32 s1, $0x2  }
0xc1: {  	s3 =	sand.u32 $0x4000, s31;
	s1 =	sadd.s32 s1, s30  }
0xc2: {  	s0 =	sor.u32 s3, s0;
	s1 =	sshll.u32 s1, $0x11  }
0xc3: {  	s0 =	sor.u32 s1, s0  }
0xc4: {  	s0 =	sadd.s32 $0x8F2B, s0  }
0xc5: {  	[sflag:s0] =	ssyncadd.remote.s32 $0x1  }
0xc6: {  	_ =	sfence.sel $0xFFFF  }
0xc7: {  	[dreg:$0x0] =	wrdreg $0xFFFFFFFF;
	(pc) =	sbr.abs _section_cstart, $3  }
0xc8: {  	[dreg:$0x1] =	wrdreg $0xFFFFFFFF  }
0xc9: {  	_ =	task.clear_ibuf [dreg:s8], $0x2FFFF;
	_ =	strace $0x9FFFFFFF  }
0xca: {  	(tm) =	ssettm $0x7FFFFFFF  }
0xcb: {  	_ =	shalt  }
tec
execute0_lowered:
.L_overlay_start_1:
0x0: {  	(tag) =	ssettag $0x1  }
0x1: {  	s1 =	rddreg [dreg:$0x0]  }
0x2: {  	s0 =	rddreg [dreg:$0x1]  }
0x3: {  	s2 =	rddreg [dreg:$0x2];
	s3 =	simm.s32 $0x0  }
0x4: {  	[smem:$0x7FF] =	sst s3  }
0x5: {  	s7 =	rddreg [dreg:$0x3];
	v0 =	vimm.s32 $0x0;
	_ =	strace $0x8000004A  }
0x6: {  	(xrf1) =	vunique.msk.u32 $0xffff, v0;
	_ =	sdelay $0xd  }
0x7: {  	_, v1, _ =	vpop (xrf1)  }
0x8: {  	v1 =	vxor.u32 $0x80000000, v1  }
0x9: {  	(xrf0) =	vmax.scan.msk.u32 $0xffff, v1;
	_ =	sdelay $0x5  }
0xa: {  	v1, _, _ =	vpop (xrf0)  }
0xb: {  	(v2sf) =	vpush v1, $0xF;
	_ =	sdelay $0x4  }
0xc: {  	s6 =	stileid.u32;
	s9 =	simm.s32 $0x10000;
	s13 =	simm.s32 $0x16180  }
0xd: {  	s21 =	simm.s32 $0x16380;
	s28 =	simm.s32 $0x15080;
	s29 =	simm.s32 $0x1A400  }
0xe: {  	s5 =	sadd.s32 $0x9800, s0;
	s23 =	sadd.s32 $0x9A00, s0;
	s0 =	sadd.s32 $0x49A00, s0;
	v1 =	vlaneseq.u32  }
0xf: {  	s26 =	sshll.u32 s6, $0xC;
	[dreg:$0x6] =	wrdreg s23;
	s23 =	simm.s32 $0x16100;
	v2 =	vmul.u32 $0x10, v1;
	v14 =	vor.u32 $0x800000F0, v1  }
0x10: {  	s4 =	srdreg.scid;
	v15 =	vor.u32 $0x800000E0, v1;
	v16 =	vor.u32 $0x800000D0, v1;
	v17 =	vor.u32 $0x800000C0, v1  }
0x11: {  	s4 =	sand.u32 $0x1, s4;
	v18 =	vor.u32 $0x800000B0, v1;
	v19 =	vor.u32 $0x800000A0, v1;
	v20 =	vor.u32 $0x80000090, v1  }
0x12: {  	s18 =	simm.s32 $0x0;
	[dreg:$0x5] =	wrdreg s5;
	s24 =	ssub.s32 $0x2, s4;
	v21 =	vor.u32 $0x80000080, v1;
	v22 =	vor.u32 $0x80000070, v1;
	v24 =	vor.u32 $0x80000060, v1  }
0x13: {  	s4 =	sshll.u32 s4, $0x4;
	[dreg:$0x7] =	wrdreg s0;
	s2 =	sadd.s32 s2, s26;
	v25 =	vor.u32 $0x80000050, v1;
	v27 =	vor.u32 $0x80000040, v1;
	v28 =	vor.u32 $0x80000030, v1  }
0x14: {  	s5 =	simm.s32 $0x4;
	s25 =	sshrl.u32 s24, $0x1;
	s4 =	sor.u32 s6, s4;
	v31 =	vor.u32 $0x80000020, v1;
	v33 =	vor.u32 $0x80000010, v1;
	v34 =	vor.u32 $0x80000000, v1  }
0x15: {  	s6 =	sshll.u32 s6, $0xF;
	[dreg:$0x9] =	wrdreg s2;
	s8 =	smul.u32 $0x180, s4;
	v4 =	vor.u32 $0x1, v2;
	v5 =	vor.u32 $0x2, v2;
	v6 =	vor.u32 $0x3, v2  }
0x16: {  	s4 =	smul.u32 $0x30000, s4;
	s30 =	sadd.s32 s6, s7;
	v7 =	vor.u32 $0x4, v2;
	v8 =	vor.u32 $0x5, v2;
	v9 =	vor.u32 $0x9, v2;
	s22 =	spop (v2sf)  }
0x17: {  	s0 =	ssub.s32 s24, s25;
	[dreg:$0xa] =	wrdreg s30;
	v10 =	vor.u32 $0xA, v2;
	v11 =	vor.u32 $0xB, v2;
	v12 =	vor.u32 $0xC, v2;
	s3 =	sadd.s32 $0x7FFFFFF1, s22  }
0x18: {  	s26 =	simm.s32 $0x13000;
	s0 =	smax.u32 s0, $0x1;
	[dreg:$0x8] =	wrdreg s8;
	v13 =	vor.u32 $0xD, v2;
	v23 =	vor.u32 $0x6, v2;
	v3 =	vmov s3  }
0x19: {  	s2 =	simm.s32 $0x0;
	s31 =	sadd.s32 s1, s4;
	[dreg:$0xc] =	wrdreg s0;
	v26 =	vor.u32 $0x7, v2;
	v29 =	vor.u32 $0x8, v2;
	v3 =	vsub.s32 $0x1, v3  }
0x1a: {  	s24 =	simm.s32 $0x14000;
	[dreg:$0xb] =	wrdreg s31;
	v30 =	vor.u32 $0xE, v2;
	v32 =	vor.u32 $0xF, v2;
	s22 =	simm.s32 $0x16280;
	v3 =	vbroadcast v3, $0x0  }
.LBB2_1:
0x1b: {  	[dreg:$0xd] =	wrdreg s2  }
0x1c: {  	s0 =	simm.s32 $0x0;
	s17 =	rddreg [dreg:$0x9];
	s3 =	simm.s32 $0x8000  }
0x1d: {  	[tilespmem:s3], [sflag:$0x4] =	stream.linear.gather [hbm4b:s17+s0], $0x8000, $0x38;
	[tilespmem:$0x1E480] =	vst v63  }
0x1e: {  	_ =	swait.ge [sflag:s5], $0x8000  }
0x1f: {  	[sflag:s5] =	ssyncset.done $0x0  }
0x20: {  	s19 =	rddreg [dreg:$0xa];
	[sflag:s5] =	ssyncadd.s32 $0xFFFF8000  }
0x21: {  	[spmem:s19] =	stream.linear.scatter [tilespmem:s3], [sflag:$0x4], $0x8000, $0x38;
	[tilespmem:$0x1E480] =	vst v63  }
0x22: {  	_ =	swait.ge [sflag:s5], $0x8000  }
0x23: {  	[sflag:s5] =	ssyncset.done $0x0  }
0x24: {  	s20 =	rddreg [dreg:$0x5];
	[sflag:s5] =	ssyncadd.s32 $0xFFFF8000  }
0x25: {  	[tilespmem:s9], [sflag:$0x4] =	stream.linear.gather [hbm4b:s20+s0], $0x1000, $0x38;
	[tilespmem:$0x1E480] =	vst v63  }
0x26: {  	_ =	swait.ge [sflag:s5], $0x1000  }
0x27: {  	[sflag:s5] =	ssyncset.done $0x0  }
0x28: {  	[sflag:s5] =	ssyncadd.s32 $0xFFFFF000  }
0x29: {  	s25 =	simm.s32 $0x400;
	s30 =	simm.s32 $0x11000;
	[bflag:$0x0] =	sbarrier.arrive $0xFFFF  }
0x2a: {  	s4 =	simm.s32 $0x80;
	s0 =	simm.s32 $0x0;
	s31 =	rddreg [dreg:$0xb]  }
0x2b: {  	[tilespmem:s30], [sflag:$0x2] =	stream.strided.gather [hbm4b:s31+s4], $0x1000, s25, s4, $0x38;
	[tilespmem:$0x1E480] =	vst v63  }
.LBB2_2:
0x2c: {  	s11 =	sshll.u32 s0, $0x6;
	s25 =	rddreg [dreg:$0x8]  }
0x2d: {  	[dreg:$0xe] =	wrdreg s0;
	s4 =	sadd.s32 s25, s11  }
0x2e: {  	s30 =	rddreg [dreg:$0x6];
	s31 =	simm.s32 $0x16400;
	s2 =	sshll.u32 s4, $0x4  }
.Ltmp0:
0x2f: {  	[dreg:$0xf] =	wrdreg s2;
	s0 =	sadd.s32 s30, s2;
	(pc) =	sbr.rel .LBB2_3-.Ltmp0, $4  }
0x30: {  	[tilespmem:s31], [sflag:$0x4] =	stream.linear.gather [hbm4b:s0+s18], $0x2000, $0x38;
	[tilespmem:$0x1E480] =	vst v63  }
0x31: {  	_ =	swait.ge [sflag:s5], $0x2000  }
0x32: {  	[sflag:s5] =	ssyncset.done $0x0  }
0x33: {  	s14 =	simm.s32 $0x0;
	[sflag:s5] =	ssyncadd.s32 $0xFFFFE000  }
.LBB2_41:
0x34: {  	s2 =	simm.s32 $0x14000;
	v37 =	vmov v35  }
.LBB2_45:
0x35: {  	v36 =	vld @p0 [tilespmem:s2+$0x0];
	v38 =	vnsel @p0 vm1, $0x0, v38;
	v39 =	vmpcnt.ones.xlane @p0 vm1;
	_ =	sdelay $0x1  }
0x36: {  	v37 =	vadd.s32 @p0 v37, v39  }
0x37: {  	v63, _, _ =	vpop (xrf0);
	v35 =	vpsel p0, v37, v35  }
0x38: {  	s2 =	sadd.s32 @p0 $0x10, s2;
	v35 =	vadd.s32 v63, v35  }
0x39: {  	vm0 =	vmmov vm0;
	s0 =	smov.u32 @p0 s2;
	v35 =	vadd.s32 $0xFFFFFFFF, v35;
	[tilespmem:v38+s23+$0x0] =	vst.idx.msk @p0 vm1, v36  }
0x3a: {  	v36 =	vld [tilespmem:s0+$0x0];
	v35 =	vnsel vm0, $0x0, v35;
	_ =	sdelay $0x4  }
0x3b: {  	[tilespmem:v35+s23+$0x0] =	vst.idx.msk vm0, v36  }
.LBB2_46:
0x3c: {  	v35 =	vld [tilespmem:$0x16100]  }
0x3d: {  	v36 =	vld [tilespmem:$0x16120]  }
0x3e: {  	v37 =	vld [tilespmem:$0x16110];
	_ =	sdelay $0x2  }
0x3f: {  	vm0 =	vmmov $0xff  }
0x40: {  	v36 =	vnsel vm0, $0x0, v36;
	_ =	sdelay $0x2  }
0x41: {  	v38 =	vld.idx.msk [tilespmem:v35+s9+$0x0], $0xffff  }
0x42: {  	v39 =	vld.idx.msk [tilespmem:v37+s9+$0x0], $0xffff  }
0x43: {  	v40 =	vld.idx.msk [tilespmem:v36+s9+$0x0], $0xffff;
	_ =	sdelay $0x3  }
0x44: {  	vm1 =	vlt.s32 v38, v39  }
0x45: {  	v41 =	vsel vm1, v38, v39;
	v40 =	vnsel vm0, $0x7FFFFFFF, v40  }
0x46: {  	vm1 =	vlt.s32 v41, v40  }
0x47: {  	v41 =	vsel vm1, v41, v40  }
0x48: {  	v41 =	vxor.u32 $0x80000000, v41  }
0x49: {  	(xrf0) =	vmin.scan.msk.u32 $0xffff, v41;
	_ =	sdelay $0x5  }
0x4a: {  	v41, _, _ =	vpop (xrf0)  }
0x4b: {  	(v2sf) =	vpush v41, $0xF;
	_ =	sdelay $0xb  }
0x4c: {  	v54 =	vld.idx.msk [tilespmem:v37+s26+$0x0], $0xffff  }
0x4d: {  	v42 =	vld.idx.msk [tilespmem:v35+s26+$0x0], $0xffff;
	_ =	sdelay $0x1  }
0x4e: {  	v43 =	vld.idx.msk [tilespmem:v36+s26+$0x0], $0xffff;
	s0 =	spop (v2sf)  }
0x4f: {  	s0 =	sxor.u32 $0x80000000, s0  }
0x50: {  	v41 =	vxor.u32 $0x80000000, v54;
	vm13 =	veq.s32 v39, s0  }
0x51: {  	v42 =	vxor.u32 $0x80000000, v42;
	v44 =	vnsel vm13, $0x7FFFFFFF, v41  }
0x52: {  	vm2 =	vlt.s32 v42, v44  }
0x53: {  	v43 =	vxor.u32 $0x80000000, v43;
	vm3 =	veq.s32 v38, s0;
	v45 =	vsel vm2, v42, v44  }
0x54: {  	v43 =	vnsel vm0, $0x7FFFFFFF, v43;
	v44 =	vsel vm3, v45, v44  }
0x55: {  	vm14 =	veq.s32 v40, s0;
	vm4 =	vlt.s32 v44, v43  }
0x56: {  	vm2 =	vmand vm14, vm0;
	v45 =	vsel vm4, v44, v43  }
0x57: {  	v44 =	vsel vm2, v45, v44  }
0x58: {  	v44 =	vxor.u32 $0x80000000, v44  }
0x59: {  	(xrf0) =	vmin.scan.msk.u32 $0xffff, v44;
	_ =	sdelay $0x5  }
0x5a: {  	v44, _, _ =	vpop (xrf0)  }
0x5b: {  	(v2sf) =	vpush v44, $0xF;
	_ =	sdelay $0xe  }
0x5c: {  	s19 =	spop (v2sf)  }
0x5d: {  	s0 =	sxor.u32 $0x80000000, s19  }
0x5e: {  	vm15 =	veq.s32 v42, s0;
	vm5 =	veq.s32 v41, s0  }
0x5f: {  	vm3 =	vmand vm3, vm15;
	vm1 =	vmand vm13, vm5  }
0x60: {  	vm8 =	veq.s32 v43, s0;
	v55 =	vnsel vm3, $0x1000, v35;
	v56 =	vnsel vm1, $0x1000, v37  }
0x61: {  	vm9 =	vmand vm2, vm8;
	vm10 =	vlt.s32 v55, v56  }
0x62: {  	v57 =	vnsel vm9, $0x1000, v36;
	v44 =	vsel vm10, v55, v56  }
0x63: {  	vm1 =	vlt.s32 v44, v57  }
0x64: {  	v44 =	vsel vm1, v44, v57  }
0x65: {  	v44 =	vxor.u32 $0x80000000, v44  }
0x66: {  	(xrf0) =	vmin.scan.msk.u32 $0xffff, v44;
	_ =	sdelay $0x5  }
0x67: {  	v44, _, _ =	vpop (xrf0)  }
0x68: {  	(v2sf) =	vpush v44, $0xF;
	_ =	sdelay $0xe  }
0x69: {  	s20 =	spop (v2sf)  }
0x6a: {  	s0 =	sxor.u32 $0x80000000, s20  }
0x6b: {  	vm11 =	vne.s32 v37, s0  }
0x6c: {  	v58 =	vnsel vm11, $0x7FFFFFFF, v39  }
0x6d: {  	vm12 =	vlt.s32 v38, v58  }
0x6e: {  	vm13 =	vne.s32 v35, s0;
	v59 =	vsel vm12, v38, v58  }
0x6f: {  	v44 =	vsel vm13, v59, v58  }
0x70: {  	vm14 =	vne.s32 v36, s0;
	vm15 =	vlt.s32 v44, v40  }
0x71: {  	vm0 =	vmand vm14, vm0;
	v45 =	vsel vm15, v44, v40  }
0x72: {  	v44 =	vsel vm0, v45, v44  }
0x73: {  	v44 =	vxor.u32 $0x80000000, v44  }
0x74: {  	(xrf0) =	vmin.scan.msk.u32 $0xffff, v44;
	_ =	sdelay $0x5  }
0x75: {  	v44, _, _ =	vpop (xrf0)  }
0x76: {  	(v2sf) =	vpush v44, $0xF;
	_ =	sdelay $0xe  }
0x77: {  	s2 =	spop (v2sf)  }
0x78: {  	s2 =	sxor.u32 $0x80000000, s2  }
0x79: {  	vm7 =	veq.s32 v39, s2  }
0x7a: {  	vm1 =	vmand vm11, vm7  }
0x7b: {  	v60 =	vnsel vm1, $0x7FFFFFFF, v41  }
0x7c: {  	vm8 =	veq.s32 v38, s2;
	vm9 =	vlt.s32 v42, v60  }
0x7d: {  	vm2 =	vmand vm13, vm8;
	v61 =	vsel vm9, v42, v60  }
0x7e: {  	v38 =	vsel vm2, v61, v60  }
0x7f: {  	vm10 =	veq.s32 v40, s2;
	vm11 =	vlt.s32 v38, v43  }
0x80: {  	vm0 =	vmand vm0, vm10;
	v39 =	vsel vm11, v38, v43  }
0x81: {  	v38 =	vsel vm0, v39, v38  }
0x82: {  	v38 =	vxor.u32 $0x80000000, v38  }
0x83: {  	(xrf0) =	vmin.scan.msk.u32 $0xffff, v38;
	_ =	sdelay $0x5  }
0x84: {  	v38, _, _ =	vpop (xrf0)  }
0x85: {  	(v2sf) =	vpush v38, $0xF;
	_ =	sdelay $0xe  }
0x86: {  	s25 =	spop (v2sf)  }
0x87: {  	s2 =	sxor.u32 $0x80000000, s25  }
0x88: {  	vm12 =	veq.s32 v42, s2;
	vm13 =	veq.s32 v41, s2  }
0x89: {  	vm2 =	vmand vm2, vm12;
	vm1 =	vmand vm1, vm13  }
0x8a: {  	vm14 =	veq.s32 v43, s2;
	v35 =	vnsel vm2, $0x1000, v35;
	v37 =	vnsel vm1, $0x1000, v37  }
0x8b: {  	vm0 =	vmand vm0, vm14;
	vm1 =	vlt.s32 v35, v37  }
0x8c: {  	v36 =	vnsel vm0, $0x1000, v36;
	v35 =	vsel vm1, v35, v37  }
0x8d: {  	vm0 =	vlt.s32 v35, v36  }
0x8e: {  	v35 =	vsel vm0, v35, v36  }
0x8f: {  	v35 =	vxor.u32 $0x80000000, v35  }
0x90: {  	(xrf0) =	vmin.scan.msk.u32 $0xffff, v35;
	_ =	sdelay $0x5  }
0x91: {  	v35, _, _ =	vpop (xrf0)  }
0x92: {  	(v2sf) =	vpush v35, $0xF;
	_ =	sdelay $0xc  }
0x93: {  	s30 =	sshll.u32 s14, $0x1;
	s14 =	sadd.s32 $0x1, s14  }
0x94: {  	v62 =	vadd.s32 s30, v1;
	p0 =	sne.s32 s14, $0x40  }
.Ltmp1:
0x95: {  	s31 =	spop (v2sf);
	(pc) =	sbr.rel @!p0 .LBB2_47-.Ltmp1, $4  }
0x96: {  	s2 =	sxor.u32 $0x80000000, s31  }
0x97: {  	vm15 =	vmmov $0x1;
	v63 =	vmov s2  }
0x98: {  	v36 =	vsel vm15, s0, v63  }
0x99: {  	[tilespmem:v62+s29+$0x0] =	vst.idx.msk $0x3, v36  }
.LBB2_3:
0x9a: {  	s0 =	sor.u32 s11, s14  }
0x9b: {  	s2 =	sand.u32 $0x1, s14;
	p0 =	sgt.u32 s0, $0x17E  }
0x9c: {  	s25 =	sor.u32 $0x2, s2;
	s3 =	sor.u32 @!p0 s4, s14  }
0x9d: {  	_ =	swait.ge [sflag:s25], $0x1000;
	s3 =	sadd.s32 @!p0 $0x1, s3  }
0x9e: {  	s12 =	sxor.u32 @!p0 $0x1, s2;
	s6 =	sshll.u32 @!p0 s3, $0xC;
	s3 =	sshll.u32 @!p0 s3, $0x7  }
0x9f: {  	[sflag:s25] =	ssyncset.done $0x0;
	s6 =	sand.u32 @!p0 $0xFFFF8000, s6;
	s3 =	sand.u32 @!p0 $0x380, s3  }
0xa0: {  	s15 =	simm.s32 @!p0 $0x400;
	[sflag:s25] =	ssyncadd.s32 $0xFFFFF000;
	s0 =	sor.u32 @!p0 s3, s6  }
0xa1: {  	s3 =	sshll.u32 @!p0 s12, $0xC;
	s6 =	sor.u32 @!p0 $0x2, s12;
	s0 =	sshrl.u32 @!p0 s0, $0x3  }
0xa2: {  	s12 =	simm.s32 @!p0 $0x80;
	s3 =	sadd.s32 @!p0 $0x11000, s3;
	s0 =	sadd.s32 @!p0 s1, s0  }
0xa3: {  	[tilespmem:s3], [sflag:s6] =	stream.strided.gather @!p0 [hbm4b:s0+s12], $0x1000, s15, s12, $0x38;
	[tilespmem:$0x1E480] =	vst v63  }
0xa4: {  	[tilespmem:$0x16180] =	vst v0  }
0xa5: {  	[tilespmem:$0x16190] =	vst v0  }
0xa6: {  	[tilespmem:$0x161A0] =	vst v0  }
0xa7: {  	[tilespmem:$0x161B0] =	vst v0  }
0xa8: {  	[tilespmem:$0x161C0] =	vst v0  }
0xa9: {  	[tilespmem:$0x161D0] =	vst v0  }
0xaa: {  	[tilespmem:$0x161E0] =	vst v0  }
0xab: {  	[tilespmem:$0x161F0] =	vst v0  }
0xac: {  	[tilespmem:$0x16200] =	vst v0  }
0xad: {  	[tilespmem:$0x16210] =	vst v0  }
0xae: {  	[tilespmem:$0x16220] =	vst v0  }
0xaf: {  	[tilespmem:$0x16230] =	vst v0  }
0xb0: {  	s5 =	sshll.u32 s2, $0xC;
	[tilespmem:$0x16240] =	vst v0  }
0xb1: {  	s15 =	sadd.s32 $0x11000, s5;
	s6 =	sand.u32 $0xF80, s18;
	[tilespmem:$0x16250] =	vst v0  }
0xb2: {  	s20 =	sand.u32 $0x40, s18;
	[tilespmem:$0x16260] =	vst v0;
	s25 =	sadd.s32 s6, s15  }
0xb3: {  	s5 =	sor.u32 $0x10, s20;
	[tilespmem:$0x16270] =	vst v0;
	s8 =	sadd.s32 s20, s25  }
0xb4: {  	s16 =	sadd.s32 s5, s25;
	v35 =	vld [tilespmem:s8+$0x0]  }
0xb5: {  	v36 =	vld [tilespmem:s16+$0x0];
	_ =	sdelay $0x2  }
0xb6: {  	s10 =	sor.u32 $0x30, s20  }
0xb7: {  	s2 =	sor.u32 $0x20, s20;
	s19 =	sadd.s32 s10, s25;
	s20 =	simm.s32 $0x40;
	v39 =	vshra.s32 v35, $0x1F  }
0xb8: {  	s3 =	sadd.s32 s2, s25;
	v37 =	vld [tilespmem:s19+$0x0];
	s25 =	sand.u32 $0xF80, s20;
	v40 =	vshra.s32 v36, $0x1F;
	v39 =	vor.u32 $0x80000000, v39  }
0xb9: {  	v38 =	vld [tilespmem:s3+$0x0];
	s3 =	sand.u32 $0x40, s20;
	s17 =	sadd.s32 s25, s15;
	v40 =	vor.u32 $0x80000000, v40;
	v39 =	vxor.u32 v35, v39  }
0xba: {  	s20 =	sor.u32 $0x10, s3;
	s30 =	sadd.s32 s3, s17;
	v40 =	vxor.u32 v36, v40;
	v35 =	vshrl.u32 v39, $0x18  }
0xbb: {  	s7 =	sor.u32 $0x30, s3;
	s31 =	sadd.s32 s20, s17;
	v43 =	vld [tilespmem:s30+$0x0];
	v36 =	vshrl.u32 v40, $0x18;
	(xrf1) =	vunique.msk.u32 $0xffff, v35  }
0xbc: {  	s3 =	sor.u32 $0x20, s3;
	s30 =	sadd.s32 s7, s17;
	v44 =	vld [tilespmem:s31+$0x0];
	(xrf1) =	vunique.msk.u32 $0xffff, v36  }
0xbd: {  	s17 =	sadd.s32 s3, s17;
	v45 =	vld [tilespmem:s30+$0x0];
	s30 =	simm.s32 $0x80;
	v41 =	vshra.s32 v37, $0x1F  }
0xbe: {  	s0 =	sor.u32 $0x13000, s6;
	s31 =	simm.s32 $0x13000;
	v46 =	vld [tilespmem:s17+$0x0];
	v42 =	vshra.s32 v38, $0x1F;
	s17 =	sand.u32 $0xF80, s30;
	v41 =	vor.u32 $0x80000000, v41  }
0xbf: {  	s6 =	sor.u32 s5, s0;
	s30 =	sand.u32 $0x40, s30;
	v42 =	vor.u32 $0x80000000, v42;
	v41 =	vxor.u32 v37, v41;
	[tilespmem:s31+$0x0] =	vst v39;
	s31 =	sadd.s32 s17, s15  }
0xc0: {  	v42 =	vxor.u32 v38, v42;
	v38 =	vshrl.u32 v41, $0x18;
	[tilespmem:s6+$0x0] =	vst v40;
	s6 =	sor.u32 $0x10, s30;
	s8 =	sadd.s32 s30, s31  }
0xc1: {  	s12 =	sor.u32 s10, s0;
	v37 =	vshrl.u32 v42, $0x18;
	v55 =	vshra.s32 v43, $0x1F;
	s10 =	sadd.s32 s6, s31;
	v47 =	vld [tilespmem:s8+$0x0];
	(xrf1) =	vunique.msk.u32 $0xffff, v38  }
0xc2: {  	s0 =	sor.u32 s2, s0;
	[tilespmem:s12+$0x0] =	vst v41;
	v56 =	vshra.s32 v44, $0x1F;
	v39 =	vor.u32 $0x80000000, v55;
	v48 =	vld [tilespmem:s10+$0x0];
	(xrf1) =	vunique.msk.u32 $0xffff, v37  }
0xc3: {  	s19 =	simm.s32 $0x13040;
	s5 =	sor.u32 $0x13000, s25;
	[tilespmem:s0+$0x0] =	vst v42;
	v40 =	vor.u32 $0x80000000, v56;
	v57 =	vshra.s32 v45, $0x1F;
	v39 =	vxor.u32 v43, v39  }
0xc4: {  	s16 =	sor.u32 s20, s5;
	v58 =	vshra.s32 v46, $0x1F;
	v40 =	vxor.u32 v44, v40;
	v41 =	vor.u32 $0x80000000, v57;
	[tilespmem:s19+$0x0] =	vst v39  }
0xc5: {  	v42 =	vor.u32 $0x80000000, v58;
	v39 =	vshrl.u32 v39, $0x18;
	[tilespmem:s16+$0x0] =	vst v40;
	v40 =	vshrl.u32 v40, $0x18  }
0xc6: {  	v59 =	vxor.u32 v45, v41;
	v46 =	vxor.u32 v46, v42;
	(xrf1) =	vunique.msk.u32 $0xffff, v39;
	v49 =	vshra.s32 v47, $0x1F  }
0xc7: {  	s2 =	sor.u32 s7, s5;
	s20 =	sor.u32 $0x30, s30;
	v41 =	vshrl.u32 v59, $0x18;
	(xrf1) =	vunique.msk.u32 $0xffff, v40;
	v61 =	vshra.s32 v48, $0x1F;
	v60 =	vor.u32 $0x80000000, v49  }
0xc8: {  	s25 =	sor.u32 $0x20, s30;
	s10 =	sadd.s32 s20, s31;
	s16 =	simm.s32 $0x13080;
	v42 =	vshrl.u32 v46, $0x18;
	(xrf1) =	vunique.msk.u32 $0xffff, v41;
	v49 =	vor.u32 $0x80000000, v61;
	v44 =	vxor.u32 v47, v60  }
0xc9: {  	s3 =	sor.u32 s3, s5;
	s5 =	sor.u32 $0x13000, s17;
	s19 =	sadd.s32 s25, s31;
	v43 =	vld [tilespmem:s10+$0x0];
	v63 =	vxor.u32 v48, v49;
	[tilespmem:s16+$0x0] =	vst v44;
	v44 =	vshrl.u32 v44, $0x18;
	_, v51, vm0 =	vpop (xrf1);
	(xrf1) =	vunique.msk.u32 $0xffff, v42  }
0xca: {  	s17 =	sor.u32 s25, s5;
	v45 =	vld [tilespmem:s19+$0x0];
	[tilespmem:s3+$0x0] =	vst v46;
	v46 =	vshrl.u32 v63, $0x18;
	_, v62, vm1 =	vpop (xrf1);
	(xrf1) =	vunique.msk.u32 $0xffff, v44  }
0xcb: {  	s0 =	sor.u32 s20, s5;
	s12 =	simm.s32 $0xC;
	s30 =	simm.s32 $0xC0;
	(xrf1) =	vunique.msk.u32 $0xffff, v46  }
0xcc: {  	s20 =	sand.u32 $0x40, s30;
	s31 =	sor.u32 s6, s5;
	[tilespmem:s2+$0x0] =	vst v59;
	s2 =	sand.u32 $0xF80, s30  }
0xcd: {  	s8 =	sor.u32 $0x10, s20;
	s5 =	sor.u32 $0x20, s20;
	s7 =	sadd.s32 s2, s15  }
0xce: {  	s10 =	sor.u32 $0x30, s20;
	s19 =	sadd.s32 s20, s7;
	s25 =	sadd.s32 s8, s7  }
0xcf: {  	s20 =	sadd.s32 s5, s7;
	s6 =	sadd.s32 s10, s7;
	v52 =	vshra.s32 v43, $0x1F;
	v48 =	vld [tilespmem:s19+$0x0];
	s19 =	sor.u32 $0x13000, s2;
	v53 =	vshra.s32 v45, $0x1F;
	_, v50, vm2 =	vpop (xrf1)  }
0xd0: {  	v49 =	vld [tilespmem:s25+$0x0];
	v54 =	vor.u32 $0x80000000, v52;
	[tilespmem:s31+$0x0] =	vst v63;
	s2 =	sor.u32 s8, s19;
	s31 =	sor.u32 s5, s19;
	s3 =	sor.u32 s10, s19;
	v52 =	vadd.s32 v51, v3;
	v47 =	vadd.s32 v62, v3;
	_, v51, vm3 =	vpop (xrf1)  }
.LBB2_4:
0xd1: {  	s12 =	sadd.s32 $0x4, s12;
	v53 =	vor.u32 $0x80000000, v53;
	v54 =	vxor.u32 v43, v54;
	[tilespmem:v35+s13+$0x0] =	vst.idx.add.s32.msk vm0, v52;
	v52 =	vmovc v42;
	v35 =	vmov v39  }
0xd2: {  	v39 =	vmovc v44;
	p0 =	slt.u32 s12, $0xFC;
	v53 =	vxor.u32 v45, v53;
	v55 =	vshrl.u32 v54, $0x18;
	[tilespmem:v36+s13+$0x0] =	vst.idx.add.s32.msk vm1, v47;
	v36 =	vmov v40  }
0xd3: {  	v40 =	vmov v46;
	v43 =	vld [tilespmem:s6+$0x0];
	v42 =	vshrl.u32 v53, $0x18;
	[tilespmem:s0+$0x0] =	vst v54;
	(xrf1) =	vunique.msk.u32 $0xffff, v55;
	s0 =	smov.u32 s3  }
0xd4: {  	s30 =	sadd.s32 $0x40, s30;
	s16 =	sadd.s32 $0x40, s16;
	v46 =	vadd.s32 v50, v3;
	v44 =	vshra.s32 v48, $0x1F;
	v45 =	vld [tilespmem:s20+$0x0];
	[tilespmem:s17+$0x0] =	vst v53;
	(xrf1) =	vunique.msk.u32 $0xffff, v42;
	_, v56, vm0 =	vpop (xrf1);
	s17 =	smov.u32 s31  }
.Ltmp2:
0xd5: {  	v51 =	vadd.s32 v51, v3;
	s3 =	sand.u32 $0xF80, s30;
	s6 =	sand.u32 $0x40, s30;
	v44 =	vor.u32 $0x80000000, v44;
	v47 =	vshra.s32 v49, $0x1F;
	_, v50, vm1 =	vpop (xrf1);
	[tilespmem:v38+s13+$0x0] =	vst.idx.add.s32.msk vm2, v46;
	(pc) =	sbr.rel @p0 .LBB2_4-.Ltmp2, $4  }
0xd6: {  	s7 =	sadd.s32 s3, s15;
	s8 =	sor.u32 $0x10, s6;
	s10 =	sor.u32 $0x20, s6;
	v48 =	vxor.u32 v48, v44;
	v46 =	vor.u32 $0x80000000, v47;
	v47 =	vadd.s32 v50, v3;
	[tilespmem:v37+s13+$0x0] =	vst.idx.add.s32.msk vm3, v51  }
0xd7: {  	s5 =	sor.u32 $0x30, s6;
	s19 =	sadd.s32 s6, s7;
	s25 =	sadd.s32 s8, s7;
	v38 =	vmovc v41;
	v41 =	vmovc v55;
	v37 =	vmov v52;
	[tilespmem:s16+$0x0] =	vst v48;
	v44 =	vshrl.u32 v48, $0x18;
	v46 =	vxor.u32 v49, v46  }
0xd8: {  	s3 =	sor.u32 $0x13000, s3;
	s20 =	sadd.s32 s10, s7;
	s6 =	sadd.s32 s5, s7;
	v48 =	vld [tilespmem:s19+$0x0];
	[tilespmem:s2+$0x0] =	vst v46;
	v46 =	vshrl.u32 v46, $0x18;
	v55 =	vshra.s32 v43, $0x1F;
	(xrf1) =	vunique.msk.u32 $0xffff, v44;
	_, v50, vm2 =	vpop (xrf1)  }
0xd9: {  	s31 =	sor.u32 s10, s3;
	v52 =	vadd.s32 v56, v3;
	s2 =	sor.u32 s8, s3;
	s3 =	sor.u32 s5, s3;
	v49 =	vld [tilespmem:s25+$0x0];
	v53 =	vshra.s32 v45, $0x1F;
	v54 =	vor.u32 $0x80000000, v55;
	(xrf1) =	vunique.msk.u32 $0xffff, v46;
	_, v51, vm3 =	vpop (xrf1)  }
0xda: {  	v55 =	vld [tilespmem:s6+$0x0]  }
0xdb: {  	v61 =	vld [tilespmem:s20+$0x0]  }
0xdc: {  	v53 =	vor.u32 $0x80000000, v53;
	v43 =	vxor.u32 v43, v54  }
0xdd: {  	v45 =	vxor.u32 v45, v53;
	v53 =	vshrl.u32 v43, $0x18;
	v56 =	vshra.s32 v48, $0x1F  }
0xde: {  	v57 =	vshrl.u32 v45, $0x18;
	(xrf1) =	vunique.msk.u32 $0xffff, v53;
	v56 =	vor.u32 $0x80000000, v56  }
0xdf: {  	(xrf1) =	vunique.msk.u32 $0xffff, v57;
	v58 =	vshra.s32 v49, $0x1F;
	v48 =	vxor.u32 v48, v56  }
0xe0: {  	v62 =	vor.u32 $0x80000000, v58;
	v59 =	vshra.s32 v55, $0x1F;
	v63 =	vshra.s32 v61, $0x1F  }
0xe1: {  	v58 =	vshrl.u32 v48, $0x18;
	v49 =	vxor.u32 v49, v62;
	v59 =	vor.u32 $0x80000000, v59  }
0xe2: {  	v56 =	vor.u32 $0x80000000, v63;
	v55 =	vxor.u32 v55, v59;
	v60 =	vshrl.u32 v49, $0x18;
	(xrf1) =	vunique.msk.u32 $0xffff, v58  }
0xe3: {  	v54 =	vxor.u32 v61, v56;
	(xrf1) =	vunique.msk.u32 $0xffff, v60;
	v61 =	vshrl.u32 v55, $0x18  }
0xe4: {  	[tilespmem:v35+s13+$0x0] =	vst.idx.add.s32.msk vm0, v52;
	_, v35, vm0 =	vpop (xrf1);
	v62 =	vshrl.u32 v54, $0x18;
	(xrf1) =	vunique.msk.u32 $0xffff, v61  }
0xe5: {  	[tilespmem:v36+s13+$0x0] =	vst.idx.add.s32.msk vm1, v47;
	_, v47, vm1 =	vpop (xrf1);
	v63 =	vadd.s32 v50, v3;
	(xrf1) =	vunique.msk.u32 $0xffff, v62  }
0xe6: {  	v35 =	vadd.s32 v35, v3;
	v50 =	vadd.s32 v51, v3;
	[tilespmem:v38+s13+$0x0] =	vst.idx.add.s32.msk vm2, v63;
	_, v36, vm2 =	vpop (xrf1)  }
0xe7: {  	[tilespmem:v37+s13+$0x0] =	vst.idx.add.s32.msk vm3, v50;
	_, v37, vm3 =	vpop (xrf1)  }
0xe8: {  	[tilespmem:s0+$0x0] =	vst v43;
	v36 =	vadd.s32 v36, v3  }
0xe9: {  	[tilespmem:s17+$0x0] =	vst v45;
	v37 =	vadd.s32 v37, v3  }
0xea: {  	v51 =	vadd.s32 v47, v3;
	[tilespmem:v39+s13+$0x0] =	vst.idx.add.s32.msk vm0, v35;
	_, v35, vm0 =	vpop (xrf1)  }
0xeb: {  	[tilespmem:v40+s13+$0x0] =	vst.idx.add.s32.msk vm1, v51;
	_, v38, vm1 =	vpop (xrf1)  }
0xec: {  	[tilespmem:v41+s13+$0x0] =	vst.idx.add.s32.msk vm2, v36;
	v35 =	vadd.s32 v35, v3;
	_, v36, vm2 =	vpop (xrf1)  }
0xed: {  	s10 =	sadd.s32 $0x40, s16;
	[tilespmem:v42+s13+$0x0] =	vst.idx.add.s32.msk vm3, v37;
	v38 =	vadd.s32 v38, v3;
	_, v37, vm3 =	vpop (xrf1)  }
0xee: {  	[tilespmem:s10+$0x0] =	vst v48;
	v36 =	vadd.s32 v36, v3  }
0xef: {  	[tilespmem:s2+$0x0] =	vst v49;
	v37 =	vadd.s32 v37, v3  }
0xf0: {  	[tilespmem:v44+s13+$0x0] =	vst.idx.add.s32.msk vm0, v35;
	_, v35, vm0 =	vpop (xrf1)  }
0xf1: {  	[tilespmem:v46+s13+$0x0] =	vst.idx.add.s32.msk vm1, v38;
	_, v38, vm1 =	vpop (xrf1)  }
0xf2: {  	[tilespmem:v53+s13+$0x0] =	vst.idx.add.s32.msk vm2, v36;
	_, v36, vm2 =	vpop (xrf1)  }
0xf3: {  	[tilespmem:v57+s13+$0x0] =	vst.idx.add.s32.msk vm3, v37;
	_, v37, vm3 =	vpop (xrf1)  }
0xf4: {  	[tilespmem:s3+$0x0] =	vst v55  }
0xf5: {  	[tilespmem:s31+$0x0] =	vst v54;
	v35 =	vadd.s32 v35, v3  }
0xf6: {  	v38 =	vadd.s32 v38, v3;
	[tilespmem:v58+s13+$0x0] =	vst.idx.add.s32.msk vm0, v35  }
0xf7: {  	v55 =	vadd.s32 v36, v3;
	[tilespmem:v60+s13+$0x0] =	vst.idx.add.s32.msk vm1, v38  }
0xf8: {  	v57 =	vadd.s32 v37, v3;
	[tilespmem:v61+s13+$0x0] =	vst.idx.add.s32.msk vm2, v55  }
0xf9: {  	[tilespmem:v62+s13+$0x0] =	vst.idx.add.s32.msk vm3, v57  }
0xfa: {  	v35 =	vld.idx.msk [tilespmem:v2+s13+$0x0], $0xffff  }
0xfb: {  	v36 =	vld.idx.msk [tilespmem:v4+s13+$0x0], $0xffff  }
0xfc: {  	v58 =	vld.idx.msk [tilespmem:v5+s13+$0x0], $0xffff  }
0xfd: {  	v38 =	vld.idx.msk [tilespmem:v6+s13+$0x0], $0xffff  }
0xfe: {  	v39 =	vld.idx.msk [tilespmem:v7+s13+$0x0], $0xffff  }
0xff: {  	v40 =	vld.idx.msk [tilespmem:v8+s13+$0x0], $0xffff  }
0x100: {  	v59 =	vld.idx.msk [tilespmem:v23+s13+$0x0], $0xffff;
	v35 =	vadd.s32 v35, v36  }
0x101: {  	v60 =	vld.idx.msk [tilespmem:v26+s13+$0x0], $0xffff;
	v35 =	vadd.s32 v58, v35  }
0x102: {  	v61 =	vld.idx.msk [tilespmem:v29+s13+$0x0], $0xffff;
	v35 =	vadd.s32 v38, v35  }
0x103: {  	v62 =	vld.idx.msk [tilespmem:v9+s13+$0x0], $0xffff;
	v35 =	vadd.s32 v39, v35  }
0x104: {  	v63 =	vld.idx.msk [tilespmem:v10+s13+$0x0], $0xffff;
	v35 =	vadd.s32 v40, v35  }
0x105: {  	v44 =	vld.idx.msk [tilespmem:v11+s13+$0x0], $0xffff;
	v35 =	vadd.s32 v59, v35  }
0x106: {  	v45 =	vld.idx.msk [tilespmem:v12+s13+$0x0], $0xffff;
	v35 =	vadd.s32 v60, v35  }
0x107: {  	v46 =	vld.idx.msk [tilespmem:v13+s13+$0x0], $0xffff;
	v35 =	vadd.s32 v61, v35  }
0x108: {  	v47 =	vld.idx.msk [tilespmem:v30+s13+$0x0], $0xffff;
	v35 =	vadd.s32 v62, v35  }
0x109: {  	v48 =	vld.idx.msk [tilespmem:v32+s13+$0x0], $0xffff;
	v35 =	vadd.s32 v63, v35  }
0x10a: {  	v35 =	vadd.s32 v44, v35  }
0x10b: {  	v35 =	vadd.s32 v45, v35  }
0x10c: {  	v35 =	vadd.s32 v46, v35  }
0x10d: {  	v35 =	vadd.s32 v47, v35  }
0x10e: {  	v35 =	vadd.s32 v48, v35  }
0x10f: {  	(xrf0) =	vadd.scan.msk.s32 $0xffff, v35;
	_ =	sdelay $0x5  }
0x110: {  	v49, _, _ =	vpop (xrf0)  }
0x111: {  	v35 =	vsub.s32 v49, v35  }
0x112: {  	s15 =	simm.s32 $0x161A0;
	[tilespmem:$0x16380] =	vst v35  }
0x113: {  	s16 =	simm.s32 $0x1;
	v51 =	vld [tilespmem:s15+$0x10]  }
0x114: {  	v52 =	vmov s16;
	s17 =	simm.s32 $0x3  }
0x115: {  	s12 =	simm.s32 $0x0;
	v53 =	vmov s17;
	v37 =	vand.u32 $0xFFFFFFFD, v52  }
0x116: {  	s5 =	simm.s32 $0x2;
	v50 =	vmov s12;
	v37 =	vbroadcast v37, $0x0;
	v54 =	vld [tilespmem:s15+$0x0]  }
0x117: {  	v55 =	vmov s5;
	v35 =	vand.u32 $0xFFFFFFFC, v50;
	v42 =	vld [tilespmem:s15+$0xFFFFFFE0]  }
0x118: {  	s19 =	simm.s32 $0x161E0;
	v57 =	vand.u32 $0xFFFFFFFE, v55;
	v56 =	vbroadcast v35, $0x0;
	v44 =	vld [tilespmem:s15+$0xFFFFFFF0];
	(xrf0) =	vadd.scan.msk.s32 $0xffff, v51  }
0x119: {  	v58 =	vbroadcast v57, $0x0;
	v35 =	vld [tilespmem:s19+$0x0]  }
0x11a: {  	v46 =	vld.idx.msk [tilespmem:v53+s21+$0x0], $0xffff  }
0x11b: {  	v40 =	vld [tilespmem:s19+$0x10]  }
0x11c: {  	s20 =	simm.s32 $0x4;
	s30 =	simm.s32 $0x6;
	v37 =	vld.idx.msk [tilespmem:v37+s21+$0x0], $0xffff;
	(xrf0) =	vadd.scan.msk.s32 $0xffff, v42  }
0x11d: {  	s25 =	simm.s32 $0x5;
	v59 =	vmov s20;
	v61 =	vmov s30;
	v43 =	vld [tilespmem:s19+$0xFFFFFFE0];
	(xrf0) =	vadd.scan.msk.s32 $0xffff, v44  }
0x11e: {  	s31 =	simm.s32 $0x7;
	v60 =	vmov s25;
	v36 =	vand.u32 $0xFFFFFFFC, v59;
	v45 =	vand.u32 $0xFFFFFFFE, v61;
	v41 =	vld.idx.msk [tilespmem:v56+s21+$0x0], $0xffff;
	v63, _, _ =	vpop (xrf0);
	(xrf0) =	vadd.scan.msk.s32 $0xffff, v54  }
0x11f: {  	s0 =	simm.s32 $0x162A0;
	v62 =	vand.u32 $0xFFFFFFFD, v60;
	v39 =	vbroadcast v45, $0x0;
	v45 =	vmov s31;
	v42 =	vld.idx.msk [tilespmem:v58+s21+$0x0], $0xffff  }
0x120: {  	s12 =	simm.s32 $0x16220;
	s2 =	simm.s32 $0x162A0;
	s3 =	simm.s32 $0x8;
	v38 =	vbroadcast v36, $0x0;
	v36 =	vbroadcast v62, $0x0;
	v44 =	vld [tilespmem:s19+$0xFFFFFFF0];
	v46 =	vadd.s32 v46, v63  }
.LBB2_6:
0x121: {  	p0 =	slt.u32 s3, $0xC  }
0x122: {  	v47 =	vld [tilespmem:s12+$0x0];
	[tilespmem:s0+$0x10] =	vst v46;
	s2 =	sadd.s32 $0x40, s2;
	v46, _, _ =	vpop (xrf0);
	s5 =	smov.u32 s3;
	s3 =	sadd.s32 $0x4, s3  }
0x123: {  	(xrf0) =	vadd.scan.msk.s32 $0xffff, v40;
	v40 =	vadd.s32 v41, v46;
	v41, _, _ =	vpop (xrf0)  }
0x124: {  	v46 =	vmov s5;
	s6 =	sadd.s32 $0x1, s5;
	s7 =	sadd.s32 $0x2, s5;
	v48 =	vld.idx.msk [tilespmem:v45+s21+$0x0], $0xffff;
	[tilespmem:s0+$0xFFFFFFE0] =	vst v40;
	v49 =	vadd.s32 v37, v41;
	v37, _, _ =	vpop (xrf0)  }
0x125: {  	v41 =	vmov s6;
	v45 =	vmov s7;
	v40 =	vld [tilespmem:s12+$0x10];
	(xrf0) =	vadd.scan.msk.s32 $0xffff, v43;
	v42 =	vadd.s32 v42, v37  }
.Ltmp3:
0x126: {  	v37 =	vand.u32 $0xFFFFFFFC, v46;
	v43 =	vand.u32 $0xFFFFFFFD, v41;
	v46 =	vand.u32 $0xFFFFFFFE, v45;
	v41 =	vld.idx.msk [tilespmem:v38+s21+$0x0], $0xffff;
	(xrf0) =	vadd.scan.msk.s32 $0xffff, v44;
	(pc) =	sbr.rel @p0 .LBB2_6-.Ltmp3, $4  }
0x127: {  	s5 =	sadd.s32 $0x3, s5;
	v38 =	vbroadcast v37, $0x0;
	v37 =	vld.idx.msk [tilespmem:v36+s21+$0x0], $0xffff;
	v36 =	vbroadcast v43, $0x0;
	(xrf0) =	vadd.scan.msk.s32 $0xffff, v35;
	[tilespmem:s0+$0x0] =	vst v42;
	v35 =	vmovc v47  }
0x128: {  	v45 =	vmov s5;
	v42 =	vld.idx.msk [tilespmem:v39+s21+$0x0], $0xffff;
	v39 =	vbroadcast v46, $0x0;
	[tilespmem:s0+$0xFFFFFFF0] =	vst v49;
	s0 =	smov.u32 s2  }
0x129: {  	v43 =	vld [tilespmem:s12+$0xFFFFFFE0];
	v46, _, _ =	vpop (xrf0)  }
0x12a: {  	v44 =	vld [tilespmem:s12+$0xFFFFFFF0];
	s12 =	sadd.s32 $0x40, s12;
	v46 =	vadd.s32 v48, v46  }
0x12b: {  	_ =	sdelay $0x1  }
0x12c: {  	(xrf0) =	vadd.scan.msk.s32 $0xffff, v40  }
0x12d: {  	(xrf0) =	vadd.scan.msk.s32 $0xffff, v43  }
0x12e: {  	v63, _, _ =	vpop (xrf0);
	v45 =	vld.idx.msk [tilespmem:v45+s21+$0x0], $0xffff;
	(xrf0) =	vadd.scan.msk.s32 $0xffff, v44  }
0x12f: {  	v38 =	vld.idx.msk [tilespmem:v38+s21+$0x0], $0xffff;
	v47, _, _ =	vpop (xrf0);
	(xrf0) =	vadd.scan.msk.s32 $0xffff, v35  }
0x130: {  	[tilespmem:s0+$0x10] =	vst v46;
	v36 =	vld.idx.msk [tilespmem:v36+s21+$0x0], $0xffff;
	v40 =	vadd.s32 v41, v63;
	v48, _, _ =	vpop (xrf0)  }
0x131: {  	v39 =	vld.idx.msk [tilespmem:v39+s21+$0x0], $0xffff;
	[tilespmem:s0+$0xFFFFFFE0] =	vst v40;
	v49 =	vadd.s32 v42, v48  }
0x132: {  	[tilespmem:s0+$0x0] =	vst v49;
	v35 =	vadd.s32 v37, v47;
	v50, _, _ =	vpop (xrf0)  }
0x133: {  	s2 =	sadd.s32 $0x40, s2;
	[tilespmem:s0+$0xFFFFFFF0] =	vst v35;
	v52 =	vadd.s32 v45, v50;
	v51, _, _ =	vpop (xrf0)  }
0x134: {  	[tilespmem:s2+$0x10] =	vst v52;
	v53, _, _ =	vpop (xrf0);
	v54 =	vadd.s32 v38, v51  }
0x135: {  	v55, _, _ =	vpop (xrf0);
	[tilespmem:s2+$0xFFFFFFE0] =	vst v54;
	v36 =	vadd.s32 v36, v53  }
0x136: {  	v56 =	vadd.s32 v39, v55;
	[tilespmem:s2+$0xFFFFFFF0] =	vst v36  }
0x137: {  	[tilespmem:s2+$0x0] =	vst v56  }
0x138: {  	v35 =	vld [tilespmem:$0x16370]  }
0x139: {  	v36 =	vld [tilespmem:$0x16360]  }
0x13a: {  	v57 =	vld [tilespmem:$0x16350]  }
0x13b: {  	v58 =	vld [tilespmem:$0x16340]  }
0x13c: {  	v59 =	vld [tilespmem:$0x16330]  }
0x13d: {  	v60 =	vld [tilespmem:$0x16320];
	vm0 =	vgt.s32 v35, $0x27  }
0x13e: {  	v61 =	vld [tilespmem:$0x16310];
	vm1 =	vgt.s32 v36, $0x27;
	v62 =	vnsel vm0, $0x80000100, v14  }
0x13f: {  	v63 =	vld [tilespmem:$0x16300];
	vm0 =	vgt.s32 v57, $0x27;
	v36 =	vsel vm1, v15, v62  }
0x140: {  	v44 =	vld [tilespmem:$0x162F0];
	vm1 =	vgt.s32 v58, $0x27;
	v36 =	vsel vm0, v16, v36  }
0x141: {  	v45 =	vld [tilespmem:$0x162E0];
	vm0 =	vgt.s32 v59, $0x27;
	v36 =	vsel vm1, v17, v36  }
0x142: {  	v46 =	vld [tilespmem:$0x162D0];
	vm1 =	vgt.s32 v60, $0x27;
	v36 =	vsel vm0, v18, v36  }
0x143: {  	v47 =	vld [tilespmem:$0x162C0];
	vm0 =	vgt.s32 v61, $0x27;
	v48 =	vsel vm1, v19, v36  }
0x144: {  	v49 =	vld [tilespmem:$0x162B0];
	vm1 =	vgt.s32 v63, $0x27;
	v35 =	vsel vm0, v20, v48  }
0x145: {  	v50 =	vld [tilespmem:$0x162A0];
	vm0 =	vgt.s32 v44, $0x27;
	v35 =	vsel vm1, v21, v35  }
0x146: {  	v51 =	vld [tilespmem:$0x16290];
	vm1 =	vgt.s32 v45, $0x27;
	v35 =	vsel vm0, v22, v35  }
0x147: {  	v52 =	vld [tilespmem:$0x16280];
	vm0 =	vgt.s32 v46, $0x27;
	v35 =	vsel vm1, v24, v35  }
0x148: {  	vm1 =	vgt.s32 v47, $0x27;
	v35 =	vsel vm0, v25, v35  }
0x149: {  	vm0 =	vgt.s32 v49, $0x27;
	v35 =	vsel vm1, v27, v35  }
0x14a: {  	vm1 =	vgt.s32 v50, $0x27;
	v35 =	vsel vm0, v28, v35  }
0x14b: {  	vm0 =	vgt.s32 v51, $0x27;
	v35 =	vsel vm1, v31, v35  }
0x14c: {  	vm1 =	vgt.s32 v52, $0x27;
	v35 =	vsel vm0, v33, v35  }
0x14d: {  	v35 =	vsel vm1, v34, v35  }
0x14e: {  	(xrf0) =	vmin.scan.msk.u32 $0xffff, v35;
	_ =	sdelay $0x5  }
0x14f: {  	v35, _, _ =	vpop (xrf0)  }
0x150: {  	(v2sf) =	vpush v35, $0xF;
	_ =	sdelay $0xa  }
0x151: {  	s25 =	simm.s32 $0x13020  }
0x152: {  	v53 =	vld [tilespmem:s25+$0xFFFFFFE0]  }
0x153: {  	v55 =	vld [tilespmem:s25+$0xFFFFFFF0]  }
0x154: {  	v54 =	vld [tilespmem:s25+$0x10]  }
0x155: {  	v56 =	vld [tilespmem:s25+$0x0];
	s30 =	spop (v2sf)  }
0x156: {  	s15 =	simm.s32 $0x0;
	s2 =	sxor.u32 $0x80000000, s30  }
0x157: {  	v37 =	vor.u32 s15, v1;
	v35 =	vshrl.u32 v53, $0x18;
	v39 =	vmov s2  }
0x158: {  	v38 =	vimm.s32 $0x0;
	v41 =	vshrl.u32 v55, $0x18;
	vm7 =	vlt.s32 v35, v39  }
0x159: {  	v40 =	vshrl.u32 v54, $0x18;
	vm2 =	vlt.s32 v41, v39;
	v57 =	vsel vm7, $0x1, v0  }
0x15a: {  	s31 =	simm.s32 $0x10;
	v42 =	vshrl.u32 v56, $0x18;
	vm3 =	vlt.s32 v40, v39;
	v58 =	vsel vm2, $0x1, v0;
	(xrf0) =	vadd.scan.msk.s32 $0xffff, v57  }
0x15b: {  	v36 =	vor.u32 s31, v1;
	vm1 =	vlt.s32 v42, v39;
	v59 =	vsel vm3, $0x1, v0;
	(xrf0) =	vadd.scan.msk.s32 $0xffff, v58  }
0x15c: {  	vm6 =	veq.s32 v35, v39;
	vm5 =	veq.s32 v41, v39;
	v60 =	vsel vm1, $0x1, v0;
	(xrf0) =	vadd.scan.msk.s32 $0xffff, v59  }
0x15d: {  	vm0 =	veq.s32 v42, v39;
	v42 =	vmpcnt.ones.xlane vm3;
	v53 =	vsel vm5, $0x1, v0;
	(xrf0) =	vadd.scan.msk.s32 $0xffff, v60  }
0x15e: {  	vm4 =	veq.s32 v40, v39;
	v61 =	vmpcnt.ones.xlane vm6;
	v62 =	vmpcnt.ones.xlane vm1;
	(xrf0) =	vadd.scan.msk.s32 $0xffff, v53  }
0x15f: {  	v35 =	vsel vm6, $0x1, v0;
	v52 =	vmpcnt.ones.xlane vm7;
	v46 =	vmpcnt.ones.xlane vm4  }
0x160: {  	v63 =	vsel vm4, $0x1, v0;
	v54 =	vmpcnt.ones.xlane vm2;
	v55 =	vmpcnt.ones.xlane vm5;
	v47, _, _ =	vpop (xrf0)  }
0x161: {  	v50 =	vsel vm0, $0x1, v0;
	v44 =	vadd.s32 v38, v52;
	(xrf0) =	vadd.scan.msk.s32 $0xffff, v35;
	v47 =	vadd.s32 v47, v38;
	v57, _, _ =	vpop (xrf0)  }
0x162: {  	v49 =	vadd.s32 v38, v61;
	v40 =	vadd.s32 v44, v54;
	(xrf0) =	vadd.scan.msk.s32 $0xffff, v63;
	v56 =	vadd.s32 $0xFFFFFFFF, v47;
	v60, _, _ =	vpop (xrf0)  }
0x163: {  	v61 =	vmpcnt.ones.xlane vm0;
	v59 =	vadd.s32 v40, v62;
	v51 =	vnsel vm7, $0x0, v56;
	v62, _, _ =	vpop (xrf0)  }
0x164: {  	v48 =	vadd.s32 v49, v55;
	v35 =	vadd.s32 v59, v42;
	v58 =	vadd.s32 v57, v44;
	v63, _, _ =	vpop (xrf0);
	(xrf0) =	vadd.scan.msk.s32 $0xffff, v50  }
0x165: {  	v44 =	vadd.s32 $0xFFFFFFFF, v58;
	v42 =	vadd.s32 v62, v40;
	v49 =	vadd.s32 v63, v49  }
0x166: {  	v43 =	vadd.s32 v60, v59;
	v44 =	vnsel vm2, $0x0, v44;
	v42 =	vadd.s32 $0xFFFFFFFF, v42  }
0x167: {  	s16 =	simm.s32 $0x0;
	v41 =	vld.idx.msk [tilespmem:v39+s22+$0x0], $0xffff;
	v47 =	vadd.s32 v48, v61;
	v43 =	vadd.s32 $0xFFFFFFFF, v43;
	v45 =	vnsel vm1, $0x0, v42;
	v50, _, _ =	vpop (xrf0)  }
0x168: {  	s3 =	simm.s32 $0x20;
	s0 =	simm.s32 $0x0;
	s2 =	simm.s32 $0x13060;
	v40 =	vld.idx.msk [tilespmem:v39+s13+$0x0], $0xffff;
	v42 =	vadd.s32 v47, v46;
	v46 =	vadd.s32 $0xFFFFFFFF, v49;
	[tilespmem:v51+s23+$0x0] =	vst.idx.msk vm7, v37;
	v49, _, _ =	vpop (xrf0);
	vm7 =	vmmov vm6  }
.LBB2_8:
0x169: {  	v50 =	vadd.s32 v50, v38;
	v52 =	vor.u32 s3, v1  }
0x16a: {  	v51 =	vld [tilespmem:s2+$0xFFFFFFE0];
	s16 =	sadd.s32 $0x4, s16;
	v53, _, _ =	vpop (xrf0);
	v38 =	vmov v42;
	vm9 =	vmmov vm3;
	vm11 =	vmmov vm5  }
0x16b: {  	v47 =	vadd.s32 v49, v47;
	s15 =	sadd.s32 $0x40, s15;
	v54 =	vld [tilespmem:s2+$0x10];
	p0 =	slt.u32 s16, $0xFC;
	v50 =	vadd.s32 $0xFFFFFFFF, v50;
	[tilespmem:v44+s23+$0x0] =	vst.idx.msk vm2, v36;
	v44 =	vadd.s32 v53, v48  }
0x16c: {  	s3 =	sadd.s32 $0x10, s15;
	v47 =	vadd.s32 $0xFFFFFFFF, v47;
	v48 =	vld [tilespmem:s2+$0xFFFFFFF0];
	v49 =	vnsel vm7, $0x0, v50;
	v44 =	vadd.s32 $0xFFFFFFFF, v44  }
0x16d: {  	v50 =	vor.u32 s3, v1;
	s3 =	sadd.s32 $0x30, s0;
	s0 =	smov.u32 s15;
	v53 =	vld [tilespmem:s2+$0x0];
	[tilespmem:v45+s23+$0x0] =	vst.idx.msk vm1, v52;
	v44 =	vnsel vm0, $0x0, v44;
	v45 =	vnsel vm4, $0x0, v47  }
0x16e: {  	vm10 =	vmmov vm4;
	v47 =	vor.u32 s3, v1  }
0x16f: {  	v55 =	vor.u32 s15, v1;
	v46 =	vnsel vm11, $0x0, v46;
	v51 =	vshrl.u32 v51, $0x18  }
0x170: {  	vm8 =	vlt.s32 v51, v39;
	vm6 =	veq.s32 v51, v39;
	v51 =	vshrl.u32 v54, $0x18  }
0x171: {  	v54 =	vsel vm8, $0x1, v0;
	v48 =	vshrl.u32 v48, $0x18;
	vm3 =	vlt.s32 v51, v39;
	[tilespmem:v49+s24+$0x0] =	vst.idx.msk vm7, v37;
	v37 =	vmovc v55  }
0x172: {  	v49 =	vsel vm6, $0x1, v0;
	vm2 =	vlt.s32 v48, v39;
	v55 =	vsel vm3, $0x1, v0;
	(xrf0) =	vadd.scan.msk.s32 $0xffff, v54  }
0x173: {  	v43 =	vnsel vm9, $0x0, v43;
	v53 =	vshrl.u32 v53, $0x18;
	v54 =	vsel vm2, $0x1, v0;
	[tilespmem:v44+s24+$0x0] =	vst.idx.msk vm0, v52  }
0x174: {  	vm1 =	vlt.s32 v53, v39;
	vm0 =	veq.s32 v53, v39;
	v44 =	vmpcnt.ones.xlane vm3;
	(xrf0) =	vadd.scan.msk.s32 $0xffff, v54  }
0x175: {  	vm4 =	veq.s32 v51, v39;
	vm5 =	veq.s32 v48, v39;
	v48 =	vsel vm1, $0x1, v0;
	(xrf0) =	vadd.scan.msk.s32 $0xffff, v55  }
0x176: {  	v56 =	vmpcnt.ones.xlane vm6;
	v53 =	vsel vm4, $0x1, v0;
	v52 =	vmpcnt.ones.xlane vm1;
	(xrf0) =	vadd.scan.msk.s32 $0xffff, v48  }
0x177: {  	v54 =	vsel vm5, $0x1, v0;
	v55 =	vmpcnt.ones.xlane vm4;
	v48 =	vmpcnt.ones.xlane vm8;
	[tilespmem:v46+s24+$0x0] =	vst.idx.msk vm11, v36;
	v36 =	vmovc v50  }
0x178: {  	v42 =	vadd.s32 v42, v56;
	v46 =	vmpcnt.ones.xlane vm2;
	v50 =	vmpcnt.ones.xlane vm5;
	v51, _, _ =	vpop (xrf0);
	(xrf0) =	vadd.scan.msk.s32 $0xffff, v54  }
0x179: {  	v54 =	vadd.s32 v51, v35;
	v35 =	vadd.s32 v35, v48;
	(xrf0) =	vadd.scan.msk.s32 $0xffff, v49;
	[tilespmem:v43+s23+$0x0] =	vst.idx.msk vm9, v47  }
0x17a: {  	v48 =	vsel vm0, $0x1, v0;
	v43 =	vadd.s32 $0xFFFFFFFF, v54;
	v46 =	vadd.s32 v35, v46;
	v49, _, _ =	vpop (xrf0);
	(xrf0) =	vadd.scan.msk.s32 $0xffff, v53  }
0x17b: {  	v43 =	vnsel vm8, $0x0, v43;
	v35 =	vadd.s32 v49, v35;
	v49 =	vadd.s32 v46, v52;
	(xrf0) =	vadd.scan.msk.s32 $0xffff, v48;
	v51, _, _ =	vpop (xrf0)  }
.Ltmp4:
0x17c: {  	v52 =	vmpcnt.ones.xlane vm0;
	v48 =	vadd.s32 $0xFFFFFFFF, v35;
	v35 =	vadd.s32 v49, v44;
	v53, _, _ =	vpop (xrf0);
	[tilespmem:v45+s24+$0x0] =	vst.idx.msk vm10, v47;
	(pc) =	sbr.rel @p0 .LBB2_8-.Ltmp4, $4  }
0x17d: {  	v44 =	vnsel vm2, $0x0, v48;
	v48 =	vadd.s32 v42, v50;
	v45 =	vadd.s32 v53, v46  }
0x17e: {  	v51 =	vadd.s32 v51, v49;
	v45 =	vadd.s32 $0xFFFFFFFF, v45;
	v47 =	vadd.s32 v48, v52;
	v46, _, _ =	vpop (xrf0)  }
0x17f: {  	v46 =	vadd.s32 v46, v42;
	v45 =	vnsel vm1, $0x0, v45;
	v42 =	vadd.s32 v47, v55;
	v50, _, _ =	vpop (xrf0)  }
0x180: {  	s3 =	sadd.s32 $0x20, s15;
	s2 =	sadd.s32 $0x40, s2;
	vm7 =	vmmov vm6;
	[tilespmem:v43+s23+$0x0] =	vst.idx.msk vm8, v37;
	v46 =	vadd.s32 $0xFFFFFFFF, v46;
	v43 =	vadd.s32 $0xFFFFFFFF, v51;
	v49, _, _ =	vpop (xrf0)  }
0x181: {  	v39 =	vxor.u32 $0x80000000, v40  }
0x182: {  	v54 =	vxor.u32 $0x80000000, v41;
	(xrf0) =	vmin.scan.msk.u32 $0xffff, v39  }
0x183: {  	v55 =	vxor.u32 $0x80000000, v42;
	(xrf0) =	vmin.scan.msk.u32 $0xffff, v54  }
0x184: {  	(xrf0) =	vmin.scan.msk.u32 $0xffff, v55;
	_ =	sdelay $0x2  }
0x185: {  	v56, _, _ =	vpop (xrf0)  }
0x186: {  	v57, _, _ =	vpop (xrf0)  }
0x187: {  	v58, _, _ =	vpop (xrf0);
	(v2sf) =	vpush v57, $0xF  }
0x188: {  	(v2sf) =	vpush v58, $0xF;
	v59, _, _ =	vpop (xrf0)  }
0x189: {  	(v2sf) =	vpush v59, $0xF;
	_ =	sdelay $0xc  }
0x18a: {  	s2 =	spop (v2sf)  }
0x18b: {  	v60 =	vor.u32 s3, v1;
	vm5 =	vmmov vm5;
	s3 =	spop (v2sf)  }
0x18c: {  	v38 =	vadd.s32 v50, v38;
	vm3 =	vmmov vm3;
	v62 =	vnsel vm5, $0x0, v46;
	s5 =	spop (v2sf)  }
0x18d: {  	v61 =	vadd.s32 v49, v47;
	v38 =	vadd.s32 $0xFFFFFFFF, v38;
	v43 =	vnsel vm3, $0x0, v43;
	s6 =	sadd.s32 $0x8000000F, s5  }
0x18e: {  	s0 =	sadd.s32 $0x30, s0;
	v39 =	vadd.s32 v56, v48;
	v41 =	vadd.s32 $0xFFFFFFFF, v61;
	v38 =	vnsel vm7, $0x0, v38;
	s7 =	sand.u32 $0xF, s6  }
0x18f: {  	[tilespmem:v44+s23+$0x0] =	vst.idx.msk vm2, v36;
	v39 =	vadd.s32 $0xFFFFFFFF, v39;
	v41 =	vnsel vm4, $0x0, v41;
	s31 =	sshra.s32 s6, $0x1F;
	p1 =	slt.s32 s6, $0x1;
	p0 =	sne.s32 s7, $0x0  }
0x190: {  	[tilespmem:v45+s23+$0x0] =	vst.idx.msk vm1, v60;
	v63 =	vor.u32 s0, v1;
	v39 =	vnsel vm0, $0x0, v39;
	s0 =	sshrl.u32 s31, $0x1C;
	p0 =	por !p1, !p0  }
0x191: {  	[tilespmem:v62+s24+$0x0] =	vst.idx.msk vm5, v36;
	s0 =	sadd.s32 s0, s6;
	s6 =	simm.s32 $0x1;
	p0 =	por !p0, !p0  }
0x192: {  	[tilespmem:v43+s23+$0x0] =	vst.idx.msk vm3, v63;
	s0 =	sshra.s32 s0, $0x4;
	s6 =	simm.s32 @!p0 $0x0  }
0x193: {  	[tilespmem:v38+s24+$0x0] =	vst.idx.msk vm7, v37;
	s0 =	ssub.s32 s0, s6  }
0x194: {  	[tilespmem:v41+s24+$0x0] =	vst.idx.msk vm4, v63;
	p0 =	slt.s32 s0, $0x1  }
.Ltmp5:
0x195: {  	[tilespmem:v39+s24+$0x0] =	vst.idx.msk vm0, v60;
	(pc) =	sbr.rel @p0 .LBB2_12-.Ltmp5, $4  }
0x196: {  	[tilespmem:$0x16180] =	vst v0  }
0x197: {  	[tilespmem:$0x16190] =	vst v0  }
0x198: {  	[tilespmem:$0x161A0] =	vst v0;
	s5 =	sxor.u32 $0x80000000, s5  }
0x199: {  	vm15 =	vmmov vm4;
	[tilespmem:$0x161B0] =	vst v0;
	v36 =	vmov s5  }
0x19a: {  	s6 =	simm.s32 $0x14000;
	s12 =	simm.s32 $0x0;
	s15 =	smov.u32 s0  }
.LBB2_11:
0x19b: {  	v37 =	vld [tilespmem:s6+$0x0];
	_ =	sdelay $0x2  }
0x19c: {  	v38 =	vor.u32 s12, v1  }
0x19d: {  	vm0 =	vlt.s32 v38, v36  }
0x19e: {  	v37 =	vnsel vm0, $0x0, v37;
	_ =	sdelay $0x4  }
0x19f: {  	v37 =	vld.idx.msk [tilespmem:v37+s26+$0x0], $0xffff;
	_ =	sdelay $0x4  }
0x1a0: {  	v37 =	vshrl.u32 v37, $0x12  }
0x1a1: {  	v37 =	vand.u32 $0x3F, v37  }
0x1a2: {  	(xrf1) =	vunique.msk.u32 vm0, v37;
	_ =	sdelay $0xd  }
0x1a3: {  	_, v63, vm1 =	vpop (xrf1)  }
0x1a4: {  	vm0 =	vmand vm0, vm1  }
0x1a5: {  	p1 =	sne.s32 s15, $0x1  }
.Ltmp6:
0x1a6: {  	_ = 	snop;
	(pc) =	sbr.rel @p1 .LBB2_11-.Ltmp6, $3  }
0x1a7: {  	_ =	sdelay $0x1  }
0x1a8: {  	v38 =	vadd.s32 v63, v3  }
0x1a9: {  	s6 =	sadd.s32 $0x10, s6;
	s12 =	sadd.s32 $0x10, s12;
	s15 =	sadd.s32 $0xFFFFFFFF, s15;
	[tilespmem:v37+s13+$0x0] =	vst.idx.add.s32.msk vm0, v38  }
.LBB2_12:
0x1aa: {  	v37 =	vld [tilespmem:$0x16180]  }
0x1ab: {  	v38 =	vld [tilespmem:$0x16190];
	_ =	sdelay $0x1  }
0x1ac: {  	v39 =	vld [tilespmem:$0x161A0];
	_ =	sdelay $0x1  }
0x1ad: {  	(xrf0) =	vadd.scan.msk.s32 $0xffff, v37  }
0x1ae: {  	(xrf0) =	vadd.scan.msk.s32 $0xffff, v38;
	_ =	sdelay $0x1  }
0x1af: {  	(xrf0) =	vadd.scan.msk.s32 $0xffff, v39;
	_ =	sdelay $0x2  }
0x1b0: {  	v51, _, _ =	vpop (xrf0)  }
0x1b1: {  	(v2sf) =	vpush v51, $0xF;
	v52, _, _ =	vpop (xrf0)  }
0x1b2: {  	(v2sf) =	vpush v52, $0xF  }
0x1b3: {  	v39, _, _ =	vpop (xrf0)  }
0x1b4: {  	(v2sf) =	vpush v39, $0xF;
	_ =	sdelay $0x4  }
0x1b5: {  	v40 =	vld [tilespmem:$0x161B0];
	_ =	sdelay $0x4  }
0x1b6: {  	s2 =	sxor.u32 $0x80000000, s2;
	s3 =	sxor.u32 $0x80000000, s3;
	(xrf0) =	vadd.scan.msk.s32 $0xffff, v40  }
0x1b7: {  	s2 =	ssub.s32 s2, s3;
	v53 =	vbroadcast v51, $0xF  }
0x1b8: {  	s15 =	sadd.s32 $0x28, s2;
	s17 =	spop (v2sf)  }
0x1b9: {  	vm0 =	vlt.s32 v51, s15;
	v40 =	vadd.s32 v53, v52;
	s19 =	spop (v2sf)  }
0x1ba: {  	v54 =	vsel vm0, $0x80000040, v34;
	vm13 =	vlt.s32 v40, s15;
	s2 =	sadd.s32 s17, s19  }
0x1bb: {  	(xrf0) =	vmin.scan.msk.u32 $0xffff, v54;
	v55 =	vsel vm13, $0x80000040, v33;
	s20 =	spop (v2sf);
	v39 =	vadd.s32 s2, v39  }
0x1bc: {  	v41, _, _ =	vpop (xrf0);
	(xrf0) =	vmin.scan.msk.u32 $0xffff, v55;
	s2 =	sadd.s32 s2, s20;
	vm14 =	vlt.s32 v39, s15  }
0x1bd: {  	v41 =	vadd.s32 s2, v41;
	v56 =	vsel vm14, $0x80000040, v31  }
0x1be: {  	vm15 =	vlt.s32 v41, s15;
	(xrf0) =	vmin.scan.msk.u32 $0xffff, v56  }
0x1bf: {  	v57 =	vsel vm15, $0x80000040, v28  }
0x1c0: {  	(xrf0) =	vmin.scan.msk.u32 $0xffff, v57  }
0x1c1: {  	v58, _, _ =	vpop (xrf0)  }
0x1c2: {  	v42, _, _ =	vpop (xrf0);
	(v2sf) =	vpush v58, $0xF  }
0x1c3: {  	(v2sf) =	vpush v42, $0xF  }
0x1c4: {  	v59, _, _ =	vpop (xrf0)  }
0x1c5: {  	(v2sf) =	vpush v59, $0xF  }
0x1c6: {  	v60, _, _ =	vpop (xrf0)  }
0x1c7: {  	(v2sf) =	vpush v60, $0xF;
	_ =	sdelay $0x9  }
0x1c8: {  	s25 =	spop (v2sf)  }
0x1c9: {  	s30 =	spop (v2sf)  }
0x1ca: {  	s2 =	sxor.u32 $0x80000000, s25;
	s3 =	sxor.u32 $0x80000000, s30  }
0x1cb: {  	p1 =	slt.s32 s2, s3;
	s5 =	spop (v2sf)  }
0x1cc: {  	s3 =	smov.u32 @p1 s2;
	s2 =	sxor.u32 $0x80000000, s5  }
0x1cd: {  	s31 =	spop (v2sf);
	p1 =	slt.s32 s3, s2  }
0x1ce: {  	s2 =	smov.u32 @p1 s3;
	s3 =	sxor.u32 $0x80000000, s31  }
0x1cf: {  	p1 =	slt.s32 s2, s3  }
0x1d0: {  	s3 =	smov.u32 @p1 s2  }
0x1d1: {  	p1 =	slt.s32 s3, $0x40  }
0x1d2: {  	s3 =	simm.s32 @!p1 $0x40  }
0x1d3: {  	v37 =	vmov s3  }
0x1d4: {  	[tilespmem:$0x16280] =	vst v51  }
0x1d5: {  	[tilespmem:$0x16290] =	vst v40  }
0x1d6: {  	[tilespmem:$0x162A0] =	vst v39  }
0x1d7: {  	[tilespmem:$0x162B0] =	vst v41  }
0x1d8: {  	v38 =	vld.idx.msk [tilespmem:v37+s13+$0x0], $0xffff  }
0x1d9: {  	v39 =	vld.idx.msk [tilespmem:v37+s22+$0x0], $0xffff;
	_ =	sdelay $0x3  }
0x1da: {  	v38 =	vxor.u32 $0x80000000, v38  }
0x1db: {  	v61 =	vxor.u32 $0x80000000, v39;
	(xrf0) =	vmin.scan.msk.u32 $0xffff, v38  }
0x1dc: {  	(xrf0) =	vmin.scan.msk.u32 $0xffff, v61;
	_ =	sdelay $0x4  }
0x1dd: {  	v62, _, _ =	vpop (xrf0)  }
0x1de: {  	(v2sf) =	vpush v62, $0xF;
	v63, _, _ =	vpop (xrf0)  }
0x1df: {  	(v2sf) =	vpush v63, $0xF;
	_ =	sdelay $0xa  }
.Ltmp7:
0x1e0: {  	_ = 	snop;
	(pc) =	sbr.rel @p0 .LBB2_13-.Ltmp7, $3  }
0x1e1: {  	_ =	sdelay $0x1  }
0x1e2: {  	s2 =	spop (v2sf)  }
0x1e3: {  	s12 =	spop (v2sf)  }
0x1e4: {  	v38 =	vimm.s32 $0x0;
	s3 =	simm.s32 $0x14000;
	s6 =	simm.s32 $0x0  }
.LBB2_15:
0x1e5: {  	v39 =	vld [tilespmem:s3+$0x0];
	_ =	sdelay $0x2  }
0x1e6: {  	v40 =	vor.u32 s6, v1  }
0x1e7: {  	vm0 =	vlt.s32 v40, v36  }
0x1e8: {  	v40 =	vnsel vm0, $0x0, v39;
	_ =	sdelay $0x4  }
0x1e9: {  	v40 =	vld.idx.msk [tilespmem:v40+s26+$0x0], $0xffff;
	_ =	sdelay $0x4  }
0x1ea: {  	v40 =	vshrl.u32 v40, $0x12  }
0x1eb: {  	v40 =	vand.u32 $0x3F, v40  }
0x1ec: {  	vm1 =	vlt.s32 v40, v37  }
0x1ed: {  	vm2 =	veq.s32 v40, v37;
	vm1 =	vmand vm0, vm1  }
0x1ee: {  	vm0 =	vmand vm0, vm2;
	v61 =	vsel vm1, $0x1, v0  }
0x1ef: {  	v62 =	vsel vm0, $0x1, v0;
	(xrf0) =	vadd.scan.msk.s32 $0xffff, v61  }
0x1f0: {  	(xrf0) =	vadd.scan.msk.s32 $0xffff, v62;
	_ =	sdelay $0x4  }
0x1f1: {  	v63, _, _ =	vpop (xrf0)  }
0x1f2: {  	v40 =	vadd.s32 v63, v35;
	v41, _, _ =	vpop (xrf0)  }
0x1f3: {  	v40 =	vadd.s32 $0xFFFFFFFF, v40;
	v41 =	vadd.s32 v41, v38  }
0x1f4: {  	v40 =	vnsel vm1, $0x0, v40;
	v41 =	vadd.s32 $0xFFFFFFFF, v41  }
0x1f5: {  	p0 =	sne.s32 s0, $0x1;
	v41 =	vnsel vm0, $0x0, v41  }
.Ltmp8:
0x1f6: {  	_ = 	snop;
	(pc) =	sbr.rel @p0 .LBB2_15-.Ltmp8, $4  }
0x1f7: {  	_ = 	snop  }
0x1f8: {  	v42 =	vmpcnt.ones.xlane vm1;
	v43 =	vmpcnt.ones.xlane vm0  }
0x1f9: {  	[tilespmem:v40+s23+$0x0] =	vst.idx.msk vm1, v39  }
0x1fa: {  	s3 =	sadd.s32 $0x10, s3;
	s6 =	sadd.s32 $0x10, s6;
	s0 =	sadd.s32 $0xFFFFFFFF, s0;
	v35 =	vadd.s32 v35, v42;
	v38 =	vadd.s32 v38, v43;
	[tilespmem:v41+s28+$0x0] =	vst.idx.msk vm0, v39  }
.Ltmp9:
0x1fb: {  	(pc) =	sbr.rel .LBB2_17-.Ltmp9, $2  }
0x1fc: {  	_ =	sdelay $0x2  }
0x1fd: {  	v36 =	vxor.u32 $0x80000000, v38  }
.LBB2_13:
0x1fe: {  	v36 =	vimm.s32 $0x80000000  }
.LBB2_17:
0x1ff: {  	(xrf0) =	vmin.scan.msk.u32 $0xffff, v36;
	_ =	sdelay $0x5  }
0x200: {  	v36, _, _ =	vpop (xrf0)  }
0x201: {  	(v2sf) =	vpush v36, $0xF;
	_ =	sdelay $0xe  }
0x202: {  	s3 =	spop (v2sf)  }
0x203: {  	s0 =	sadd.s32 $0x8000000F, s3  }
0x204: {  	s5 =	sand.u32 $0xF, s0  }
0x205: {  	s31 =	sshra.s32 s0, $0x1F;
	p1 =	slt.s32 s0, $0x1;
	p0 =	sne.s32 s5, $0x0  }
0x206: {  	s5 =	sshrl.u32 s31, $0x1C;
	p0 =	por !p1, !p0  }
0x207: {  	s0 =	sadd.s32 s5, s0;
	s5 =	simm.s32 $0x1;
	p0 =	por !p0, !p0  }
0x208: {  	s0 =	sshra.s32 s0, $0x4;
	s5 =	simm.s32 @!p0 $0x0  }
0x209: {  	s0 =	ssub.s32 s0, s5  }
0x20a: {  	p0 =	slt.s32 s0, $0x1  }
.Ltmp10:
0x20b: {  	_ = 	snop;
	(pc) =	sbr.rel @p0 .LBB2_20-.Ltmp10, $4  }
0x20c: {  	[tilespmem:$0x16180] =	vst v0  }
0x20d: {  	[tilespmem:$0x16190] =	vst v0  }
0x20e: {  	[tilespmem:$0x161A0] =	vst v0;
	s3 =	sxor.u32 $0x80000000, s3  }
0x20f: {  	[tilespmem:$0x161B0] =	vst v0;
	v36 =	vmov s3  }
0x210: {  	s3 =	simm.s32 $0x15080;
	s6 =	simm.s32 $0x0;
	s16 =	smov.u32 s0  }
.LBB2_19:
0x211: {  	v37 =	vld [tilespmem:s3+$0x0];
	_ =	sdelay $0x2  }
0x212: {  	v38 =	vor.u32 s6, v1  }
0x213: {  	vm0 =	vlt.s32 v38, v36  }
0x214: {  	v37 =	vnsel vm0, $0x0, v37;
	_ =	sdelay $0x4  }
0x215: {  	v37 =	vld.idx.msk [tilespmem:v37+s26+$0x0], $0xffff;
	_ =	sdelay $0x4  }
0x216: {  	v37 =	vshrl.u32 v37, $0xC  }
0x217: {  	v37 =	vand.u32 $0x3F, v37  }
0x218: {  	(xrf1) =	vunique.msk.u32 vm0, v37;
	_ =	sdelay $0xd  }
0x219: {  	_, v63, vm1 =	vpop (xrf1)  }
0x21a: {  	vm0 =	vmand vm0, vm1  }
0x21b: {  	p1 =	sne.s32 s16, $0x1  }
.Ltmp11:
0x21c: {  	_ = 	snop;
	(pc) =	sbr.rel @p1 .LBB2_19-.Ltmp11, $3  }
0x21d: {  	_ =	sdelay $0x1  }
0x21e: {  	v38 =	vadd.s32 v63, v3  }
0x21f: {  	s3 =	sadd.s32 $0x10, s3;
	s6 =	sadd.s32 $0x10, s6;
	s16 =	sadd.s32 $0xFFFFFFFF, s16;
	[tilespmem:v37+s13+$0x0] =	vst.idx.add.s32.msk vm0, v38  }
.LBB2_20:
0x220: {  	v37 =	vld [tilespmem:$0x16180]  }
0x221: {  	v38 =	vld [tilespmem:$0x16190];
	_ =	sdelay $0x1  }
0x222: {  	v39 =	vld [tilespmem:$0x161A0];
	_ =	sdelay $0x1  }
0x223: {  	(xrf0) =	vadd.scan.msk.s32 $0xffff, v37  }
0x224: {  	(xrf0) =	vadd.scan.msk.s32 $0xffff, v38;
	_ =	sdelay $0x1  }
0x225: {  	(xrf0) =	vadd.scan.msk.s32 $0xffff, v39;
	_ =	sdelay $0x2  }
0x226: {  	v51, _, _ =	vpop (xrf0)  }
0x227: {  	(v2sf) =	vpush v51, $0xF;
	v52, _, _ =	vpop (xrf0)  }
0x228: {  	(v2sf) =	vpush v52, $0xF  }
0x229: {  	v39, _, _ =	vpop (xrf0)  }
0x22a: {  	(v2sf) =	vpush v39, $0xF;
	_ =	sdelay $0x4  }
0x22b: {  	v40 =	vld [tilespmem:$0x161B0];
	_ =	sdelay $0x4  }
0x22c: {  	s2 =	sxor.u32 $0x80000000, s2;
	s3 =	sxor.u32 $0x80000000, s12;
	(xrf0) =	vadd.scan.msk.s32 $0xffff, v40  }
0x22d: {  	s2 =	ssub.s32 s2, s3;
	v53 =	vbroadcast v51, $0xF  }
0x22e: {  	s15 =	sadd.s32 s15, s2;
	s17 =	spop (v2sf)  }
0x22f: {  	vm0 =	vlt.s32 v51, s15;
	v40 =	vadd.s32 v53, v52;
	s19 =	spop (v2sf)  }
0x230: {  	v54 =	vsel vm0, $0x80000040, v34;
	vm13 =	vlt.s32 v40, s15;
	s2 =	sadd.s32 s17, s19  }
0x231: {  	(xrf0) =	vmin.scan.msk.u32 $0xffff, v54;
	v55 =	vsel vm13, $0x80000040, v33;
	s20 =	spop (v2sf);
	v39 =	vadd.s32 s2, v39  }
0x232: {  	v41, _, _ =	vpop (xrf0);
	(xrf0) =	vmin.scan.msk.u32 $0xffff, v55;
	s2 =	sadd.s32 s2, s20;
	vm14 =	vlt.s32 v39, s15  }
0x233: {  	v41 =	vadd.s32 s2, v41;
	v56 =	vsel vm14, $0x80000040, v31  }
0x234: {  	vm15 =	vlt.s32 v41, s15;
	(xrf0) =	vmin.scan.msk.u32 $0xffff, v56  }
0x235: {  	v57 =	vsel vm15, $0x80000040, v28  }
0x236: {  	(xrf0) =	vmin.scan.msk.u32 $0xffff, v57  }
0x237: {  	v58, _, _ =	vpop (xrf0)  }
0x238: {  	v42, _, _ =	vpop (xrf0);
	(v2sf) =	vpush v58, $0xF  }
0x239: {  	(v2sf) =	vpush v42, $0xF  }
0x23a: {  	v59, _, _ =	vpop (xrf0)  }
0x23b: {  	(v2sf) =	vpush v59, $0xF  }
0x23c: {  	v60, _, _ =	vpop (xrf0)  }
0x23d: {  	(v2sf) =	vpush v60, $0xF;
	_ =	sdelay $0x9  }
0x23e: {  	s25 =	spop (v2sf)  }
0x23f: {  	s30 =	spop (v2sf)  }
0x240: {  	s2 =	sxor.u32 $0x80000000, s25;
	s3 =	sxor.u32 $0x80000000, s30  }
0x241: {  	p1 =	slt.s32 s2, s3;
	s5 =	spop (v2sf)  }
0x242: {  	s3 =	smov.u32 @p1 s2;
	s2 =	sxor.u32 $0x80000000, s5  }
0x243: {  	s31 =	spop (v2sf);
	p1 =	slt.s32 s3, s2  }
0x244: {  	s2 =	smov.u32 @p1 s3;
	s3 =	sxor.u32 $0x80000000, s31  }
0x245: {  	p1 =	slt.s32 s2, s3  }
0x246: {  	s3 =	smov.u32 @p1 s2  }
0x247: {  	p1 =	slt.s32 s3, $0x40  }
0x248: {  	s3 =	simm.s32 @!p1 $0x40  }
0x249: {  	v37 =	vmov s3  }
0x24a: {  	[tilespmem:$0x16280] =	vst v51  }
0x24b: {  	[tilespmem:$0x16290] =	vst v40  }
0x24c: {  	[tilespmem:$0x162A0] =	vst v39  }
0x24d: {  	[tilespmem:$0x162B0] =	vst v41  }
0x24e: {  	v38 =	vld.idx.msk [tilespmem:v37+s13+$0x0], $0xffff  }
0x24f: {  	v39 =	vld.idx.msk [tilespmem:v37+s22+$0x0], $0xffff;
	_ =	sdelay $0x3  }
0x250: {  	v38 =	vxor.u32 $0x80000000, v38  }
0x251: {  	v61 =	vxor.u32 $0x80000000, v39;
	(xrf0) =	vmin.scan.msk.u32 $0xffff, v38  }
0x252: {  	(xrf0) =	vmin.scan.msk.u32 $0xffff, v61;
	_ =	sdelay $0x4  }
0x253: {  	v62, _, _ =	vpop (xrf0)  }
0x254: {  	(v2sf) =	vpush v62, $0xF;
	v63, _, _ =	vpop (xrf0)  }
0x255: {  	(v2sf) =	vpush v63, $0xF;
	_ =	sdelay $0xa  }
.Ltmp12:
0x256: {  	_ = 	snop;
	(pc) =	sbr.rel @p0 .LBB2_21-.Ltmp12, $3  }
0x257: {  	_ =	sdelay $0x1  }
0x258: {  	s2 =	spop (v2sf)  }
0x259: {  	s12 =	spop (v2sf)  }
0x25a: {  	v38 =	vimm.s32 $0x0;
	s3 =	simm.s32 $0x15080;
	s6 =	simm.s32 $0x0  }
.LBB2_23:
0x25b: {  	v39 =	vld [tilespmem:s3+$0x0];
	_ =	sdelay $0x2  }
0x25c: {  	v40 =	vor.u32 s6, v1  }
0x25d: {  	vm0 =	vlt.s32 v40, v36  }
0x25e: {  	v40 =	vnsel vm0, $0x0, v39;
	_ =	sdelay $0x4  }
0x25f: {  	v40 =	vld.idx.msk [tilespmem:v40+s26+$0x0], $0xffff;
	_ =	sdelay $0x4  }
0x260: {  	v40 =	vshrl.u32 v40, $0xC  }
0x261: {  	v40 =	vand.u32 $0x3F, v40  }
0x262: {  	vm1 =	vlt.s32 v40, v37  }
0x263: {  	vm2 =	veq.s32 v40, v37;
	vm1 =	vmand vm0, vm1  }
0x264: {  	vm0 =	vmand vm0, vm2;
	v61 =	vsel vm1, $0x1, v0  }
0x265: {  	v62 =	vsel vm0, $0x1, v0;
	(xrf0) =	vadd.scan.msk.s32 $0xffff, v61  }
0x266: {  	(xrf0) =	vadd.scan.msk.s32 $0xffff, v62;
	_ =	sdelay $0x4  }
0x267: {  	v63, _, _ =	vpop (xrf0)  }
0x268: {  	v40 =	vadd.s32 v63, v35;
	v41, _, _ =	vpop (xrf0)  }
0x269: {  	v40 =	vadd.s32 $0xFFFFFFFF, v40;
	v41 =	vadd.s32 v41, v38  }
0x26a: {  	v40 =	vnsel vm1, $0x0, v40;
	v41 =	vadd.s32 $0xFFFFFFFF, v41  }
0x26b: {  	p0 =	sne.s32 s0, $0x1;
	v41 =	vnsel vm0, $0x0, v41  }
.Ltmp13:
0x26c: {  	_ = 	snop;
	(pc) =	sbr.rel @p0 .LBB2_23-.Ltmp13, $4  }
0x26d: {  	_ = 	snop  }
0x26e: {  	v42 =	vmpcnt.ones.xlane vm1;
	v43 =	vmpcnt.ones.xlane vm0  }
0x26f: {  	[tilespmem:v40+s23+$0x0] =	vst.idx.msk vm1, v39  }
0x270: {  	s3 =	sadd.s32 $0x10, s3;
	s6 =	sadd.s32 $0x10, s6;
	s0 =	sadd.s32 $0xFFFFFFFF, s0;
	v35 =	vadd.s32 v35, v42;
	v38 =	vadd.s32 v38, v43;
	[tilespmem:v41+s24+$0x0] =	vst.idx.msk vm0, v39  }
.Ltmp14:
0x271: {  	(pc) =	sbr.rel .LBB2_25-.Ltmp14, $2  }
0x272: {  	_ =	sdelay $0x2  }
0x273: {  	v36 =	vxor.u32 $0x80000000, v38  }
.LBB2_21:
0x274: {  	v36 =	vimm.s32 $0x80000000  }
.LBB2_25:
0x275: {  	(xrf0) =	vmin.scan.msk.u32 $0xffff, v36;
	_ =	sdelay $0x5  }
0x276: {  	v36, _, _ =	vpop (xrf0)  }
0x277: {  	(v2sf) =	vpush v36, $0xF;
	_ =	sdelay $0xe  }
0x278: {  	s3 =	spop (v2sf)  }
0x279: {  	s0 =	sadd.s32 $0x8000000F, s3  }
0x27a: {  	s5 =	sand.u32 $0xF, s0  }
0x27b: {  	s31 =	sshra.s32 s0, $0x1F;
	p1 =	slt.s32 s0, $0x1;
	p0 =	sne.s32 s5, $0x0  }
0x27c: {  	s5 =	sshrl.u32 s31, $0x1C;
	p0 =	por !p1, !p0  }
0x27d: {  	s0 =	sadd.s32 s5, s0;
	s5 =	simm.s32 $0x1;
	p0 =	por !p0, !p0  }
0x27e: {  	s0 =	sshra.s32 s0, $0x4;
	s5 =	simm.s32 @!p0 $0x0  }
0x27f: {  	s0 =	ssub.s32 s0, s5  }
0x280: {  	p0 =	slt.s32 s0, $0x1  }
.Ltmp15:
0x281: {  	_ = 	snop;
	(pc) =	sbr.rel @p0 .LBB2_28-.Ltmp15, $4  }
0x282: {  	[tilespmem:$0x16180] =	vst v0  }
0x283: {  	[tilespmem:$0x16190] =	vst v0  }
0x284: {  	[tilespmem:$0x161A0] =	vst v0;
	s3 =	sxor.u32 $0x80000000, s3  }
0x285: {  	[tilespmem:$0x161B0] =	vst v0;
	v36 =	vmov s3  }
0x286: {  	s3 =	simm.s32 $0x14000;
	s6 =	simm.s32 $0x0;
	s16 =	smov.u32 s0  }
.LBB2_27:
0x287: {  	v37 =	vld [tilespmem:s3+$0x0];
	_ =	sdelay $0x2  }
0x288: {  	v38 =	vor.u32 s6, v1  }
0x289: {  	vm0 =	vlt.s32 v38, v36  }
0x28a: {  	v37 =	vnsel vm0, $0x0, v37;
	_ =	sdelay $0x4  }
0x28b: {  	v37 =	vld.idx.msk [tilespmem:v37+s26+$0x0], $0xffff;
	_ =	sdelay $0x4  }
0x28c: {  	v37 =	vshrl.u32 v37, $0x6  }
0x28d: {  	v37 =	vand.u32 $0x3F, v37  }
0x28e: {  	(xrf1) =	vunique.msk.u32 vm0, v37;
	_ =	sdelay $0xd  }
0x28f: {  	_, v63, vm1 =	vpop (xrf1)  }
0x290: {  	vm0 =	vmand vm0, vm1  }
0x291: {  	p1 =	sne.s32 s16, $0x1  }
.Ltmp16:
0x292: {  	_ = 	snop;
	(pc) =	sbr.rel @p1 .LBB2_27-.Ltmp16, $3  }
0x293: {  	_ =	sdelay $0x1  }
0x294: {  	v38 =	vadd.s32 v63, v3  }
0x295: {  	s3 =	sadd.s32 $0x10, s3;
	s6 =	sadd.s32 $0x10, s6;
	s16 =	sadd.s32 $0xFFFFFFFF, s16;
	[tilespmem:v37+s13+$0x0] =	vst.idx.add.s32.msk vm0, v38  }
.LBB2_28:
0x296: {  	v37 =	vld [tilespmem:$0x16180]  }
0x297: {  	v38 =	vld [tilespmem:$0x16190];
	_ =	sdelay $0x1  }
0x298: {  	v39 =	vld [tilespmem:$0x161A0];
	_ =	sdelay $0x1  }
0x299: {  	(xrf0) =	vadd.scan.msk.s32 $0xffff, v37  }
0x29a: {  	(xrf0) =	vadd.scan.msk.s32 $0xffff, v38;
	_ =	sdelay $0x1  }
0x29b: {  	(xrf0) =	vadd.scan.msk.s32 $0xffff, v39;
	_ =	sdelay $0x2  }
0x29c: {  	v51, _, _ =	vpop (xrf0)  }
0x29d: {  	(v2sf) =	vpush v51, $0xF;
	v52, _, _ =	vpop (xrf0)  }
0x29e: {  	(v2sf) =	vpush v52, $0xF  }
0x29f: {  	v39, _, _ =	vpop (xrf0)  }
0x2a0: {  	(v2sf) =	vpush v39, $0xF;
	_ =	sdelay $0x4  }
0x2a1: {  	v40 =	vld [tilespmem:$0x161B0];
	_ =	sdelay $0x4  }
0x2a2: {  	s2 =	sxor.u32 $0x80000000, s2;
	s3 =	sxor.u32 $0x80000000, s12;
	(xrf0) =	vadd.scan.msk.s32 $0xffff, v40  }
0x2a3: {  	s2 =	ssub.s32 s2, s3;
	v53 =	vbroadcast v51, $0xF  }
0x2a4: {  	s15 =	sadd.s32 s15, s2;
	s17 =	spop (v2sf)  }
0x2a5: {  	vm0 =	vlt.s32 v51, s15;
	v40 =	vadd.s32 v53, v52;
	s19 =	spop (v2sf)  }
0x2a6: {  	v54 =	vsel vm0, $0x80000040, v34;
	vm13 =	vlt.s32 v40, s15;
	s2 =	sadd.s32 s17, s19  }
0x2a7: {  	(xrf0) =	vmin.scan.msk.u32 $0xffff, v54;
	v55 =	vsel vm13, $0x80000040, v33;
	s20 =	spop (v2sf);
	v39 =	vadd.s32 s2, v39  }
0x2a8: {  	v41, _, _ =	vpop (xrf0);
	(xrf0) =	vmin.scan.msk.u32 $0xffff, v55;
	s2 =	sadd.s32 s2, s20;
	vm14 =	vlt.s32 v39, s15  }
0x2a9: {  	v41 =	vadd.s32 s2, v41;
	v56 =	vsel vm14, $0x80000040, v31  }
0x2aa: {  	vm15 =	vlt.s32 v41, s15;
	(xrf0) =	vmin.scan.msk.u32 $0xffff, v56  }
0x2ab: {  	v57 =	vsel vm15, $0x80000040, v28  }
0x2ac: {  	(xrf0) =	vmin.scan.msk.u32 $0xffff, v57  }
0x2ad: {  	v58, _, _ =	vpop (xrf0)  }
0x2ae: {  	v42, _, _ =	vpop (xrf0);
	(v2sf) =	vpush v58, $0xF  }
0x2af: {  	(v2sf) =	vpush v42, $0xF  }
0x2b0: {  	v59, _, _ =	vpop (xrf0)  }
0x2b1: {  	(v2sf) =	vpush v59, $0xF  }
0x2b2: {  	v60, _, _ =	vpop (xrf0)  }
0x2b3: {  	(v2sf) =	vpush v60, $0xF;
	_ =	sdelay $0x9  }
0x2b4: {  	s25 =	spop (v2sf)  }
0x2b5: {  	s30 =	spop (v2sf)  }
0x2b6: {  	s2 =	sxor.u32 $0x80000000, s25;
	s3 =	sxor.u32 $0x80000000, s30  }
0x2b7: {  	p1 =	slt.s32 s2, s3;
	s5 =	spop (v2sf)  }
0x2b8: {  	s3 =	smov.u32 @p1 s2;
	s2 =	sxor.u32 $0x80000000, s5  }
0x2b9: {  	s31 =	spop (v2sf);
	p1 =	slt.s32 s3, s2  }
0x2ba: {  	s2 =	smov.u32 @p1 s3;
	s3 =	sxor.u32 $0x80000000, s31  }
0x2bb: {  	p1 =	slt.s32 s2, s3  }
0x2bc: {  	s3 =	smov.u32 @p1 s2  }
0x2bd: {  	p1 =	slt.s32 s3, $0x40  }
0x2be: {  	s3 =	simm.s32 @!p1 $0x40  }
0x2bf: {  	v37 =	vmov s3  }
0x2c0: {  	[tilespmem:$0x16280] =	vst v51  }
0x2c1: {  	[tilespmem:$0x16290] =	vst v40  }
0x2c2: {  	[tilespmem:$0x162A0] =	vst v39  }
0x2c3: {  	[tilespmem:$0x162B0] =	vst v41  }
0x2c4: {  	v38 =	vld.idx.msk [tilespmem:v37+s13+$0x0], $0xffff  }
0x2c5: {  	v39 =	vld.idx.msk [tilespmem:v37+s22+$0x0], $0xffff;
	_ =	sdelay $0x3  }
0x2c6: {  	v38 =	vxor.u32 $0x80000000, v38  }
0x2c7: {  	v61 =	vxor.u32 $0x80000000, v39;
	(xrf0) =	vmin.scan.msk.u32 $0xffff, v38  }
0x2c8: {  	(xrf0) =	vmin.scan.msk.u32 $0xffff, v61;
	_ =	sdelay $0x4  }
0x2c9: {  	v62, _, _ =	vpop (xrf0)  }
0x2ca: {  	(v2sf) =	vpush v62, $0xF;
	v63, _, _ =	vpop (xrf0)  }
0x2cb: {  	(v2sf) =	vpush v63, $0xF;
	_ =	sdelay $0xa  }
.Ltmp17:
0x2cc: {  	_ = 	snop;
	(pc) =	sbr.rel @p0 .LBB2_29-.Ltmp17, $3  }
0x2cd: {  	_ =	sdelay $0x1  }
0x2ce: {  	s2 =	spop (v2sf)  }
0x2cf: {  	s12 =	spop (v2sf)  }
0x2d0: {  	v38 =	vimm.s32 $0x0;
	s3 =	simm.s32 $0x14000;
	s6 =	simm.s32 $0x0  }
.LBB2_31:
0x2d1: {  	v39 =	vld [tilespmem:s3+$0x0];
	_ =	sdelay $0x2  }
0x2d2: {  	v40 =	vor.u32 s6, v1  }
0x2d3: {  	vm0 =	vlt.s32 v40, v36  }
0x2d4: {  	v40 =	vnsel vm0, $0x0, v39;
	_ =	sdelay $0x4  }
0x2d5: {  	v40 =	vld.idx.msk [tilespmem:v40+s26+$0x0], $0xffff;
	_ =	sdelay $0x4  }
0x2d6: {  	v40 =	vshrl.u32 v40, $0x6  }
0x2d7: {  	v40 =	vand.u32 $0x3F, v40  }
0x2d8: {  	vm1 =	vlt.s32 v40, v37  }
0x2d9: {  	vm2 =	veq.s32 v40, v37;
	vm1 =	vmand vm0, vm1  }
0x2da: {  	vm0 =	vmand vm0, vm2;
	v61 =	vsel vm1, $0x1, v0  }
0x2db: {  	v62 =	vsel vm0, $0x1, v0;
	(xrf0) =	vadd.scan.msk.s32 $0xffff, v61  }
0x2dc: {  	(xrf0) =	vadd.scan.msk.s32 $0xffff, v62;
	_ =	sdelay $0x4  }
0x2dd: {  	v63, _, _ =	vpop (xrf0)  }
0x2de: {  	v40 =	vadd.s32 v63, v35;
	v41, _, _ =	vpop (xrf0)  }
0x2df: {  	v40 =	vadd.s32 $0xFFFFFFFF, v40;
	v41 =	vadd.s32 v41, v38  }
0x2e0: {  	v40 =	vnsel vm1, $0x0, v40;
	v41 =	vadd.s32 $0xFFFFFFFF, v41  }
0x2e1: {  	p0 =	sne.s32 s0, $0x1;
	v41 =	vnsel vm0, $0x0, v41  }
.Ltmp18:
0x2e2: {  	_ = 	snop;
	(pc) =	sbr.rel @p0 .LBB2_31-.Ltmp18, $4  }
0x2e3: {  	_ = 	snop  }
0x2e4: {  	v42 =	vmpcnt.ones.xlane vm1;
	v43 =	vmpcnt.ones.xlane vm0  }
0x2e5: {  	[tilespmem:v40+s23+$0x0] =	vst.idx.msk vm1, v39  }
0x2e6: {  	s3 =	sadd.s32 $0x10, s3;
	s6 =	sadd.s32 $0x10, s6;
	s0 =	sadd.s32 $0xFFFFFFFF, s0;
	v35 =	vadd.s32 v35, v42;
	v38 =	vadd.s32 v38, v43;
	[tilespmem:v41+s28+$0x0] =	vst.idx.msk vm0, v39  }
.Ltmp19:
0x2e7: {  	(pc) =	sbr.rel .LBB2_33-.Ltmp19, $2  }
0x2e8: {  	_ =	sdelay $0x2  }
0x2e9: {  	v36 =	vxor.u32 $0x80000000, v38  }
.LBB2_29:
0x2ea: {  	v36 =	vimm.s32 $0x80000000  }
.LBB2_33:
0x2eb: {  	(xrf0) =	vmin.scan.msk.u32 $0xffff, v36;
	_ =	sdelay $0x5  }
0x2ec: {  	v36, _, _ =	vpop (xrf0)  }
0x2ed: {  	(v2sf) =	vpush v36, $0xF;
	_ =	sdelay $0xe  }
0x2ee: {  	s3 =	spop (v2sf)  }
0x2ef: {  	s0 =	sadd.s32 $0x8000000F, s3  }
0x2f0: {  	s5 =	sand.u32 $0xF, s0  }
0x2f1: {  	s31 =	sshra.s32 s0, $0x1F;
	p1 =	slt.s32 s0, $0x1;
	p0 =	sne.s32 s5, $0x0  }
0x2f2: {  	s5 =	sshrl.u32 s31, $0x1C;
	p0 =	por !p1, !p0  }
0x2f3: {  	s0 =	sadd.s32 s5, s0;
	s5 =	simm.s32 $0x1;
	p0 =	por !p0, !p0  }
0x2f4: {  	s0 =	sshra.s32 s0, $0x4;
	s5 =	simm.s32 @!p0 $0x0  }
0x2f5: {  	s0 =	ssub.s32 s0, s5  }
0x2f6: {  	p0 =	slt.s32 s0, $0x1  }
.Ltmp20:
0x2f7: {  	_ = 	snop;
	(pc) =	sbr.rel @p0 .LBB2_36-.Ltmp20, $4  }
0x2f8: {  	[tilespmem:$0x16180] =	vst v0  }
0x2f9: {  	[tilespmem:$0x16190] =	vst v0  }
0x2fa: {  	[tilespmem:$0x161A0] =	vst v0;
	s3 =	sxor.u32 $0x80000000, s3  }
0x2fb: {  	[tilespmem:$0x161B0] =	vst v0;
	v36 =	vmov s3  }
0x2fc: {  	s3 =	simm.s32 $0x15080;
	s6 =	simm.s32 $0x0;
	s16 =	smov.u32 s0  }
.LBB2_35:
0x2fd: {  	v37 =	vld [tilespmem:s3+$0x0];
	_ =	sdelay $0x2  }
0x2fe: {  	v38 =	vor.u32 s6, v1  }
0x2ff: {  	vm0 =	vlt.s32 v38, v36  }
0x300: {  	v37 =	vnsel vm0, $0x0, v37;
	_ =	sdelay $0x4  }
0x301: {  	v37 =	vld.idx.msk [tilespmem:v37+s26+$0x0], $0xffff;
	_ =	sdelay $0x4  }
0x302: {  	v37 =	vand.u32 $0x3F, v37  }
0x303: {  	(xrf1) =	vunique.msk.u32 vm0, v37;
	_ =	sdelay $0xd  }
0x304: {  	_, v63, vm1 =	vpop (xrf1)  }
0x305: {  	vm0 =	vmand vm0, vm1  }
0x306: {  	p1 =	sne.s32 s16, $0x1  }
.Ltmp21:
0x307: {  	_ = 	snop;
	(pc) =	sbr.rel @p1 .LBB2_35-.Ltmp21, $3  }
0x308: {  	_ =	sdelay $0x1  }
0x309: {  	v38 =	vadd.s32 v63, v3  }
0x30a: {  	s3 =	sadd.s32 $0x10, s3;
	s6 =	sadd.s32 $0x10, s6;
	s16 =	sadd.s32 $0xFFFFFFFF, s16;
	[tilespmem:v37+s13+$0x0] =	vst.idx.add.s32.msk vm0, v38  }
.LBB2_36:
0x30b: {  	v37 =	vld [tilespmem:$0x16180]  }
0x30c: {  	v38 =	vld [tilespmem:$0x16190];
	_ =	sdelay $0x1  }
0x30d: {  	v39 =	vld [tilespmem:$0x161A0];
	_ =	sdelay $0x1  }
0x30e: {  	(xrf0) =	vadd.scan.msk.s32 $0xffff, v37  }
0x30f: {  	(xrf0) =	vadd.scan.msk.s32 $0xffff, v38;
	_ =	sdelay $0x1  }
0x310: {  	(xrf0) =	vadd.scan.msk.s32 $0xffff, v39;
	_ =	sdelay $0x2  }
0x311: {  	v51, _, _ =	vpop (xrf0)  }
0x312: {  	(v2sf) =	vpush v51, $0xF;
	v52, _, _ =	vpop (xrf0)  }
0x313: {  	(v2sf) =	vpush v52, $0xF  }
0x314: {  	v39, _, _ =	vpop (xrf0)  }
0x315: {  	(v2sf) =	vpush v39, $0xF;
	_ =	sdelay $0x4  }
0x316: {  	v40 =	vld [tilespmem:$0x161B0];
	_ =	sdelay $0x4  }
0x317: {  	s2 =	sxor.u32 $0x80000000, s2;
	s3 =	sxor.u32 $0x80000000, s12;
	(xrf0) =	vadd.scan.msk.s32 $0xffff, v40  }
0x318: {  	s2 =	ssub.s32 s2, s3;
	v53 =	vbroadcast v51, $0xF  }
0x319: {  	s2 =	sadd.s32 s15, s2;
	s19 =	spop (v2sf)  }
0x31a: {  	vm0 =	vlt.s32 v51, s2;
	v40 =	vadd.s32 v53, v52;
	s5 =	spop (v2sf)  }
0x31b: {  	v54 =	vsel vm0, $0x80000040, v34;
	vm13 =	vlt.s32 v40, s2;
	s3 =	sadd.s32 s19, s5  }
0x31c: {  	(xrf0) =	vmin.scan.msk.u32 $0xffff, v54;
	v55 =	vsel vm13, $0x80000040, v33;
	s20 =	spop (v2sf);
	v39 =	vadd.s32 s3, v39  }
0x31d: {  	v41, _, _ =	vpop (xrf0);
	(xrf0) =	vmin.scan.msk.u32 $0xffff, v55;
	s3 =	sadd.s32 s3, s20;
	vm14 =	vlt.s32 v39, s2  }
0x31e: {  	v41 =	vadd.s32 s3, v41;
	v56 =	vsel vm14, $0x80000040, v31  }
0x31f: {  	vm15 =	vlt.s32 v41, s2;
	(xrf0) =	vmin.scan.msk.u32 $0xffff, v56  }
0x320: {  	v57 =	vsel vm15, $0x80000040, v28  }
0x321: {  	(xrf0) =	vmin.scan.msk.u32 $0xffff, v57  }
0x322: {  	v58, _, _ =	vpop (xrf0)  }
0x323: {  	v42, _, _ =	vpop (xrf0);
	(v2sf) =	vpush v58, $0xF  }
0x324: {  	(v2sf) =	vpush v42, $0xF  }
0x325: {  	v59, _, _ =	vpop (xrf0)  }
0x326: {  	(v2sf) =	vpush v59, $0xF  }
0x327: {  	v60, _, _ =	vpop (xrf0)  }
0x328: {  	(v2sf) =	vpush v60, $0xF;
	_ =	sdelay $0x9  }
0x329: {  	s25 =	spop (v2sf)  }
0x32a: {  	s30 =	spop (v2sf)  }
0x32b: {  	s3 =	sxor.u32 $0x80000000, s25;
	s5 =	sxor.u32 $0x80000000, s30  }
0x32c: {  	p1 =	slt.s32 s3, s5;
	s6 =	spop (v2sf)  }
0x32d: {  	s5 =	smov.u32 @p1 s3;
	s3 =	sxor.u32 $0x80000000, s6  }
0x32e: {  	s31 =	spop (v2sf);
	p1 =	slt.s32 s5, s3  }
0x32f: {  	s3 =	smov.u32 @p1 s5;
	s5 =	sxor.u32 $0x80000000, s31  }
0x330: {  	p1 =	slt.s32 s3, s5  }
0x331: {  	s5 =	smov.u32 @p1 s3  }
0x332: {  	p1 =	slt.s32 s5, $0x40  }
0x333: {  	s5 =	simm.s32 @!p1 $0x40  }
0x334: {  	v37 =	vmov s5  }
0x335: {  	[tilespmem:$0x16280] =	vst v51  }
0x336: {  	[tilespmem:$0x16290] =	vst v40  }
0x337: {  	[tilespmem:$0x162A0] =	vst v39  }
0x338: {  	[tilespmem:$0x162B0] =	vst v41  }
0x339: {  	v38 =	vld.idx.msk [tilespmem:v37+s13+$0x0], $0xffff  }
0x33a: {  	v39 =	vld.idx.msk [tilespmem:v37+s22+$0x0], $0xffff;
	_ =	sdelay $0x3  }
0x33b: {  	v38 =	vxor.u32 $0x80000000, v38  }
0x33c: {  	v61 =	vxor.u32 $0x80000000, v39;
	(xrf0) =	vmin.scan.msk.u32 $0xffff, v38  }
0x33d: {  	(xrf0) =	vmin.scan.msk.u32 $0xffff, v61;
	_ =	sdelay $0x4  }
0x33e: {  	v62, _, _ =	vpop (xrf0)  }
0x33f: {  	(v2sf) =	vpush v62, $0xF;
	v63, _, _ =	vpop (xrf0)  }
0x340: {  	(v2sf) =	vpush v63, $0xF;
	_ =	sdelay $0xa  }
.Ltmp22:
0x341: {  	_ = 	snop;
	(pc) =	sbr.rel @p0 .LBB2_39-.Ltmp22, $3  }
0x342: {  	_ =	sdelay $0x1  }
0x343: {  	s3 =	spop (v2sf)  }
0x344: {  	s6 =	spop (v2sf)  }
0x345: {  	v38 =	vimm.s32 $0x0;
	s12 =	simm.s32 $0x15080;
	s15 =	simm.s32 $0x0  }
.LBB2_38:
0x346: {  	v39 =	vld [tilespmem:s12+$0x0];
	_ =	sdelay $0x2  }
0x347: {  	v40 =	vor.u32 s15, v1  }
0x348: {  	vm0 =	vlt.s32 v40, v36  }
0x349: {  	v40 =	vnsel vm0, $0x0, v39;
	_ =	sdelay $0x4  }
0x34a: {  	v40 =	vld.idx.msk [tilespmem:v40+s26+$0x0], $0xffff;
	_ =	sdelay $0x4  }
0x34b: {  	v40 =	vand.u32 $0x3F, v40  }
0x34c: {  	vm1 =	vlt.s32 v40, v37  }
0x34d: {  	vm2 =	veq.s32 v40, v37;
	vm1 =	vmand vm0, vm1  }
0x34e: {  	vm0 =	vmand vm0, vm2;
	v61 =	vsel vm1, $0x1, v0  }
0x34f: {  	v62 =	vsel vm0, $0x1, v0;
	(xrf0) =	vadd.scan.msk.s32 $0xffff, v61  }
0x350: {  	(xrf0) =	vadd.scan.msk.s32 $0xffff, v62;
	_ =	sdelay $0x4  }
0x351: {  	v63, _, _ =	vpop (xrf0)  }
0x352: {  	v40 =	vadd.s32 v63, v35;
	v41, _, _ =	vpop (xrf0)  }
0x353: {  	v40 =	vadd.s32 $0xFFFFFFFF, v40;
	v41 =	vadd.s32 v41, v38  }
0x354: {  	v40 =	vnsel vm1, $0x0, v40;
	v41 =	vadd.s32 $0xFFFFFFFF, v41  }
0x355: {  	p0 =	sne.s32 s0, $0x1;
	v41 =	vnsel vm0, $0x0, v41  }
.Ltmp23:
0x356: {  	_ = 	snop;
	(pc) =	sbr.rel @p0 .LBB2_38-.Ltmp23, $4  }
0x357: {  	_ = 	snop  }
0x358: {  	v42 =	vmpcnt.ones.xlane vm1;
	v43 =	vmpcnt.ones.xlane vm0  }
0x359: {  	[tilespmem:v40+s23+$0x0] =	vst.idx.msk vm1, v39  }
0x35a: {  	s12 =	sadd.s32 $0x10, s12;
	s15 =	sadd.s32 $0x10, s15;
	s0 =	sadd.s32 $0xFFFFFFFF, s0;
	v35 =	vadd.s32 v35, v42;
	v38 =	vadd.s32 v38, v43;
	[tilespmem:v41+s24+$0x0] =	vst.idx.msk vm0, v39  }
.LBB2_39:
0x35b: {  	s0 =	sxor.u32 $0x80000000, s3;
	s25 =	sxor.u32 $0x80000000, s6  }
0x35c: {  	s0 =	ssub.s32 s0, s25  }
0x35d: {  	s0 =	sadd.s32 s2, s0  }
0x35e: {  	s2 =	sadd.s32 $0xF, s0  }
0x35f: {  	s30 =	sand.u32 $0xF, s2  }
0x360: {  	s31 =	sshra.s32 s2, $0x1F;
	p1 =	slt.s32 s2, $0x1;
	p0 =	sne.s32 s30, $0x0  }
0x361: {  	s3 =	sshrl.u32 s31, $0x1C;
	p0 =	por !p1, !p0  }
0x362: {  	s2 =	sadd.s32 s3, s2;
	s3 =	simm.s32 $0x1;
	p0 =	por !p0, !p0  }
0x363: {  	s2 =	sshra.s32 s2, $0x4;
	s3 =	simm.s32 @!p0 $0x0  }
0x364: {  	s2 =	ssub.s32 s2, s3  }
0x365: {  	p0 =	slt.s32 s2, $0x1  }
.Ltmp24:
0x366: {  	_ = 	snop;
	(pc) =	sbr.rel @p0 .LBB2_46-.Ltmp24, $1  }
0x367: {  	_ =	sdelay $0x3  }
0x368: {  	s3 =	simm.s32 $0x0  }
0x369: {  	v36 =	vmov s0;
	p1 =	sne.s32 s2, $0x1;
	v37 =	vor.u32 s3, v1  }
.Ltmp25:
0x36a: {  	vm0 =	vlt.s32 v37, v36;
	(pc) =	sbr.rel @!p1 .LBB2_41-.Ltmp25, $4  }
0x36b: {  	v37 =	vsel vm0, $0x1, v0  }
0x36c: {  	(xrf0) =	vadd.scan.msk.s32 $0xffff, v37  }
0x36d: {  	s0 =	simm.s32 $0x14000  }
0x36e: {  	s2 =	sadd.s32 $0xFFFFFFFF, s2;
	p0 =	por $0x0, $0x0;
	s3 =	simm.s32 $0x10;
	vm0 =	vmmov vm0  }
0x36f: {  	_ =	sdelay $0x1  }
0x370: {  	v37 =	vor.u32 s3, v1;
	p1 =	sne.s32 s2, $0x1  }
.Ltmp26:
0x371: {  	vm2 =	vlt.s32 v37, v36;
	v63, _, _ =	vpop (xrf0);
	(pc) =	sbr.rel @!p1 .LBB2_43-.Ltmp26, $4  }
0x372: {  	v38 =	vsel vm2, $0x1, v0;
	v37 =	vadd.s32 v63, v35  }
0x373: {  	(xrf0) =	vadd.scan.msk.s32 $0xffff, v38  }
0x374: {  	s3 =	sadd.s32 $0xFFFFFFFF, s2  }
0x375: {  	vm1 =	vmmov vm0;
	s6 =	simm.s32 $0x20;
	p0 =	por $0x1, $0x1;
	s2 =	simm.s32 $0x14000;
	vm0 =	vmmov vm2;
	v38 =	vadd.s32 $0xFFFFFFFF, v37;
	v37 =	vmovc v35  }
.LBB2_44:
0x376: {  	v39 =	vor.u32 s6, v1;
	p1 =	sne.s32 s3, $0x1;
	s3 =	sadd.s32 $0xFFFFFFFF, s3;
	v40 =	vld [tilespmem:s2+$0x0];
	v41 =	vnsel vm1, $0x0, v38  }
.Ltmp27:
0x377: {  	v38 =	vmpcnt.ones.xlane vm1;
	vm2 =	vlt.s32 v39, v36;
	(pc) =	sbr.rel @p1 .LBB2_44-.Ltmp27, $4  }
0x378: {  	v42 =	vsel vm2, $0x1, v0  }
0x379: {  	v37 =	vadd.s32 v37, v38;
	(xrf0) =	vadd.scan.msk.s32 $0xffff, v42;
	v39, _, _ =	vpop (xrf0)  }
0x37a: {  	v38 =	vadd.s32 v39, v37  }
0x37b: {  	s6 =	sadd.s32 $0x10, s6;
	s2 =	sadd.s32 $0x10, s2;
	v38 =	vadd.s32 $0xFFFFFFFF, v38;
	[tilespmem:v41+s23+$0x0] =	vst.idx.msk vm1, v40;
	vm1 =	vmmov vm0;
	vm0 =	vmmov vm2  }
.Ltmp28:
0x37c: {  	_ = 	snop;
	(pc) =	sbr.rel .LBB2_45-.Ltmp28, $1  }
0x37d: {  	_ =	sdelay $0x3  }
.LBB2_43:
.Ltmp29:
0x37e: {  	(pc) =	sbr.rel .LBB2_45-.Ltmp29, $2  }
0x37f: {  	_ =	sdelay $0x2  }
0x380: {  	s2 =	simm.s32 $0x14000;
	v37 =	vmov v35  }
.LBB2_47:
0x381: {  	s0 =	rddreg [dreg:$0x3]  }
0x382: {  	s2 =	simm.s32 $0x80;
	s3 =	simm.s32 $0x1A480;
	s31 =	simm.s32 $0x1  }
0x383: {  	[tilespmem:s3], [sflag:$0x1] =	stream.indirect.gather [spmem:s0], $0x80, s29, s2, $0xb8;
	[tilespmem:$0x1E480] =	vst v63  }
0x384: {  	_ =	swait.ge [sflag:s31], $0x4000  }
0x385: {  	[sflag:s31] =	ssyncset.done $0x0  }
0x386: {  	s0 =	simm.s32 $0x0;
	[sflag:s31] =	ssyncadd.s32 $0xFFFFC000  }
0x387: {  	s2 =	simm.s32 $0x1A500;
	v35 =	vld [tilespmem:s0+$0x16400]  }
0x388: {  	v36 =	vld [tilespmem:s2+$0x0]  }
0x389: {  	v37 =	vld [tilespmem:s2+$0xFFFFFF80];
	_ =	sdelay $0x3  }
0x38a: {  	vm0 =	veq.s32 v35, $0x0  }
0x38b: {  	v36 =	vsel vm0, v36, v37  }
0x38c: {  	v38 =	vld [tilespmem:s0+$0x16410];
	[tilespmem:s0+$0x18400] =	vst v36  }
0x38d: {  	v36 =	vld [tilespmem:s2+$0xFFFFFF90]  }
0x38e: {  	v62 =	vld [tilespmem:s2+$0x10];
	_ =	sdelay $0x3  }
0x38f: {  	vm14 =	veq.s32 v38, $0x0  }
0x390: {  	v36 =	vsel vm14, v62, v36  }
0x391: {  	v39 =	vld [tilespmem:s0+$0x16420];
	[tilespmem:s0+$0x18410] =	vst v36  }
0x392: {  	v36 =	vld [tilespmem:s2+$0xFFFFFFA0]  }
0x393: {  	v63 =	vld [tilespmem:s2+$0x20];
	_ =	sdelay $0x3  }
0x394: {  	vm15 =	veq.s32 v39, $0x0  }
0x395: {  	v36 =	vsel vm15, v63, v36  }
0x396: {  	v35 =	vld [tilespmem:s0+$0x16430];
	[tilespmem:s0+$0x18420] =	vst v36  }
0x397: {  	v36 =	vld [tilespmem:s2+$0xFFFFFFB0]  }
0x398: {  	s3 =	simm.s32 $0x200;
	v37 =	vld [tilespmem:s2+$0x30]  }
.LBB2_48:
0x399: {  	p0 =	sne.s32 s3, $0x7E00  }
0x39a: {  	s2 =	sadd.s32 $0x100, s2;
	s4 =	smov.u32 s3;
	s3 =	sadd.s32 $0x200, s3  }
0x39b: {  	vm0 =	veq.s32 v35, $0x0;
	_ =	sdelay $0x1  }
0x39c: {  	s4 =	sshra.s32 s4, $0x2;
	v35 =	vsel vm0, v37, v36  }
0x39d: {  	v36 =	vld [tilespmem:s4+$0x16400];
	[tilespmem:s0+$0x18430] =	vst v35;
	s0 =	smov.u32 s4  }
0x39e: {  	v37 =	vld [tilespmem:s2+$0x0]  }
0x39f: {  	v38 =	vld [tilespmem:s2+$0xFFFFFF80]  }
0x3a0: {  	v39 =	vld [tilespmem:s0+$0x16410]  }
0x3a1: {  	v40 =	vld [tilespmem:s0+$0x16420]  }
0x3a2: {  	v35 =	vld [tilespmem:s0+$0x16430]  }
0x3a3: {  	vm0 =	veq.s32 v36, $0x0  }
0x3a4: {  	v36 =	vsel vm0, v37, v38  }
0x3a5: {  	[tilespmem:s0+$0x18400] =	vst v36  }
0x3a6: {  	v36 =	vld [tilespmem:s2+$0xFFFFFF90]  }
0x3a7: {  	v37 =	vld [tilespmem:s2+$0x10];
	_ =	sdelay $0x3  }
0x3a8: {  	vm0 =	veq.s32 v39, $0x0  }
0x3a9: {  	v36 =	vsel vm0, v37, v36  }
0x3aa: {  	[tilespmem:s0+$0x18410] =	vst v36  }
0x3ab: {  	v36 =	vld [tilespmem:s2+$0xFFFFFFA0]  }
0x3ac: {  	v37 =	vld [tilespmem:s2+$0x20];
	_ =	sdelay $0x3  }
.Ltmp30:
0x3ad: {  	vm0 =	veq.s32 v40, $0x0;
	(pc) =	sbr.rel @p0 .LBB2_48-.Ltmp30, $4  }
0x3ae: {  	v36 =	vsel vm0, v37, v36  }
0x3af: {  	[tilespmem:s0+$0x18420] =	vst v36  }
0x3b0: {  	v36 =	vld [tilespmem:s2+$0xFFFFFFB0]  }
0x3b1: {  	v37 =	vld [tilespmem:s2+$0x30]  }
0x3b2: {  	_ =	sdelay $0x2  }
0x3b3: {  	vm0 =	veq.s32 v35, $0x0;
	s25 =	rddreg [dreg:$0x7]  }
0x3b4: {  	s2 =	rddreg [dreg:$0xf];
	s30 =	simm.s32 $0x0;
	v35 =	vsel vm0, v37, v36  }
0x3b5: {  	s3 =	simm.s32 $0x18400;
	s5 =	simm.s32 $0x4;
	[tilespmem:s0+$0x18430] =	vst v35;
	s0 =	sadd.s32 s25, s2  }
0x3b6: {  	[hbm4b:s0+s30] =	stream.linear.scatter [tilespmem:s3], [sflag:$0x4], $0x2000, $0x38;
	[tilespmem:$0x1E480] =	vst v63  }
0x3b7: {  	_ =	swait.ge [sflag:s5], $0x2000  }
0x3b8: {  	s31 =	rddreg [dreg:$0xe]  }
0x3b9: {  	s0 =	sadd.s32 $0x1, s31  }
0x3ba: {  	p0 =	sne.s32 s0, $0x6  }
.Ltmp31:
0x3bb: {  	_ = 	snop;
	(pc) =	sbr.rel @p0 .LBB2_2-.Ltmp31, $3  }
0x3bc: {  	_ =	sdelay $0x1  }
0x3bd: {  	[sflag:s5] =	ssyncset.done $0x0  }
0x3be: {  	[sflag:s5] =	ssyncadd.s32 $0xFFFFE000  }
0x3bf: {  	s2 =	rddreg [dreg:$0xd]  }
0x3c0: {  	s0 =	rddreg [dreg:$0xc];
	s2 =	sadd.s32 $0x1, s2  }
0x3c1: {  	p0 =	sne.s32 s2, s0  }
.Ltmp32:
0x3c2: {  	_ = 	snop;
	(pc) =	sbr.rel @p0 .LBB2_1-.Ltmp32, $1  }
0x3c3: {  	_ =	sdelay $0x3  }
0x3c4: {  	_ =	sfence.sel $0x180000  }
0x3c5: {  	[bflag:$0x0] =	sbarrier.arrive $0xFFFF  }
0x3c6: {  	_ =	strace $0x9000004A  }
0x3c7: {  	s0 =	stileid.u32;
	[bflag:$0x2] =	sbarrier.arrive $0xFFFF  }
0x3c8: {  	p0 =	sne.s32 s0, $0x0;
	s0 =	rddreg [dreg:$0x4]  }
0x3c9: {  	s0 =	sadd.s32 @!p0 $0x100000, s0  }
0x3ca: {  	[sflag:s0] =	ssyncadd.tile.s32 @!p0 $0x1;
	_ =	shalt  }
.Lfunc_end2:
_tile_overlayer_lowered:
.L_overlay_start_2:
0x3cb: {  	(tag) =	ssettag $0x2  }
0x3cc: {  	s0 =	rddreg [dreg:$0x0];
	s2 =	stileid.u32  }
0x3cd: {  	s1 =	rddreg [dreg:$0x1];
	p0 =	sne.s32 s2, $0x0  }
0x3ce: {  	s3 =	rddreg [dreg:$0x2];
	[bflag:$0x3] =	sbarrier.arrive $0xFFFF;
	s2 =	simm.s32 @!p0 $0x1C04  }
0x3cf: {  	[timem:s3], [sflag:s2] =	dma.local @!p0 [hbm:s0], s1  }
0x3d0: {  	s0 =	simm.s32 @!p0 $0x4  }
0x3d1: {  	_ =	swait.ge @!p0 [sflag:s0], s1  }
0x3d2: {  	s1 =	ssub.s32 @!p0 $0x0, s1;
	[sflag:s0] =	ssyncset.done @!p0 $0x0  }
0x3d3: {  	[sflag:s0] =	ssyncadd.s32 @!p0 s1  }
0x3d4: {  	[bflag:$0x3] =	sbarrier.arrive $0xFFFF  }
0x3d5: {  	_ =	shalt  }

</sc_bundles>
